<compile_context>
chip_gen: v7x
topology: tpu7x:2x2x1
jax: 0.10.2.dev20260603
libtpu: 0.0.44.dev20260713+nightly
codegen_flags: <defaults>
</compile_context>

<pallas_src>
import functools

import jax
import jax.numpy as jnp
from jax import lax
from jax.experimental import pallas as pl
from jax.experimental.pallas import tpu as pltpu
from jax.experimental.pallas import tpu_sc as plsc

N = 10000
E = 320000
D = 128

NC = 2
NS = 16
NW = NC * NS
EPW = E // NW
CHUNK = 112
NCHUNK = 89
TAIL = EPW - NCHUNK * CHUNK
NSLICE = 5
SE = E // NSLICE
SEPW = SE // NW
PCH = 200
NPCH = SEPW // PCH
DCH = 2000
NDCH = EPW // DCH

_mesh = plsc.VectorSubcoreMesh(core_axis_name="c", subcore_axis_name="s")


def _ids():
    c = lax.axis_index("c")
    s = lax.axis_index("s")
    wid = s * NC + c
    return c, s, wid


def _deg_body(dst_hbm, ones_hbm, zeros_hbm, degp_hbm, idx_all, ones_v, accum, sem):
    c, s, wid = _ids()
    base = wid * EPW

    @pl.when(s == 0)
    def _():
        pltpu.sync_copy(zeros_hbm, accum)

    pltpu.sync_copy(dst_hbm.at[pl.ds(base, EPW)], idx_all)
    pltpu.sync_copy(ones_hbm, ones_v)
    plsc.subcore_barrier()

    def chunk(j, carry):
        off = pl.multiple_of(j * DCH, 8)
        pltpu.sync_copy(ones_v, accum.at[idx_all.at[pl.ds(off, DCH)]], add=True)
        return carry

    lax.fori_loop(0, NDCH, chunk, 0)
    plsc.subcore_barrier()

    @pl.when(s == 0)
    def _():
        pltpu.sync_copy(accum, degp_hbm.at[c])


_deg_kernel = pl.kernel(
    _deg_body,
    out_type=jax.ShapeDtypeStruct((NC, N), jnp.float32),
    mesh=_mesh,
    scratch_types=[
        pltpu.VMEM((EPW,), jnp.int32),
        pltpu.VMEM((DCH,), jnp.float32),
        pltpu.VMEM_SHARED((N,), jnp.float32),
        pltpu.SemaphoreType.DMA,
    ],
)


ZR = 624
ZR_LAST = N - 15 * ZR


def _seg_body(src_hbm, dst_hbm, hs_hbm, zeros_hbm, segp_hbm,
              sidx_all, didx_all, rows0, rows1, accum, sem0, sem1):
    c, s, wid = _ids()
    base = wid * EPW

    @pl.when(s < 15)
    def _():
        o = pl.multiple_of(s * ZR, 8)
        pltpu.sync_copy(zeros_hbm.at[pl.ds(o, ZR)], accum.at[pl.ds(o, ZR)])

    @pl.when(s == 15)
    def _():
        pltpu.sync_copy(zeros_hbm.at[pl.ds(15 * ZR, ZR_LAST)],
                        accum.at[pl.ds(15 * ZR, ZR_LAST)])

    pltpu.sync_copy(src_hbm.at[pl.ds(base, EPW)], sidx_all)
    pltpu.sync_copy(dst_hbm.at[pl.ds(base, EPW)], didx_all)
    plsc.subcore_barrier()

    def gstart(ch, rows, sem):
        o = pl.multiple_of(ch * CHUNK, 8)
        pltpu.async_copy(hs_hbm.at[sidx_all.at[pl.ds(o, CHUNK)]], rows, sem)

    def gwait(ch, rows, sem):
        o = pl.multiple_of(ch * CHUNK, 8)
        pltpu.make_async_copy(hs_hbm.at[sidx_all.at[pl.ds(o, CHUNK)]],
                              rows, sem).wait()

    def scat(ch, rows):
        o = pl.multiple_of(ch * CHUNK, 8)
        pltpu.sync_copy(rows, accum.at[didx_all.at[pl.ds(o, CHUNK)]], add=True)

    gstart(0, rows0, sem0)

    def pairstep(t, carry):
        c0, c1, c2 = 2 * t, 2 * t + 1, 2 * t + 2
        gstart(c1, rows1, sem1)
        gwait(c0, rows0, sem0)
        scat(c0, rows0)
        gstart(c2, rows0, sem0)
        gwait(c1, rows1, sem1)
        scat(c1, rows1)
        return carry

    lax.fori_loop(0, (NCHUNK - 1) // 2, pairstep, 0)
    gwait(NCHUNK - 1, rows0, sem0)
    scat(NCHUNK - 1, rows0)
    to = pl.multiple_of(NCHUNK * CHUNK, 8)
    tail_rows = rows1.at[pl.ds(0, TAIL)]
    pltpu.async_copy(hs_hbm.at[sidx_all.at[pl.ds(to, TAIL)]],
                     tail_rows, sem1).wait()
    pltpu.sync_copy(tail_rows, accum.at[didx_all.at[pl.ds(to, TAIL)]], add=True)
    plsc.subcore_barrier()

    @pl.when(s < 15)
    def _():
        o = pl.multiple_of(s * ZR, 8)
        pltpu.sync_copy(accum.at[pl.ds(o, ZR)], segp_hbm.at[c, pl.ds(o, ZR)])

    @pl.when(s == 15)
    def _():
        pltpu.sync_copy(accum.at[pl.ds(15 * ZR, ZR_LAST)],
                        segp_hbm.at[c, pl.ds(15 * ZR, ZR_LAST)])


_seg_kernel = pl.kernel(
    _seg_body,
    out_type=jax.ShapeDtypeStruct((NC, N, D), jnp.float32),
    mesh=_mesh,
    scratch_types=[
        pltpu.VMEM((EPW,), jnp.int32),
        pltpu.VMEM((EPW,), jnp.int32),
        pltpu.VMEM((CHUNK, D), jnp.float32),
        pltpu.VMEM((CHUNK, D), jnp.float32),
        pltpu.VMEM_SHARED((N, D), jnp.float32),
        pltpu.SemaphoreType.DMA,
        pltpu.SemaphoreType.DMA,
    ],
)


def _pair_body(src_hbm, dst_hbm, tab_hbm, xs_hbm, ys_hbm,
               sidx_all, didx_all, xr0, yr0, xr1, yr1,
               sx0, sy0, sx1, sy1):
    c, s, wid = _ids()
    base = wid * SEPW

    pltpu.sync_copy(src_hbm.at[pl.ds(base, SEPW)], sidx_all)
    pltpu.sync_copy(dst_hbm.at[pl.ds(base, SEPW)], didx_all)

    def gstart(ch, xr, yr, sx, sy):
        o = pl.multiple_of(ch * PCH, 8)
        pltpu.async_copy(tab_hbm.at[sidx_all.at[pl.ds(o, PCH)]], xr, sx)
        pltpu.async_copy(tab_hbm.at[didx_all.at[pl.ds(o, PCH)]], yr, sy)

    def finish(ch, xr, yr, sx, sy):
        o = pl.multiple_of(ch * PCH, 8)
        go = pl.multiple_of(base + ch * PCH, 8)
        pltpu.make_async_copy(tab_hbm.at[sidx_all.at[pl.ds(o, PCH)]], xr, sx).wait()
        pltpu.make_async_copy(tab_hbm.at[didx_all.at[pl.ds(o, PCH)]], yr, sy).wait()
        pltpu.sync_copy(xr, xs_hbm.at[pl.ds(go, PCH)])
        pltpu.sync_copy(yr, ys_hbm.at[pl.ds(go, PCH)])

    gstart(0, xr0, yr0, sx0, sy0)

    def pairstep(t, carry):
        c0, c1, c2 = 2 * t, 2 * t + 1, 2 * t + 2
        gstart(c1, xr1, yr1, sx1, sy1)
        finish(c0, xr0, yr0, sx0, sy0)
        gstart(c2, xr0, yr0, sx0, sy0)
        finish(c1, xr1, yr1, sx1, sy1)
        return carry

    lax.fori_loop(0, NPCH // 2 - 1, pairstep, 0)
    gstart(NPCH - 1, xr1, yr1, sx1, sy1)
    finish(NPCH - 2, xr0, yr0, sx0, sy0)
    finish(NPCH - 1, xr1, yr1, sx1, sy1)


_pair_kernel = pl.kernel(
    _pair_body,
    out_type=(jax.ShapeDtypeStruct((SE, D), jnp.float32),
              jax.ShapeDtypeStruct((SE, D), jnp.float32)),
    mesh=_mesh,
    scratch_types=[
        pltpu.VMEM((SEPW,), jnp.int32),
        pltpu.VMEM((SEPW,), jnp.int32),
        pltpu.VMEM((PCH, D), jnp.float32),
        pltpu.VMEM((PCH, D), jnp.float32),
        pltpu.VMEM((PCH, D), jnp.float32),
        pltpu.VMEM((PCH, D), jnp.float32),
        pltpu.SemaphoreType.DMA,
        pltpu.SemaphoreType.DMA,
        pltpu.SemaphoreType.DMA,
        pltpu.SemaphoreType.DMA,
    ],
)


NBLK = 1000
EBLK = 6400


def _dinv_block(degp):
    deg = 1.0 + degp[0] + degp[1]
    return lax.rsqrt(deg)


def _tc1_body(x_ref, w_ref, degp_ref, hs_ref):
    h = jnp.dot(x_ref[...], w_ref[...], preferred_element_type=jnp.float32)
    hs_ref[...] = _dinv_block(degp_ref[...]) * h


def _tc2_body(segp_ref, hs_ref, degp_ref, b_ref, w_ref, out_ref):
    dinv = _dinv_block(degp_ref[...])
    seg = segp_ref[0] + segp_ref[1] + hs_ref[...]
    o = jax.nn.relu(dinv * seg + b_ref[...])
    h = jnp.dot(o, w_ref[...], preferred_element_type=jnp.float32)
    out_ref[...] = dinv * h


def _tc3_body(segp_ref, hs_ref, degp_ref, b_ref, out_ref):
    dinv = _dinv_block(degp_ref[...])
    seg = segp_ref[0] + segp_ref[1] + hs_ref[...]
    out_ref[...] = jax.nn.relu(dinv * seg + b_ref[...])


def _head_body(xs_ref, ys_ref, fa_ref, fb_ref, b1_ref, w2_ref, b2_ref, out_ref):
    x = xs_ref[...]
    y = ys_ref[...]
    h = jnp.dot(x * y, fa_ref[...], preferred_element_type=jnp.float32)
    h += jnp.dot(x - y, fb_ref[...], preferred_element_type=jnp.float32)
    h = jax.nn.relu(h + b1_ref[...])
    p = jnp.dot(h, w2_ref[...], preferred_element_type=jnp.float32)
    out_ref[...] = jax.nn.sigmoid(p + b2_ref[...])


def _node_spec(d):
    return pl.BlockSpec((NBLK, d), lambda i: (i, 0))


_full = lambda shape: pl.BlockSpec(shape, lambda i: tuple(0 for _ in shape))
_degp_spec = pl.BlockSpec((NC, NBLK, 1), lambda i: (0, i, 0))
_segp_spec = pl.BlockSpec((NC, NBLK, D), lambda i: (0, i, 0))

_tc1 = pl.pallas_call(
    _tc1_body,
    grid=(N // NBLK,),
    in_specs=[_node_spec(D), _full((D, D)), _degp_spec],
    out_specs=_node_spec(D),
    out_shape=jax.ShapeDtypeStruct((N, D), jnp.float32),
)

_tc2 = pl.pallas_call(
    _tc2_body,
    grid=(N // NBLK,),
    in_specs=[_segp_spec, _node_spec(D), _degp_spec, _full((1, D)), _full((D, D))],
    out_specs=_node_spec(D),
    out_shape=jax.ShapeDtypeStruct((N, D), jnp.float32),
)

_tc3 = pl.pallas_call(
    _tc3_body,
    grid=(N // NBLK,),
    in_specs=[_segp_spec, _node_spec(D), _degp_spec, _full((1, D))],
    out_specs=_node_spec(D),
    out_shape=jax.ShapeDtypeStruct((N, D), jnp.float32),
)

_head = pl.pallas_call(
    _head_body,
    grid=(SE // EBLK,),
    in_specs=[
        pl.BlockSpec((EBLK, D), lambda i: (i, 0)),
        pl.BlockSpec((EBLK, D), lambda i: (i, 0)),
        _full((D, D)), _full((D, D)), _full((1, D)),
        _full((D, 1)), _full((1, 1)),
    ],
    out_specs=pl.BlockSpec((EBLK, 1), lambda i: (i, 0)),
    out_shape=jax.ShapeDtypeStruct((SE, 1), jnp.float32),
)


def kernel(node_features, W1, b1, W2, b2, fc1_w, fc1_b, fc2_w, fc2_b, edge_index):
    src = edge_index[0].astype(jnp.int32)
    dst = edge_index[1].astype(jnp.int32)
    ones1 = jnp.ones((DCH,), jnp.float32)
    zeros1 = jnp.zeros((N,), jnp.float32)
    zerosD = jnp.zeros((N, D), jnp.float32)
    b1r = b1.reshape(1, D)
    b2r = b2.reshape(1, D)
    fc1_br = fc1_b.reshape(1, D)
    fc2_br = fc2_b.reshape(1, 1)
    fa = fc1_w[:D]
    fb = fc1_w[D:]

    degp = _deg_kernel(dst, ones1, zeros1).reshape(NC, N, 1)
    hs1 = _tc1(node_features, W1, degp)
    segp1 = _seg_kernel(src, dst, hs1, zerosD)
    hs2 = _tc2(segp1, hs1, degp, b1r, W2)
    segp2 = _seg_kernel(src, dst, hs2, zerosD)
    out2 = _tc3(segp2, hs2, degp, b2r)
    probs = []
    for i in range(NSLICE):
        xs, ys = _pair_kernel(src[i * SE:(i + 1) * SE],
                              dst[i * SE:(i + 1) * SE], out2)
        probs.append(_head(xs, ys, fa, fb, fc1_br, fc2_w, fc2_br))
    return jnp.concatenate(probs, axis=0)

# --- scband reference (transcript-rebuilt; emitter-appended) ---
"""Pipeline reference for scband-edge-prob-gcn-48155173323171 (READ-ONLY COPY).

The authoritative reference and input builder live on the scoring server;
editing this copy changes nothing except your own understanding.
"""

import jax, jax.numpy as jnp
import numpy as np

N_NODES = 10000
N_EDGES = 320000
D_IN = 128
D_HID = 128


def gcn_conv(x, W, b, src, dst, n):
    # PyG GCNConv: x' = D^{-1/2} (A + I) D^{-1/2} x W + b
    h = x @ W
    loop = jnp.arange(n, dtype=src.dtype)
    src2 = jnp.concatenate([src, loop])
    dst2 = jnp.concatenate([dst, loop])
    deg = jnp.zeros((n,), dtype=h.dtype).at[dst2].add(1.0)
    dinv = jnp.where(deg > 0, jax.lax.rsqrt(deg), 0.0)
    norm = dinv[src2] * dinv[dst2]
    msg = norm[:, None] * h[src2]
    out = jnp.zeros_like(h).at[dst2].add(msg)
    return out + b


def setup_inputs(seed: int = 0) -> dict:
    key = jax.random.key(seed)
    ks = jax.random.split(key, 12)
    node_features = jax.random.normal(ks[0], (N_NODES, D_IN), dtype=jnp.float32)
    edge_index = jax.random.randint(ks[1], (2, N_EDGES), 0, N_NODES, dtype=jnp.int64)
    s1 = 1.0 / np.sqrt(D_IN)
    s2 = 1.0 / np.sqrt(D_HID)
    s3 = 1.0 / np.sqrt(2 * D_HID)
    W1 = jax.random.uniform(ks[2], (D_IN, D_HID), jnp.float32, -s1, s1)
    b1 = jax.random.uniform(ks[3], (D_HID,), jnp.float32, -s1, s1)
    W2 = jax.random.uniform(ks[4], (D_HID, D_HID), jnp.float32, -s2, s2)
    b2 = jax.random.uniform(ks[5], (D_HID,), jnp.float32, -s2, s2)
    fc1_w = jax.random.uniform(ks[6], (2 * D_HID, D_HID), jnp.float32, -s3, s3)
    fc1_b = jax.random.uniform(ks[7], (D_HID,), jnp.float32, -s3, s3)
    fc2_w = jax.random.uniform(ks[8], (D_HID, 1), jnp.float32, -s2, s2)
    fc2_b = jax.random.uniform(ks[9], (1,), jnp.float32, -s2, s2)
    return {
        "node_features": node_features,
        "W1": W1, "b1": b1, "W2": W2, "b2": b2,
        "fc1_w": fc1_w, "fc1_b": fc1_b,
        "fc2_w": fc2_w, "fc2_b": fc2_b,
        "edge_index": edge_index,
    }


def reference(node_features, W1, b1, W2, b2, fc1_w, fc1_b, fc2_w, fc2_b, edge_index):
    n = node_features.shape[0]
    src = edge_index[0]
    dst = edge_index[1]
    # dropout is identity in eval/reference mode
    out = jax.nn.relu(gcn_conv(node_features, W1, b1, src, dst, n))
    out = jax.nn.relu(gcn_conv(out, W2, b2, src, dst, n))
    x = out[src]
    y = out[dst]
    edge_features = jnp.concatenate([x * y, x - y], axis=1)
    h = jax.nn.relu(edge_features @ fc1_w + fc1_b)
    prob = jax.nn.sigmoid(h @ fc2_w + fc2_b)
    return prob

if __name__ == "__main__":
    import jax
    _d = setup_inputs()
    print(jax.jit(kernel)(*tuple(_d.values())))

</pallas_src>

<mosaic_0001>
#map = affine_map<(d0, d1) -> (0)>
#map1 = affine_map<(d0, d1) -> (0, 0)>
#map2 = affine_map<(d0, d1) -> (0, 0, 0)>
module attributes {stable_mosaic.version = 14 : i64} {
  func.func @_seg_body(%arg0: i32, %arg1: i32, %arg2: memref<320000xi32, #tpu.memory_space<hbm>>, %arg3: memref<320000xi32, #tpu.memory_space<hbm>>, %arg4: memref<10000x128xf32, #tpu.memory_space<hbm>>, %arg5: memref<10000x128xf32, #tpu.memory_space<hbm>>, %arg6: memref<2x10000x128xf32, #tpu.memory_space<hbm>>, %arg7: memref<10000xi32, #tpu.memory_space<vmem>>, %arg8: memref<10000xi32, #tpu.memory_space<vmem>>, %arg9: memref<112x128xf32, #tpu.memory_space<vmem>>, %arg10: memref<112x128xf32, #tpu.memory_space<vmem>>, %arg11: memref<10000x128xf32, #tpu.memory_space<vmem_shared>>, %arg12: memref<!tpu.dma_semaphore, #tpu.memory_space<semaphore_mem>>, %arg13: memref<!tpu.dma_semaphore, #tpu.memory_space<semaphore_mem>>) attributes {dimension_semantics = [#tpu.dimension_semantics<core_parallel>, #tpu.dimension_semantics<subcore_parallel>], iteration_bounds = array<i64: 2, 16>, scalar_prefetch = 0 : i64, scratch_operands = 7 : i64, tpu.core_type = #tpu.core_type<sc_vector_subcore>, window_params = [{transform_indices = #map}, {transform_indices = #map}, {transform_indices = #map1}, {transform_indices = #map1}, {transform_indices = #map2}]} {
    %mul3A = arith.constant 2 : i32
    %mul3A_0 = arith.muli %arg1, %mul3A : i32
    %add3A = arith.addi %mul3A_0, %arg0 : i32
    %mul3A_1 = arith.constant 10000 : i32
    %mul3A_2 = arith.muli %add3A, %mul3A_1 : i32
    %lt3A = arith.constant 15 : i32
    %lt3A_3 = arith.cmpi slt, %arg1, %lt3A : i32
    %convert_element_type3A = arith.extui %lt3A_3 : i1 to i32
    %cond3A = arith.constant 0 : i32
    %cond3A_4 = arith.cmpi ne, %convert_element_type3A, %cond3A : i32
    scf.if %cond3A_4 {
      %mul3A_52 = arith.constant 624 : i32
      %mul3A_53 = arith.muli %arg1, %mul3A_52 : i32
      %multiple_of3A_54 = tpu.assume_multiple %mul3A_53, 8 : i32
      "tpu.region"() ({
        %run_scoped3A = tpu.sem_alloc : memref<!tpu.dma_semaphore, #tpu.memory_space<semaphore_mem>>
        %dma_start3A_55 = arith.constant 0 : i32
        %dma_start3A_56 = tpu.memref_slice %arg11[%multiple_of3A_54, %dma_start3A_55] : memref<10000x128xf32, #tpu.memory_space<vmem_shared>> -> memref<624x128xf32, #tpu.memory_space<vmem_shared>>
        %dma_start3A_57 = arith.constant 0 : i32
        %dma_start3A_58 = tpu.memref_slice %arg5[%multiple_of3A_54, %dma_start3A_57] : memref<10000x128xf32, #tpu.memory_space<hbm>> -> memref<624x128xf32, #tpu.memory_space<hbm>>
        tpu.enqueue_dma source(%dma_start3A_58 : memref<624x128xf32, #tpu.memory_space<hbm>>) target(%dma_start3A_56 : memref<624x128xf32, #tpu.memory_space<vmem_shared>>) target_semaphore(%run_scoped3A : memref<!tpu.dma_semaphore, #tpu.memory_space<semaphore_mem>>)
        %dma_wait3A_59 = arith.constant 0 : i32
        %dma_wait3A_60 = tpu.memref_slice %arg11[%multiple_of3A_54, %dma_wait3A_59] : memref<10000x128xf32, #tpu.memory_space<vmem_shared>> -> memref<624x128xf32, #tpu.memory_space<vmem_shared>>
        %dma_wait3A_61 = arith.constant 0 : i32
        %dma_wait3A_62 = tpu.memref_slice %arg5[%multiple_of3A_54, %dma_wait3A_61] : memref<10000x128xf32, #tpu.memory_space<hbm>> -> memref<624x128xf32, #tpu.memory_space<hbm>>
        tpu.wait_dma2 semaphore(%run_scoped3A : memref<!tpu.dma_semaphore, #tpu.memory_space<semaphore_mem>>) src(%dma_wait3A_62 : memref<624x128xf32, #tpu.memory_space<hbm>>) dst(%dma_wait3A_60 : memref<624x128xf32, #tpu.memory_space<vmem_shared>>)
        tpu.yield
      }) : () -> ()
    } else {
    }
    %eq3A = arith.constant 15 : i32
    %eq3A_5 = arith.cmpi eq, %arg1, %eq3A : i32
    %convert_element_type3A_6 = arith.extui %eq3A_5 : i1 to i32
    %cond3A_7 = arith.constant 0 : i32
    %cond3A_8 = arith.cmpi ne, %convert_element_type3A_6, %cond3A_7 : i32
    scf.if %cond3A_8 {
      "tpu.region"() ({
        %run_scoped3A = tpu.sem_alloc : memref<!tpu.dma_semaphore, #tpu.memory_space<semaphore_mem>>
        %dma_start3A_52 = arith.constant 9360 : i32
        %dma_start3A_53 = arith.constant 0 : i32
        %dma_start3A_54 = tpu.memref_slice %arg11[%dma_start3A_52, %dma_start3A_53] : memref<10000x128xf32, #tpu.memory_space<vmem_shared>> -> memref<640x128xf32, #tpu.memory_space<vmem_shared>>
        %dma_start3A_55 = arith.constant 9360 : i32
        %dma_start3A_56 = arith.constant 0 : i32
        %dma_start3A_57 = tpu.memref_slice %arg5[%dma_start3A_55, %dma_start3A_56] : memref<10000x128xf32, #tpu.memory_space<hbm>> -> memref<640x128xf32, #tpu.memory_space<hbm>>
        tpu.enqueue_dma source(%dma_start3A_57 : memref<640x128xf32, #tpu.memory_space<hbm>>) target(%dma_start3A_54 : memref<640x128xf32, #tpu.memory_space<vmem_shared>>) target_semaphore(%run_scoped3A : memref<!tpu.dma_semaphore, #tpu.memory_space<semaphore_mem>>)
        %dma_wait3A_58 = arith.constant 9360 : i32
        %dma_wait3A_59 = arith.constant 0 : i32
        %dma_wait3A_60 = tpu.memref_slice %arg11[%dma_wait3A_58, %dma_wait3A_59] : memref<10000x128xf32, #tpu.memory_space<vmem_shared>> -> memref<640x128xf32, #tpu.memory_space<vmem_shared>>
        %dma_wait3A_61 = arith.constant 9360 : i32
        %dma_wait3A_62 = arith.constant 0 : i32
        %dma_wait3A_63 = tpu.memref_slice %arg5[%dma_wait3A_61, %dma_wait3A_62] : memref<10000x128xf32, #tpu.memory_space<hbm>> -> memref<640x128xf32, #tpu.memory_space<hbm>>
        tpu.wait_dma2 semaphore(%run_scoped3A : memref<!tpu.dma_semaphore, #tpu.memory_space<semaphore_mem>>) src(%dma_wait3A_63 : memref<640x128xf32, #tpu.memory_space<hbm>>) dst(%dma_wait3A_60 : memref<640x128xf32, #tpu.memory_space<vmem_shared>>)
        tpu.yield
      }) : () -> ()
    } else {
    }
    "tpu.region"() ({
      %run_scoped3A = tpu.sem_alloc : memref<!tpu.dma_semaphore, #tpu.memory_space<semaphore_mem>>
      %dma_start3A_52 = tpu.memref_slice %arg2[%mul3A_2] : memref<320000xi32, #tpu.memory_space<hbm>> -> memref<10000xi32, #tpu.memory_space<hbm>>
      %dma_start3A_53 = tpu.memref_slice %arg2[%mul3A_2] : memref<320000xi32, #tpu.memory_space<hbm>> -> memref<10000xi32, #tpu.memory_space<hbm>>
      tpu.enqueue_dma source(%dma_start3A_53 : memref<10000xi32, #tpu.memory_space<hbm>>) target(%arg7 : memref<10000xi32, #tpu.memory_space<vmem>>) target_semaphore(%run_scoped3A : memref<!tpu.dma_semaphore, #tpu.memory_space<semaphore_mem>>)
      %dma_wait3A_54 = tpu.memref_slice %arg2[%mul3A_2] : memref<320000xi32, #tpu.memory_space<hbm>> -> memref<10000xi32, #tpu.memory_space<hbm>>
      %dma_wait3A_55 = tpu.memref_slice %arg2[%mul3A_2] : memref<320000xi32, #tpu.memory_space<hbm>> -> memref<10000xi32, #tpu.memory_space<hbm>>
      tpu.wait_dma2 semaphore(%run_scoped3A : memref<!tpu.dma_semaphore, #tpu.memory_space<semaphore_mem>>) src(%dma_wait3A_55 : memref<10000xi32, #tpu.memory_space<hbm>>) dst(%arg7 : memref<10000xi32, #tpu.memory_space<vmem>>)
      tpu.yield
    }) : () -> ()
    "tpu.region"() ({
      %run_scoped3A = tpu.sem_alloc : memref<!tpu.dma_semaphore, #tpu.memory_space<semaphore_mem>>
      %dma_start3A_52 = tpu.memref_slice %arg3[%mul3A_2] : memref<320000xi32, #tpu.memory_space<hbm>> -> memref<10000xi32, #tpu.memory_space<hbm>>
      %dma_start3A_53 = tpu.memref_slice %arg3[%mul3A_2] : memref<320000xi32, #tpu.memory_space<hbm>> -> memref<10000xi32, #tpu.memory_space<hbm>>
      tpu.enqueue_dma source(%dma_start3A_53 : memref<10000xi32, #tpu.memory_space<hbm>>) target(%arg8 : memref<10000xi32, #tpu.memory_space<vmem>>) target_semaphore(%run_scoped3A : memref<!tpu.dma_semaphore, #tpu.memory_space<semaphore_mem>>)
      %dma_wait3A_54 = tpu.memref_slice %arg3[%mul3A_2] : memref<320000xi32, #tpu.memory_space<hbm>> -> memref<10000xi32, #tpu.memory_space<hbm>>
      %dma_wait3A_55 = tpu.memref_slice %arg3[%mul3A_2] : memref<320000xi32, #tpu.memory_space<hbm>> -> memref<10000xi32, #tpu.memory_space<hbm>>
      tpu.wait_dma2 semaphore(%run_scoped3A : memref<!tpu.dma_semaphore, #tpu.memory_space<semaphore_mem>>) src(%dma_wait3A_55 : memref<10000xi32, #tpu.memory_space<hbm>>) dst(%arg8 : memref<10000xi32, #tpu.memory_space<vmem>>)
      tpu.yield
    }) : () -> ()
    %barrier3A = arith.constant 0 : index
    tpu.barrier barrier_id(%barrier3A)
    %multiple_of3A = arith.constant 0 : i32
    %multiple_of3A_9 = tpu.assume_multiple %multiple_of3A, 8 : i32
    %dma_start3A = tpu.memref_slice %arg7[%multiple_of3A_9] : memref<10000xi32, #tpu.memory_space<vmem>> -> memref<112xi32, #tpu.memory_space<vmem>>
    %dma_start3A_10 = arith.constant 0 : i32
    %dma_start3A_11 = arith.constant 0 : i32
    %dma_start3A_12 = tpu.memref_slice %arg4[%dma_start3A_10, %dma_start3A_11] : memref<10000x128xf32, #tpu.memory_space<hbm>> -> memref<10000x128xf32, #tpu.memory_space<hbm>>
    tpu.enqueue_indirect_dma source(%dma_start3A_12 : memref<10000x128xf32, #tpu.memory_space<hbm>>) target(%arg9 : memref<112x128xf32, #tpu.memory_space<vmem>>) offsets(%dma_start3A : memref<112xi32, #tpu.memory_space<vmem>>) semaphore(%arg12 : memref<!tpu.dma_semaphore, #tpu.memory_space<semaphore_mem>>)
    %scan3A = arith.constant 0 : i32
    %scan3A_13 = arith.constant 0 : i32
    %scan3A_14 = arith.constant 44 : i32
    %scan3A_15 = arith.addi %scan3A_13, %scan3A_14 : i32
    %scan3A_16 = arith.constant 1 : i32
    scf.for %scan3A_52 = %scan3A_13 to %scan3A_15 step %scan3A_16  : i32 {
      %mul3A_53 = arith.constant 2 : i32
      %mul3A_54 = arith.muli %mul3A_53, %scan3A_52 : i32
      %mul3A_55 = arith.constant 2 : i32
      %mul3A_56 = arith.muli %mul3A_55, %scan3A_52 : i32
      %add3A_57 = arith.constant 1 : i32
      %add3A_58 = arith.addi %mul3A_56, %add3A_57 : i32
      %mul3A_59 = arith.constant 2 : i32
      %mul3A_60 = arith.muli %mul3A_59, %scan3A_52 : i32
      %add3A_61 = arith.constant 2 : i32
      %add3A_62 = arith.addi %mul3A_60, %add3A_61 : i32
      %mul3A_63 = arith.constant 112 : i32
      %mul3A_64 = arith.muli %add3A_58, %mul3A_63 : i32
      %multiple_of3A_65 = tpu.assume_multiple %mul3A_64, 8 : i32
      %dma_start3A_66 = tpu.memref_slice %arg7[%multiple_of3A_65] : memref<10000xi32, #tpu.memory_space<vmem>> -> memref<112xi32, #tpu.memory_space<vmem>>
      %dma_start3A_67 = arith.constant 0 : i32
      %dma_start3A_68 = arith.constant 0 : i32
      %dma_start3A_69 = tpu.memref_slice %arg4[%dma_start3A_67, %dma_start3A_68] : memref<10000x128xf32, #tpu.memory_space<hbm>> -> memref<10000x128xf32, #tpu.memory_space<hbm>>
      tpu.enqueue_indirect_dma source(%dma_start3A_69 : memref<10000x128xf32, #tpu.memory_space<hbm>>) target(%arg10 : memref<112x128xf32, #tpu.memory_space<vmem>>) offsets(%dma_start3A_66 : memref<112xi32, #tpu.memory_space<vmem>>) semaphore(%arg13 : memref<!tpu.dma_semaphore, #tpu.memory_space<semaphore_mem>>)
      %mul3A_70 = arith.constant 112 : i32
      %mul3A_71 = arith.muli %mul3A_54, %mul3A_70 : i32
      %multiple_of3A_72 = tpu.assume_multiple %mul3A_71, 8 : i32
      %dma_wait3A_73 = tpu.memref_slice %arg7[%multiple_of3A_72] : memref<10000xi32, #tpu.memory_space<vmem>> -> memref<112xi32, #tpu.memory_space<vmem>>
      %dma_wait3A_74 = arith.constant 0 : i32
      %dma_wait3A_75 = arith.constant 0 : i32
      %dma_wait3A_76 = tpu.memref_slice %arg4[%dma_wait3A_74, %dma_wait3A_75] : memref<10000x128xf32, #tpu.memory_space<hbm>> -> memref<10000x128xf32, #tpu.memory_space<hbm>>
      tpu.wait_indirect_dma semaphore(%arg12 : memref<!tpu.dma_semaphore, #tpu.memory_space<semaphore_mem>>) src(%dma_wait3A_76 : memref<10000x128xf32, #tpu.memory_space<hbm>>) dst(%arg9 : memref<112x128xf32, #tpu.memory_space<vmem>>)
      %mul3A_77 = arith.constant 112 : i32
      %mul3A_78 = arith.muli %mul3A_54, %mul3A_77 : i32
      %multiple_of3A_79 = tpu.assume_multiple %mul3A_78, 8 : i32
      "tpu.region"() ({
        %run_scoped3A = tpu.sem_alloc : memref<!tpu.dma_semaphore, #tpu.memory_space<semaphore_mem>>
        %dma_start3A_97 = tpu.memref_slice %arg8[%multiple_of3A_79] : memref<10000xi32, #tpu.memory_space<vmem>> -> memref<112xi32, #tpu.memory_space<vmem>>
        %dma_start3A_98 = arith.constant 0 : i32
        %dma_start3A_99 = arith.constant 0 : i32
        %dma_start3A_100 = tpu.memref_slice %arg11[%dma_start3A_98, %dma_start3A_99] : memref<10000x128xf32, #tpu.memory_space<vmem_shared>> -> memref<10000x128xf32, #tpu.memory_space<vmem_shared>>
        tpu.enqueue_indirect_dma source(%arg9 : memref<112x128xf32, #tpu.memory_space<vmem>>) target(%dma_start3A_100 : memref<10000x128xf32, #tpu.memory_space<vmem_shared>>) offsets(%dma_start3A_97 : memref<112xi32, #tpu.memory_space<vmem>>) semaphore(%run_scoped3A : memref<!tpu.dma_semaphore, #tpu.memory_space<semaphore_mem>>) {add = true}
        %dma_wait3A_101 = tpu.memref_slice %arg8[%multiple_of3A_79] : memref<10000xi32, #tpu.memory_space<vmem>> -> memref<112xi32, #tpu.memory_space<vmem>>
        %dma_wait3A_102 = arith.constant 0 : i32
        %dma_wait3A_103 = arith.constant 0 : i32
        %dma_wait3A_104 = tpu.memref_slice %arg11[%dma_wait3A_102, %dma_wait3A_103] : memref<10000x128xf32, #tpu.memory_space<vmem_shared>> -> memref<10000x128xf32, #tpu.memory_space<vmem_shared>>
        tpu.wait_indirect_dma semaphore(%run_scoped3A : memref<!tpu.dma_semaphore, #tpu.memory_space<semaphore_mem>>) src(%arg9 : memref<112x128xf32, #tpu.memory_space<vmem>>) dst(%dma_wait3A_104 : memref<10000x128xf32, #tpu.memory_space<vmem_shared>>)
        tpu.yield
      }) : () -> ()
      %mul3A_80 = arith.constant 112 : i32
      %mul3A_81 = arith.muli %add3A_62, %mul3A_80 : i32
      %multiple_of3A_82 = tpu.assume_multiple %mul3A_81, 8 : i32
      %dma_start3A_83 = tpu.memref_slice %arg7[%multiple_of3A_82] : memref<10000xi32, #tpu.memory_space<vmem>> -> memref<112xi32, #tpu.memory_space<vmem>>
      %dma_start3A_84 = arith.constant 0 : i32
      %dma_start3A_85 = arith.constant 0 : i32
      %dma_start3A_86 = tpu.memref_slice %arg4[%dma_start3A_84, %dma_start3A_85] : memref<10000x128xf32, #tpu.memory_space<hbm>> -> memref<10000x128xf32, #tpu.memory_space<hbm>>
      tpu.enqueue_indirect_dma source(%dma_start3A_86 : memref<10000x128xf32, #tpu.memory_space<hbm>>) target(%arg9 : memref<112x128xf32, #tpu.memory_space<vmem>>) offsets(%dma_start3A_83 : memref<112xi32, #tpu.memory_space<vmem>>) semaphore(%arg12 : memref<!tpu.dma_semaphore, #tpu.memory_space<semaphore_mem>>)
      %mul3A_87 = arith.constant 112 : i32
      %mul3A_88 = arith.muli %add3A_58, %mul3A_87 : i32
      %multiple_of3A_89 = tpu.assume_multiple %mul3A_88, 8 : i32
      %dma_wait3A_90 = tpu.memref_slice %arg7[%multiple_of3A_89] : memref<10000xi32, #tpu.memory_space<vmem>> -> memref<112xi32, #tpu.memory_space<vmem>>
      %dma_wait3A_91 = arith.constant 0 : i32
      %dma_wait3A_92 = arith.constant 0 : i32
      %dma_wait3A_93 = tpu.memref_slice %arg4[%dma_wait3A_91, %dma_wait3A_92] : memref<10000x128xf32, #tpu.memory_space<hbm>> -> memref<10000x128xf32, #tpu.memory_space<hbm>>
      tpu.wait_indirect_dma semaphore(%arg13 : memref<!tpu.dma_semaphore, #tpu.memory_space<semaphore_mem>>) src(%dma_wait3A_93 : memref<10000x128xf32, #tpu.memory_space<hbm>>) dst(%arg10 : memref<112x128xf32, #tpu.memory_space<vmem>>)
      %mul3A_94 = arith.constant 112 : i32
      %mul3A_95 = arith.muli %add3A_58, %mul3A_94 : i32
      %multiple_of3A_96 = tpu.assume_multiple %mul3A_95, 8 : i32
      "tpu.region"() ({
        %run_scoped3A = tpu.sem_alloc : memref<!tpu.dma_semaphore, #tpu.memory_space<semaphore_mem>>
        %dma_start3A_97 = tpu.memref_slice %arg8[%multiple_of3A_96] : memref<10000xi32, #tpu.memory_space<vmem>> -> memref<112xi32, #tpu.memory_space<vmem>>
        %dma_start3A_98 = arith.constant 0 : i32
        %dma_start3A_99 = arith.constant 0 : i32
        %dma_start3A_100 = tpu.memref_slice %arg11[%dma_start3A_98, %dma_start3A_99] : memref<10000x128xf32, #tpu.memory_space<vmem_shared>> -> memref<10000x128xf32, #tpu.memory_space<vmem_shared>>
        tpu.enqueue_indirect_dma source(%arg10 : memref<112x128xf32, #tpu.memory_space<vmem>>) target(%dma_start3A_100 : memref<10000x128xf32, #tpu.memory_space<vmem_shared>>) offsets(%dma_start3A_97 : memref<112xi32, #tpu.memory_space<vmem>>) semaphore(%run_scoped3A : memref<!tpu.dma_semaphore, #tpu.memory_space<semaphore_mem>>) {add = true}
        %dma_wait3A_101 = tpu.memref_slice %arg8[%multiple_of3A_96] : memref<10000xi32, #tpu.memory_space<vmem>> -> memref<112xi32, #tpu.memory_space<vmem>>
        %dma_wait3A_102 = arith.constant 0 : i32
        %dma_wait3A_103 = arith.constant 0 : i32
        %dma_wait3A_104 = tpu.memref_slice %arg11[%dma_wait3A_102, %dma_wait3A_103] : memref<10000x128xf32, #tpu.memory_space<vmem_shared>> -> memref<10000x128xf32, #tpu.memory_space<vmem_shared>>
        tpu.wait_indirect_dma semaphore(%run_scoped3A : memref<!tpu.dma_semaphore, #tpu.memory_space<semaphore_mem>>) src(%arg10 : memref<112x128xf32, #tpu.memory_space<vmem>>) dst(%dma_wait3A_104 : memref<10000x128xf32, #tpu.memory_space<vmem_shared>>)
        tpu.yield
      }) : () -> ()
    }
    %scan3A_17 = arith.constant 44 : i32
    %multiple_of3A_18 = arith.constant 9856 : i32
    %multiple_of3A_19 = tpu.assume_multiple %multiple_of3A_18, 8 : i32
    %dma_wait3A = tpu.memref_slice %arg7[%multiple_of3A_19] : memref<10000xi32, #tpu.memory_space<vmem>> -> memref<112xi32, #tpu.memory_space<vmem>>
    %dma_wait3A_20 = arith.constant 0 : i32
    %dma_wait3A_21 = arith.constant 0 : i32
    %dma_wait3A_22 = tpu.memref_slice %arg4[%dma_wait3A_20, %dma_wait3A_21] : memref<10000x128xf32, #tpu.memory_space<hbm>> -> memref<10000x128xf32, #tpu.memory_space<hbm>>
    tpu.wait_indirect_dma semaphore(%arg12 : memref<!tpu.dma_semaphore, #tpu.memory_space<semaphore_mem>>) src(%dma_wait3A_22 : memref<10000x128xf32, #tpu.memory_space<hbm>>) dst(%arg9 : memref<112x128xf32, #tpu.memory_space<vmem>>)
    %multiple_of3A_23 = arith.constant 9856 : i32
    %multiple_of3A_24 = tpu.assume_multiple %multiple_of3A_23, 8 : i32
    "tpu.region"() ({
      %run_scoped3A = tpu.sem_alloc : memref<!tpu.dma_semaphore, #tpu.memory_space<semaphore_mem>>
      %dma_start3A_52 = tpu.memref_slice %arg8[%multiple_of3A_24] : memref<10000xi32, #tpu.memory_space<vmem>> -> memref<112xi32, #tpu.memory_space<vmem>>
      %dma_start3A_53 = arith.constant 0 : i32
      %dma_start3A_54 = arith.constant 0 : i32
      %dma_start3A_55 = tpu.memref_slice %arg11[%dma_start3A_53, %dma_start3A_54] : memref<10000x128xf32, #tpu.memory_space<vmem_shared>> -> memref<10000x128xf32, #tpu.memory_space<vmem_shared>>
      tpu.enqueue_indirect_dma source(%arg9 : memref<112x128xf32, #tpu.memory_space<vmem>>) target(%dma_start3A_55 : memref<10000x128xf32, #tpu.memory_space<vmem_shared>>) offsets(%dma_start3A_52 : memref<112xi32, #tpu.memory_space<vmem>>) semaphore(%run_scoped3A : memref<!tpu.dma_semaphore, #tpu.memory_space<semaphore_mem>>) {add = true}
      %dma_wait3A_56 = tpu.memref_slice %arg8[%multiple_of3A_24] : memref<10000xi32, #tpu.memory_space<vmem>> -> memref<112xi32, #tpu.memory_space<vmem>>
      %dma_wait3A_57 = arith.constant 0 : i32
      %dma_wait3A_58 = arith.constant 0 : i32
      %dma_wait3A_59 = tpu.memref_slice %arg11[%dma_wait3A_57, %dma_wait3A_58] : memref<10000x128xf32, #tpu.memory_space<vmem_shared>> -> memref<10000x128xf32, #tpu.memory_space<vmem_shared>>
      tpu.wait_indirect_dma semaphore(%run_scoped3A : memref<!tpu.dma_semaphore, #tpu.memory_space<semaphore_mem>>) src(%arg9 : memref<112x128xf32, #tpu.memory_space<vmem>>) dst(%dma_wait3A_59 : memref<10000x128xf32, #tpu.memory_space<vmem_shared>>)
      tpu.yield
    }) : () -> ()
    %multiple_of3A_25 = arith.constant 9968 : i32
    %multiple_of3A_26 = tpu.assume_multiple %multiple_of3A_25, 8 : i32
    %dma_start3A_27 = arith.constant 0 : i32
    %dma_start3A_28 = arith.constant 0 : i32
    %dma_start3A_29 = tpu.memref_slice %arg10[%dma_start3A_27, %dma_start3A_28] : memref<112x128xf32, #tpu.memory_space<vmem>> -> memref<32x128xf32, #tpu.memory_space<vmem>>
    %dma_start3A_30 = tpu.memref_slice %arg7[%multiple_of3A_26] : memref<10000xi32, #tpu.memory_space<vmem>> -> memref<32xi32, #tpu.memory_space<vmem>>
    %dma_start3A_31 = arith.constant 0 : i32
    %dma_start3A_32 = arith.constant 0 : i32
    %dma_start3A_33 = tpu.memref_slice %arg4[%dma_start3A_31, %dma_start3A_32] : memref<10000x128xf32, #tpu.memory_space<hbm>> -> memref<10000x128xf32, #tpu.memory_space<hbm>>
    tpu.enqueue_indirect_dma source(%dma_start3A_33 : memref<10000x128xf32, #tpu.memory_space<hbm>>) target(%dma_start3A_29 : memref<32x128xf32, #tpu.memory_space<vmem>>) offsets(%dma_start3A_30 : memref<32xi32, #tpu.memory_space<vmem>>) semaphore(%arg13 : memref<!tpu.dma_semaphore, #tpu.memory_space<semaphore_mem>>)
    %dma_wait3A_34 = arith.constant 0 : i32
    %dma_wait3A_35 = arith.constant 0 : i32
    %dma_wait3A_36 = tpu.memref_slice %arg10[%dma_wait3A_34, %dma_wait3A_35] : memref<112x128xf32, #tpu.memory_space<vmem>> -> memref<32x128xf32, #tpu.memory_space<vmem>>
    %dma_wait3A_37 = tpu.memref_slice %arg7[%multiple_of3A_26] : memref<10000xi32, #tpu.memory_space<vmem>> -> memref<32xi32, #tpu.memory_space<vmem>>
    %dma_wait3A_38 = arith.constant 0 : i32
    %dma_wait3A_39 = arith.constant 0 : i32
    %dma_wait3A_40 = tpu.memref_slice %arg4[%dma_wait3A_38, %dma_wait3A_39] : memref<10000x128xf32, #tpu.memory_space<hbm>> -> memref<10000x128xf32, #tpu.memory_space<hbm>>
    tpu.wait_indirect_dma semaphore(%arg13 : memref<!tpu.dma_semaphore, #tpu.memory_space<semaphore_mem>>) src(%dma_wait3A_40 : memref<10000x128xf32, #tpu.memory_space<hbm>>) dst(%dma_wait3A_36 : memref<32x128xf32, #tpu.memory_space<vmem>>)
    "tpu.region"() ({
      %run_scoped3A = tpu.sem_alloc : memref<!tpu.dma_semaphore, #tpu.memory_space<semaphore_mem>>
      %dma_start3A_52 = arith.constant 0 : i32
      %dma_start3A_53 = arith.constant 0 : i32
      %dma_start3A_54 = tpu.memref_slice %arg10[%dma_start3A_52, %dma_start3A_53] : memref<112x128xf32, #tpu.memory_space<vmem>> -> memref<32x128xf32, #tpu.memory_space<vmem>>
      %dma_start3A_55 = tpu.memref_slice %arg8[%multiple_of3A_26] : memref<10000xi32, #tpu.memory_space<vmem>> -> memref<32xi32, #tpu.memory_space<vmem>>
      %dma_start3A_56 = arith.constant 0 : i32
      %dma_start3A_57 = arith.constant 0 : i32
      %dma_start3A_58 = tpu.memref_slice %arg11[%dma_start3A_56, %dma_start3A_57] : memref<10000x128xf32, #tpu.memory_space<vmem_shared>> -> memref<10000x128xf32, #tpu.memory_space<vmem_shared>>
      tpu.enqueue_indirect_dma source(%dma_start3A_54 : memref<32x128xf32, #tpu.memory_space<vmem>>) target(%dma_start3A_58 : memref<10000x128xf32, #tpu.memory_space<vmem_shared>>) offsets(%dma_start3A_55 : memref<32xi32, #tpu.memory_space<vmem>>) semaphore(%run_scoped3A : memref<!tpu.dma_semaphore, #tpu.memory_space<semaphore_mem>>) {add = true}
      %dma_wait3A_59 = arith.constant 0 : i32
      %dma_wait3A_60 = arith.constant 0 : i32
      %dma_wait3A_61 = tpu.memref_slice %arg10[%dma_wait3A_59, %dma_wait3A_60] : memref<112x128xf32, #tpu.memory_space<vmem>> -> memref<32x128xf32, #tpu.memory_space<vmem>>
      %dma_wait3A_62 = tpu.memref_slice %arg8[%multiple_of3A_26] : memref<10000xi32, #tpu.memory_space<vmem>> -> memref<32xi32, #tpu.memory_space<vmem>>
      %dma_wait3A_63 = arith.constant 0 : i32
      %dma_wait3A_64 = arith.constant 0 : i32
      %dma_wait3A_65 = tpu.memref_slice %arg11[%dma_wait3A_63, %dma_wait3A_64] : memref<10000x128xf32, #tpu.memory_space<vmem_shared>> -> memref<10000x128xf32, #tpu.memory_space<vmem_shared>>
      tpu.wait_indirect_dma semaphore(%run_scoped3A : memref<!tpu.dma_semaphore, #tpu.memory_space<semaphore_mem>>) src(%dma_wait3A_61 : memref<32x128xf32, #tpu.memory_space<vmem>>) dst(%dma_wait3A_65 : memref<10000x128xf32, #tpu.memory_space<vmem_shared>>)
      tpu.yield
    }) : () -> ()
    %barrier3A_41 = arith.constant 0 : index
    tpu.barrier barrier_id(%barrier3A_41)
    %lt3A_42 = arith.constant 15 : i32
    %lt3A_43 = arith.cmpi slt, %arg1, %lt3A_42 : i32
    %convert_element_type3A_44 = arith.extui %lt3A_43 : i1 to i32
    %cond3A_45 = arith.constant 0 : i32
    %cond3A_46 = arith.cmpi ne, %convert_element_type3A_44, %cond3A_45 : i32
    scf.if %cond3A_46 {
      %mul3A_52 = arith.constant 624 : i32
      %mul3A_53 = arith.muli %arg1, %mul3A_52 : i32
      %multiple_of3A_54 = tpu.assume_multiple %mul3A_53, 8 : i32
      "tpu.region"() ({
        %run_scoped3A = tpu.sem_alloc : memref<!tpu.dma_semaphore, #tpu.memory_space<semaphore_mem>>
        %dma_start3A_55 = arith.constant 0 : i32
        %dma_start3A_56 = tpu.memref_slice %arg6[%arg0, %multiple_of3A_54, %dma_start3A_55] : memref<2x10000x128xf32, #tpu.memory_space<hbm>> -> memref<1x624x128xf32, #tpu.memory_space<hbm>>
        %dma_start3A_57 = tpu.memref_squeeze %dma_start3A_56 : memref<1x624x128xf32, #tpu.memory_space<hbm>> -> memref<624x128xf32, #tpu.memory_space<hbm>>
        %dma_start3A_58 = arith.constant 0 : i32
        %dma_start3A_59 = tpu.memref_slice %arg11[%multiple_of3A_54, %dma_start3A_58] : memref<10000x128xf32, #tpu.memory_space<vmem_shared>> -> memref<624x128xf32, #tpu.memory_space<vmem_shared>>
        tpu.enqueue_dma source(%dma_start3A_59 : memref<624x128xf32, #tpu.memory_space<vmem_shared>>) target(%dma_start3A_57 : memref<624x128xf32, #tpu.memory_space<hbm>>) target_semaphore(%run_scoped3A : memref<!tpu.dma_semaphore, #tpu.memory_space<semaphore_mem>>)
        %dma_wait3A_60 = arith.constant 0 : i32
        %dma_wait3A_61 = tpu.memref_slice %arg6[%arg0, %multiple_of3A_54, %dma_wait3A_60] : memref<2x10000x128xf32, #tpu.memory_space<hbm>> -> memref<1x624x128xf32, #tpu.memory_space<hbm>>
        %dma_wait3A_62 = tpu.memref_squeeze %dma_wait3A_61 : memref<1x624x128xf32, #tpu.memory_space<hbm>> -> memref<624x128xf32, #tpu.memory_space<hbm>>
        %dma_wait3A_63 = arith.constant 0 : i32
        %dma_wait3A_64 = tpu.memref_slice %arg11[%multiple_of3A_54, %dma_wait3A_63] : memref<10000x128xf32, #tpu.memory_space<vmem_shared>> -> memref<624x128xf32, #tpu.memory_space<vmem_shared>>
        tpu.wait_dma2 semaphore(%run_scoped3A : memref<!tpu.dma_semaphore, #tpu.memory_space<semaphore_mem>>) src(%dma_wait3A_64 : memref<624x128xf32, #tpu.memory_space<vmem_shared>>) dst(%dma_wait3A_62 : memref<624x128xf32, #tpu.memory_space<hbm>>)
        tpu.yield
      }) : () -> ()
    } else {
    }
    %eq3A_47 = arith.constant 15 : i32
    %eq3A_48 = arith.cmpi eq, %arg1, %eq3A_47 : i32
    %convert_element_type3A_49 = arith.extui %eq3A_48 : i1 to i32
    %cond3A_50 = arith.constant 0 : i32
    %cond3A_51 = arith.cmpi ne, %convert_element_type3A_49, %cond3A_50 : i32
    scf.if %cond3A_51 {
      "tpu.region"() ({
        %run_scoped3A = tpu.sem_alloc : memref<!tpu.dma_semaphore, #tpu.memory_space<semaphore_mem>>
        %dma_start3A_52 = arith.constant 9360 : i32
        %dma_start3A_53 = arith.constant 0 : i32
        %dma_start3A_54 = tpu.memref_slice %arg6[%arg0, %dma_start3A_52, %dma_start3A_53] : memref<2x10000x128xf32, #tpu.memory_space<hbm>> -> memref<1x640x128xf32, #tpu.memory_space<hbm>>
        %dma_start3A_55 = tpu.memref_squeeze %dma_start3A_54 : memref<1x640x128xf32, #tpu.memory_space<hbm>> -> memref<640x128xf32, #tpu.memory_space<hbm>>
        %dma_start3A_56 = arith.constant 9360 : i32
        %dma_start3A_57 = arith.constant 0 : i32
        %dma_start3A_58 = tpu.memref_slice %arg11[%dma_start3A_56, %dma_start3A_57] : memref<10000x128xf32, #tpu.memory_space<vmem_shared>> -> memref<640x128xf32, #tpu.memory_space<vmem_shared>>
        tpu.enqueue_dma source(%dma_start3A_58 : memref<640x128xf32, #tpu.memory_space<vmem_shared>>) target(%dma_start3A_55 : memref<640x128xf32, #tpu.memory_space<hbm>>) target_semaphore(%run_scoped3A : memref<!tpu.dma_semaphore, #tpu.memory_space<semaphore_mem>>)
        %dma_wait3A_59 = arith.constant 9360 : i32
        %dma_wait3A_60 = arith.constant 0 : i32
        %dma_wait3A_61 = tpu.memref_slice %arg6[%arg0, %dma_wait3A_59, %dma_wait3A_60] : memref<2x10000x128xf32, #tpu.memory_space<hbm>> -> memref<1x640x128xf32, #tpu.memory_space<hbm>>
        %dma_wait3A_62 = tpu.memref_squeeze %dma_wait3A_61 : memref<1x640x128xf32, #tpu.memory_space<hbm>> -> memref<640x128xf32, #tpu.memory_space<hbm>>
        %dma_wait3A_63 = arith.constant 9360 : i32
        %dma_wait3A_64 = arith.constant 0 : i32
        %dma_wait3A_65 = tpu.memref_slice %arg11[%dma_wait3A_63, %dma_wait3A_64] : memref<10000x128xf32, #tpu.memory_space<vmem_shared>> -> memref<640x128xf32, #tpu.memory_space<vmem_shared>>
        tpu.wait_dma2 semaphore(%run_scoped3A : memref<!tpu.dma_semaphore, #tpu.memory_space<semaphore_mem>>) src(%dma_wait3A_65 : memref<640x128xf32, #tpu.memory_space<vmem_shared>>) dst(%dma_wait3A_62 : memref<640x128xf32, #tpu.memory_space<hbm>>)
        tpu.yield
      }) : () -> ()
    } else {
    }
    return
  }
}

#map = affine_map<(d0, d1) -> (0)>
#map1 = affine_map<(d0, d1) -> (0, 0)>
module attributes {stable_mosaic.version = 14 : i64} {
  func.func @_deg_body(%arg0: i32, %arg1: i32, %arg2: memref<320000xi32, #tpu.memory_space<hbm>>, %arg3: memref<2000xf32, #tpu.memory_space<hbm>>, %arg4: memref<10000xf32, #tpu.memory_space<hbm>>, %arg5: memref<2x10000xf32, #tpu.memory_space<hbm>>, %arg6: memref<10000xi32, #tpu.memory_space<vmem>>, %arg7: memref<2000xf32, #tpu.memory_space<vmem>>, %arg8: memref<10000xf32, #tpu.memory_space<vmem_shared>>, %arg9: memref<!tpu.dma_semaphore, #tpu.memory_space<semaphore_mem>>) attributes {dimension_semantics = [#tpu.dimension_semantics<core_parallel>, #tpu.dimension_semantics<subcore_parallel>], iteration_bounds = array<i64: 2, 16>, scalar_prefetch = 0 : i64, scratch_operands = 4 : i64, tpu.core_type = #tpu.core_type<sc_vector_subcore>, window_params = [{transform_indices = #map}, {transform_indices = #map}, {transform_indices = #map}, {transform_indices = #map1}]} {
    %mul3A = arith.constant 2 : i32
    %mul3A_0 = arith.muli %arg1, %mul3A : i32
    %add3A = arith.addi %mul3A_0, %arg0 : i32
    %mul3A_1 = arith.constant 10000 : i32
    %mul3A_2 = arith.muli %add3A, %mul3A_1 : i32
    %eq3A = arith.constant 0 : i32
    %eq3A_3 = arith.cmpi eq, %arg1, %eq3A : i32
    %convert_element_type3A = arith.extui %eq3A_3 : i1 to i32
    %cond3A = arith.constant 0 : i32
    %cond3A_4 = arith.cmpi ne, %convert_element_type3A, %cond3A : i32
    scf.if %cond3A_4 {
      "tpu.region"() ({
        %run_scoped3A = tpu.sem_alloc : memref<!tpu.dma_semaphore, #tpu.memory_space<semaphore_mem>>
        tpu.enqueue_dma source(%arg4 : memref<10000xf32, #tpu.memory_space<hbm>>) target(%arg8 : memref<10000xf32, #tpu.memory_space<vmem_shared>>) target_semaphore(%run_scoped3A : memref<!tpu.dma_semaphore, #tpu.memory_space<semaphore_mem>>)
        tpu.wait_dma2 semaphore(%run_scoped3A : memref<!tpu.dma_semaphore, #tpu.memory_space<semaphore_mem>>) src(%arg4 : memref<10000xf32, #tpu.memory_space<hbm>>) dst(%arg8 : memref<10000xf32, #tpu.memory_space<vmem_shared>>)
        tpu.yield
      }) : () -> ()
    } else {
    }
    "tpu.region"() ({
      %run_scoped3A = tpu.sem_alloc : memref<!tpu.dma_semaphore, #tpu.memory_space<semaphore_mem>>
      %dma_start3A = tpu.memref_slice %arg2[%mul3A_2] : memref<320000xi32, #tpu.memory_space<hbm>> -> memref<10000xi32, #tpu.memory_space<hbm>>
      %dma_start3A_16 = tpu.memref_slice %arg2[%mul3A_2] : memref<320000xi32, #tpu.memory_space<hbm>> -> memref<10000xi32, #tpu.memory_space<hbm>>
      tpu.enqueue_dma source(%dma_start3A_16 : memref<10000xi32, #tpu.memory_space<hbm>>) target(%arg6 : memref<10000xi32, #tpu.memory_space<vmem>>) target_semaphore(%run_scoped3A : memref<!tpu.dma_semaphore, #tpu.memory_space<semaphore_mem>>)
      %dma_wait3A = tpu.memref_slice %arg2[%mul3A_2] : memref<320000xi32, #tpu.memory_space<hbm>> -> memref<10000xi32, #tpu.memory_space<hbm>>
      %dma_wait3A_17 = tpu.memref_slice %arg2[%mul3A_2] : memref<320000xi32, #tpu.memory_space<hbm>> -> memref<10000xi32, #tpu.memory_space<hbm>>
      tpu.wait_dma2 semaphore(%run_scoped3A : memref<!tpu.dma_semaphore, #tpu.memory_space<semaphore_mem>>) src(%dma_wait3A_17 : memref<10000xi32, #tpu.memory_space<hbm>>) dst(%arg6 : memref<10000xi32, #tpu.memory_space<vmem>>)
      tpu.yield
    }) : () -> ()
    "tpu.region"() ({
      %run_scoped3A = tpu.sem_alloc : memref<!tpu.dma_semaphore, #tpu.memory_space<semaphore_mem>>
      tpu.enqueue_dma source(%arg3 : memref<2000xf32, #tpu.memory_space<hbm>>) target(%arg7 : memref<2000xf32, #tpu.memory_space<vmem>>) target_semaphore(%run_scoped3A : memref<!tpu.dma_semaphore, #tpu.memory_space<semaphore_mem>>)
      tpu.wait_dma2 semaphore(%run_scoped3A : memref<!tpu.dma_semaphore, #tpu.memory_space<semaphore_mem>>) src(%arg3 : memref<2000xf32, #tpu.memory_space<hbm>>) dst(%arg7 : memref<2000xf32, #tpu.memory_space<vmem>>)
      tpu.yield
    }) : () -> ()
    %barrier3A = arith.constant 0 : index
    tpu.barrier barrier_id(%barrier3A)
    %scan3A = arith.constant 0 : i32
    %scan3A_5 = arith.constant 0 : i32
    %scan3A_6 = arith.constant 5 : i32
    %scan3A_7 = arith.addi %scan3A_5, %scan3A_6 : i32
    %scan3A_8 = arith.constant 1 : i32
    scf.for %scan3A_16 = %scan3A_5 to %scan3A_7 step %scan3A_8  : i32 {
      %mul3A_17 = arith.constant 2000 : i32
      %mul3A_18 = arith.muli %scan3A_16, %mul3A_17 : i32
      %multiple_of3A = tpu.assume_multiple %mul3A_18, 8 : i32
      "tpu.region"() ({
        %run_scoped3A = tpu.sem_alloc : memref<!tpu.dma_semaphore, #tpu.memory_space<semaphore_mem>>
        %dma_start3A = tpu.memref_slice %arg6[%multiple_of3A] : memref<10000xi32, #tpu.memory_space<vmem>> -> memref<2000xi32, #tpu.memory_space<vmem>>
        %dma_start3A_19 = arith.constant 0 : i32
        %dma_start3A_20 = tpu.memref_slice %arg8[%dma_start3A_19] : memref<10000xf32, #tpu.memory_space<vmem_shared>> -> memref<10000xf32, #tpu.memory_space<vmem_shared>>
        tpu.enqueue_indirect_dma source(%arg7 : memref<2000xf32, #tpu.memory_space<vmem>>) target(%dma_start3A_20 : memref<10000xf32, #tpu.memory_space<vmem_shared>>) offsets(%dma_start3A : memref<2000xi32, #tpu.memory_space<vmem>>) semaphore(%run_scoped3A : memref<!tpu.dma_semaphore, #tpu.memory_space<semaphore_mem>>) {add = true}
        %dma_wait3A = tpu.memref_slice %arg6[%multiple_of3A] : memref<10000xi32, #tpu.memory_space<vmem>> -> memref<2000xi32, #tpu.memory_space<vmem>>
        %dma_wait3A_21 = arith.constant 0 : i32
        %dma_wait3A_22 = tpu.memref_slice %arg8[%dma_wait3A_21] : memref<10000xf32, #tpu.memory_space<vmem_shared>> -> memref<10000xf32, #tpu.memory_space<vmem_shared>>
        tpu.wait_indirect_dma semaphore(%run_scoped3A : memref<!tpu.dma_semaphore, #tpu.memory_space<semaphore_mem>>) src(%arg7 : memref<2000xf32, #tpu.memory_space<vmem>>) dst(%dma_wait3A_22 : memref<10000xf32, #tpu.memory_space<vmem_shared>>)
        tpu.yield
      }) : () -> ()
    }
    %scan3A_9 = arith.constant 5 : i32
    %barrier3A_10 = arith.constant 0 : index
    tpu.barrier barrier_id(%barrier3A_10)
    %eq3A_11 = arith.constant 0 : i32
    %eq3A_12 = arith.cmpi eq, %arg1, %eq3A_11 : i32
    %convert_element_type3A_13 = arith.extui %eq3A_12 : i1 to i32
    %cond3A_14 = arith.constant 0 : i32
    %cond3A_15 = arith.cmpi ne, %convert_element_type3A_13, %cond3A_14 : i32
    scf.if %cond3A_15 {
      "tpu.region"() ({
        %run_scoped3A = tpu.sem_alloc : memref<!tpu.dma_semaphore, #tpu.memory_space<semaphore_mem>>
        %dma_start3A = arith.constant 0 : i32
        %dma_start3A_16 = tpu.memref_slice %arg5[%arg0, %dma_start3A] : memref<2x10000xf32, #tpu.memory_space<hbm>> -> memref<1x10000xf32, #tpu.memory_space<hbm>>
        %dma_start3A_17 = tpu.memref_squeeze %dma_start3A_16 : memref<1x10000xf32, #tpu.memory_space<hbm>> -> memref<10000xf32, #tpu.memory_space<hbm>>
        tpu.enqueue_dma source(%arg8 : memref<10000xf32, #tpu.memory_space<vmem_shared>>) target(%dma_start3A_17 : memref<10000xf32, #tpu.memory_space<hbm>>) target_semaphore(%run_scoped3A : memref<!tpu.dma_semaphore, #tpu.memory_space<semaphore_mem>>)
        %dma_wait3A = arith.constant 0 : i32
        %dma_wait3A_18 = tpu.memref_slice %arg5[%arg0, %dma_wait3A] : memref<2x10000xf32, #tpu.memory_space<hbm>> -> memref<1x10000xf32, #tpu.memory_space<hbm>>
        %dma_wait3A_19 = tpu.memref_squeeze %dma_wait3A_18 : memref<1x10000xf32, #tpu.memory_space<hbm>> -> memref<10000xf32, #tpu.memory_space<hbm>>
        tpu.wait_dma2 semaphore(%run_scoped3A : memref<!tpu.dma_semaphore, #tpu.memory_space<semaphore_mem>>) src(%arg8 : memref<10000xf32, #tpu.memory_space<vmem_shared>>) dst(%dma_wait3A_19 : memref<10000xf32, #tpu.memory_space<hbm>>)
        tpu.yield
      }) : () -> ()
    } else {
    }
    return
  }
}

#map = affine_map<(d0, d1) -> (0)>
#map1 = affine_map<(d0, d1) -> (0, 0)>
module attributes {stable_mosaic.version = 14 : i64} {
  func.func @_pair_body(%arg0: i32, %arg1: i32, %arg2: memref<64000xi32, #tpu.memory_space<hbm>>, %arg3: memref<64000xi32, #tpu.memory_space<hbm>>, %arg4: memref<10000x128xf32, #tpu.memory_space<hbm>>, %arg5: memref<64000x128xf32, #tpu.memory_space<hbm>>, %arg6: memref<64000x128xf32, #tpu.memory_space<hbm>>, %arg7: memref<2000xi32, #tpu.memory_space<vmem>>, %arg8: memref<2000xi32, #tpu.memory_space<vmem>>, %arg9: memref<200x128xf32, #tpu.memory_space<vmem>>, %arg10: memref<200x128xf32, #tpu.memory_space<vmem>>, %arg11: memref<200x128xf32, #tpu.memory_space<vmem>>, %arg12: memref<200x128xf32, #tpu.memory_space<vmem>>, %arg13: memref<!tpu.dma_semaphore, #tpu.memory_space<semaphore_mem>>, %arg14: memref<!tpu.dma_semaphore, #tpu.memory_space<semaphore_mem>>, %arg15: memref<!tpu.dma_semaphore, #tpu.memory_space<semaphore_mem>>, %arg16: memref<!tpu.dma_semaphore, #tpu.memory_space<semaphore_mem>>) attributes {dimension_semantics = [#tpu.dimension_semantics<core_parallel>, #tpu.dimension_semantics<subcore_parallel>], iteration_bounds = array<i64: 2, 16>, scalar_prefetch = 0 : i64, scratch_operands = 10 : i64, tpu.core_type = #tpu.core_type<sc_vector_subcore>, window_params = [{transform_indices = #map}, {transform_indices = #map}, {transform_indices = #map1}, {transform_indices = #map1}, {transform_indices = #map1}]} {
    %mul3A = arith.constant 2 : i32
    %mul3A_0 = arith.muli %arg1, %mul3A : i32
    %add3A = arith.addi %mul3A_0, %arg0 : i32
    %mul3A_1 = arith.constant 2000 : i32
    %mul3A_2 = arith.muli %add3A, %mul3A_1 : i32
    "tpu.region"() ({
      %run_scoped3A = tpu.sem_alloc : memref<!tpu.dma_semaphore, #tpu.memory_space<semaphore_mem>>
      %dma_start3A_51 = tpu.memref_slice %arg2[%mul3A_2] : memref<64000xi32, #tpu.memory_space<hbm>> -> memref<2000xi32, #tpu.memory_space<hbm>>
      %dma_start3A_52 = tpu.memref_slice %arg2[%mul3A_2] : memref<64000xi32, #tpu.memory_space<hbm>> -> memref<2000xi32, #tpu.memory_space<hbm>>
      tpu.enqueue_dma source(%dma_start3A_52 : memref<2000xi32, #tpu.memory_space<hbm>>) target(%arg7 : memref<2000xi32, #tpu.memory_space<vmem>>) target_semaphore(%run_scoped3A : memref<!tpu.dma_semaphore, #tpu.memory_space<semaphore_mem>>)
      %dma_wait3A_53 = tpu.memref_slice %arg2[%mul3A_2] : memref<64000xi32, #tpu.memory_space<hbm>> -> memref<2000xi32, #tpu.memory_space<hbm>>
      %dma_wait3A_54 = tpu.memref_slice %arg2[%mul3A_2] : memref<64000xi32, #tpu.memory_space<hbm>> -> memref<2000xi32, #tpu.memory_space<hbm>>
      tpu.wait_dma2 semaphore(%run_scoped3A : memref<!tpu.dma_semaphore, #tpu.memory_space<semaphore_mem>>) src(%dma_wait3A_54 : memref<2000xi32, #tpu.memory_space<hbm>>) dst(%arg7 : memref<2000xi32, #tpu.memory_space<vmem>>)
      tpu.yield
    }) : () -> ()
    "tpu.region"() ({
      %run_scoped3A = tpu.sem_alloc : memref<!tpu.dma_semaphore, #tpu.memory_space<semaphore_mem>>
      %dma_start3A_51 = tpu.memref_slice %arg3[%mul3A_2] : memref<64000xi32, #tpu.memory_space<hbm>> -> memref<2000xi32, #tpu.memory_space<hbm>>
      %dma_start3A_52 = tpu.memref_slice %arg3[%mul3A_2] : memref<64000xi32, #tpu.memory_space<hbm>> -> memref<2000xi32, #tpu.memory_space<hbm>>
      tpu.enqueue_dma source(%dma_start3A_52 : memref<2000xi32, #tpu.memory_space<hbm>>) target(%arg8 : memref<2000xi32, #tpu.memory_space<vmem>>) target_semaphore(%run_scoped3A : memref<!tpu.dma_semaphore, #tpu.memory_space<semaphore_mem>>)
      %dma_wait3A_53 = tpu.memref_slice %arg3[%mul3A_2] : memref<64000xi32, #tpu.memory_space<hbm>> -> memref<2000xi32, #tpu.memory_space<hbm>>
      %dma_wait3A_54 = tpu.memref_slice %arg3[%mul3A_2] : memref<64000xi32, #tpu.memory_space<hbm>> -> memref<2000xi32, #tpu.memory_space<hbm>>
      tpu.wait_dma2 semaphore(%run_scoped3A : memref<!tpu.dma_semaphore, #tpu.memory_space<semaphore_mem>>) src(%dma_wait3A_54 : memref<2000xi32, #tpu.memory_space<hbm>>) dst(%arg8 : memref<2000xi32, #tpu.memory_space<vmem>>)
      tpu.yield
    }) : () -> ()
    %multiple_of3A = arith.constant 0 : i32
    %multiple_of3A_3 = tpu.assume_multiple %multiple_of3A, 8 : i32
    %dma_start3A = tpu.memref_slice %arg7[%multiple_of3A_3] : memref<2000xi32, #tpu.memory_space<vmem>> -> memref<200xi32, #tpu.memory_space<vmem>>
    %dma_start3A_4 = arith.constant 0 : i32
    %dma_start3A_5 = arith.constant 0 : i32
    %dma_start3A_6 = tpu.memref_slice %arg4[%dma_start3A_4, %dma_start3A_5] : memref<10000x128xf32, #tpu.memory_space<hbm>> -> memref<10000x128xf32, #tpu.memory_space<hbm>>
    tpu.enqueue_indirect_dma source(%dma_start3A_6 : memref<10000x128xf32, #tpu.memory_space<hbm>>) target(%arg9 : memref<200x128xf32, #tpu.memory_space<vmem>>) offsets(%dma_start3A : memref<200xi32, #tpu.memory_space<vmem>>) semaphore(%arg13 : memref<!tpu.dma_semaphore, #tpu.memory_space<semaphore_mem>>)
    %dma_start3A_7 = tpu.memref_slice %arg8[%multiple_of3A_3] : memref<2000xi32, #tpu.memory_space<vmem>> -> memref<200xi32, #tpu.memory_space<vmem>>
    %dma_start3A_8 = arith.constant 0 : i32
    %dma_start3A_9 = arith.constant 0 : i32
    %dma_start3A_10 = tpu.memref_slice %arg4[%dma_start3A_8, %dma_start3A_9] : memref<10000x128xf32, #tpu.memory_space<hbm>> -> memref<10000x128xf32, #tpu.memory_space<hbm>>
    tpu.enqueue_indirect_dma source(%dma_start3A_10 : memref<10000x128xf32, #tpu.memory_space<hbm>>) target(%arg10 : memref<200x128xf32, #tpu.memory_space<vmem>>) offsets(%dma_start3A_7 : memref<200xi32, #tpu.memory_space<vmem>>) semaphore(%arg14 : memref<!tpu.dma_semaphore, #tpu.memory_space<semaphore_mem>>)
    %scan3A = arith.constant 0 : i32
    %scan3A_11 = arith.constant 0 : i32
    %scan3A_12 = arith.constant 4 : i32
    %scan3A_13 = arith.addi %scan3A_11, %scan3A_12 : i32
    %scan3A_14 = arith.constant 1 : i32
    scf.for %scan3A_51 = %scan3A_11 to %scan3A_13 step %scan3A_14  : i32 {
      %mul3A_52 = arith.constant 2 : i32
      %mul3A_53 = arith.muli %mul3A_52, %scan3A_51 : i32
      %mul3A_54 = arith.constant 2 : i32
      %mul3A_55 = arith.muli %mul3A_54, %scan3A_51 : i32
      %add3A_56 = arith.constant 1 : i32
      %add3A_57 = arith.addi %mul3A_55, %add3A_56 : i32
      %mul3A_58 = arith.constant 2 : i32
      %mul3A_59 = arith.muli %mul3A_58, %scan3A_51 : i32
      %add3A_60 = arith.constant 2 : i32
      %add3A_61 = arith.addi %mul3A_59, %add3A_60 : i32
      %mul3A_62 = arith.constant 200 : i32
      %mul3A_63 = arith.muli %add3A_57, %mul3A_62 : i32
      %multiple_of3A_64 = tpu.assume_multiple %mul3A_63, 8 : i32
      %dma_start3A_65 = tpu.memref_slice %arg7[%multiple_of3A_64] : memref<2000xi32, #tpu.memory_space<vmem>> -> memref<200xi32, #tpu.memory_space<vmem>>
      %dma_start3A_66 = arith.constant 0 : i32
      %dma_start3A_67 = arith.constant 0 : i32
      %dma_start3A_68 = tpu.memref_slice %arg4[%dma_start3A_66, %dma_start3A_67] : memref<10000x128xf32, #tpu.memory_space<hbm>> -> memref<10000x128xf32, #tpu.memory_space<hbm>>
      tpu.enqueue_indirect_dma source(%dma_start3A_68 : memref<10000x128xf32, #tpu.memory_space<hbm>>) target(%arg11 : memref<200x128xf32, #tpu.memory_space<vmem>>) offsets(%dma_start3A_65 : memref<200xi32, #tpu.memory_space<vmem>>) semaphore(%arg15 : memref<!tpu.dma_semaphore, #tpu.memory_space<semaphore_mem>>)
      %dma_start3A_69 = tpu.memref_slice %arg8[%multiple_of3A_64] : memref<2000xi32, #tpu.memory_space<vmem>> -> memref<200xi32, #tpu.memory_space<vmem>>
      %dma_start3A_70 = arith.constant 0 : i32
      %dma_start3A_71 = arith.constant 0 : i32
      %dma_start3A_72 = tpu.memref_slice %arg4[%dma_start3A_70, %dma_start3A_71] : memref<10000x128xf32, #tpu.memory_space<hbm>> -> memref<10000x128xf32, #tpu.memory_space<hbm>>
      tpu.enqueue_indirect_dma source(%dma_start3A_72 : memref<10000x128xf32, #tpu.memory_space<hbm>>) target(%arg12 : memref<200x128xf32, #tpu.memory_space<vmem>>) offsets(%dma_start3A_69 : memref<200xi32, #tpu.memory_space<vmem>>) semaphore(%arg16 : memref<!tpu.dma_semaphore, #tpu.memory_space<semaphore_mem>>)
      %mul3A_73 = arith.constant 200 : i32
      %mul3A_74 = arith.muli %mul3A_53, %mul3A_73 : i32
      %multiple_of3A_75 = tpu.assume_multiple %mul3A_74, 8 : i32
      %mul3A_76 = arith.constant 200 : i32
      %mul3A_77 = arith.muli %mul3A_53, %mul3A_76 : i32
      %add3A_78 = arith.addi %mul3A_2, %mul3A_77 : i32
      %multiple_of3A_79 = tpu.assume_multiple %add3A_78, 8 : i32
      %dma_wait3A_80 = tpu.memref_slice %arg7[%multiple_of3A_75] : memref<2000xi32, #tpu.memory_space<vmem>> -> memref<200xi32, #tpu.memory_space<vmem>>
      %dma_wait3A_81 = arith.constant 0 : i32
      %dma_wait3A_82 = arith.constant 0 : i32
      %dma_wait3A_83 = tpu.memref_slice %arg4[%dma_wait3A_81, %dma_wait3A_82] : memref<10000x128xf32, #tpu.memory_space<hbm>> -> memref<10000x128xf32, #tpu.memory_space<hbm>>
      tpu.wait_indirect_dma semaphore(%arg13 : memref<!tpu.dma_semaphore, #tpu.memory_space<semaphore_mem>>) src(%dma_wait3A_83 : memref<10000x128xf32, #tpu.memory_space<hbm>>) dst(%arg9 : memref<200x128xf32, #tpu.memory_space<vmem>>)
      %dma_wait3A_84 = tpu.memref_slice %arg8[%multiple_of3A_75] : memref<2000xi32, #tpu.memory_space<vmem>> -> memref<200xi32, #tpu.memory_space<vmem>>
      %dma_wait3A_85 = arith.constant 0 : i32
      %dma_wait3A_86 = arith.constant 0 : i32
      %dma_wait3A_87 = tpu.memref_slice %arg4[%dma_wait3A_85, %dma_wait3A_86] : memref<10000x128xf32, #tpu.memory_space<hbm>> -> memref<10000x128xf32, #tpu.memory_space<hbm>>
      tpu.wait_indirect_dma semaphore(%arg14 : memref<!tpu.dma_semaphore, #tpu.memory_space<semaphore_mem>>) src(%dma_wait3A_87 : memref<10000x128xf32, #tpu.memory_space<hbm>>) dst(%arg10 : memref<200x128xf32, #tpu.memory_space<vmem>>)
      "tpu.region"() ({
        %run_scoped3A = tpu.sem_alloc : memref<!tpu.dma_semaphore, #tpu.memory_space<semaphore_mem>>
        %dma_start3A_114 = arith.constant 0 : i32
        %dma_start3A_115 = tpu.memref_slice %arg5[%multiple_of3A_79, %dma_start3A_114] : memref<64000x128xf32, #tpu.memory_space<hbm>> -> memref<200x128xf32, #tpu.memory_space<hbm>>
        %dma_start3A_116 = arith.constant 0 : i32
        %dma_start3A_117 = tpu.memref_slice %arg5[%multiple_of3A_79, %dma_start3A_116] : memref<64000x128xf32, #tpu.memory_space<hbm>> -> memref<200x128xf32, #tpu.memory_space<hbm>>
        tpu.enqueue_dma source(%arg9 : memref<200x128xf32, #tpu.memory_space<vmem>>) target(%dma_start3A_117 : memref<200x128xf32, #tpu.memory_space<hbm>>) target_semaphore(%run_scoped3A : memref<!tpu.dma_semaphore, #tpu.memory_space<semaphore_mem>>)
        %dma_wait3A_118 = arith.constant 0 : i32
        %dma_wait3A_119 = tpu.memref_slice %arg5[%multiple_of3A_79, %dma_wait3A_118] : memref<64000x128xf32, #tpu.memory_space<hbm>> -> memref<200x128xf32, #tpu.memory_space<hbm>>
        %dma_wait3A_120 = arith.constant 0 : i32
        %dma_wait3A_121 = tpu.memref_slice %arg5[%multiple_of3A_79, %dma_wait3A_120] : memref<64000x128xf32, #tpu.memory_space<hbm>> -> memref<200x128xf32, #tpu.memory_space<hbm>>
        tpu.wait_dma2 semaphore(%run_scoped3A : memref<!tpu.dma_semaphore, #tpu.memory_space<semaphore_mem>>) src(%arg9 : memref<200x128xf32, #tpu.memory_space<vmem>>) dst(%dma_wait3A_121 : memref<200x128xf32, #tpu.memory_space<hbm>>)
        tpu.yield
      }) : () -> ()
      "tpu.region"() ({
        %run_scoped3A = tpu.sem_alloc : memref<!tpu.dma_semaphore, #tpu.memory_space<semaphore_mem>>
        %dma_start3A_114 = arith.constant 0 : i32
        %dma_start3A_115 = tpu.memref_slice %arg6[%multiple_of3A_79, %dma_start3A_114] : memref<64000x128xf32, #tpu.memory_space<hbm>> -> memref<200x128xf32, #tpu.memory_space<hbm>>
        %dma_start3A_116 = arith.constant 0 : i32
        %dma_start3A_117 = tpu.memref_slice %arg6[%multiple_of3A_79, %dma_start3A_116] : memref<64000x128xf32, #tpu.memory_space<hbm>> -> memref<200x128xf32, #tpu.memory_space<hbm>>
        tpu.enqueue_dma source(%arg10 : memref<200x128xf32, #tpu.memory_space<vmem>>) target(%dma_start3A_117 : memref<200x128xf32, #tpu.memory_space<hbm>>) target_semaphore(%run_scoped3A : memref<!tpu.dma_semaphore, #tpu.memory_space<semaphore_mem>>)
        %dma_wait3A_118 = arith.constant 0 : i32
        %dma_wait3A_119 = tpu.memref_slice %arg6[%multiple_of3A_79, %dma_wait3A_118] : memref<64000x128xf32, #tpu.memory_space<hbm>> -> memref<200x128xf32, #tpu.memory_space<hbm>>
        %dma_wait3A_120 = arith.constant 0 : i32
        %dma_wait3A_121 = tpu.memref_slice %arg6[%multiple_of3A_79, %dma_wait3A_120] : memref<64000x128xf32, #tpu.memory_space<hbm>> -> memref<200x128xf32, #tpu.memory_space<hbm>>
        tpu.wait_dma2 semaphore(%run_scoped3A : memref<!tpu.dma_semaphore, #tpu.memory_space<semaphore_mem>>) src(%arg10 : memref<200x128xf32, #tpu.memory_space<vmem>>) dst(%dma_wait3A_121 : memref<200x128xf32, #tpu.memory_space<hbm>>)
        tpu.yield
      }) : () -> ()
      %mul3A_88 = arith.constant 200 : i32
      %mul3A_89 = arith.muli %add3A_61, %mul3A_88 : i32
      %multiple_of3A_90 = tpu.assume_multiple %mul3A_89, 8 : i32
      %dma_start3A_91 = tpu.memref_slice %arg7[%multiple_of3A_90] : memref<2000xi32, #tpu.memory_space<vmem>> -> memref<200xi32, #tpu.memory_space<vmem>>
      %dma_start3A_92 = arith.constant 0 : i32
      %dma_start3A_93 = arith.constant 0 : i32
      %dma_start3A_94 = tpu.memref_slice %arg4[%dma_start3A_92, %dma_start3A_93] : memref<10000x128xf32, #tpu.memory_space<hbm>> -> memref<10000x128xf32, #tpu.memory_space<hbm>>
      tpu.enqueue_indirect_dma source(%dma_start3A_94 : memref<10000x128xf32, #tpu.memory_space<hbm>>) target(%arg9 : memref<200x128xf32, #tpu.memory_space<vmem>>) offsets(%dma_start3A_91 : memref<200xi32, #tpu.memory_space<vmem>>) semaphore(%arg13 : memref<!tpu.dma_semaphore, #tpu.memory_space<semaphore_mem>>)
      %dma_start3A_95 = tpu.memref_slice %arg8[%multiple_of3A_90] : memref<2000xi32, #tpu.memory_space<vmem>> -> memref<200xi32, #tpu.memory_space<vmem>>
      %dma_start3A_96 = arith.constant 0 : i32
      %dma_start3A_97 = arith.constant 0 : i32
      %dma_start3A_98 = tpu.memref_slice %arg4[%dma_start3A_96, %dma_start3A_97] : memref<10000x128xf32, #tpu.memory_space<hbm>> -> memref<10000x128xf32, #tpu.memory_space<hbm>>
      tpu.enqueue_indirect_dma source(%dma_start3A_98 : memref<10000x128xf32, #tpu.memory_space<hbm>>) target(%arg10 : memref<200x128xf32, #tpu.memory_space<vmem>>) offsets(%dma_start3A_95 : memref<200xi32, #tpu.memory_space<vmem>>) semaphore(%arg14 : memref<!tpu.dma_semaphore, #tpu.memory_space<semaphore_mem>>)
      %mul3A_99 = arith.constant 200 : i32
      %mul3A_100 = arith.muli %add3A_57, %mul3A_99 : i32
      %multiple_of3A_101 = tpu.assume_multiple %mul3A_100, 8 : i32
      %mul3A_102 = arith.constant 200 : i32
      %mul3A_103 = arith.muli %add3A_57, %mul3A_102 : i32
      %add3A_104 = arith.addi %mul3A_2, %mul3A_103 : i32
      %multiple_of3A_105 = tpu.assume_multiple %add3A_104, 8 : i32
      %dma_wait3A_106 = tpu.memref_slice %arg7[%multiple_of3A_101] : memref<2000xi32, #tpu.memory_space<vmem>> -> memref<200xi32, #tpu.memory_space<vmem>>
      %dma_wait3A_107 = arith.constant 0 : i32
      %dma_wait3A_108 = arith.constant 0 : i32
      %dma_wait3A_109 = tpu.memref_slice %arg4[%dma_wait3A_107, %dma_wait3A_108] : memref<10000x128xf32, #tpu.memory_space<hbm>> -> memref<10000x128xf32, #tpu.memory_space<hbm>>
      tpu.wait_indirect_dma semaphore(%arg15 : memref<!tpu.dma_semaphore, #tpu.memory_space<semaphore_mem>>) src(%dma_wait3A_109 : memref<10000x128xf32, #tpu.memory_space<hbm>>) dst(%arg11 : memref<200x128xf32, #tpu.memory_space<vmem>>)
      %dma_wait3A_110 = tpu.memref_slice %arg8[%multiple_of3A_101] : memref<2000xi32, #tpu.memory_space<vmem>> -> memref<200xi32, #tpu.memory_space<vmem>>
      %dma_wait3A_111 = arith.constant 0 : i32
      %dma_wait3A_112 = arith.constant 0 : i32
      %dma_wait3A_113 = tpu.memref_slice %arg4[%dma_wait3A_111, %dma_wait3A_112] : memref<10000x128xf32, #tpu.memory_space<hbm>> -> memref<10000x128xf32, #tpu.memory_space<hbm>>
      tpu.wait_indirect_dma semaphore(%arg16 : memref<!tpu.dma_semaphore, #tpu.memory_space<semaphore_mem>>) src(%dma_wait3A_113 : memref<10000x128xf32, #tpu.memory_space<hbm>>) dst(%arg12 : memref<200x128xf32, #tpu.memory_space<vmem>>)
      "tpu.region"() ({
        %run_scoped3A = tpu.sem_alloc : memref<!tpu.dma_semaphore, #tpu.memory_space<semaphore_mem>>
        %dma_start3A_114 = arith.constant 0 : i32
        %dma_start3A_115 = tpu.memref_slice %arg5[%multiple_of3A_105, %dma_start3A_114] : memref<64000x128xf32, #tpu.memory_space<hbm>> -> memref<200x128xf32, #tpu.memory_space<hbm>>
        %dma_start3A_116 = arith.constant 0 : i32
        %dma_start3A_117 = tpu.memref_slice %arg5[%multiple_of3A_105, %dma_start3A_116] : memref<64000x128xf32, #tpu.memory_space<hbm>> -> memref<200x128xf32, #tpu.memory_space<hbm>>
        tpu.enqueue_dma source(%arg11 : memref<200x128xf32, #tpu.memory_space<vmem>>) target(%dma_start3A_117 : memref<200x128xf32, #tpu.memory_space<hbm>>) target_semaphore(%run_scoped3A : memref<!tpu.dma_semaphore, #tpu.memory_space<semaphore_mem>>)
        %dma_wait3A_118 = arith.constant 0 : i32
        %dma_wait3A_119 = tpu.memref_slice %arg5[%multiple_of3A_105, %dma_wait3A_118] : memref<64000x128xf32, #tpu.memory_space<hbm>> -> memref<200x128xf32, #tpu.memory_space<hbm>>
        %dma_wait3A_120 = arith.constant 0 : i32
        %dma_wait3A_121 = tpu.memref_slice %arg5[%multiple_of3A_105, %dma_wait3A_120] : memref<64000x128xf32, #tpu.memory_space<hbm>> -> memref<200x128xf32, #tpu.memory_space<hbm>>
        tpu.wait_dma2 semaphore(%run_scoped3A : memref<!tpu.dma_semaphore, #tpu.memory_space<semaphore_mem>>) src(%arg11 : memref<200x128xf32, #tpu.memory_space<vmem>>) dst(%dma_wait3A_121 : memref<200x128xf32, #tpu.memory_space<hbm>>)
        tpu.yield
      }) : () -> ()
      "tpu.region"() ({
        %run_scoped3A = tpu.sem_alloc : memref<!tpu.dma_semaphore, #tpu.memory_space<semaphore_mem>>
        %dma_start3A_114 = arith.constant 0 : i32
        %dma_start3A_115 = tpu.memref_slice %arg6[%multiple_of3A_105, %dma_start3A_114] : memref<64000x128xf32, #tpu.memory_space<hbm>> -> memref<200x128xf32, #tpu.memory_space<hbm>>
        %dma_start3A_116 = arith.constant 0 : i32
        %dma_start3A_117 = tpu.memref_slice %arg6[%multiple_of3A_105, %dma_start3A_116] : memref<64000x128xf32, #tpu.memory_space<hbm>> -> memref<200x128xf32, #tpu.memory_space<hbm>>
        tpu.enqueue_dma source(%arg12 : memref<200x128xf32, #tpu.memory_space<vmem>>) target(%dma_start3A_117 : memref<200x128xf32, #tpu.memory_space<hbm>>) target_semaphore(%run_scoped3A : memref<!tpu.dma_semaphore, #tpu.memory_space<semaphore_mem>>)
        %dma_wait3A_118 = arith.constant 0 : i32
        %dma_wait3A_119 = tpu.memref_slice %arg6[%multiple_of3A_105, %dma_wait3A_118] : memref<64000x128xf32, #tpu.memory_space<hbm>> -> memref<200x128xf32, #tpu.memory_space<hbm>>
        %dma_wait3A_120 = arith.constant 0 : i32
        %dma_wait3A_121 = tpu.memref_slice %arg6[%multiple_of3A_105, %dma_wait3A_120] : memref<64000x128xf32, #tpu.memory_space<hbm>> -> memref<200x128xf32, #tpu.memory_space<hbm>>
        tpu.wait_dma2 semaphore(%run_scoped3A : memref<!tpu.dma_semaphore, #tpu.memory_space<semaphore_mem>>) src(%arg12 : memref<200x128xf32, #tpu.memory_space<vmem>>) dst(%dma_wait3A_121 : memref<200x128xf32, #tpu.memory_space<hbm>>)
        tpu.yield
      }) : () -> ()
    }
    %scan3A_15 = arith.constant 4 : i32
    %multiple_of3A_16 = arith.constant 1800 : i32
    %multiple_of3A_17 = tpu.assume_multiple %multiple_of3A_16, 8 : i32
    %dma_start3A_18 = tpu.memref_slice %arg7[%multiple_of3A_17] : memref<2000xi32, #tpu.memory_space<vmem>> -> memref<200xi32, #tpu.memory_space<vmem>>
    %dma_start3A_19 = arith.constant 0 : i32
    %dma_start3A_20 = arith.constant 0 : i32
    %dma_start3A_21 = tpu.memref_slice %arg4[%dma_start3A_19, %dma_start3A_20] : memref<10000x128xf32, #tpu.memory_space<hbm>> -> memref<10000x128xf32, #tpu.memory_space<hbm>>
    tpu.enqueue_indirect_dma source(%dma_start3A_21 : memref<10000x128xf32, #tpu.memory_space<hbm>>) target(%arg11 : memref<200x128xf32, #tpu.memory_space<vmem>>) offsets(%dma_start3A_18 : memref<200xi32, #tpu.memory_space<vmem>>) semaphore(%arg15 : memref<!tpu.dma_semaphore, #tpu.memory_space<semaphore_mem>>)
    %dma_start3A_22 = tpu.memref_slice %arg8[%multiple_of3A_17] : memref<2000xi32, #tpu.memory_space<vmem>> -> memref<200xi32, #tpu.memory_space<vmem>>
    %dma_start3A_23 = arith.constant 0 : i32
    %dma_start3A_24 = arith.constant 0 : i32
    %dma_start3A_25 = tpu.memref_slice %arg4[%dma_start3A_23, %dma_start3A_24] : memref<10000x128xf32, #tpu.memory_space<hbm>> -> memref<10000x128xf32, #tpu.memory_space<hbm>>
    tpu.enqueue_indirect_dma source(%dma_start3A_25 : memref<10000x128xf32, #tpu.memory_space<hbm>>) target(%arg12 : memref<200x128xf32, #tpu.memory_space<vmem>>) offsets(%dma_start3A_22 : memref<200xi32, #tpu.memory_space<vmem>>) semaphore(%arg16 : memref<!tpu.dma_semaphore, #tpu.memory_space<semaphore_mem>>)
    %multiple_of3A_26 = arith.constant 1600 : i32
    %multiple_of3A_27 = tpu.assume_multiple %multiple_of3A_26, 8 : i32
    %add3A_28 = arith.constant 1600 : i32
    %add3A_29 = arith.addi %mul3A_2, %add3A_28 : i32
    %multiple_of3A_30 = tpu.assume_multiple %add3A_29, 8 : i32
    %dma_wait3A = tpu.memref_slice %arg7[%multiple_of3A_27] : memref<2000xi32, #tpu.memory_space<vmem>> -> memref<200xi32, #tpu.memory_space<vmem>>
    %dma_wait3A_31 = arith.constant 0 : i32
    %dma_wait3A_32 = arith.constant 0 : i32
    %dma_wait3A_33 = tpu.memref_slice %arg4[%dma_wait3A_31, %dma_wait3A_32] : memref<10000x128xf32, #tpu.memory_space<hbm>> -> memref<10000x128xf32, #tpu.memory_space<hbm>>
    tpu.wait_indirect_dma semaphore(%arg13 : memref<!tpu.dma_semaphore, #tpu.memory_space<semaphore_mem>>) src(%dma_wait3A_33 : memref<10000x128xf32, #tpu.memory_space<hbm>>) dst(%arg9 : memref<200x128xf32, #tpu.memory_space<vmem>>)
    %dma_wait3A_34 = tpu.memref_slice %arg8[%multiple_of3A_27] : memref<2000xi32, #tpu.memory_space<vmem>> -> memref<200xi32, #tpu.memory_space<vmem>>
    %dma_wait3A_35 = arith.constant 0 : i32
    %dma_wait3A_36 = arith.constant 0 : i32
    %dma_wait3A_37 = tpu.memref_slice %arg4[%dma_wait3A_35, %dma_wait3A_36] : memref<10000x128xf32, #tpu.memory_space<hbm>> -> memref<10000x128xf32, #tpu.memory_space<hbm>>
    tpu.wait_indirect_dma semaphore(%arg14 : memref<!tpu.dma_semaphore, #tpu.memory_space<semaphore_mem>>) src(%dma_wait3A_37 : memref<10000x128xf32, #tpu.memory_space<hbm>>) dst(%arg10 : memref<200x128xf32, #tpu.memory_space<vmem>>)
    "tpu.region"() ({
      %run_scoped3A = tpu.sem_alloc : memref<!tpu.dma_semaphore, #tpu.memory_space<semaphore_mem>>
      %dma_start3A_51 = arith.constant 0 : i32
      %dma_start3A_52 = tpu.memref_slice %arg5[%multiple_of3A_30, %dma_start3A_51] : memref<64000x128xf32, #tpu.memory_space<hbm>> -> memref<200x128xf32, #tpu.memory_space<hbm>>
      %dma_start3A_53 = arith.constant 0 : i32
      %dma_start3A_54 = tpu.memref_slice %arg5[%multiple_of3A_30, %dma_start3A_53] : memref<64000x128xf32, #tpu.memory_space<hbm>> -> memref<200x128xf32, #tpu.memory_space<hbm>>
      tpu.enqueue_dma source(%arg9 : memref<200x128xf32, #tpu.memory_space<vmem>>) target(%dma_start3A_54 : memref<200x128xf32, #tpu.memory_space<hbm>>) target_semaphore(%run_scoped3A : memref<!tpu.dma_semaphore, #tpu.memory_space<semaphore_mem>>)
      %dma_wait3A_55 = arith.constant 0 : i32
      %dma_wait3A_56 = tpu.memref_slice %arg5[%multiple_of3A_30, %dma_wait3A_55] : memref<64000x128xf32, #tpu.memory_space<hbm>> -> memref<200x128xf32, #tpu.memory_space<hbm>>
      %dma_wait3A_57 = arith.constant 0 : i32
      %dma_wait3A_58 = tpu.memref_slice %arg5[%multiple_of3A_30, %dma_wait3A_57] : memref<64000x128xf32, #tpu.memory_space<hbm>> -> memref<200x128xf32, #tpu.memory_space<hbm>>
      tpu.wait_dma2 semaphore(%run_scoped3A : memref<!tpu.dma_semaphore, #tpu.memory_space<semaphore_mem>>) src(%arg9 : memref<200x128xf32, #tpu.memory_space<vmem>>) dst(%dma_wait3A_58 : memref<200x128xf32, #tpu.memory_space<hbm>>)
      tpu.yield
    }) : () -> ()
    "tpu.region"() ({
      %run_scoped3A = tpu.sem_alloc : memref<!tpu.dma_semaphore, #tpu.memory_space<semaphore_mem>>
      %dma_start3A_51 = arith.constant 0 : i32
      %dma_start3A_52 = tpu.memref_slice %arg6[%multiple_of3A_30, %dma_start3A_51] : memref<64000x128xf32, #tpu.memory_space<hbm>> -> memref<200x128xf32, #tpu.memory_space<hbm>>
      %dma_start3A_53 = arith.constant 0 : i32
      %dma_start3A_54 = tpu.memref_slice %arg6[%multiple_of3A_30, %dma_start3A_53] : memref<64000x128xf32, #tpu.memory_space<hbm>> -> memref<200x128xf32, #tpu.memory_space<hbm>>
      tpu.enqueue_dma source(%arg10 : memref<200x128xf32, #tpu.memory_space<vmem>>) target(%dma_start3A_54 : memref<200x128xf32, #tpu.memory_space<hbm>>) target_semaphore(%run_scoped3A : memref<!tpu.dma_semaphore, #tpu.memory_space<semaphore_mem>>)
      %dma_wait3A_55 = arith.constant 0 : i32
      %dma_wait3A_56 = tpu.memref_slice %arg6[%multiple_of3A_30, %dma_wait3A_55] : memref<64000x128xf32, #tpu.memory_space<hbm>> -> memref<200x128xf32, #tpu.memory_space<hbm>>
      %dma_wait3A_57 = arith.constant 0 : i32
      %dma_wait3A_58 = tpu.memref_slice %arg6[%multiple_of3A_30, %dma_wait3A_57] : memref<64000x128xf32, #tpu.memory_space<hbm>> -> memref<200x128xf32, #tpu.memory_space<hbm>>
      tpu.wait_dma2 semaphore(%run_scoped3A : memref<!tpu.dma_semaphore, #tpu.memory_space<semaphore_mem>>) src(%arg10 : memref<200x128xf32, #tpu.memory_space<vmem>>) dst(%dma_wait3A_58 : memref<200x128xf32, #tpu.memory_space<hbm>>)
      tpu.yield
    }) : () -> ()
    %multiple_of3A_38 = arith.constant 1800 : i32
    %multiple_of3A_39 = tpu.assume_multiple %multiple_of3A_38, 8 : i32
    %add3A_40 = arith.constant 1800 : i32
    %add3A_41 = arith.addi %mul3A_2, %add3A_40 : i32
    %multiple_of3A_42 = tpu.assume_multiple %add3A_41, 8 : i32
    %dma_wait3A_43 = tpu.memref_slice %arg7[%multiple_of3A_39] : memref<2000xi32, #tpu.memory_space<vmem>> -> memref<200xi32, #tpu.memory_space<vmem>>
    %dma_wait3A_44 = arith.constant 0 : i32
    %dma_wait3A_45 = arith.constant 0 : i32
    %dma_wait3A_46 = tpu.memref_slice %arg4[%dma_wait3A_44, %dma_wait3A_45] : memref<10000x128xf32, #tpu.memory_space<hbm>> -> memref<10000x128xf32, #tpu.memory_space<hbm>>
    tpu.wait_indirect_dma semaphore(%arg15 : memref<!tpu.dma_semaphore, #tpu.memory_space<semaphore_mem>>) src(%dma_wait3A_46 : memref<10000x128xf32, #tpu.memory_space<hbm>>) dst(%arg11 : memref<200x128xf32, #tpu.memory_space<vmem>>)
    %dma_wait3A_47 = tpu.memref_slice %arg8[%multiple_of3A_39] : memref<2000xi32, #tpu.memory_space<vmem>> -> memref<200xi32, #tpu.memory_space<vmem>>
    %dma_wait3A_48 = arith.constant 0 : i32
    %dma_wait3A_49 = arith.constant 0 : i32
    %dma_wait3A_50 = tpu.memref_slice %arg4[%dma_wait3A_48, %dma_wait3A_49] : memref<10000x128xf32, #tpu.memory_space<hbm>> -> memref<10000x128xf32, #tpu.memory_space<hbm>>
    tpu.wait_indirect_dma semaphore(%arg16 : memref<!tpu.dma_semaphore, #tpu.memory_space<semaphore_mem>>) src(%dma_wait3A_50 : memref<10000x128xf32, #tpu.memory_space<hbm>>) dst(%arg12 : memref<200x128xf32, #tpu.memory_space<vmem>>)
    "tpu.region"() ({
      %run_scoped3A = tpu.sem_alloc : memref<!tpu.dma_semaphore, #tpu.memory_space<semaphore_mem>>
      %dma_start3A_51 = arith.constant 0 : i32
      %dma_start3A_52 = tpu.memref_slice %arg5[%multiple_of3A_42, %dma_start3A_51] : memref<64000x128xf32, #tpu.memory_space<hbm>> -> memref<200x128xf32, #tpu.memory_space<hbm>>
      %dma_start3A_53 = arith.constant 0 : i32
      %dma_start3A_54 = tpu.memref_slice %arg5[%multiple_of3A_42, %dma_start3A_53] : memref<64000x128xf32, #tpu.memory_space<hbm>> -> memref<200x128xf32, #tpu.memory_space<hbm>>
      tpu.enqueue_dma source(%arg11 : memref<200x128xf32, #tpu.memory_space<vmem>>) target(%dma_start3A_54 : memref<200x128xf32, #tpu.memory_space<hbm>>) target_semaphore(%run_scoped3A : memref<!tpu.dma_semaphore, #tpu.memory_space<semaphore_mem>>)
      %dma_wait3A_55 = arith.constant 0 : i32
      %dma_wait3A_56 = tpu.memref_slice %arg5[%multiple_of3A_42, %dma_wait3A_55] : memref<64000x128xf32, #tpu.memory_space<hbm>> -> memref<200x128xf32, #tpu.memory_space<hbm>>
      %dma_wait3A_57 = arith.constant 0 : i32
      %dma_wait3A_58 = tpu.memref_slice %arg5[%multiple_of3A_42, %dma_wait3A_57] : memref<64000x128xf32, #tpu.memory_space<hbm>> -> memref<200x128xf32, #tpu.memory_space<hbm>>
      tpu.wait_dma2 semaphore(%run_scoped3A : memref<!tpu.dma_semaphore, #tpu.memory_space<semaphore_mem>>) src(%arg11 : memref<200x128xf32, #tpu.memory_space<vmem>>) dst(%dma_wait3A_58 : memref<200x128xf32, #tpu.memory_space<hbm>>)
      tpu.yield
    }) : () -> ()
    "tpu.region"() ({
      %run_scoped3A = tpu.sem_alloc : memref<!tpu.dma_semaphore, #tpu.memory_space<semaphore_mem>>
      %dma_start3A_51 = arith.constant 0 : i32
      %dma_start3A_52 = tpu.memref_slice %arg6[%multiple_of3A_42, %dma_start3A_51] : memref<64000x128xf32, #tpu.memory_space<hbm>> -> memref<200x128xf32, #tpu.memory_space<hbm>>
      %dma_start3A_53 = arith.constant 0 : i32
      %dma_start3A_54 = tpu.memref_slice %arg6[%multiple_of3A_42, %dma_start3A_53] : memref<64000x128xf32, #tpu.memory_space<hbm>> -> memref<200x128xf32, #tpu.memory_space<hbm>>
      tpu.enqueue_dma source(%arg12 : memref<200x128xf32, #tpu.memory_space<vmem>>) target(%dma_start3A_54 : memref<200x128xf32, #tpu.memory_space<hbm>>) target_semaphore(%run_scoped3A : memref<!tpu.dma_semaphore, #tpu.memory_space<semaphore_mem>>)
      %dma_wait3A_55 = arith.constant 0 : i32
      %dma_wait3A_56 = tpu.memref_slice %arg6[%multiple_of3A_42, %dma_wait3A_55] : memref<64000x128xf32, #tpu.memory_space<hbm>> -> memref<200x128xf32, #tpu.memory_space<hbm>>
      %dma_wait3A_57 = arith.constant 0 : i32
      %dma_wait3A_58 = tpu.memref_slice %arg6[%multiple_of3A_42, %dma_wait3A_57] : memref<64000x128xf32, #tpu.memory_space<hbm>> -> memref<200x128xf32, #tpu.memory_space<hbm>>
      tpu.wait_dma2 semaphore(%run_scoped3A : memref<!tpu.dma_semaphore, #tpu.memory_space<semaphore_mem>>) src(%arg12 : memref<200x128xf32, #tpu.memory_space<vmem>>) dst(%dma_wait3A_58 : memref<200x128xf32, #tpu.memory_space<hbm>>)
      tpu.yield
    }) : () -> ()
    return
  }
}

#map = affine_map<(d0, d1) -> (0)>
#map1 = affine_map<(d0, d1) -> (0, 0)>
#map2 = affine_map<(d0, d1) -> (0, 0, 0)>
module attributes {stable_mosaic.version = 14 : i64} {
  func.func @_seg_body(%arg0: i32, %arg1: i32, %arg2: memref<320000xi32, #tpu.memory_space<hbm>>, %arg3: memref<320000xi32, #tpu.memory_space<hbm>>, %arg4: memref<10000x128xf32, #tpu.memory_space<hbm>>, %arg5: memref<10000x128xf32, #tpu.memory_space<hbm>>, %arg6: memref<2x10000x128xf32, #tpu.memory_space<hbm>>, %arg7: memref<10000xi32, #tpu.memory_space<vmem>>, %arg8: memref<10000xi32, #tpu.memory_space<vmem>>, %arg9: memref<112x128xf32, #tpu.memory_space<vmem>>, %arg10: memref<112x128xf32, #tpu.memory_space<vmem>>, %arg11: memref<10000x128xf32, #tpu.memory_space<vmem_shared>>, %arg12: memref<!tpu.dma_semaphore, #tpu.memory_space<semaphore_mem>>, %arg13: memref<!tpu.dma_semaphore, #tpu.memory_space<semaphore_mem>>) attributes {dimension_semantics = [#tpu.dimension_semantics<core_parallel>, #tpu.dimension_semantics<subcore_parallel>], iteration_bounds = array<i64: 2, 16>, scalar_prefetch = 0 : i64, scratch_operands = 7 : i64, tpu.core_type = #tpu.core_type<sc_vector_subcore>, window_params = [{transform_indices = #map}, {transform_indices = #map}, {transform_indices = #map1}, {transform_indices = #map1}, {transform_indices = #map2}]} {
    %mul3A = arith.constant 2 : i32
    %mul3A_0 = arith.muli %arg1, %mul3A : i32
    %add3A = arith.addi %mul3A_0, %arg0 : i32
    %mul3A_1 = arith.constant 10000 : i32
    %mul3A_2 = arith.muli %add3A, %mul3A_1 : i32
    %lt3A = arith.constant 15 : i32
    %lt3A_3 = arith.cmpi slt, %arg1, %lt3A : i32
    %convert_element_type3A = arith.extui %lt3A_3 : i1 to i32
    %cond3A = arith.constant 0 : i32
    %cond3A_4 = arith.cmpi ne, %convert_element_type3A, %cond3A : i32
    scf.if %cond3A_4 {
      %mul3A_52 = arith.constant 624 : i32
      %mul3A_53 = arith.muli %arg1, %mul3A_52 : i32
      %multiple_of3A_54 = tpu.assume_multiple %mul3A_53, 8 : i32
      "tpu.region"() ({
        %run_scoped3A = tpu.sem_alloc : memref<!tpu.dma_semaphore, #tpu.memory_space<semaphore_mem>>
        %dma_start3A_55 = arith.constant 0 : i32
        %dma_start3A_56 = tpu.memref_slice %arg11[%multiple_of3A_54, %dma_start3A_55] : memref<10000x128xf32, #tpu.memory_space<vmem_shared>> -> memref<624x128xf32, #tpu.memory_space<vmem_shared>>
        %dma_start3A_57 = arith.constant 0 : i32
        %dma_start3A_58 = tpu.memref_slice %arg5[%multiple_of3A_54, %dma_start3A_57] : memref<10000x128xf32, #tpu.memory_space<hbm>> -> memref<624x128xf32, #tpu.memory_space<hbm>>
        tpu.enqueue_dma source(%dma_start3A_58 : memref<624x128xf32, #tpu.memory_space<hbm>>) target(%dma_start3A_56 : memref<624x128xf32, #tpu.memory_space<vmem_shared>>) target_semaphore(%run_scoped3A : memref<!tpu.dma_semaphore, #tpu.memory_space<semaphore_mem>>)
        %dma_wait3A_59 = arith.constant 0 : i32
        %dma_wait3A_60 = tpu.memref_slice %arg11[%multiple_of3A_54, %dma_wait3A_59] : memref<10000x128xf32, #tpu.memory_space<vmem_shared>> -> memref<624x128xf32, #tpu.memory_space<vmem_shared>>
        %dma_wait3A_61 = arith.constant 0 : i32
        %dma_wait3A_62 = tpu.memref_slice %arg5[%multiple_of3A_54, %dma_wait3A_61] : memref<10000x128xf32, #tpu.memory_space<hbm>> -> memref<624x128xf32, #tpu.memory_space<hbm>>
        tpu.wait_dma2 semaphore(%run_scoped3A : memref<!tpu.dma_semaphore, #tpu.memory_space<semaphore_mem>>) src(%dma_wait3A_62 : memref<624x128xf32, #tpu.memory_space<hbm>>) dst(%dma_wait3A_60 : memref<624x128xf32, #tpu.memory_space<vmem_shared>>)
        tpu.yield
      }) : () -> ()
    } else {
    }
    %eq3A = arith.constant 15 : i32
    %eq3A_5 = arith.cmpi eq, %arg1, %eq3A : i32
    %convert_element_type3A_6 = arith.extui %eq3A_5 : i1 to i32
    %cond3A_7 = arith.constant 0 : i32
    %cond3A_8 = arith.cmpi ne, %convert_element_type3A_6, %cond3A_7 : i32
    scf.if %cond3A_8 {
      "tpu.region"() ({
        %run_scoped3A = tpu.sem_alloc : memref<!tpu.dma_semaphore, #tpu.memory_space<semaphore_mem>>
        %dma_start3A_52 = arith.constant 9360 : i32
        %dma_start3A_53 = arith.constant 0 : i32
        %dma_start3A_54 = tpu.memref_slice %arg11[%dma_start3A_52, %dma_start3A_53] : memref<10000x128xf32, #tpu.memory_space<vmem_shared>> -> memref<640x128xf32, #tpu.memory_space<vmem_shared>>
        %dma_start3A_55 = arith.constant 9360 : i32
        %dma_start3A_56 = arith.constant 0 : i32
        %dma_start3A_57 = tpu.memref_slice %arg5[%dma_start3A_55, %dma_start3A_56] : memref<10000x128xf32, #tpu.memory_space<hbm>> -> memref<640x128xf32, #tpu.memory_space<hbm>>
        tpu.enqueue_dma source(%dma_start3A_57 : memref<640x128xf32, #tpu.memory_space<hbm>>) target(%dma_start3A_54 : memref<640x128xf32, #tpu.memory_space<vmem_shared>>) target_semaphore(%run_scoped3A : memref<!tpu.dma_semaphore, #tpu.memory_space<semaphore_mem>>)
        %dma_wait3A_58 = arith.constant 9360 : i32
        %dma_wait3A_59 = arith.constant 0 : i32
        %dma_wait3A_60 = tpu.memref_slice %arg11[%dma_wait3A_58, %dma_wait3A_59] : memref<10000x128xf32, #tpu.memory_space<vmem_shared>> -> memref<640x128xf32, #tpu.memory_space<vmem_shared>>
        %dma_wait3A_61 = arith.constant 9360 : i32
        %dma_wait3A_62 = arith.constant 0 : i32
        %dma_wait3A_63 = tpu.memref_slice %arg5[%dma_wait3A_61, %dma_wait3A_62] : memref<10000x128xf32, #tpu.memory_space<hbm>> -> memref<640x128xf32, #tpu.memory_space<hbm>>
        tpu.wait_dma2 semaphore(%run_scoped3A : memref<!tpu.dma_semaphore, #tpu.memory_space<semaphore_mem>>) src(%dma_wait3A_63 : memref<640x128xf32, #tpu.memory_space<hbm>>) dst(%dma_wait3A_60 : memref<640x128xf32, #tpu.memory_space<vmem_shared>>)
        tpu.yield
      }) : () -> ()
    } else {
    }
    "tpu.region"() ({
      %run_scoped3A = tpu.sem_alloc : memref<!tpu.dma_semaphore, #tpu.memory_space<semaphore_mem>>
      %dma_start3A_52 = tpu.memref_slice %arg2[%mul3A_2] : memref<320000xi32, #tpu.memory_space<hbm>> -> memref<10000xi32, #tpu.memory_space<hbm>>
      %dma_start3A_53 = tpu.memref_slice %arg2[%mul3A_2] : memref<320000xi32, #tpu.memory_space<hbm>> -> memref<10000xi32, #tpu.memory_space<hbm>>
      tpu.enqueue_dma source(%dma_start3A_53 : memref<10000xi32, #tpu.memory_space<hbm>>) target(%arg7 : memref<10000xi32, #tpu.memory_space<vmem>>) target_semaphore(%run_scoped3A : memref<!tpu.dma_semaphore, #tpu.memory_space<semaphore_mem>>)
      %dma_wait3A_54 = tpu.memref_slice %arg2[%mul3A_2] : memref<320000xi32, #tpu.memory_space<hbm>> -> memref<10000xi32, #tpu.memory_space<hbm>>
      %dma_wait3A_55 = tpu.memref_slice %arg2[%mul3A_2] : memref<320000xi32, #tpu.memory_space<hbm>> -> memref<10000xi32, #tpu.memory_space<hbm>>
      tpu.wait_dma2 semaphore(%run_scoped3A : memref<!tpu.dma_semaphore, #tpu.memory_space<semaphore_mem>>) src(%dma_wait3A_55 : memref<10000xi32, #tpu.memory_space<hbm>>) dst(%arg7 : memref<10000xi32, #tpu.memory_space<vmem>>)
      tpu.yield
    }) : () -> ()
    "tpu.region"() ({
      %run_scoped3A = tpu.sem_alloc : memref<!tpu.dma_semaphore, #tpu.memory_space<semaphore_mem>>
      %dma_start3A_52 = tpu.memref_slice %arg3[%mul3A_2] : memref<320000xi32, #tpu.memory_space<hbm>> -> memref<10000xi32, #tpu.memory_space<hbm>>
      %dma_start3A_53 = tpu.memref_slice %arg3[%mul3A_2] : memref<320000xi32, #tpu.memory_space<hbm>> -> memref<10000xi32, #tpu.memory_space<hbm>>
      tpu.enqueue_dma source(%dma_start3A_53 : memref<10000xi32, #tpu.memory_space<hbm>>) target(%arg8 : memref<10000xi32, #tpu.memory_space<vmem>>) target_semaphore(%run_scoped3A : memref<!tpu.dma_semaphore, #tpu.memory_space<semaphore_mem>>)
      %dma_wait3A_54 = tpu.memref_slice %arg3[%mul3A_2] : memref<320000xi32, #tpu.memory_space<hbm>> -> memref<10000xi32, #tpu.memory_space<hbm>>
      %dma_wait3A_55 = tpu.memref_slice %arg3[%mul3A_2] : memref<320000xi32, #tpu.memory_space<hbm>> -> memref<10000xi32, #tpu.memory_space<hbm>>
      tpu.wait_dma2 semaphore(%run_scoped3A : memref<!tpu.dma_semaphore, #tpu.memory_space<semaphore_mem>>) src(%dma_wait3A_55 : memref<10000xi32, #tpu.memory_space<hbm>>) dst(%arg8 : memref<10000xi32, #tpu.memory_space<vmem>>)
      tpu.yield
    }) : () -> ()
    %barrier3A = arith.constant 0 : index
    tpu.barrier barrier_id(%barrier3A)
    %multiple_of3A = arith.constant 0 : i32
    %multiple_of3A_9 = tpu.assume_multiple %multiple_of3A, 8 : i32
    %dma_start3A = tpu.memref_slice %arg7[%multiple_of3A_9] : memref<10000xi32, #tpu.memory_space<vmem>> -> memref<112xi32, #tpu.memory_space<vmem>>
    %dma_start3A_10 = arith.constant 0 : i32
    %dma_start3A_11 = arith.constant 0 : i32
    %dma_start3A_12 = tpu.memref_slice %arg4[%dma_start3A_10, %dma_start3A_11] : memref<10000x128xf32, #tpu.memory_space<hbm>> -> memref<10000x128xf32, #tpu.memory_space<hbm>>
    tpu.enqueue_indirect_dma source(%dma_start3A_12 : memref<10000x128xf32, #tpu.memory_space<hbm>>) target(%arg9 : memref<112x128xf32, #tpu.memory_space<vmem>>) offsets(%dma_start3A : memref<112xi32, #tpu.memory_space<vmem>>) semaphore(%arg12 : memref<!tpu.dma_semaphore, #tpu.memory_space<semaphore_mem>>)
    %scan3A = arith.constant 0 : i32
    %scan3A_13 = arith.constant 0 : i32
    %scan3A_14 = arith.constant 44 : i32
    %scan3A_15 = arith.addi %scan3A_13, %scan3A_14 : i32
    %scan3A_16 = arith.constant 1 : i32
    scf.for %scan3A_52 = %scan3A_13 to %scan3A_15 step %scan3A_16  : i32 {
      %mul3A_53 = arith.constant 2 : i32
      %mul3A_54 = arith.muli %mul3A_53, %scan3A_52 : i32
      %mul3A_55 = arith.constant 2 : i32
      %mul3A_56 = arith.muli %mul3A_55, %scan3A_52 : i32
      %add3A_57 = arith.constant 1 : i32
      %add3A_58 = arith.addi %mul3A_56, %add3A_57 : i32
      %mul3A_59 = arith.constant 2 : i32
      %mul3A_60 = arith.muli %mul3A_59, %scan3A_52 : i32
      %add3A_61 = arith.constant 2 : i32
      %add3A_62 = arith.addi %mul3A_60, %add3A_61 : i32
      %mul3A_63 = arith.constant 112 : i32
      %mul3A_64 = arith.muli %add3A_58, %mul3A_63 : i32
      %multiple_of3A_65 = tpu.assume_multiple %mul3A_64, 8 : i32
      %dma_start3A_66 = tpu.memref_slice %arg7[%multiple_of3A_65] : memref<10000xi32, #tpu.memory_space<vmem>> -> memref<112xi32, #tpu.memory_space<vmem>>
      %dma_start3A_67 = arith.constant 0 : i32
      %dma_start3A_68 = arith.constant 0 : i32
      %dma_start3A_69 = tpu.memref_slice %arg4[%dma_start3A_67, %dma_start3A_68] : memref<10000x128xf32, #tpu.memory_space<hbm>> -> memref<10000x128xf32, #tpu.memory_space<hbm>>
      tpu.enqueue_indirect_dma source(%dma_start3A_69 : memref<10000x128xf32, #tpu.memory_space<hbm>>) target(%arg10 : memref<112x128xf32, #tpu.memory_space<vmem>>) offsets(%dma_start3A_66 : memref<112xi32, #tpu.memory_space<vmem>>) semaphore(%arg13 : memref<!tpu.dma_semaphore, #tpu.memory_space<semaphore_mem>>)
      %mul3A_70 = arith.constant 112 : i32
      %mul3A_71 = arith.muli %mul3A_54, %mul3A_70 : i32
      %multiple_of3A_72 = tpu.assume_multiple %mul3A_71, 8 : i32
      %dma_wait3A_73 = tpu.memref_slice %arg7[%multiple_of3A_72] : memref<10000xi32, #tpu.memory_space<vmem>> -> memref<112xi32, #tpu.memory_space<vmem>>
      %dma_wait3A_74 = arith.constant 0 : i32
      %dma_wait3A_75 = arith.constant 0 : i32
      %dma_wait3A_76 = tpu.memref_slice %arg4[%dma_wait3A_74, %dma_wait3A_75] : memref<10000x128xf32, #tpu.memory_space<hbm>> -> memref<10000x128xf32, #tpu.memory_space<hbm>>
      tpu.wait_indirect_dma semaphore(%arg12 : memref<!tpu.dma_semaphore, #tpu.memory_space<semaphore_mem>>) src(%dma_wait3A_76 : memref<10000x128xf32, #tpu.memory_space<hbm>>) dst(%arg9 : memref<112x128xf32, #tpu.memory_space<vmem>>)
      %mul3A_77 = arith.constant 112 : i32
      %mul3A_78 = arith.muli %mul3A_54, %mul3A_77 : i32
      %multiple_of3A_79 = tpu.assume_multiple %mul3A_78, 8 : i32
      "tpu.region"() ({
        %run_scoped3A = tpu.sem_alloc : memref<!tpu.dma_semaphore, #tpu.memory_space<semaphore_mem>>
        %dma_start3A_97 = tpu.memref_slice %arg8[%multiple_of3A_79] : memref<10000xi32, #tpu.memory_space<vmem>> -> memref<112xi32, #tpu.memory_space<vmem>>
        %dma_start3A_98 = arith.constant 0 : i32
        %dma_start3A_99 = arith.constant 0 : i32
        %dma_start3A_100 = tpu.memref_slice %arg11[%dma_start3A_98, %dma_start3A_99] : memref<10000x128xf32, #tpu.memory_space<vmem_shared>> -> memref<10000x128xf32, #tpu.memory_space<vmem_shared>>
        tpu.enqueue_indirect_dma source(%arg9 : memref<112x128xf32, #tpu.memory_space<vmem>>) target(%dma_start3A_100 : memref<10000x128xf32, #tpu.memory_space<vmem_shared>>) offsets(%dma_start3A_97 : memref<112xi32, #tpu.memory_space<vmem>>) semaphore(%run_scoped3A : memref<!tpu.dma_semaphore, #tpu.memory_space<semaphore_mem>>) {add = true}
        %dma_wait3A_101 = tpu.memref_slice %arg8[%multiple_of3A_79] : memref<10000xi32, #tpu.memory_space<vmem>> -> memref<112xi32, #tpu.memory_space<vmem>>
        %dma_wait3A_102 = arith.constant 0 : i32
        %dma_wait3A_103 = arith.constant 0 : i32
        %dma_wait3A_104 = tpu.memref_slice %arg11[%dma_wait3A_102, %dma_wait3A_103] : memref<10000x128xf32, #tpu.memory_space<vmem_shared>> -> memref<10000x128xf32, #tpu.memory_space<vmem_shared>>
        tpu.wait_indirect_dma semaphore(%run_scoped3A : memref<!tpu.dma_semaphore, #tpu.memory_space<semaphore_mem>>) src(%arg9 : memref<112x128xf32, #tpu.memory_space<vmem>>) dst(%dma_wait3A_104 : memref<10000x128xf32, #tpu.memory_space<vmem_shared>>)
        tpu.yield
      }) : () -> ()
      %mul3A_80 = arith.constant 112 : i32
      %mul3A_81 = arith.muli %add3A_62, %mul3A_80 : i32
      %multiple_of3A_82 = tpu.assume_multiple %mul3A_81, 8 : i32
      %dma_start3A_83 = tpu.memref_slice %arg7[%multiple_of3A_82] : memref<10000xi32, #tpu.memory_space<vmem>> -> memref<112xi32, #tpu.memory_space<vmem>>
      %dma_start3A_84 = arith.constant 0 : i32
      %dma_start3A_85 = arith.constant 0 : i32
      %dma_start3A_86 = tpu.memref_slice %arg4[%dma_start3A_84, %dma_start3A_85] : memref<10000x128xf32, #tpu.memory_space<hbm>> -> memref<10000x128xf32, #tpu.memory_space<hbm>>
      tpu.enqueue_indirect_dma source(%dma_start3A_86 : memref<10000x128xf32, #tpu.memory_space<hbm>>) target(%arg9 : memref<112x128xf32, #tpu.memory_space<vmem>>) offsets(%dma_start3A_83 : memref<112xi32, #tpu.memory_space<vmem>>) semaphore(%arg12 : memref<!tpu.dma_semaphore, #tpu.memory_space<semaphore_mem>>)
      %mul3A_87 = arith.constant 112 : i32
      %mul3A_88 = arith.muli %add3A_58, %mul3A_87 : i32
      %multiple_of3A_89 = tpu.assume_multiple %mul3A_88, 8 : i32
      %dma_wait3A_90 = tpu.memref_slice %arg7[%multiple_of3A_89] : memref<10000xi32, #tpu.memory_space<vmem>> -> memref<112xi32, #tpu.memory_space<vmem>>
      %dma_wait3A_91 = arith.constant 0 : i32
      %dma_wait3A_92 = arith.constant 0 : i32
      %dma_wait3A_93 = tpu.memref_slice %arg4[%dma_wait3A_91, %dma_wait3A_92] : memref<10000x128xf32, #tpu.memory_space<hbm>> -> memref<10000x128xf32, #tpu.memory_space<hbm>>
      tpu.wait_indirect_dma semaphore(%arg13 : memref<!tpu.dma_semaphore, #tpu.memory_space<semaphore_mem>>) src(%dma_wait3A_93 : memref<10000x128xf32, #tpu.memory_space<hbm>>) dst(%arg10 : memref<112x128xf32, #tpu.memory_space<vmem>>)
      %mul3A_94 = arith.constant 112 : i32
      %mul3A_95 = arith.muli %add3A_58, %mul3A_94 : i32
      %multiple_of3A_96 = tpu.assume_multiple %mul3A_95, 8 : i32
      "tpu.region"() ({
        %run_scoped3A = tpu.sem_alloc : memref<!tpu.dma_semaphore, #tpu.memory_space<semaphore_mem>>
        %dma_start3A_97 = tpu.memref_slice %arg8[%multiple_of3A_96] : memref<10000xi32, #tpu.memory_space<vmem>> -> memref<112xi32, #tpu.memory_space<vmem>>
        %dma_start3A_98 = arith.constant 0 : i32
        %dma_start3A_99 = arith.constant 0 : i32
        %dma_start3A_100 = tpu.memref_slice %arg11[%dma_start3A_98, %dma_start3A_99] : memref<10000x128xf32, #tpu.memory_space<vmem_shared>> -> memref<10000x128xf32, #tpu.memory_space<vmem_shared>>
        tpu.enqueue_indirect_dma source(%arg10 : memref<112x128xf32, #tpu.memory_space<vmem>>) target(%dma_start3A_100 : memref<10000x128xf32, #tpu.memory_space<vmem_shared>>) offsets(%dma_start3A_97 : memref<112xi32, #tpu.memory_space<vmem>>) semaphore(%run_scoped3A : memref<!tpu.dma_semaphore, #tpu.memory_space<semaphore_mem>>) {add = true}
        %dma_wait3A_101 = tpu.memref_slice %arg8[%multiple_of3A_96] : memref<10000xi32, #tpu.memory_space<vmem>> -> memref<112xi32, #tpu.memory_space<vmem>>
        %dma_wait3A_102 = arith.constant 0 : i32
        %dma_wait3A_103 = arith.constant 0 : i32
        %dma_wait3A_104 = tpu.memref_slice %arg11[%dma_wait3A_102, %dma_wait3A_103] : memref<10000x128xf32, #tpu.memory_space<vmem_shared>> -> memref<10000x128xf32, #tpu.memory_space<vmem_shared>>
        tpu.wait_indirect_dma semaphore(%run_scoped3A : memref<!tpu.dma_semaphore, #tpu.memory_space<semaphore_mem>>) src(%arg10 : memref<112x128xf32, #tpu.memory_space<vmem>>) dst(%dma_wait3A_104 : memref<10000x128xf32, #tpu.memory_space<vmem_shared>>)
        tpu.yield
      }) : () -> ()
    }
    %scan3A_17 = arith.constant 44 : i32
    %multiple_of3A_18 = arith.constant 9856 : i32
    %multiple_of3A_19 = tpu.assume_multiple %multiple_of3A_18, 8 : i32
    %dma_wait3A = tpu.memref_slice %arg7[%multiple_of3A_19] : memref<10000xi32, #tpu.memory_space<vmem>> -> memref<112xi32, #tpu.memory_space<vmem>>
    %dma_wait3A_20 = arith.constant 0 : i32
    %dma_wait3A_21 = arith.constant 0 : i32
    %dma_wait3A_22 = tpu.memref_slice %arg4[%dma_wait3A_20, %dma_wait3A_21] : memref<10000x128xf32, #tpu.memory_space<hbm>> -> memref<10000x128xf32, #tpu.memory_space<hbm>>
    tpu.wait_indirect_dma semaphore(%arg12 : memref<!tpu.dma_semaphore, #tpu.memory_space<semaphore_mem>>) src(%dma_wait3A_22 : memref<10000x128xf32, #tpu.memory_space<hbm>>) dst(%arg9 : memref<112x128xf32, #tpu.memory_space<vmem>>)
    %multiple_of3A_23 = arith.constant 9856 : i32
    %multiple_of3A_24 = tpu.assume_multiple %multiple_of3A_23, 8 : i32
    "tpu.region"() ({
      %run_scoped3A = tpu.sem_alloc : memref<!tpu.dma_semaphore, #tpu.memory_space<semaphore_mem>>
      %dma_start3A_52 = tpu.memref_slice %arg8[%multiple_of3A_24] : memref<10000xi32, #tpu.memory_space<vmem>> -> memref<112xi32, #tpu.memory_space<vmem>>
      %dma_start3A_53 = arith.constant 0 : i32
      %dma_start3A_54 = arith.constant 0 : i32
      %dma_start3A_55 = tpu.memref_slice %arg11[%dma_start3A_53, %dma_start3A_54] : memref<10000x128xf32, #tpu.memory_space<vmem_shared>> -> memref<10000x128xf32, #tpu.memory_space<vmem_shared>>
      tpu.enqueue_indirect_dma source(%arg9 : memref<112x128xf32, #tpu.memory_space<vmem>>) target(%dma_start3A_55 : memref<10000x128xf32, #tpu.memory_space<vmem_shared>>) offsets(%dma_start3A_52 : memref<112xi32, #tpu.memory_space<vmem>>) semaphore(%run_scoped3A : memref<!tpu.dma_semaphore, #tpu.memory_space<semaphore_mem>>) {add = true}
      %dma_wait3A_56 = tpu.memref_slice %arg8[%multiple_of3A_24] : memref<10000xi32, #tpu.memory_space<vmem>> -> memref<112xi32, #tpu.memory_space<vmem>>
      %dma_wait3A_57 = arith.constant 0 : i32
      %dma_wait3A_58 = arith.constant 0 : i32
      %dma_wait3A_59 = tpu.memref_slice %arg11[%dma_wait3A_57, %dma_wait3A_58] : memref<10000x128xf32, #tpu.memory_space<vmem_shared>> -> memref<10000x128xf32, #tpu.memory_space<vmem_shared>>
      tpu.wait_indirect_dma semaphore(%run_scoped3A : memref<!tpu.dma_semaphore, #tpu.memory_space<semaphore_mem>>) src(%arg9 : memref<112x128xf32, #tpu.memory_space<vmem>>) dst(%dma_wait3A_59 : memref<10000x128xf32, #tpu.memory_space<vmem_shared>>)
      tpu.yield
    }) : () -> ()
    %multiple_of3A_25 = arith.constant 9968 : i32
    %multiple_of3A_26 = tpu.assume_multiple %multiple_of3A_25, 8 : i32
    %dma_start3A_27 = arith.constant 0 : i32
    %dma_start3A_28 = arith.constant 0 : i32
    %dma_start3A_29 = tpu.memref_slice %arg10[%dma_start3A_27, %dma_start3A_28] : memref<112x128xf32, #tpu.memory_space<vmem>> -> memref<32x128xf32, #tpu.memory_space<vmem>>
    %dma_start3A_30 = tpu.memref_slice %arg7[%multiple_of3A_26] : memref<10000xi32, #tpu.memory_space<vmem>> -> memref<32xi32, #tpu.memory_space<vmem>>
    %dma_start3A_31 = arith.constant 0 : i32
    %dma_start3A_32 = arith.constant 0 : i32
    %dma_start3A_33 = tpu.memref_slice %arg4[%dma_start3A_31, %dma_start3A_32] : memref<10000x128xf32, #tpu.memory_space<hbm>> -> memref<10000x128xf32, #tpu.memory_space<hbm>>
    tpu.enqueue_indirect_dma source(%dma_start3A_33 : memref<10000x128xf32, #tpu.memory_space<hbm>>) target(%dma_start3A_29 : memref<32x128xf32, #tpu.memory_space<vmem>>) offsets(%dma_start3A_30 : memref<32xi32, #tpu.memory_space<vmem>>) semaphore(%arg13 : memref<!tpu.dma_semaphore, #tpu.memory_space<semaphore_mem>>)
    %dma_wait3A_34 = arith.constant 0 : i32
    %dma_wait3A_35 = arith.constant 0 : i32
    %dma_wait3A_36 = tpu.memref_slice %arg10[%dma_wait3A_34, %dma_wait3A_35] : memref<112x128xf32, #tpu.memory_space<vmem>> -> memref<32x128xf32, #tpu.memory_space<vmem>>
    %dma_wait3A_37 = tpu.memref_slice %arg7[%multiple_of3A_26] : memref<10000xi32, #tpu.memory_space<vmem>> -> memref<32xi32, #tpu.memory_space<vmem>>
    %dma_wait3A_38 = arith.constant 0 : i32
    %dma_wait3A_39 = arith.constant 0 : i32
    %dma_wait3A_40 = tpu.memref_slice %arg4[%dma_wait3A_38, %dma_wait3A_39] : memref<10000x128xf32, #tpu.memory_space<hbm>> -> memref<10000x128xf32, #tpu.memory_space<hbm>>
    tpu.wait_indirect_dma semaphore(%arg13 : memref<!tpu.dma_semaphore, #tpu.memory_space<semaphore_mem>>) src(%dma_wait3A_40 : memref<10000x128xf32, #tpu.memory_space<hbm>>) dst(%dma_wait3A_36 : memref<32x128xf32, #tpu.memory_space<vmem>>)
    "tpu.region"() ({
      %run_scoped3A = tpu.sem_alloc : memref<!tpu.dma_semaphore, #tpu.memory_space<semaphore_mem>>
      %dma_start3A_52 = arith.constant 0 : i32
      %dma_start3A_53 = arith.constant 0 : i32
      %dma_start3A_54 = tpu.memref_slice %arg10[%dma_start3A_52, %dma_start3A_53] : memref<112x128xf32, #tpu.memory_space<vmem>> -> memref<32x128xf32, #tpu.memory_space<vmem>>
      %dma_start3A_55 = tpu.memref_slice %arg8[%multiple_of3A_26] : memref<10000xi32, #tpu.memory_space<vmem>> -> memref<32xi32, #tpu.memory_space<vmem>>
      %dma_start3A_56 = arith.constant 0 : i32
      %dma_start3A_57 = arith.constant 0 : i32
      %dma_start3A_58 = tpu.memref_slice %arg11[%dma_start3A_56, %dma_start3A_57] : memref<10000x128xf32, #tpu.memory_space<vmem_shared>> -> memref<10000x128xf32, #tpu.memory_space<vmem_shared>>
      tpu.enqueue_indirect_dma source(%dma_start3A_54 : memref<32x128xf32, #tpu.memory_space<vmem>>) target(%dma_start3A_58 : memref<10000x128xf32, #tpu.memory_space<vmem_shared>>) offsets(%dma_start3A_55 : memref<32xi32, #tpu.memory_space<vmem>>) semaphore(%run_scoped3A : memref<!tpu.dma_semaphore, #tpu.memory_space<semaphore_mem>>) {add = true}
      %dma_wait3A_59 = arith.constant 0 : i32
      %dma_wait3A_60 = arith.constant 0 : i32
      %dma_wait3A_61 = tpu.memref_slice %arg10[%dma_wait3A_59, %dma_wait3A_60] : memref<112x128xf32, #tpu.memory_space<vmem>> -> memref<32x128xf32, #tpu.memory_space<vmem>>
      %dma_wait3A_62 = tpu.memref_slice %arg8[%multiple_of3A_26] : memref<10000xi32, #tpu.memory_space<vmem>> -> memref<32xi32, #tpu.memory_space<vmem>>
      %dma_wait3A_63 = arith.constant 0 : i32
      %dma_wait3A_64 = arith.constant 0 : i32
      %dma_wait3A_65 = tpu.memref_slice %arg11[%dma_wait3A_63, %dma_wait3A_64] : memref<10000x128xf32, #tpu.memory_space<vmem_shared>> -> memref<10000x128xf32, #tpu.memory_space<vmem_shared>>
      tpu.wait_indirect_dma semaphore(%run_scoped3A : memref<!tpu.dma_semaphore, #tpu.memory_space<semaphore_mem>>) src(%dma_wait3A_61 : memref<32x128xf32, #tpu.memory_space<vmem>>) dst(%dma_wait3A_65 : memref<10000x128xf32, #tpu.memory_space<vmem_shared>>)
      tpu.yield
    }) : () -> ()
    %barrier3A_41 = arith.constant 0 : index
    tpu.barrier barrier_id(%barrier3A_41)
    %lt3A_42 = arith.constant 15 : i32
    %lt3A_43 = arith.cmpi slt, %arg1, %lt3A_42 : i32
    %convert_element_type3A_44 = arith.extui %lt3A_43 : i1 to i32
    %cond3A_45 = arith.constant 0 : i32
    %cond3A_46 = arith.cmpi ne, %convert_element_type3A_44, %cond3A_45 : i32
    scf.if %cond3A_46 {
      %mul3A_52 = arith.constant 624 : i32
      %mul3A_53 = arith.muli %arg1, %mul3A_52 : i32
      %multiple_of3A_54 = tpu.assume_multiple %mul3A_53, 8 : i32
      "tpu.region"() ({
        %run_scoped3A = tpu.sem_alloc : memref<!tpu.dma_semaphore, #tpu.memory_space<semaphore_mem>>
        %dma_start3A_55 = arith.constant 0 : i32
        %dma_start3A_56 = tpu.memref_slice %arg6[%arg0, %multiple_of3A_54, %dma_start3A_55] : memref<2x10000x128xf32, #tpu.memory_space<hbm>> -> memref<1x624x128xf32, #tpu.memory_space<hbm>>
        %dma_start3A_57 = tpu.memref_squeeze %dma_start3A_56 : memref<1x624x128xf32, #tpu.memory_space<hbm>> -> memref<624x128xf32, #tpu.memory_space<hbm>>
        %dma_start3A_58 = arith.constant 0 : i32
        %dma_start3A_59 = tpu.memref_slice %arg11[%multiple_of3A_54, %dma_start3A_58] : memref<10000x128xf32, #tpu.memory_space<vmem_shared>> -> memref<624x128xf32, #tpu.memory_space<vmem_shared>>
        tpu.enqueue_dma source(%dma_start3A_59 : memref<624x128xf32, #tpu.memory_space<vmem_shared>>) target(%dma_start3A_57 : memref<624x128xf32, #tpu.memory_space<hbm>>) target_semaphore(%run_scoped3A : memref<!tpu.dma_semaphore, #tpu.memory_space<semaphore_mem>>)
        %dma_wait3A_60 = arith.constant 0 : i32
        %dma_wait3A_61 = tpu.memref_slice %arg6[%arg0, %multiple_of3A_54, %dma_wait3A_60] : memref<2x10000x128xf32, #tpu.memory_space<hbm>> -> memref<1x624x128xf32, #tpu.memory_space<hbm>>
        %dma_wait3A_62 = tpu.memref_squeeze %dma_wait3A_61 : memref<1x624x128xf32, #tpu.memory_space<hbm>> -> memref<624x128xf32, #tpu.memory_space<hbm>>
        %dma_wait3A_63 = arith.constant 0 : i32
        %dma_wait3A_64 = tpu.memref_slice %arg11[%multiple_of3A_54, %dma_wait3A_63] : memref<10000x128xf32, #tpu.memory_space<vmem_shared>> -> memref<624x128xf32, #tpu.memory_space<vmem_shared>>
        tpu.wait_dma2 semaphore(%run_scoped3A : memref<!tpu.dma_semaphore, #tpu.memory_space<semaphore_mem>>) src(%dma_wait3A_64 : memref<624x128xf32, #tpu.memory_space<vmem_shared>>) dst(%dma_wait3A_62 : memref<624x128xf32, #tpu.memory_space<hbm>>)
        tpu.yield
      }) : () -> ()
    } else {
    }
    %eq3A_47 = arith.constant 15 : i32
    %eq3A_48 = arith.cmpi eq, %arg1, %eq3A_47 : i32
    %convert_element_type3A_49 = arith.extui %eq3A_48 : i1 to i32
    %cond3A_50 = arith.constant 0 : i32
    %cond3A_51 = arith.cmpi ne, %convert_element_type3A_49, %cond3A_50 : i32
    scf.if %cond3A_51 {
      "tpu.region"() ({
        %run_scoped3A = tpu.sem_alloc : memref<!tpu.dma_semaphore, #tpu.memory_space<semaphore_mem>>
        %dma_start3A_52 = arith.constant 9360 : i32
        %dma_start3A_53 = arith.constant 0 : i32
        %dma_start3A_54 = tpu.memref_slice %arg6[%arg0, %dma_start3A_52, %dma_start3A_53] : memref<2x10000x128xf32, #tpu.memory_space<hbm>> -> memref<1x640x128xf32, #tpu.memory_space<hbm>>
        %dma_start3A_55 = tpu.memref_squeeze %dma_start3A_54 : memref<1x640x128xf32, #tpu.memory_space<hbm>> -> memref<640x128xf32, #tpu.memory_space<hbm>>
        %dma_start3A_56 = arith.constant 9360 : i32
        %dma_start3A_57 = arith.constant 0 : i32
        %dma_start3A_58 = tpu.memref_slice %arg11[%dma_start3A_56, %dma_start3A_57] : memref<10000x128xf32, #tpu.memory_space<vmem_shared>> -> memref<640x128xf32, #tpu.memory_space<vmem_shared>>
        tpu.enqueue_dma source(%dma_start3A_58 : memref<640x128xf32, #tpu.memory_space<vmem_shared>>) target(%dma_start3A_55 : memref<640x128xf32, #tpu.memory_space<hbm>>) target_semaphore(%run_scoped3A : memref<!tpu.dma_semaphore, #tpu.memory_space<semaphore_mem>>)
        %dma_wait3A_59 = arith.constant 9360 : i32
        %dma_wait3A_60 = arith.constant 0 : i32
        %dma_wait3A_61 = tpu.memref_slice %arg6[%arg0, %dma_wait3A_59, %dma_wait3A_60] : memref<2x10000x128xf32, #tpu.memory_space<hbm>> -> memref<1x640x128xf32, #tpu.memory_space<hbm>>
        %dma_wait3A_62 = tpu.memref_squeeze %dma_wait3A_61 : memref<1x640x128xf32, #tpu.memory_space<hbm>> -> memref<640x128xf32, #tpu.memory_space<hbm>>
        %dma_wait3A_63 = arith.constant 9360 : i32
        %dma_wait3A_64 = arith.constant 0 : i32
        %dma_wait3A_65 = tpu.memref_slice %arg11[%dma_wait3A_63, %dma_wait3A_64] : memref<10000x128xf32, #tpu.memory_space<vmem_shared>> -> memref<640x128xf32, #tpu.memory_space<vmem_shared>>
        tpu.wait_dma2 semaphore(%run_scoped3A : memref<!tpu.dma_semaphore, #tpu.memory_space<semaphore_mem>>) src(%dma_wait3A_65 : memref<640x128xf32, #tpu.memory_space<vmem_shared>>) dst(%dma_wait3A_62 : memref<640x128xf32, #tpu.memory_space<hbm>>)
        tpu.yield
      }) : () -> ()
    } else {
    }
    return
  }
}

#map = affine_map<(d0, d1) -> (0)>
#map1 = affine_map<(d0, d1) -> (0, 0)>
module attributes {stable_mosaic.version = 14 : i64} {
  func.func @_pair_body(%arg0: i32, %arg1: i32, %arg2: memref<64000xi32, #tpu.memory_space<hbm>>, %arg3: memref<64000xi32, #tpu.memory_space<hbm>>, %arg4: memref<10000x128xf32, #tpu.memory_space<hbm>>, %arg5: memref<64000x128xf32, #tpu.memory_space<hbm>>, %arg6: memref<64000x128xf32, #tpu.memory_space<hbm>>, %arg7: memref<2000xi32, #tpu.memory_space<vmem>>, %arg8: memref<2000xi32, #tpu.memory_space<vmem>>, %arg9: memref<200x128xf32, #tpu.memory_space<vmem>>, %arg10: memref<200x128xf32, #tpu.memory_space<vmem>>, %arg11: memref<200x128xf32, #tpu.memory_space<vmem>>, %arg12: memref<200x128xf32, #tpu.memory_space<vmem>>, %arg13: memref<!tpu.dma_semaphore, #tpu.memory_space<semaphore_mem>>, %arg14: memref<!tpu.dma_semaphore, #tpu.memory_space<semaphore_mem>>, %arg15: memref<!tpu.dma_semaphore, #tpu.memory_space<semaphore_mem>>, %arg16: memref<!tpu.dma_semaphore, #tpu.memory_space<semaphore_mem>>) attributes {dimension_semantics = [#tpu.dimension_semantics<core_parallel>, #tpu.dimension_semantics<subcore_parallel>], iteration_bounds = array<i64: 2, 16>, scalar_prefetch = 0 : i64, scratch_operands = 10 : i64, tpu.core_type = #tpu.core_type<sc_vector_subcore>, window_params = [{transform_indices = #map}, {transform_indices = #map}, {transform_indices = #map1}, {transform_indices = #map1}, {transform_indices = #map1}]} {
    %mul3A = arith.constant 2 : i32
    %mul3A_0 = arith.muli %arg1, %mul3A : i32
    %add3A = arith.addi %mul3A_0, %arg0 : i32
    %mul3A_1 = arith.constant 2000 : i32
    %mul3A_2 = arith.muli %add3A, %mul3A_1 : i32
    "tpu.region"() ({
      %run_scoped3A = tpu.sem_alloc : memref<!tpu.dma_semaphore, #tpu.memory_space<semaphore_mem>>
      %dma_start3A_51 = tpu.memref_slice %arg2[%mul3A_2] : memref<64000xi32, #tpu.memory_space<hbm>> -> memref<2000xi32, #tpu.memory_space<hbm>>
      %dma_start3A_52 = tpu.memref_slice %arg2[%mul3A_2] : memref<64000xi32, #tpu.memory_space<hbm>> -> memref<2000xi32, #tpu.memory_space<hbm>>
      tpu.enqueue_dma source(%dma_start3A_52 : memref<2000xi32, #tpu.memory_space<hbm>>) target(%arg7 : memref<2000xi32, #tpu.memory_space<vmem>>) target_semaphore(%run_scoped3A : memref<!tpu.dma_semaphore, #tpu.memory_space<semaphore_mem>>)
      %dma_wait3A_53 = tpu.memref_slice %arg2[%mul3A_2] : memref<64000xi32, #tpu.memory_space<hbm>> -> memref<2000xi32, #tpu.memory_space<hbm>>
      %dma_wait3A_54 = tpu.memref_slice %arg2[%mul3A_2] : memref<64000xi32, #tpu.memory_space<hbm>> -> memref<2000xi32, #tpu.memory_space<hbm>>
      tpu.wait_dma2 semaphore(%run_scoped3A : memref<!tpu.dma_semaphore, #tpu.memory_space<semaphore_mem>>) src(%dma_wait3A_54 : memref<2000xi32, #tpu.memory_space<hbm>>) dst(%arg7 : memref<2000xi32, #tpu.memory_space<vmem>>)
      tpu.yield
    }) : () -> ()
    "tpu.region"() ({
      %run_scoped3A = tpu.sem_alloc : memref<!tpu.dma_semaphore, #tpu.memory_space<semaphore_mem>>
      %dma_start3A_51 = tpu.memref_slice %arg3[%mul3A_2] : memref<64000xi32, #tpu.memory_space<hbm>> -> memref<2000xi32, #tpu.memory_space<hbm>>
      %dma_start3A_52 = tpu.memref_slice %arg3[%mul3A_2] : memref<64000xi32, #tpu.memory_space<hbm>> -> memref<2000xi32, #tpu.memory_space<hbm>>
      tpu.enqueue_dma source(%dma_start3A_52 : memref<2000xi32, #tpu.memory_space<hbm>>) target(%arg8 : memref<2000xi32, #tpu.memory_space<vmem>>) target_semaphore(%run_scoped3A : memref<!tpu.dma_semaphore, #tpu.memory_space<semaphore_mem>>)
      %dma_wait3A_53 = tpu.memref_slice %arg3[%mul3A_2] : memref<64000xi32, #tpu.memory_space<hbm>> -> memref<2000xi32, #tpu.memory_space<hbm>>
      %dma_wait3A_54 = tpu.memref_slice %arg3[%mul3A_2] : memref<64000xi32, #tpu.memory_space<hbm>> -> memref<2000xi32, #tpu.memory_space<hbm>>
      tpu.wait_dma2 semaphore(%run_scoped3A : memref<!tpu.dma_semaphore, #tpu.memory_space<semaphore_mem>>) src(%dma_wait3A_54 : memref<2000xi32, #tpu.memory_space<hbm>>) dst(%arg8 : memref<2000xi32, #tpu.memory_space<vmem>>)
      tpu.yield
    }) : () -> ()
    %multiple_of3A = arith.constant 0 : i32
    %multiple_of3A_3 = tpu.assume_multiple %multiple_of3A, 8 : i32
    %dma_start3A = tpu.memref_slice %arg7[%multiple_of3A_3] : memref<2000xi32, #tpu.memory_space<vmem>> -> memref<200xi32, #tpu.memory_space<vmem>>
    %dma_start3A_4 = arith.constant 0 : i32
    %dma_start3A_5 = arith.constant 0 : i32
    %dma_start3A_6 = tpu.memref_slice %arg4[%dma_start3A_4, %dma_start3A_5] : memref<10000x128xf32, #tpu.memory_space<hbm>> -> memref<10000x128xf32, #tpu.memory_space<hbm>>
    tpu.enqueue_indirect_dma source(%dma_start3A_6 : memref<10000x128xf32, #tpu.memory_space<hbm>>) target(%arg9 : memref<200x128xf32, #tpu.memory_space<vmem>>) offsets(%dma_start3A : memref<200xi32, #tpu.memory_space<vmem>>) semaphore(%arg13 : memref<!tpu.dma_semaphore, #tpu.memory_space<semaphore_mem>>)
    %dma_start3A_7 = tpu.memref_slice %arg8[%multiple_of3A_3] : memref<2000xi32, #tpu.memory_space<vmem>> -> memref<200xi32, #tpu.memory_space<vmem>>
    %dma_start3A_8 = arith.constant 0 : i32
    %dma_start3A_9 = arith.constant 0 : i32
    %dma_start3A_10 = tpu.memref_slice %arg4[%dma_start3A_8, %dma_start3A_9] : memref<10000x128xf32, #tpu.memory_space<hbm>> -> memref<10000x128xf32, #tpu.memory_space<hbm>>
    tpu.enqueue_indirect_dma source(%dma_start3A_10 : memref<10000x128xf32, #tpu.memory_space<hbm>>) target(%arg10 : memref<200x128xf32, #tpu.memory_space<vmem>>) offsets(%dma_start3A_7 : memref<200xi32, #tpu.memory_space<vmem>>) semaphore(%arg14 : memref<!tpu.dma_semaphore, #tpu.memory_space<semaphore_mem>>)
    %scan3A = arith.constant 0 : i32
    %scan3A_11 = arith.constant 0 : i32
    %scan3A_12 = arith.constant 4 : i32
    %scan3A_13 = arith.addi %scan3A_11, %scan3A_12 : i32
    %scan3A_14 = arith.constant 1 : i32
    scf.for %scan3A_51 = %scan3A_11 to %scan3A_13 step %scan3A_14  : i32 {
      %mul3A_52 = arith.constant 2 : i32
      %mul3A_53 = arith.muli %mul3A_52, %scan3A_51 : i32
      %mul3A_54 = arith.constant 2 : i32
      %mul3A_55 = arith.muli %mul3A_54, %scan3A_51 : i32
      %add3A_56 = arith.constant 1 : i32
      %add3A_57 = arith.addi %mul3A_55, %add3A_56 : i32
      %mul3A_58 = arith.constant 2 : i32
      %mul3A_59 = arith.muli %mul3A_58, %scan3A_51 : i32
      %add3A_60 = arith.constant 2 : i32
      %add3A_61 = arith.addi %mul3A_59, %add3A_60 : i32
      %mul3A_62 = arith.constant 200 : i32
      %mul3A_63 = arith.muli %add3A_57, %mul3A_62 : i32
      %multiple_of3A_64 = tpu.assume_multiple %mul3A_63, 8 : i32
      %dma_start3A_65 = tpu.memref_slice %arg7[%multiple_of3A_64] : memref<2000xi32, #tpu.memory_space<vmem>> -> memref<200xi32, #tpu.memory_space<vmem>>
      %dma_start3A_66 = arith.constant 0 : i32
      %dma_start3A_67 = arith.constant 0 : i32
      %dma_start3A_68 = tpu.memref_slice %arg4[%dma_start3A_66, %dma_start3A_67] : memref<10000x128xf32, #tpu.memory_space<hbm>> -> memref<10000x128xf32, #tpu.memory_space<hbm>>
      tpu.enqueue_indirect_dma source(%dma_start3A_68 : memref<10000x128xf32, #tpu.memory_space<hbm>>) target(%arg11 : memref<200x128xf32, #tpu.memory_space<vmem>>) offsets(%dma_start3A_65 : memref<200xi32, #tpu.memory_space<vmem>>) semaphore(%arg15 : memref<!tpu.dma_semaphore, #tpu.memory_space<semaphore_mem>>)
      %dma_start3A_69 = tpu.memref_slice %arg8[%multiple_of3A_64] : memref<2000xi32, #tpu.memory_space<vmem>> -> memref<200xi32, #tpu.memory_space<vmem>>
      %dma_start3A_70 = arith.constant 0 : i32
      %dma_start3A_71 = arith.constant 0 : i32
      %dma_start3A_72 = tpu.memref_slice %arg4[%dma_start3A_70, %dma_start3A_71] : memref<10000x128xf32, #tpu.memory_space<hbm>> -> memref<10000x128xf32, #tpu.memory_space<hbm>>
      tpu.enqueue_indirect_dma source(%dma_start3A_72 : memref<10000x128xf32, #tpu.memory_space<hbm>>) target(%arg12 : memref<200x128xf32, #tpu.memory_space<vmem>>) offsets(%dma_start3A_69 : memref<200xi32, #tpu.memory_space<vmem>>) semaphore(%arg16 : memref<!tpu.dma_semaphore, #tpu.memory_space<semaphore_mem>>)
      %mul3A_73 = arith.constant 200 : i32
      %mul3A_74 = arith.muli %mul3A_53, %mul3A_73 : i32
      %multiple_of3A_75 = tpu.assume_multiple %mul3A_74, 8 : i32
      %mul3A_76 = arith.constant 200 : i32
      %mul3A_77 = arith.muli %mul3A_53, %mul3A_76 : i32
      %add3A_78 = arith.addi %mul3A_2, %mul3A_77 : i32
      %multiple_of3A_79 = tpu.assume_multiple %add3A_78, 8 : i32
      %dma_wait3A_80 = tpu.memref_slice %arg7[%multiple_of3A_75] : memref<2000xi32, #tpu.memory_space<vmem>> -> memref<200xi32, #tpu.memory_space<vmem>>
      %dma_wait3A_81 = arith.constant 0 : i32
      %dma_wait3A_82 = arith.constant 0 : i32
      %dma_wait3A_83 = tpu.memref_slice %arg4[%dma_wait3A_81, %dma_wait3A_82] : memref<10000x128xf32, #tpu.memory_space<hbm>> -> memref<10000x128xf32, #tpu.memory_space<hbm>>
      tpu.wait_indirect_dma semaphore(%arg13 : memref<!tpu.dma_semaphore, #tpu.memory_space<semaphore_mem>>) src(%dma_wait3A_83 : memref<10000x128xf32, #tpu.memory_space<hbm>>) dst(%arg9 : memref<200x128xf32, #tpu.memory_space<vmem>>)
      %dma_wait3A_84 = tpu.memref_slice %arg8[%multiple_of3A_75] : memref<2000xi32, #tpu.memory_space<vmem>> -> memref<200xi32, #tpu.memory_space<vmem>>
      %dma_wait3A_85 = arith.constant 0 : i32
      %dma_wait3A_86 = arith.constant 0 : i32
      %dma_wait3A_87 = tpu.memref_slice %arg4[%dma_wait3A_85, %dma_wait3A_86] : memref<10000x128xf32, #tpu.memory_space<hbm>> -> memref<10000x128xf32, #tpu.memory_space<hbm>>
      tpu.wait_indirect_dma semaphore(%arg14 : memref<!tpu.dma_semaphore, #tpu.memory_space<semaphore_mem>>) src(%dma_wait3A_87 : memref<10000x128xf32, #tpu.memory_space<hbm>>) dst(%arg10 : memref<200x128xf32, #tpu.memory_space<vmem>>)
      "tpu.region"() ({
        %run_scoped3A = tpu.sem_alloc : memref<!tpu.dma_semaphore, #tpu.memory_space<semaphore_mem>>
        %dma_start3A_114 = arith.constant 0 : i32
        %dma_start3A_115 = tpu.memref_slice %arg5[%multiple_of3A_79, %dma_start3A_114] : memref<64000x128xf32, #tpu.memory_space<hbm>> -> memref<200x128xf32, #tpu.memory_space<hbm>>
        %dma_start3A_116 = arith.constant 0 : i32
        %dma_start3A_117 = tpu.memref_slice %arg5[%multiple_of3A_79, %dma_start3A_116] : memref<64000x128xf32, #tpu.memory_space<hbm>> -> memref<200x128xf32, #tpu.memory_space<hbm>>
        tpu.enqueue_dma source(%arg9 : memref<200x128xf32, #tpu.memory_space<vmem>>) target(%dma_start3A_117 : memref<200x128xf32, #tpu.memory_space<hbm>>) target_semaphore(%run_scoped3A : memref<!tpu.dma_semaphore, #tpu.memory_space<semaphore_mem>>)
        %dma_wait3A_118 = arith.constant 0 : i32
        %dma_wait3A_119 = tpu.memref_slice %arg5[%multiple_of3A_79, %dma_wait3A_118] : memref<64000x128xf32, #tpu.memory_space<hbm>> -> memref<200x128xf32, #tpu.memory_space<hbm>>
        %dma_wait3A_120 = arith.constant 0 : i32
        %dma_wait3A_121 = tpu.memref_slice %arg5[%multiple_of3A_79, %dma_wait3A_120] : memref<64000x128xf32, #tpu.memory_space<hbm>> -> memref<200x128xf32, #tpu.memory_space<hbm>>
        tpu.wait_dma2 semaphore(%run_scoped3A : memref<!tpu.dma_semaphore, #tpu.memory_space<semaphore_mem>>) src(%arg9 : memref<200x128xf32, #tpu.memory_space<vmem>>) dst(%dma_wait3A_121 : memref<200x128xf32, #tpu.memory_space<hbm>>)
        tpu.yield
      }) : () -> ()
      "tpu.region"() ({
        %run_scoped3A = tpu.sem_alloc : memref<!tpu.dma_semaphore, #tpu.memory_space<semaphore_mem>>
        %dma_start3A_114 = arith.constant 0 : i32
        %dma_start3A_115 = tpu.memref_slice %arg6[%multiple_of3A_79, %dma_start3A_114] : memref<64000x128xf32, #tpu.memory_space<hbm>> -> memref<200x128xf32, #tpu.memory_space<hbm>>
        %dma_start3A_116 = arith.constant 0 : i32
        %dma_start3A_117 = tpu.memref_slice %arg6[%multiple_of3A_79, %dma_start3A_116] : memref<64000x128xf32, #tpu.memory_space<hbm>> -> memref<200x128xf32, #tpu.memory_space<hbm>>
        tpu.enqueue_dma source(%arg10 : memref<200x128xf32, #tpu.memory_space<vmem>>) target(%dma_start3A_117 : memref<200x128xf32, #tpu.memory_space<hbm>>) target_semaphore(%run_scoped3A : memref<!tpu.dma_semaphore, #tpu.memory_space<semaphore_mem>>)
        %dma_wait3A_118 = arith.constant 0 : i32
        %dma_wait3A_119 = tpu.memref_slice %arg6[%multiple_of3A_79, %dma_wait3A_118] : memref<64000x128xf32, #tpu.memory_space<hbm>> -> memref<200x128xf32, #tpu.memory_space<hbm>>
        %dma_wait3A_120 = arith.constant 0 : i32
        %dma_wait3A_121 = tpu.memref_slice %arg6[%multiple_of3A_79, %dma_wait3A_120] : memref<64000x128xf32, #tpu.memory_space<hbm>> -> memref<200x128xf32, #tpu.memory_space<hbm>>
        tpu.wait_dma2 semaphore(%run_scoped3A : memref<!tpu.dma_semaphore, #tpu.memory_space<semaphore_mem>>) src(%arg10 : memref<200x128xf32, #tpu.memory_space<vmem>>) dst(%dma_wait3A_121 : memref<200x128xf32, #tpu.memory_space<hbm>>)
        tpu.yield
      }) : () -> ()
      %mul3A_88 = arith.constant 200 : i32
      %mul3A_89 = arith.muli %add3A_61, %mul3A_88 : i32
      %multiple_of3A_90 = tpu.assume_multiple %mul3A_89, 8 : i32
      %dma_start3A_91 = tpu.memref_slice %arg7[%multiple_of3A_90] : memref<2000xi32, #tpu.memory_space<vmem>> -> memref<200xi32, #tpu.memory_space<vmem>>
      %dma_start3A_92 = arith.constant 0 : i32
      %dma_start3A_93 = arith.constant 0 : i32
      %dma_start3A_94 = tpu.memref_slice %arg4[%dma_start3A_92, %dma_start3A_93] : memref<10000x128xf32, #tpu.memory_space<hbm>> -> memref<10000x128xf32, #tpu.memory_space<hbm>>
      tpu.enqueue_indirect_dma source(%dma_start3A_94 : memref<10000x128xf32, #tpu.memory_space<hbm>>) target(%arg9 : memref<200x128xf32, #tpu.memory_space<vmem>>) offsets(%dma_start3A_91 : memref<200xi32, #tpu.memory_space<vmem>>) semaphore(%arg13 : memref<!tpu.dma_semaphore, #tpu.memory_space<semaphore_mem>>)
      %dma_start3A_95 = tpu.memref_slice %arg8[%multiple_of3A_90] : memref<2000xi32, #tpu.memory_space<vmem>> -> memref<200xi32, #tpu.memory_space<vmem>>
      %dma_start3A_96 = arith.constant 0 : i32
      %dma_start3A_97 = arith.constant 0 : i32
      %dma_start3A_98 = tpu.memref_slice %arg4[%dma_start3A_96, %dma_start3A_97] : memref<10000x128xf32, #tpu.memory_space<hbm>> -> memref<10000x128xf32, #tpu.memory_space<hbm>>
      tpu.enqueue_indirect_dma source(%dma_start3A_98 : memref<10000x128xf32, #tpu.memory_space<hbm>>) target(%arg10 : memref<200x128xf32, #tpu.memory_space<vmem>>) offsets(%dma_start3A_95 : memref<200xi32, #tpu.memory_space<vmem>>) semaphore(%arg14 : memref<!tpu.dma_semaphore, #tpu.memory_space<semaphore_mem>>)
      %mul3A_99 = arith.constant 200 : i32
      %mul3A_100 = arith.muli %add3A_57, %mul3A_99 : i32
      %multiple_of3A_101 = tpu.assume_multiple %mul3A_100, 8 : i32
      %mul3A_102 = arith.constant 200 : i32
      %mul3A_103 = arith.muli %add3A_57, %mul3A_102 : i32
      %add3A_104 = arith.addi %mul3A_2, %mul3A_103 : i32
      %multiple_of3A_105 = tpu.assume_multiple %add3A_104, 8 : i32
      %dma_wait3A_106 = tpu.memref_slice %arg7[%multiple_of3A_101] : memref<2000xi32, #tpu.memory_space<vmem>> -> memref<200xi32, #tpu.memory_space<vmem>>
      %dma_wait3A_107 = arith.constant 0 : i32
      %dma_wait3A_108 = arith.constant 0 : i32
      %dma_wait3A_109 = tpu.memref_slice %arg4[%dma_wait3A_107, %dma_wait3A_108] : memref<10000x128xf32, #tpu.memory_space<hbm>> -> memref<10000x128xf32, #tpu.memory_space<hbm>>
      tpu.wait_indirect_dma semaphore(%arg15 : memref<!tpu.dma_semaphore, #tpu.memory_space<semaphore_mem>>) src(%dma_wait3A_109 : memref<10000x128xf32, #tpu.memory_space<hbm>>) dst(%arg11 : memref<200x128xf32, #tpu.memory_space<vmem>>)
      %dma_wait3A_110 = tpu.memref_slice %arg8[%multiple_of3A_101] : memref<2000xi32, #tpu.memory_space<vmem>> -> memref<200xi32, #tpu.memory_space<vmem>>
      %dma_wait3A_111 = arith.constant 0 : i32
      %dma_wait3A_112 = arith.constant 0 : i32
      %dma_wait3A_113 = tpu.memref_slice %arg4[%dma_wait3A_111, %dma_wait3A_112] : memref<10000x128xf32, #tpu.memory_space<hbm>> -> memref<10000x128xf32, #tpu.memory_space<hbm>>
      tpu.wait_indirect_dma semaphore(%arg16 : memref<!tpu.dma_semaphore, #tpu.memory_space<semaphore_mem>>) src(%dma_wait3A_113 : memref<10000x128xf32, #tpu.memory_space<hbm>>) dst(%arg12 : memref<200x128xf32, #tpu.memory_space<vmem>>)
      "tpu.region"() ({
        %run_scoped3A = tpu.sem_alloc : memref<!tpu.dma_semaphore, #tpu.memory_space<semaphore_mem>>
        %dma_start3A_114 = arith.constant 0 : i32
        %dma_start3A_115 = tpu.memref_slice %arg5[%multiple_of3A_105, %dma_start3A_114] : memref<64000x128xf32, #tpu.memory_space<hbm>> -> memref<200x128xf32, #tpu.memory_space<hbm>>
        %dma_start3A_116 = arith.constant 0 : i32
        %dma_start3A_117 = tpu.memref_slice %arg5[%multiple_of3A_105, %dma_start3A_116] : memref<64000x128xf32, #tpu.memory_space<hbm>> -> memref<200x128xf32, #tpu.memory_space<hbm>>
        tpu.enqueue_dma source(%arg11 : memref<200x128xf32, #tpu.memory_space<vmem>>) target(%dma_start3A_117 : memref<200x128xf32, #tpu.memory_space<hbm>>) target_semaphore(%run_scoped3A : memref<!tpu.dma_semaphore, #tpu.memory_space<semaphore_mem>>)
        %dma_wait3A_118 = arith.constant 0 : i32
        %dma_wait3A_119 = tpu.memref_slice %arg5[%multiple_of3A_105, %dma_wait3A_118] : memref<64000x128xf32, #tpu.memory_space<hbm>> -> memref<200x128xf32, #tpu.memory_space<hbm>>
        %dma_wait3A_120 = arith.constant 0 : i32
        %dma_wait3A_121 = tpu.memref_slice %arg5[%multiple_of3A_105, %dma_wait3A_120] : memref<64000x128xf32, #tpu.memory_space<hbm>> -> memref<200x128xf32, #tpu.memory_space<hbm>>
        tpu.wait_dma2 semaphore(%run_scoped3A : memref<!tpu.dma_semaphore, #tpu.memory_space<semaphore_mem>>) src(%arg11 : memref<200x128xf32, #tpu.memory_space<vmem>>) dst(%dma_wait3A_121 : memref<200x128xf32, #tpu.memory_space<hbm>>)
        tpu.yield
      }) : () -> ()
      "tpu.region"() ({
        %run_scoped3A = tpu.sem_alloc : memref<!tpu.dma_semaphore, #tpu.memory_space<semaphore_mem>>
        %dma_start3A_114 = arith.constant 0 : i32
        %dma_start3A_115 = tpu.memref_slice %arg6[%multiple_of3A_105, %dma_start3A_114] : memref<64000x128xf32, #tpu.memory_space<hbm>> -> memref<200x128xf32, #tpu.memory_space<hbm>>
        %dma_start3A_116 = arith.constant 0 : i32
        %dma_start3A_117 = tpu.memref_slice %arg6[%multiple_of3A_105, %dma_start3A_116] : memref<64000x128xf32, #tpu.memory_space<hbm>> -> memref<200x128xf32, #tpu.memory_space<hbm>>
        tpu.enqueue_dma source(%arg12 : memref<200x128xf32, #tpu.memory_space<vmem>>) target(%dma_start3A_117 : memref<200x128xf32, #tpu.memory_space<hbm>>) target_semaphore(%run_scoped3A : memref<!tpu.dma_semaphore, #tpu.memory_space<semaphore_mem>>)
        %dma_wait3A_118 = arith.constant 0 : i32
        %dma_wait3A_119 = tpu.memref_slice %arg6[%multiple_of3A_105, %dma_wait3A_118] : memref<64000x128xf32, #tpu.memory_space<hbm>> -> memref<200x128xf32, #tpu.memory_space<hbm>>
        %dma_wait3A_120 = arith.constant 0 : i32
        %dma_wait3A_121 = tpu.memref_slice %arg6[%multiple_of3A_105, %dma_wait3A_120] : memref<64000x128xf32, #tpu.memory_space<hbm>> -> memref<200x128xf32, #tpu.memory_space<hbm>>
        tpu.wait_dma2 semaphore(%run_scoped3A : memref<!tpu.dma_semaphore, #tpu.memory_space<semaphore_mem>>) src(%arg12 : memref<200x128xf32, #tpu.memory_space<vmem>>) dst(%dma_wait3A_121 : memref<200x128xf32, #tpu.memory_space<hbm>>)
        tpu.yield
      }) : () -> ()
    }
    %scan3A_15 = arith.constant 4 : i32
    %multiple_of3A_16 = arith.constant 1800 : i32
    %multiple_of3A_17 = tpu.assume_multiple %multiple_of3A_16, 8 : i32
    %dma_start3A_18 = tpu.memref_slice %arg7[%multiple_of3A_17] : memref<2000xi32, #tpu.memory_space<vmem>> -> memref<200xi32, #tpu.memory_space<vmem>>
    %dma_start3A_19 = arith.constant 0 : i32
    %dma_start3A_20 = arith.constant 0 : i32
    %dma_start3A_21 = tpu.memref_slice %arg4[%dma_start3A_19, %dma_start3A_20] : memref<10000x128xf32, #tpu.memory_space<hbm>> -> memref<10000x128xf32, #tpu.memory_space<hbm>>
    tpu.enqueue_indirect_dma source(%dma_start3A_21 : memref<10000x128xf32, #tpu.memory_space<hbm>>) target(%arg11 : memref<200x128xf32, #tpu.memory_space<vmem>>) offsets(%dma_start3A_18 : memref<200xi32, #tpu.memory_space<vmem>>) semaphore(%arg15 : memref<!tpu.dma_semaphore, #tpu.memory_space<semaphore_mem>>)
    %dma_start3A_22 = tpu.memref_slice %arg8[%multiple_of3A_17] : memref<2000xi32, #tpu.memory_space<vmem>> -> memref<200xi32, #tpu.memory_space<vmem>>
    %dma_start3A_23 = arith.constant 0 : i32
    %dma_start3A_24 = arith.constant 0 : i32
    %dma_start3A_25 = tpu.memref_slice %arg4[%dma_start3A_23, %dma_start3A_24] : memref<10000x128xf32, #tpu.memory_space<hbm>> -> memref<10000x128xf32, #tpu.memory_space<hbm>>
    tpu.enqueue_indirect_dma source(%dma_start3A_25 : memref<10000x128xf32, #tpu.memory_space<hbm>>) target(%arg12 : memref<200x128xf32, #tpu.memory_space<vmem>>) offsets(%dma_start3A_22 : memref<200xi32, #tpu.memory_space<vmem>>) semaphore(%arg16 : memref<!tpu.dma_semaphore, #tpu.memory_space<semaphore_mem>>)
    %multiple_of3A_26 = arith.constant 1600 : i32
    %multiple_of3A_27 = tpu.assume_multiple %multiple_of3A_26, 8 : i32
    %add3A_28 = arith.constant 1600 : i32
    %add3A_29 = arith.addi %mul3A_2, %add3A_28 : i32
    %multiple_of3A_30 = tpu.assume_multiple %add3A_29, 8 : i32
    %dma_wait3A = tpu.memref_slice %arg7[%multiple_of3A_27] : memref<2000xi32, #tpu.memory_space<vmem>> -> memref<200xi32, #tpu.memory_space<vmem>>
    %dma_wait3A_31 = arith.constant 0 : i32
    %dma_wait3A_32 = arith.constant 0 : i32
    %dma_wait3A_33 = tpu.memref_slice %arg4[%dma_wait3A_31, %dma_wait3A_32] : memref<10000x128xf32, #tpu.memory_space<hbm>> -> memref<10000x128xf32, #tpu.memory_space<hbm>>
    tpu.wait_indirect_dma semaphore(%arg13 : memref<!tpu.dma_semaphore, #tpu.memory_space<semaphore_mem>>) src(%dma_wait3A_33 : memref<10000x128xf32, #tpu.memory_space<hbm>>) dst(%arg9 : memref<200x128xf32, #tpu.memory_space<vmem>>)
    %dma_wait3A_34 = tpu.memref_slice %arg8[%multiple_of3A_27] : memref<2000xi32, #tpu.memory_space<vmem>> -> memref<200xi32, #tpu.memory_space<vmem>>
    %dma_wait3A_35 = arith.constant 0 : i32
    %dma_wait3A_36 = arith.constant 0 : i32
    %dma_wait3A_37 = tpu.memref_slice %arg4[%dma_wait3A_35, %dma_wait3A_36] : memref<10000x128xf32, #tpu.memory_space<hbm>> -> memref<10000x128xf32, #tpu.memory_space<hbm>>
    tpu.wait_indirect_dma semaphore(%arg14 : memref<!tpu.dma_semaphore, #tpu.memory_space<semaphore_mem>>) src(%dma_wait3A_37 : memref<10000x128xf32, #tpu.memory_space<hbm>>) dst(%arg10 : memref<200x128xf32, #tpu.memory_space<vmem>>)
    "tpu.region"() ({
      %run_scoped3A = tpu.sem_alloc : memref<!tpu.dma_semaphore, #tpu.memory_space<semaphore_mem>>
      %dma_start3A_51 = arith.constant 0 : i32
      %dma_start3A_52 = tpu.memref_slice %arg5[%multiple_of3A_30, %dma_start3A_51] : memref<64000x128xf32, #tpu.memory_space<hbm>> -> memref<200x128xf32, #tpu.memory_space<hbm>>
      %dma_start3A_53 = arith.constant 0 : i32
      %dma_start3A_54 = tpu.memref_slice %arg5[%multiple_of3A_30, %dma_start3A_53] : memref<64000x128xf32, #tpu.memory_space<hbm>> -> memref<200x128xf32, #tpu.memory_space<hbm>>
      tpu.enqueue_dma source(%arg9 : memref<200x128xf32, #tpu.memory_space<vmem>>) target(%dma_start3A_54 : memref<200x128xf32, #tpu.memory_space<hbm>>) target_semaphore(%run_scoped3A : memref<!tpu.dma_semaphore, #tpu.memory_space<semaphore_mem>>)
      %dma_wait3A_55 = arith.constant 0 : i32
      %dma_wait3A_56 = tpu.memref_slice %arg5[%multiple_of3A_30, %dma_wait3A_55] : memref<64000x128xf32, #tpu.memory_space<hbm>> -> memref<200x128xf32, #tpu.memory_space<hbm>>
      %dma_wait3A_57 = arith.constant 0 : i32
      %dma_wait3A_58 = tpu.memref_slice %arg5[%multiple_of3A_30, %dma_wait3A_57] : memref<64000x128xf32, #tpu.memory_space<hbm>> -> memref<200x128xf32, #tpu.memory_space<hbm>>
      tpu.wait_dma2 semaphore(%run_scoped3A : memref<!tpu.dma_semaphore, #tpu.memory_space<semaphore_mem>>) src(%arg9 : memref<200x128xf32, #tpu.memory_space<vmem>>) dst(%dma_wait3A_58 : memref<200x128xf32, #tpu.memory_space<hbm>>)
      tpu.yield
    }) : () -> ()
    "tpu.region"() ({
      %run_scoped3A = tpu.sem_alloc : memref<!tpu.dma_semaphore, #tpu.memory_space<semaphore_mem>>
      %dma_start3A_51 = arith.constant 0 : i32
      %dma_start3A_52 = tpu.memref_slice %arg6[%multiple_of3A_30, %dma_start3A_51] : memref<64000x128xf32, #tpu.memory_space<hbm>> -> memref<200x128xf32, #tpu.memory_space<hbm>>
      %dma_start3A_53 = arith.constant 0 : i32
      %dma_start3A_54 = tpu.memref_slice %arg6[%multiple_of3A_30, %dma_start3A_53] : memref<64000x128xf32, #tpu.memory_space<hbm>> -> memref<200x128xf32, #tpu.memory_space<hbm>>
      tpu.enqueue_dma source(%arg10 : memref<200x128xf32, #tpu.memory_space<vmem>>) target(%dma_start3A_54 : memref<200x128xf32, #tpu.memory_space<hbm>>) target_semaphore(%run_scoped3A : memref<!tpu.dma_semaphore, #tpu.memory_space<semaphore_mem>>)
      %dma_wait3A_55 = arith.constant 0 : i32
      %dma_wait3A_56 = tpu.memref_slice %arg6[%multiple_of3A_30, %dma_wait3A_55] : memref<64000x128xf32, #tpu.memory_space<hbm>> -> memref<200x128xf32, #tpu.memory_space<hbm>>
      %dma_wait3A_57 = arith.constant 0 : i32
      %dma_wait3A_58 = tpu.memref_slice %arg6[%multiple_of3A_30, %dma_wait3A_57] : memref<64000x128xf32, #tpu.memory_space<hbm>> -> memref<200x128xf32, #tpu.memory_space<hbm>>
      tpu.wait_dma2 semaphore(%run_scoped3A : memref<!tpu.dma_semaphore, #tpu.memory_space<semaphore_mem>>) src(%arg10 : memref<200x128xf32, #tpu.memory_space<vmem>>) dst(%dma_wait3A_58 : memref<200x128xf32, #tpu.memory_space<hbm>>)
      tpu.yield
    }) : () -> ()
    %multiple_of3A_38 = arith.constant 1800 : i32
    %multiple_of3A_39 = tpu.assume_multiple %multiple_of3A_38, 8 : i32
    %add3A_40 = arith.constant 1800 : i32
    %add3A_41 = arith.addi %mul3A_2, %add3A_40 : i32
    %multiple_of3A_42 = tpu.assume_multiple %add3A_41, 8 : i32
    %dma_wait3A_43 = tpu.memref_slice %arg7[%multiple_of3A_39] : memref<2000xi32, #tpu.memory_space<vmem>> -> memref<200xi32, #tpu.memory_space<vmem>>
    %dma_wait3A_44 = arith.constant 0 : i32
    %dma_wait3A_45 = arith.constant 0 : i32
    %dma_wait3A_46 = tpu.memref_slice %arg4[%dma_wait3A_44, %dma_wait3A_45] : memref<10000x128xf32, #tpu.memory_space<hbm>> -> memref<10000x128xf32, #tpu.memory_space<hbm>>
    tpu.wait_indirect_dma semaphore(%arg15 : memref<!tpu.dma_semaphore, #tpu.memory_space<semaphore_mem>>) src(%dma_wait3A_46 : memref<10000x128xf32, #tpu.memory_space<hbm>>) dst(%arg11 : memref<200x128xf32, #tpu.memory_space<vmem>>)
    %dma_wait3A_47 = tpu.memref_slice %arg8[%multiple_of3A_39] : memref<2000xi32, #tpu.memory_space<vmem>> -> memref<200xi32, #tpu.memory_space<vmem>>
    %dma_wait3A_48 = arith.constant 0 : i32
    %dma_wait3A_49 = arith.constant 0 : i32
    %dma_wait3A_50 = tpu.memref_slice %arg4[%dma_wait3A_48, %dma_wait3A_49] : memref<10000x128xf32, #tpu.memory_space<hbm>> -> memref<10000x128xf32, #tpu.memory_space<hbm>>
    tpu.wait_indirect_dma semaphore(%arg16 : memref<!tpu.dma_semaphore, #tpu.memory_space<semaphore_mem>>) src(%dma_wait3A_50 : memref<10000x128xf32, #tpu.memory_space<hbm>>) dst(%arg12 : memref<200x128xf32, #tpu.memory_space<vmem>>)
    "tpu.region"() ({
      %run_scoped3A = tpu.sem_alloc : memref<!tpu.dma_semaphore, #tpu.memory_space<semaphore_mem>>
      %dma_start3A_51 = arith.constant 0 : i32
      %dma_start3A_52 = tpu.memref_slice %arg5[%multiple_of3A_42, %dma_start3A_51] : memref<64000x128xf32, #tpu.memory_space<hbm>> -> memref<200x128xf32, #tpu.memory_space<hbm>>
      %dma_start3A_53 = arith.constant 0 : i32
      %dma_start3A_54 = tpu.memref_slice %arg5[%multiple_of3A_42, %dma_start3A_53] : memref<64000x128xf32, #tpu.memory_space<hbm>> -> memref<200x128xf32, #tpu.memory_space<hbm>>
      tpu.enqueue_dma source(%arg11 : memref<200x128xf32, #tpu.memory_space<vmem>>) target(%dma_start3A_54 : memref<200x128xf32, #tpu.memory_space<hbm>>) target_semaphore(%run_scoped3A : memref<!tpu.dma_semaphore, #tpu.memory_space<semaphore_mem>>)
      %dma_wait3A_55 = arith.constant 0 : i32
      %dma_wait3A_56 = tpu.memref_slice %arg5[%multiple_of3A_42, %dma_wait3A_55] : memref<64000x128xf32, #tpu.memory_space<hbm>> -> memref<200x128xf32, #tpu.memory_space<hbm>>
      %dma_wait3A_57 = arith.constant 0 : i32
      %dma_wait3A_58 = tpu.memref_slice %arg5[%multiple_of3A_42, %dma_wait3A_57] : memref<64000x128xf32, #tpu.memory_space<hbm>> -> memref<200x128xf32, #tpu.memory_space<hbm>>
      tpu.wait_dma2 semaphore(%run_scoped3A : memref<!tpu.dma_semaphore, #tpu.memory_space<semaphore_mem>>) src(%arg11 : memref<200x128xf32, #tpu.memory_space<vmem>>) dst(%dma_wait3A_58 : memref<200x128xf32, #tpu.memory_space<hbm>>)
      tpu.yield
    }) : () -> ()
    "tpu.region"() ({
      %run_scoped3A = tpu.sem_alloc : memref<!tpu.dma_semaphore, #tpu.memory_space<semaphore_mem>>
      %dma_start3A_51 = arith.constant 0 : i32
      %dma_start3A_52 = tpu.memref_slice %arg6[%multiple_of3A_42, %dma_start3A_51] : memref<64000x128xf32, #tpu.memory_space<hbm>> -> memref<200x128xf32, #tpu.memory_space<hbm>>
      %dma_start3A_53 = arith.constant 0 : i32
      %dma_start3A_54 = tpu.memref_slice %arg6[%multiple_of3A_42, %dma_start3A_53] : memref<64000x128xf32, #tpu.memory_space<hbm>> -> memref<200x128xf32, #tpu.memory_space<hbm>>
      tpu.enqueue_dma source(%arg12 : memref<200x128xf32, #tpu.memory_space<vmem>>) target(%dma_start3A_54 : memref<200x128xf32, #tpu.memory_space<hbm>>) target_semaphore(%run_scoped3A : memref<!tpu.dma_semaphore, #tpu.memory_space<semaphore_mem>>)
      %dma_wait3A_55 = arith.constant 0 : i32
      %dma_wait3A_56 = tpu.memref_slice %arg6[%multiple_of3A_42, %dma_wait3A_55] : memref<64000x128xf32, #tpu.memory_space<hbm>> -> memref<200x128xf32, #tpu.memory_space<hbm>>
      %dma_wait3A_57 = arith.constant 0 : i32
      %dma_wait3A_58 = tpu.memref_slice %arg6[%multiple_of3A_42, %dma_wait3A_57] : memref<64000x128xf32, #tpu.memory_space<hbm>> -> memref<200x128xf32, #tpu.memory_space<hbm>>
      tpu.wait_dma2 semaphore(%run_scoped3A : memref<!tpu.dma_semaphore, #tpu.memory_space<semaphore_mem>>) src(%arg12 : memref<200x128xf32, #tpu.memory_space<vmem>>) dst(%dma_wait3A_58 : memref<200x128xf32, #tpu.memory_space<hbm>>)
      tpu.yield
    }) : () -> ()
    return
  }
}

#map = affine_map<(d0, d1) -> (0)>
#map1 = affine_map<(d0, d1) -> (0, 0)>
module attributes {stable_mosaic.version = 14 : i64} {
  func.func @_pair_body(%arg0: i32, %arg1: i32, %arg2: memref<64000xi32, #tpu.memory_space<hbm>>, %arg3: memref<64000xi32, #tpu.memory_space<hbm>>, %arg4: memref<10000x128xf32, #tpu.memory_space<hbm>>, %arg5: memref<64000x128xf32, #tpu.memory_space<hbm>>, %arg6: memref<64000x128xf32, #tpu.memory_space<hbm>>, %arg7: memref<2000xi32, #tpu.memory_space<vmem>>, %arg8: memref<2000xi32, #tpu.memory_space<vmem>>, %arg9: memref<200x128xf32, #tpu.memory_space<vmem>>, %arg10: memref<200x128xf32, #tpu.memory_space<vmem>>, %arg11: memref<200x128xf32, #tpu.memory_space<vmem>>, %arg12: memref<200x128xf32, #tpu.memory_space<vmem>>, %arg13: memref<!tpu.dma_semaphore, #tpu.memory_space<semaphore_mem>>, %arg14: memref<!tpu.dma_semaphore, #tpu.memory_space<semaphore_mem>>, %arg15: memref<!tpu.dma_semaphore, #tpu.memory_space<semaphore_mem>>, %arg16: memref<!tpu.dma_semaphore, #tpu.memory_space<semaphore_mem>>) attributes {dimension_semantics = [#tpu.dimension_semantics<core_parallel>, #tpu.dimension_semantics<subcore_parallel>], iteration_bounds = array<i64: 2, 16>, scalar_prefetch = 0 : i64, scratch_operands = 10 : i64, tpu.core_type = #tpu.core_type<sc_vector_subcore>, window_params = [{transform_indices = #map}, {transform_indices = #map}, {transform_indices = #map1}, {transform_indices = #map1}, {transform_indices = #map1}]} {
    %mul3A = arith.constant 2 : i32
    %mul3A_0 = arith.muli %arg1, %mul3A : i32
    %add3A = arith.addi %mul3A_0, %arg0 : i32
    %mul3A_1 = arith.constant 2000 : i32
    %mul3A_2 = arith.muli %add3A, %mul3A_1 : i32
    "tpu.region"() ({
      %run_scoped3A = tpu.sem_alloc : memref<!tpu.dma_semaphore, #tpu.memory_space<semaphore_mem>>
      %dma_start3A_51 = tpu.memref_slice %arg2[%mul3A_2] : memref<64000xi32, #tpu.memory_space<hbm>> -> memref<2000xi32, #tpu.memory_space<hbm>>
      %dma_start3A_52 = tpu.memref_slice %arg2[%mul3A_2] : memref<64000xi32, #tpu.memory_space<hbm>> -> memref<2000xi32, #tpu.memory_space<hbm>>
      tpu.enqueue_dma source(%dma_start3A_52 : memref<2000xi32, #tpu.memory_space<hbm>>) target(%arg7 : memref<2000xi32, #tpu.memory_space<vmem>>) target_semaphore(%run_scoped3A : memref<!tpu.dma_semaphore, #tpu.memory_space<semaphore_mem>>)
      %dma_wait3A_53 = tpu.memref_slice %arg2[%mul3A_2] : memref<64000xi32, #tpu.memory_space<hbm>> -> memref<2000xi32, #tpu.memory_space<hbm>>
      %dma_wait3A_54 = tpu.memref_slice %arg2[%mul3A_2] : memref<64000xi32, #tpu.memory_space<hbm>> -> memref<2000xi32, #tpu.memory_space<hbm>>
      tpu.wait_dma2 semaphore(%run_scoped3A : memref<!tpu.dma_semaphore, #tpu.memory_space<semaphore_mem>>) src(%dma_wait3A_54 : memref<2000xi32, #tpu.memory_space<hbm>>) dst(%arg7 : memref<2000xi32, #tpu.memory_space<vmem>>)
      tpu.yield
    }) : () -> ()
    "tpu.region"() ({
      %run_scoped3A = tpu.sem_alloc : memref<!tpu.dma_semaphore, #tpu.memory_space<semaphore_mem>>
      %dma_start3A_51 = tpu.memref_slice %arg3[%mul3A_2] : memref<64000xi32, #tpu.memory_space<hbm>> -> memref<2000xi32, #tpu.memory_space<hbm>>
      %dma_start3A_52 = tpu.memref_slice %arg3[%mul3A_2] : memref<64000xi32, #tpu.memory_space<hbm>> -> memref<2000xi32, #tpu.memory_space<hbm>>
      tpu.enqueue_dma source(%dma_start3A_52 : memref<2000xi32, #tpu.memory_space<hbm>>) target(%arg8 : memref<2000xi32, #tpu.memory_space<vmem>>) target_semaphore(%run_scoped3A : memref<!tpu.dma_semaphore, #tpu.memory_space<semaphore_mem>>)
      %dma_wait3A_53 = tpu.memref_slice %arg3[%mul3A_2] : memref<64000xi32, #tpu.memory_space<hbm>> -> memref<2000xi32, #tpu.memory_space<hbm>>
      %dma_wait3A_54 = tpu.memref_slice %arg3[%mul3A_2] : memref<64000xi32, #tpu.memory_space<hbm>> -> memref<2000xi32, #tpu.memory_space<hbm>>
      tpu.wait_dma2 semaphore(%run_scoped3A : memref<!tpu.dma_semaphore, #tpu.memory_space<semaphore_mem>>) src(%dma_wait3A_54 : memref<2000xi32, #tpu.memory_space<hbm>>) dst(%arg8 : memref<2000xi32, #tpu.memory_space<vmem>>)
      tpu.yield
    }) : () -> ()
    %multiple_of3A = arith.constant 0 : i32
    %multiple_of3A_3 = tpu.assume_multiple %multiple_of3A, 8 : i32
    %dma_start3A = tpu.memref_slice %arg7[%multiple_of3A_3] : memref<2000xi32, #tpu.memory_space<vmem>> -> memref<200xi32, #tpu.memory_space<vmem>>
    %dma_start3A_4 = arith.constant 0 : i32
    %dma_start3A_5 = arith.constant 0 : i32
    %dma_start3A_6 = tpu.memref_slice %arg4[%dma_start3A_4, %dma_start3A_5] : memref<10000x128xf32, #tpu.memory_space<hbm>> -> memref<10000x128xf32, #tpu.memory_space<hbm>>
    tpu.enqueue_indirect_dma source(%dma_start3A_6 : memref<10000x128xf32, #tpu.memory_space<hbm>>) target(%arg9 : memref<200x128xf32, #tpu.memory_space<vmem>>) offsets(%dma_start3A : memref<200xi32, #tpu.memory_space<vmem>>) semaphore(%arg13 : memref<!tpu.dma_semaphore, #tpu.memory_space<semaphore_mem>>)
    %dma_start3A_7 = tpu.memref_slice %arg8[%multiple_of3A_3] : memref<2000xi32, #tpu.memory_space<vmem>> -> memref<200xi32, #tpu.memory_space<vmem>>
    %dma_start3A_8 = arith.constant 0 : i32
    %dma_start3A_9 = arith.constant 0 : i32
    %dma_start3A_10 = tpu.memref_slice %arg4[%dma_start3A_8, %dma_start3A_9] : memref<10000x128xf32, #tpu.memory_space<hbm>> -> memref<10000x128xf32, #tpu.memory_space<hbm>>
    tpu.enqueue_indirect_dma source(%dma_start3A_10 : memref<10000x128xf32, #tpu.memory_space<hbm>>) target(%arg10 : memref<200x128xf32, #tpu.memory_space<vmem>>) offsets(%dma_start3A_7 : memref<200xi32, #tpu.memory_space<vmem>>) semaphore(%arg14 : memref<!tpu.dma_semaphore, #tpu.memory_space<semaphore_mem>>)
    %scan3A = arith.constant 0 : i32
    %scan3A_11 = arith.constant 0 : i32
    %scan3A_12 = arith.constant 4 : i32
    %scan3A_13 = arith.addi %scan3A_11, %scan3A_12 : i32
    %scan3A_14 = arith.constant 1 : i32
    scf.for %scan3A_51 = %scan3A_11 to %scan3A_13 step %scan3A_14  : i32 {
      %mul3A_52 = arith.constant 2 : i32
      %mul3A_53 = arith.muli %mul3A_52, %scan3A_51 : i32
      %mul3A_54 = arith.constant 2 : i32
      %mul3A_55 = arith.muli %mul3A_54, %scan3A_51 : i32
      %add3A_56 = arith.constant 1 : i32
      %add3A_57 = arith.addi %mul3A_55, %add3A_56 : i32
      %mul3A_58 = arith.constant 2 : i32
      %mul3A_59 = arith.muli %mul3A_58, %scan3A_51 : i32
      %add3A_60 = arith.constant 2 : i32
      %add3A_61 = arith.addi %mul3A_59, %add3A_60 : i32
      %mul3A_62 = arith.constant 200 : i32
      %mul3A_63 = arith.muli %add3A_57, %mul3A_62 : i32
      %multiple_of3A_64 = tpu.assume_multiple %mul3A_63, 8 : i32
      %dma_start3A_65 = tpu.memref_slice %arg7[%multiple_of3A_64] : memref<2000xi32, #tpu.memory_space<vmem>> -> memref<200xi32, #tpu.memory_space<vmem>>
      %dma_start3A_66 = arith.constant 0 : i32
      %dma_start3A_67 = arith.constant 0 : i32
      %dma_start3A_68 = tpu.memref_slice %arg4[%dma_start3A_66, %dma_start3A_67] : memref<10000x128xf32, #tpu.memory_space<hbm>> -> memref<10000x128xf32, #tpu.memory_space<hbm>>
      tpu.enqueue_indirect_dma source(%dma_start3A_68 : memref<10000x128xf32, #tpu.memory_space<hbm>>) target(%arg11 : memref<200x128xf32, #tpu.memory_space<vmem>>) offsets(%dma_start3A_65 : memref<200xi32, #tpu.memory_space<vmem>>) semaphore(%arg15 : memref<!tpu.dma_semaphore, #tpu.memory_space<semaphore_mem>>)
      %dma_start3A_69 = tpu.memref_slice %arg8[%multiple_of3A_64] : memref<2000xi32, #tpu.memory_space<vmem>> -> memref<200xi32, #tpu.memory_space<vmem>>
      %dma_start3A_70 = arith.constant 0 : i32
      %dma_start3A_71 = arith.constant 0 : i32
      %dma_start3A_72 = tpu.memref_slice %arg4[%dma_start3A_70, %dma_start3A_71] : memref<10000x128xf32, #tpu.memory_space<hbm>> -> memref<10000x128xf32, #tpu.memory_space<hbm>>
      tpu.enqueue_indirect_dma source(%dma_start3A_72 : memref<10000x128xf32, #tpu.memory_space<hbm>>) target(%arg12 : memref<200x128xf32, #tpu.memory_space<vmem>>) offsets(%dma_start3A_69 : memref<200xi32, #tpu.memory_space<vmem>>) semaphore(%arg16 : memref<!tpu.dma_semaphore, #tpu.memory_space<semaphore_mem>>)
      %mul3A_73 = arith.constant 200 : i32
      %mul3A_74 = arith.muli %mul3A_53, %mul3A_73 : i32
      %multiple_of3A_75 = tpu.assume_multiple %mul3A_74, 8 : i32
      %mul3A_76 = arith.constant 200 : i32
      %mul3A_77 = arith.muli %mul3A_53, %mul3A_76 : i32
      %add3A_78 = arith.addi %mul3A_2, %mul3A_77 : i32
      %multiple_of3A_79 = tpu.assume_multiple %add3A_78, 8 : i32
      %dma_wait3A_80 = tpu.memref_slice %arg7[%multiple_of3A_75] : memref<2000xi32, #tpu.memory_space<vmem>> -> memref<200xi32, #tpu.memory_space<vmem>>
      %dma_wait3A_81 = arith.constant 0 : i32
      %dma_wait3A_82 = arith.constant 0 : i32
      %dma_wait3A_83 = tpu.memref_slice %arg4[%dma_wait3A_81, %dma_wait3A_82] : memref<10000x128xf32, #tpu.memory_space<hbm>> -> memref<10000x128xf32, #tpu.memory_space<hbm>>
      tpu.wait_indirect_dma semaphore(%arg13 : memref<!tpu.dma_semaphore, #tpu.memory_space<semaphore_mem>>) src(%dma_wait3A_83 : memref<10000x128xf32, #tpu.memory_space<hbm>>) dst(%arg9 : memref<200x128xf32, #tpu.memory_space<vmem>>)
      %dma_wait3A_84 = tpu.memref_slice %arg8[%multiple_of3A_75] : memref<2000xi32, #tpu.memory_space<vmem>> -> memref<200xi32, #tpu.memory_space<vmem>>
      %dma_wait3A_85 = arith.constant 0 : i32
      %dma_wait3A_86 = arith.constant 0 : i32
      %dma_wait3A_87 = tpu.memref_slice %arg4[%dma_wait3A_85, %dma_wait3A_86] : memref<10000x128xf32, #tpu.memory_space<hbm>> -> memref<10000x128xf32, #tpu.memory_space<hbm>>
      tpu.wait_indirect_dma semaphore(%arg14 : memref<!tpu.dma_semaphore, #tpu.memory_space<semaphore_mem>>) src(%dma_wait3A_87 : memref<10000x128xf32, #tpu.memory_space<hbm>>) dst(%arg10 : memref<200x128xf32, #tpu.memory_space<vmem>>)
      "tpu.region"() ({
        %run_scoped3A = tpu.sem_alloc : memref<!tpu.dma_semaphore, #tpu.memory_space<semaphore_mem>>
        %dma_start3A_114 = arith.constant 0 : i32
        %dma_start3A_115 = tpu.memref_slice %arg5[%multiple_of3A_79, %dma_start3A_114] : memref<64000x128xf32, #tpu.memory_space<hbm>> -> memref<200x128xf32, #tpu.memory_space<hbm>>
        %dma_start3A_116 = arith.constant 0 : i32
        %dma_start3A_117 = tpu.memref_slice %arg5[%multiple_of3A_79, %dma_start3A_116] : memref<64000x128xf32, #tpu.memory_space<hbm>> -> memref<200x128xf32, #tpu.memory_space<hbm>>
        tpu.enqueue_dma source(%arg9 : memref<200x128xf32, #tpu.memory_space<vmem>>) target(%dma_start3A_117 : memref<200x128xf32, #tpu.memory_space<hbm>>) target_semaphore(%run_scoped3A : memref<!tpu.dma_semaphore, #tpu.memory_space<semaphore_mem>>)
        %dma_wait3A_118 = arith.constant 0 : i32
        %dma_wait3A_119 = tpu.memref_slice %arg5[%multiple_of3A_79, %dma_wait3A_118] : memref<64000x128xf32, #tpu.memory_space<hbm>> -> memref<200x128xf32, #tpu.memory_space<hbm>>
        %dma_wait3A_120 = arith.constant 0 : i32
        %dma_wait3A_121 = tpu.memref_slice %arg5[%multiple_of3A_79, %dma_wait3A_120] : memref<64000x128xf32, #tpu.memory_space<hbm>> -> memref<200x128xf32, #tpu.memory_space<hbm>>
        tpu.wait_dma2 semaphore(%run_scoped3A : memref<!tpu.dma_semaphore, #tpu.memory_space<semaphore_mem>>) src(%arg9 : memref<200x128xf32, #tpu.memory_space<vmem>>) dst(%dma_wait3A_121 : memref<200x128xf32, #tpu.memory_space<hbm>>)
        tpu.yield
      }) : () -> ()
      "tpu.region"() ({
        %run_scoped3A = tpu.sem_alloc : memref<!tpu.dma_semaphore, #tpu.memory_space<semaphore_mem>>
        %dma_start3A_114 = arith.constant 0 : i32
        %dma_start3A_115 = tpu.memref_slice %arg6[%multiple_of3A_79, %dma_start3A_114] : memref<64000x128xf32, #tpu.memory_space<hbm>> -> memref<200x128xf32, #tpu.memory_space<hbm>>
        %dma_start3A_116 = arith.constant 0 : i32
        %dma_start3A_117 = tpu.memref_slice %arg6[%multiple_of3A_79, %dma_start3A_116] : memref<64000x128xf32, #tpu.memory_space<hbm>> -> memref<200x128xf32, #tpu.memory_space<hbm>>
        tpu.enqueue_dma source(%arg10 : memref<200x128xf32, #tpu.memory_space<vmem>>) target(%dma_start3A_117 : memref<200x128xf32, #tpu.memory_space<hbm>>) target_semaphore(%run_scoped3A : memref<!tpu.dma_semaphore, #tpu.memory_space<semaphore_mem>>)
        %dma_wait3A_118 = arith.constant 0 : i32
        %dma_wait3A_119 = tpu.memref_slice %arg6[%multiple_of3A_79, %dma_wait3A_118] : memref<64000x128xf32, #tpu.memory_space<hbm>> -> memref<200x128xf32, #tpu.memory_space<hbm>>
        %dma_wait3A_120 = arith.constant 0 : i32
        %dma_wait3A_121 = tpu.memref_slice %arg6[%multiple_of3A_79, %dma_wait3A_120] : memref<64000x128xf32, #tpu.memory_space<hbm>> -> memref<200x128xf32, #tpu.memory_space<hbm>>
        tpu.wait_dma2 semaphore(%run_scoped3A : memref<!tpu.dma_semaphore, #tpu.memory_space<semaphore_mem>>) src(%arg10 : memref<200x128xf32, #tpu.memory_space<vmem>>) dst(%dma_wait3A_121 : memref<200x128xf32, #tpu.memory_space<hbm>>)
        tpu.yield
      }) : () -> ()
      %mul3A_88 = arith.constant 200 : i32
      %mul3A_89 = arith.muli %add3A_61, %mul3A_88 : i32
      %multiple_of3A_90 = tpu.assume_multiple %mul3A_89, 8 : i32
      %dma_start3A_91 = tpu.memref_slice %arg7[%multiple_of3A_90] : memref<2000xi32, #tpu.memory_space<vmem>> -> memref<200xi32, #tpu.memory_space<vmem>>
      %dma_start3A_92 = arith.constant 0 : i32
      %dma_start3A_93 = arith.constant 0 : i32
      %dma_start3A_94 = tpu.memref_slice %arg4[%dma_start3A_92, %dma_start3A_93] : memref<10000x128xf32, #tpu.memory_space<hbm>> -> memref<10000x128xf32, #tpu.memory_space<hbm>>
      tpu.enqueue_indirect_dma source(%dma_start3A_94 : memref<10000x128xf32, #tpu.memory_space<hbm>>) target(%arg9 : memref<200x128xf32, #tpu.memory_space<vmem>>) offsets(%dma_start3A_91 : memref<200xi32, #tpu.memory_space<vmem>>) semaphore(%arg13 : memref<!tpu.dma_semaphore, #tpu.memory_space<semaphore_mem>>)
      %dma_start3A_95 = tpu.memref_slice %arg8[%multiple_of3A_90] : memref<2000xi32, #tpu.memory_space<vmem>> -> memref<200xi32, #tpu.memory_space<vmem>>
      %dma_start3A_96 = arith.constant 0 : i32
      %dma_start3A_97 = arith.constant 0 : i32
      %dma_start3A_98 = tpu.memref_slice %arg4[%dma_start3A_96, %dma_start3A_97] : memref<10000x128xf32, #tpu.memory_space<hbm>> -> memref<10000x128xf32, #tpu.memory_space<hbm>>
      tpu.enqueue_indirect_dma source(%dma_start3A_98 : memref<10000x128xf32, #tpu.memory_space<hbm>>) target(%arg10 : memref<200x128xf32, #tpu.memory_space<vmem>>) offsets(%dma_start3A_95 : memref<200xi32, #tpu.memory_space<vmem>>) semaphore(%arg14 : memref<!tpu.dma_semaphore, #tpu.memory_space<semaphore_mem>>)
      %mul3A_99 = arith.constant 200 : i32
      %mul3A_100 = arith.muli %add3A_57, %mul3A_99 : i32
      %multiple_of3A_101 = tpu.assume_multiple %mul3A_100, 8 : i32
      %mul3A_102 = arith.constant 200 : i32
      %mul3A_103 = arith.muli %add3A_57, %mul3A_102 : i32
      %add3A_104 = arith.addi %mul3A_2, %mul3A_103 : i32
      %multiple_of3A_105 = tpu.assume_multiple %add3A_104, 8 : i32
      %dma_wait3A_106 = tpu.memref_slice %arg7[%multiple_of3A_101] : memref<2000xi32, #tpu.memory_space<vmem>> -> memref<200xi32, #tpu.memory_space<vmem>>
      %dma_wait3A_107 = arith.constant 0 : i32
      %dma_wait3A_108 = arith.constant 0 : i32
      %dma_wait3A_109 = tpu.memref_slice %arg4[%dma_wait3A_107, %dma_wait3A_108] : memref<10000x128xf32, #tpu.memory_space<hbm>> -> memref<10000x128xf32, #tpu.memory_space<hbm>>
      tpu.wait_indirect_dma semaphore(%arg15 : memref<!tpu.dma_semaphore, #tpu.memory_space<semaphore_mem>>) src(%dma_wait3A_109 : memref<10000x128xf32, #tpu.memory_space<hbm>>) dst(%arg11 : memref<200x128xf32, #tpu.memory_space<vmem>>)
      %dma_wait3A_110 = tpu.memref_slice %arg8[%multiple_of3A_101] : memref<2000xi32, #tpu.memory_space<vmem>> -> memref<200xi32, #tpu.memory_space<vmem>>
      %dma_wait3A_111 = arith.constant 0 : i32
      %dma_wait3A_112 = arith.constant 0 : i32
      %dma_wait3A_113 = tpu.memref_slice %arg4[%dma_wait3A_111, %dma_wait3A_112] : memref<10000x128xf32, #tpu.memory_space<hbm>> -> memref<10000x128xf32, #tpu.memory_space<hbm>>
      tpu.wait_indirect_dma semaphore(%arg16 : memref<!tpu.dma_semaphore, #tpu.memory_space<semaphore_mem>>) src(%dma_wait3A_113 : memref<10000x128xf32, #tpu.memory_space<hbm>>) dst(%arg12 : memref<200x128xf32, #tpu.memory_space<vmem>>)
      "tpu.region"() ({
        %run_scoped3A = tpu.sem_alloc : memref<!tpu.dma_semaphore, #tpu.memory_space<semaphore_mem>>
        %dma_start3A_114 = arith.constant 0 : i32
        %dma_start3A_115 = tpu.memref_slice %arg5[%multiple_of3A_105, %dma_start3A_114] : memref<64000x128xf32, #tpu.memory_space<hbm>> -> memref<200x128xf32, #tpu.memory_space<hbm>>
        %dma_start3A_116 = arith.constant 0 : i32
        %dma_start3A_117 = tpu.memref_slice %arg5[%multiple_of3A_105, %dma_start3A_116] : memref<64000x128xf32, #tpu.memory_space<hbm>> -> memref<200x128xf32, #tpu.memory_space<hbm>>
        tpu.enqueue_dma source(%arg11 : memref<200x128xf32, #tpu.memory_space<vmem>>) target(%dma_start3A_117 : memref<200x128xf32, #tpu.memory_space<hbm>>) target_semaphore(%run_scoped3A : memref<!tpu.dma_semaphore, #tpu.memory_space<semaphore_mem>>)
        %dma_wait3A_118 = arith.constant 0 : i32
        %dma_wait3A_119 = tpu.memref_slice %arg5[%multiple_of3A_105, %dma_wait3A_118] : memref<64000x128xf32, #tpu.memory_space<hbm>> -> memref<200x128xf32, #tpu.memory_space<hbm>>
        %dma_wait3A_120 = arith.constant 0 : i32
        %dma_wait3A_121 = tpu.memref_slice %arg5[%multiple_of3A_105, %dma_wait3A_120] : memref<64000x128xf32, #tpu.memory_space<hbm>> -> memref<200x128xf32, #tpu.memory_space<hbm>>
        tpu.wait_dma2 semaphore(%run_scoped3A : memref<!tpu.dma_semaphore, #tpu.memory_space<semaphore_mem>>) src(%arg11 : memref<200x128xf32, #tpu.memory_space<vmem>>) dst(%dma_wait3A_121 : memref<200x128xf32, #tpu.memory_space<hbm>>)
        tpu.yield
      }) : () -> ()
      "tpu.region"() ({
        %run_scoped3A = tpu.sem_alloc : memref<!tpu.dma_semaphore, #tpu.memory_space<semaphore_mem>>
        %dma_start3A_114 = arith.constant 0 : i32
        %dma_start3A_115 = tpu.memref_slice %arg6[%multiple_of3A_105, %dma_start3A_114] : memref<64000x128xf32, #tpu.memory_space<hbm>> -> memref<200x128xf32, #tpu.memory_space<hbm>>
        %dma_start3A_116 = arith.constant 0 : i32
        %dma_start3A_117 = tpu.memref_slice %arg6[%multiple_of3A_105, %dma_start3A_116] : memref<64000x128xf32, #tpu.memory_space<hbm>> -> memref<200x128xf32, #tpu.memory_space<hbm>>
        tpu.enqueue_dma source(%arg12 : memref<200x128xf32, #tpu.memory_space<vmem>>) target(%dma_start3A_117 : memref<200x128xf32, #tpu.memory_space<hbm>>) target_semaphore(%run_scoped3A : memref<!tpu.dma_semaphore, #tpu.memory_space<semaphore_mem>>)
        %dma_wait3A_118 = arith.constant 0 : i32
        %dma_wait3A_119 = tpu.memref_slice %arg6[%multiple_of3A_105, %dma_wait3A_118] : memref<64000x128xf32, #tpu.memory_space<hbm>> -> memref<200x128xf32, #tpu.memory_space<hbm>>
        %dma_wait3A_120 = arith.constant 0 : i32
        %dma_wait3A_121 = tpu.memref_slice %arg6[%multiple_of3A_105, %dma_wait3A_120] : memref<64000x128xf32, #tpu.memory_space<hbm>> -> memref<200x128xf32, #tpu.memory_space<hbm>>
        tpu.wait_dma2 semaphore(%run_scoped3A : memref<!tpu.dma_semaphore, #tpu.memory_space<semaphore_mem>>) src(%arg12 : memref<200x128xf32, #tpu.memory_space<vmem>>) dst(%dma_wait3A_121 : memref<200x128xf32, #tpu.memory_space<hbm>>)
        tpu.yield
      }) : () -> ()
    }
    %scan3A_15 = arith.constant 4 : i32
    %multiple_of3A_16 = arith.constant 1800 : i32
    %multiple_of3A_17 = tpu.assume_multiple %multiple_of3A_16, 8 : i32
    %dma_start3A_18 = tpu.memref_slice %arg7[%multiple_of3A_17] : memref<2000xi32, #tpu.memory_space<vmem>> -> memref<200xi32, #tpu.memory_space<vmem>>
    %dma_start3A_19 = arith.constant 0 : i32
    %dma_start3A_20 = arith.constant 0 : i32
    %dma_start3A_21 = tpu.memref_slice %arg4[%dma_start3A_19, %dma_start3A_20] : memref<10000x128xf32, #tpu.memory_space<hbm>> -> memref<10000x128xf32, #tpu.memory_space<hbm>>
    tpu.enqueue_indirect_dma source(%dma_start3A_21 : memref<10000x128xf32, #tpu.memory_space<hbm>>) target(%arg11 : memref<200x128xf32, #tpu.memory_space<vmem>>) offsets(%dma_start3A_18 : memref<200xi32, #tpu.memory_space<vmem>>) semaphore(%arg15 : memref<!tpu.dma_semaphore, #tpu.memory_space<semaphore_mem>>)
    %dma_start3A_22 = tpu.memref_slice %arg8[%multiple_of3A_17] : memref<2000xi32, #tpu.memory_space<vmem>> -> memref<200xi32, #tpu.memory_space<vmem>>
    %dma_start3A_23 = arith.constant 0 : i32
    %dma_start3A_24 = arith.constant 0 : i32
    %dma_start3A_25 = tpu.memref_slice %arg4[%dma_start3A_23, %dma_start3A_24] : memref<10000x128xf32, #tpu.memory_space<hbm>> -> memref<10000x128xf32, #tpu.memory_space<hbm>>
    tpu.enqueue_indirect_dma source(%dma_start3A_25 : memref<10000x128xf32, #tpu.memory_space<hbm>>) target(%arg12 : memref<200x128xf32, #tpu.memory_space<vmem>>) offsets(%dma_start3A_22 : memref<200xi32, #tpu.memory_space<vmem>>) semaphore(%arg16 : memref<!tpu.dma_semaphore, #tpu.memory_space<semaphore_mem>>)
    %multiple_of3A_26 = arith.constant 1600 : i32
    %multiple_of3A_27 = tpu.assume_multiple %multiple_of3A_26, 8 : i32
    %add3A_28 = arith.constant 1600 : i32
    %add3A_29 = arith.addi %mul3A_2, %add3A_28 : i32
    %multiple_of3A_30 = tpu.assume_multiple %add3A_29, 8 : i32
    %dma_wait3A = tpu.memref_slice %arg7[%multiple_of3A_27] : memref<2000xi32, #tpu.memory_space<vmem>> -> memref<200xi32, #tpu.memory_space<vmem>>
    %dma_wait3A_31 = arith.constant 0 : i32
    %dma_wait3A_32 = arith.constant 0 : i32
    %dma_wait3A_33 = tpu.memref_slice %arg4[%dma_wait3A_31, %dma_wait3A_32] : memref<10000x128xf32, #tpu.memory_space<hbm>> -> memref<10000x128xf32, #tpu.memory_space<hbm>>
    tpu.wait_indirect_dma semaphore(%arg13 : memref<!tpu.dma_semaphore, #tpu.memory_space<semaphore_mem>>) src(%dma_wait3A_33 : memref<10000x128xf32, #tpu.memory_space<hbm>>) dst(%arg9 : memref<200x128xf32, #tpu.memory_space<vmem>>)
    %dma_wait3A_34 = tpu.memref_slice %arg8[%multiple_of3A_27] : memref<2000xi32, #tpu.memory_space<vmem>> -> memref<200xi32, #tpu.memory_space<vmem>>
    %dma_wait3A_35 = arith.constant 0 : i32
    %dma_wait3A_36 = arith.constant 0 : i32
    %dma_wait3A_37 = tpu.memref_slice %arg4[%dma_wait3A_35, %dma_wait3A_36] : memref<10000x128xf32, #tpu.memory_space<hbm>> -> memref<10000x128xf32, #tpu.memory_space<hbm>>
    tpu.wait_indirect_dma semaphore(%arg14 : memref<!tpu.dma_semaphore, #tpu.memory_space<semaphore_mem>>) src(%dma_wait3A_37 : memref<10000x128xf32, #tpu.memory_space<hbm>>) dst(%arg10 : memref<200x128xf32, #tpu.memory_space<vmem>>)
    "tpu.region"() ({
      %run_scoped3A = tpu.sem_alloc : memref<!tpu.dma_semaphore, #tpu.memory_space<semaphore_mem>>
      %dma_start3A_51 = arith.constant 0 : i32
      %dma_start3A_52 = tpu.memref_slice %arg5[%multiple_of3A_30, %dma_start3A_51] : memref<64000x128xf32, #tpu.memory_space<hbm>> -> memref<200x128xf32, #tpu.memory_space<hbm>>
      %dma_start3A_53 = arith.constant 0 : i32
      %dma_start3A_54 = tpu.memref_slice %arg5[%multiple_of3A_30, %dma_start3A_53] : memref<64000x128xf32, #tpu.memory_space<hbm>> -> memref<200x128xf32, #tpu.memory_space<hbm>>
      tpu.enqueue_dma source(%arg9 : memref<200x128xf32, #tpu.memory_space<vmem>>) target(%dma_start3A_54 : memref<200x128xf32, #tpu.memory_space<hbm>>) target_semaphore(%run_scoped3A : memref<!tpu.dma_semaphore, #tpu.memory_space<semaphore_mem>>)
      %dma_wait3A_55 = arith.constant 0 : i32
      %dma_wait3A_56 = tpu.memref_slice %arg5[%multiple_of3A_30, %dma_wait3A_55] : memref<64000x128xf32, #tpu.memory_space<hbm>> -> memref<200x128xf32, #tpu.memory_space<hbm>>
      %dma_wait3A_57 = arith.constant 0 : i32
      %dma_wait3A_58 = tpu.memref_slice %arg5[%multiple_of3A_30, %dma_wait3A_57] : memref<64000x128xf32, #tpu.memory_space<hbm>> -> memref<200x128xf32, #tpu.memory_space<hbm>>
      tpu.wait_dma2 semaphore(%run_scoped3A : memref<!tpu.dma_semaphore, #tpu.memory_space<semaphore_mem>>) src(%arg9 : memref<200x128xf32, #tpu.memory_space<vmem>>) dst(%dma_wait3A_58 : memref<200x128xf32, #tpu.memory_space<hbm>>)
      tpu.yield
    }) : () -> ()
    "tpu.region"() ({
      %run_scoped3A = tpu.sem_alloc : memref<!tpu.dma_semaphore, #tpu.memory_space<semaphore_mem>>
      %dma_start3A_51 = arith.constant 0 : i32
      %dma_start3A_52 = tpu.memref_slice %arg6[%multiple_of3A_30, %dma_start3A_51] : memref<64000x128xf32, #tpu.memory_space<hbm>> -> memref<200x128xf32, #tpu.memory_space<hbm>>
      %dma_start3A_53 = arith.constant 0 : i32
      %dma_start3A_54 = tpu.memref_slice %arg6[%multiple_of3A_30, %dma_start3A_53] : memref<64000x128xf32, #tpu.memory_space<hbm>> -> memref<200x128xf32, #tpu.memory_space<hbm>>
      tpu.enqueue_dma source(%arg10 : memref<200x128xf32, #tpu.memory_space<vmem>>) target(%dma_start3A_54 : memref<200x128xf32, #tpu.memory_space<hbm>>) target_semaphore(%run_scoped3A : memref<!tpu.dma_semaphore, #tpu.memory_space<semaphore_mem>>)
      %dma_wait3A_55 = arith.constant 0 : i32
      %dma_wait3A_56 = tpu.memref_slice %arg6[%multiple_of3A_30, %dma_wait3A_55] : memref<64000x128xf32, #tpu.memory_space<hbm>> -> memref<200x128xf32, #tpu.memory_space<hbm>>
      %dma_wait3A_57 = arith.constant 0 : i32
      %dma_wait3A_58 = tpu.memref_slice %arg6[%multiple_of3A_30, %dma_wait3A_57] : memref<64000x128xf32, #tpu.memory_space<hbm>> -> memref<200x128xf32, #tpu.memory_space<hbm>>
      tpu.wait_dma2 semaphore(%run_scoped3A : memref<!tpu.dma_semaphore, #tpu.memory_space<semaphore_mem>>) src(%arg10 : memref<200x128xf32, #tpu.memory_space<vmem>>) dst(%dma_wait3A_58 : memref<200x128xf32, #tpu.memory_space<hbm>>)
      tpu.yield
    }) : () -> ()
    %multiple_of3A_38 = arith.constant 1800 : i32
    %multiple_of3A_39 = tpu.assume_multiple %multiple_of3A_38, 8 : i32
    %add3A_40 = arith.constant 1800 : i32
    %add3A_41 = arith.addi %mul3A_2, %add3A_40 : i32
    %multiple_of3A_42 = tpu.assume_multiple %add3A_41, 8 : i32
    %dma_wait3A_43 = tpu.memref_slice %arg7[%multiple_of3A_39] : memref<2000xi32, #tpu.memory_space<vmem>> -> memref<200xi32, #tpu.memory_space<vmem>>
    %dma_wait3A_44 = arith.constant 0 : i32
    %dma_wait3A_45 = arith.constant 0 : i32
    %dma_wait3A_46 = tpu.memref_slice %arg4[%dma_wait3A_44, %dma_wait3A_45] : memref<10000x128xf32, #tpu.memory_space<hbm>> -> memref<10000x128xf32, #tpu.memory_space<hbm>>
    tpu.wait_indirect_dma semaphore(%arg15 : memref<!tpu.dma_semaphore, #tpu.memory_space<semaphore_mem>>) src(%dma_wait3A_46 : memref<10000x128xf32, #tpu.memory_space<hbm>>) dst(%arg11 : memref<200x128xf32, #tpu.memory_space<vmem>>)
    %dma_wait3A_47 = tpu.memref_slice %arg8[%multiple_of3A_39] : memref<2000xi32, #tpu.memory_space<vmem>> -> memref<200xi32, #tpu.memory_space<vmem>>
    %dma_wait3A_48 = arith.constant 0 : i32
    %dma_wait3A_49 = arith.constant 0 : i32
    %dma_wait3A_50 = tpu.memref_slice %arg4[%dma_wait3A_48, %dma_wait3A_49] : memref<10000x128xf32, #tpu.memory_space<hbm>> -> memref<10000x128xf32, #tpu.memory_space<hbm>>
    tpu.wait_indirect_dma semaphore(%arg16 : memref<!tpu.dma_semaphore, #tpu.memory_space<semaphore_mem>>) src(%dma_wait3A_50 : memref<10000x128xf32, #tpu.memory_space<hbm>>) dst(%arg12 : memref<200x128xf32, #tpu.memory_space<vmem>>)
    "tpu.region"() ({
      %run_scoped3A = tpu.sem_alloc : memref<!tpu.dma_semaphore, #tpu.memory_space<semaphore_mem>>
      %dma_start3A_51 = arith.constant 0 : i32
      %dma_start3A_52 = tpu.memref_slice %arg5[%multiple_of3A_42, %dma_start3A_51] : memref<64000x128xf32, #tpu.memory_space<hbm>> -> memref<200x128xf32, #tpu.memory_space<hbm>>
      %dma_start3A_53 = arith.constant 0 : i32
      %dma_start3A_54 = tpu.memref_slice %arg5[%multiple_of3A_42, %dma_start3A_53] : memref<64000x128xf32, #tpu.memory_space<hbm>> -> memref<200x128xf32, #tpu.memory_space<hbm>>
      tpu.enqueue_dma source(%arg11 : memref<200x128xf32, #tpu.memory_space<vmem>>) target(%dma_start3A_54 : memref<200x128xf32, #tpu.memory_space<hbm>>) target_semaphore(%run_scoped3A : memref<!tpu.dma_semaphore, #tpu.memory_space<semaphore_mem>>)
      %dma_wait3A_55 = arith.constant 0 : i32
      %dma_wait3A_56 = tpu.memref_slice %arg5[%multiple_of3A_42, %dma_wait3A_55] : memref<64000x128xf32, #tpu.memory_space<hbm>> -> memref<200x128xf32, #tpu.memory_space<hbm>>
      %dma_wait3A_57 = arith.constant 0 : i32
      %dma_wait3A_58 = tpu.memref_slice %arg5[%multiple_of3A_42, %dma_wait3A_57] : memref<64000x128xf32, #tpu.memory_space<hbm>> -> memref<200x128xf32, #tpu.memory_space<hbm>>
      tpu.wait_dma2 semaphore(%run_scoped3A : memref<!tpu.dma_semaphore, #tpu.memory_space<semaphore_mem>>) src(%arg11 : memref<200x128xf32, #tpu.memory_space<vmem>>) dst(%dma_wait3A_58 : memref<200x128xf32, #tpu.memory_space<hbm>>)
      tpu.yield
    }) : () -> ()
    "tpu.region"() ({
      %run_scoped3A = tpu.sem_alloc : memref<!tpu.dma_semaphore, #tpu.memory_space<semaphore_mem>>
      %dma_start3A_51 = arith.constant 0 : i32
      %dma_start3A_52 = tpu.memref_slice %arg6[%multiple_of3A_42, %dma_start3A_51] : memref<64000x128xf32, #tpu.memory_space<hbm>> -> memref<200x128xf32, #tpu.memory_space<hbm>>
      %dma_start3A_53 = arith.constant 0 : i32
      %dma_start3A_54 = tpu.memref_slice %arg6[%multiple_of3A_42, %dma_start3A_53] : memref<64000x128xf32, #tpu.memory_space<hbm>> -> memref<200x128xf32, #tpu.memory_space<hbm>>
      tpu.enqueue_dma source(%arg12 : memref<200x128xf32, #tpu.memory_space<vmem>>) target(%dma_start3A_54 : memref<200x128xf32, #tpu.memory_space<hbm>>) target_semaphore(%run_scoped3A : memref<!tpu.dma_semaphore, #tpu.memory_space<semaphore_mem>>)
      %dma_wait3A_55 = arith.constant 0 : i32
      %dma_wait3A_56 = tpu.memref_slice %arg6[%multiple_of3A_42, %dma_wait3A_55] : memref<64000x128xf32, #tpu.memory_space<hbm>> -> memref<200x128xf32, #tpu.memory_space<hbm>>
      %dma_wait3A_57 = arith.constant 0 : i32
      %dma_wait3A_58 = tpu.memref_slice %arg6[%multiple_of3A_42, %dma_wait3A_57] : memref<64000x128xf32, #tpu.memory_space<hbm>> -> memref<200x128xf32, #tpu.memory_space<hbm>>
      tpu.wait_dma2 semaphore(%run_scoped3A : memref<!tpu.dma_semaphore, #tpu.memory_space<semaphore_mem>>) src(%arg12 : memref<200x128xf32, #tpu.memory_space<vmem>>) dst(%dma_wait3A_58 : memref<200x128xf32, #tpu.memory_space<hbm>>)
      tpu.yield
    }) : () -> ()
    return
  }
}

#map = affine_map<(d0, d1) -> (0)>
#map1 = affine_map<(d0, d1) -> (0, 0)>
module attributes {stable_mosaic.version = 14 : i64} {
  func.func @_pair_body(%arg0: i32, %arg1: i32, %arg2: memref<64000xi32, #tpu.memory_space<hbm>>, %arg3: memref<64000xi32, #tpu.memory_space<hbm>>, %arg4: memref<10000x128xf32, #tpu.memory_space<hbm>>, %arg5: memref<64000x128xf32, #tpu.memory_space<hbm>>, %arg6: memref<64000x128xf32, #tpu.memory_space<hbm>>, %arg7: memref<2000xi32, #tpu.memory_space<vmem>>, %arg8: memref<2000xi32, #tpu.memory_space<vmem>>, %arg9: memref<200x128xf32, #tpu.memory_space<vmem>>, %arg10: memref<200x128xf32, #tpu.memory_space<vmem>>, %arg11: memref<200x128xf32, #tpu.memory_space<vmem>>, %arg12: memref<200x128xf32, #tpu.memory_space<vmem>>, %arg13: memref<!tpu.dma_semaphore, #tpu.memory_space<semaphore_mem>>, %arg14: memref<!tpu.dma_semaphore, #tpu.memory_space<semaphore_mem>>, %arg15: memref<!tpu.dma_semaphore, #tpu.memory_space<semaphore_mem>>, %arg16: memref<!tpu.dma_semaphore, #tpu.memory_space<semaphore_mem>>) attributes {dimension_semantics = [#tpu.dimension_semantics<core_parallel>, #tpu.dimension_semantics<subcore_parallel>], iteration_bounds = array<i64: 2, 16>, scalar_prefetch = 0 : i64, scratch_operands = 10 : i64, tpu.core_type = #tpu.core_type<sc_vector_subcore>, window_params = [{transform_indices = #map}, {transform_indices = #map}, {transform_indices = #map1}, {transform_indices = #map1}, {transform_indices = #map1}]} {
    %mul3A = arith.constant 2 : i32
    %mul3A_0 = arith.muli %arg1, %mul3A : i32
    %add3A = arith.addi %mul3A_0, %arg0 : i32
    %mul3A_1 = arith.constant 2000 : i32
    %mul3A_2 = arith.muli %add3A, %mul3A_1 : i32
    "tpu.region"() ({
      %run_scoped3A = tpu.sem_alloc : memref<!tpu.dma_semaphore, #tpu.memory_space<semaphore_mem>>
      %dma_start3A_51 = tpu.memref_slice %arg2[%mul3A_2] : memref<64000xi32, #tpu.memory_space<hbm>> -> memref<2000xi32, #tpu.memory_space<hbm>>
      %dma_start3A_52 = tpu.memref_slice %arg2[%mul3A_2] : memref<64000xi32, #tpu.memory_space<hbm>> -> memref<2000xi32, #tpu.memory_space<hbm>>
      tpu.enqueue_dma source(%dma_start3A_52 : memref<2000xi32, #tpu.memory_space<hbm>>) target(%arg7 : memref<2000xi32, #tpu.memory_space<vmem>>) target_semaphore(%run_scoped3A : memref<!tpu.dma_semaphore, #tpu.memory_space<semaphore_mem>>)
      %dma_wait3A_53 = tpu.memref_slice %arg2[%mul3A_2] : memref<64000xi32, #tpu.memory_space<hbm>> -> memref<2000xi32, #tpu.memory_space<hbm>>
      %dma_wait3A_54 = tpu.memref_slice %arg2[%mul3A_2] : memref<64000xi32, #tpu.memory_space<hbm>> -> memref<2000xi32, #tpu.memory_space<hbm>>
      tpu.wait_dma2 semaphore(%run_scoped3A : memref<!tpu.dma_semaphore, #tpu.memory_space<semaphore_mem>>) src(%dma_wait3A_54 : memref<2000xi32, #tpu.memory_space<hbm>>) dst(%arg7 : memref<2000xi32, #tpu.memory_space<vmem>>)
      tpu.yield
    }) : () -> ()
    "tpu.region"() ({
      %run_scoped3A = tpu.sem_alloc : memref<!tpu.dma_semaphore, #tpu.memory_space<semaphore_mem>>
      %dma_start3A_51 = tpu.memref_slice %arg3[%mul3A_2] : memref<64000xi32, #tpu.memory_space<hbm>> -> memref<2000xi32, #tpu.memory_space<hbm>>
      %dma_start3A_52 = tpu.memref_slice %arg3[%mul3A_2] : memref<64000xi32, #tpu.memory_space<hbm>> -> memref<2000xi32, #tpu.memory_space<hbm>>
      tpu.enqueue_dma source(%dma_start3A_52 : memref<2000xi32, #tpu.memory_space<hbm>>) target(%arg8 : memref<2000xi32, #tpu.memory_space<vmem>>) target_semaphore(%run_scoped3A : memref<!tpu.dma_semaphore, #tpu.memory_space<semaphore_mem>>)
      %dma_wait3A_53 = tpu.memref_slice %arg3[%mul3A_2] : memref<64000xi32, #tpu.memory_space<hbm>> -> memref<2000xi32, #tpu.memory_space<hbm>>
      %dma_wait3A_54 = tpu.memref_slice %arg3[%mul3A_2] : memref<64000xi32, #tpu.memory_space<hbm>> -> memref<2000xi32, #tpu.memory_space<hbm>>
      tpu.wait_dma2 semaphore(%run_scoped3A : memref<!tpu.dma_semaphore, #tpu.memory_space<semaphore_mem>>) src(%dma_wait3A_54 : memref<2000xi32, #tpu.memory_space<hbm>>) dst(%arg8 : memref<2000xi32, #tpu.memory_space<vmem>>)
      tpu.yield
    }) : () -> ()
    %multiple_of3A = arith.constant 0 : i32
    %multiple_of3A_3 = tpu.assume_multiple %multiple_of3A, 8 : i32
    %dma_start3A = tpu.memref_slice %arg7[%multiple_of3A_3] : memref<2000xi32, #tpu.memory_space<vmem>> -> memref<200xi32, #tpu.memory_space<vmem>>
    %dma_start3A_4 = arith.constant 0 : i32
    %dma_start3A_5 = arith.constant 0 : i32
    %dma_start3A_6 = tpu.memref_slice %arg4[%dma_start3A_4, %dma_start3A_5] : memref<10000x128xf32, #tpu.memory_space<hbm>> -> memref<10000x128xf32, #tpu.memory_space<hbm>>
    tpu.enqueue_indirect_dma source(%dma_start3A_6 : memref<10000x128xf32, #tpu.memory_space<hbm>>) target(%arg9 : memref<200x128xf32, #tpu.memory_space<vmem>>) offsets(%dma_start3A : memref<200xi32, #tpu.memory_space<vmem>>) semaphore(%arg13 : memref<!tpu.dma_semaphore, #tpu.memory_space<semaphore_mem>>)
    %dma_start3A_7 = tpu.memref_slice %arg8[%multiple_of3A_3] : memref<2000xi32, #tpu.memory_space<vmem>> -> memref<200xi32, #tpu.memory_space<vmem>>
    %dma_start3A_8 = arith.constant 0 : i32
    %dma_start3A_9 = arith.constant 0 : i32
    %dma_start3A_10 = tpu.memref_slice %arg4[%dma_start3A_8, %dma_start3A_9] : memref<10000x128xf32, #tpu.memory_space<hbm>> -> memref<10000x128xf32, #tpu.memory_space<hbm>>
    tpu.enqueue_indirect_dma source(%dma_start3A_10 : memref<10000x128xf32, #tpu.memory_space<hbm>>) target(%arg10 : memref<200x128xf32, #tpu.memory_space<vmem>>) offsets(%dma_start3A_7 : memref<200xi32, #tpu.memory_space<vmem>>) semaphore(%arg14 : memref<!tpu.dma_semaphore, #tpu.memory_space<semaphore_mem>>)
    %scan3A = arith.constant 0 : i32
    %scan3A_11 = arith.constant 0 : i32
    %scan3A_12 = arith.constant 4 : i32
    %scan3A_13 = arith.addi %scan3A_11, %scan3A_12 : i32
    %scan3A_14 = arith.constant 1 : i32
    scf.for %scan3A_51 = %scan3A_11 to %scan3A_13 step %scan3A_14  : i32 {
      %mul3A_52 = arith.constant 2 : i32
      %mul3A_53 = arith.muli %mul3A_52, %scan3A_51 : i32
      %mul3A_54 = arith.constant 2 : i32
      %mul3A_55 = arith.muli %mul3A_54, %scan3A_51 : i32
      %add3A_56 = arith.constant 1 : i32
      %add3A_57 = arith.addi %mul3A_55, %add3A_56 : i32
      %mul3A_58 = arith.constant 2 : i32
      %mul3A_59 = arith.muli %mul3A_58, %scan3A_51 : i32
      %add3A_60 = arith.constant 2 : i32
      %add3A_61 = arith.addi %mul3A_59, %add3A_60 : i32
      %mul3A_62 = arith.constant 200 : i32
      %mul3A_63 = arith.muli %add3A_57, %mul3A_62 : i32
      %multiple_of3A_64 = tpu.assume_multiple %mul3A_63, 8 : i32
      %dma_start3A_65 = tpu.memref_slice %arg7[%multiple_of3A_64] : memref<2000xi32, #tpu.memory_space<vmem>> -> memref<200xi32, #tpu.memory_space<vmem>>
      %dma_start3A_66 = arith.constant 0 : i32
      %dma_start3A_67 = arith.constant 0 : i32
      %dma_start3A_68 = tpu.memref_slice %arg4[%dma_start3A_66, %dma_start3A_67] : memref<10000x128xf32, #tpu.memory_space<hbm>> -> memref<10000x128xf32, #tpu.memory_space<hbm>>
      tpu.enqueue_indirect_dma source(%dma_start3A_68 : memref<10000x128xf32, #tpu.memory_space<hbm>>) target(%arg11 : memref<200x128xf32, #tpu.memory_space<vmem>>) offsets(%dma_start3A_65 : memref<200xi32, #tpu.memory_space<vmem>>) semaphore(%arg15 : memref<!tpu.dma_semaphore, #tpu.memory_space<semaphore_mem>>)
      %dma_start3A_69 = tpu.memref_slice %arg8[%multiple_of3A_64] : memref<2000xi32, #tpu.memory_space<vmem>> -> memref<200xi32, #tpu.memory_space<vmem>>
      %dma_start3A_70 = arith.constant 0 : i32
      %dma_start3A_71 = arith.constant 0 : i32
      %dma_start3A_72 = tpu.memref_slice %arg4[%dma_start3A_70, %dma_start3A_71] : memref<10000x128xf32, #tpu.memory_space<hbm>> -> memref<10000x128xf32, #tpu.memory_space<hbm>>
      tpu.enqueue_indirect_dma source(%dma_start3A_72 : memref<10000x128xf32, #tpu.memory_space<hbm>>) target(%arg12 : memref<200x128xf32, #tpu.memory_space<vmem>>) offsets(%dma_start3A_69 : memref<200xi32, #tpu.memory_space<vmem>>) semaphore(%arg16 : memref<!tpu.dma_semaphore, #tpu.memory_space<semaphore_mem>>)
      %mul3A_73 = arith.constant 200 : i32
      %mul3A_74 = arith.muli %mul3A_53, %mul3A_73 : i32
      %multiple_of3A_75 = tpu.assume_multiple %mul3A_74, 8 : i32
      %mul3A_76 = arith.constant 200 : i32
      %mul3A_77 = arith.muli %mul3A_53, %mul3A_76 : i32
      %add3A_78 = arith.addi %mul3A_2, %mul3A_77 : i32
      %multiple_of3A_79 = tpu.assume_multiple %add3A_78, 8 : i32
      %dma_wait3A_80 = tpu.memref_slice %arg7[%multiple_of3A_75] : memref<2000xi32, #tpu.memory_space<vmem>> -> memref<200xi32, #tpu.memory_space<vmem>>
      %dma_wait3A_81 = arith.constant 0 : i32
      %dma_wait3A_82 = arith.constant 0 : i32
      %dma_wait3A_83 = tpu.memref_slice %arg4[%dma_wait3A_81, %dma_wait3A_82] : memref<10000x128xf32, #tpu.memory_space<hbm>> -> memref<10000x128xf32, #tpu.memory_space<hbm>>
      tpu.wait_indirect_dma semaphore(%arg13 : memref<!tpu.dma_semaphore, #tpu.memory_space<semaphore_mem>>) src(%dma_wait3A_83 : memref<10000x128xf32, #tpu.memory_space<hbm>>) dst(%arg9 : memref<200x128xf32, #tpu.memory_space<vmem>>)
      %dma_wait3A_84 = tpu.memref_slice %arg8[%multiple_of3A_75] : memref<2000xi32, #tpu.memory_space<vmem>> -> memref<200xi32, #tpu.memory_space<vmem>>
      %dma_wait3A_85 = arith.constant 0 : i32
      %dma_wait3A_86 = arith.constant 0 : i32
      %dma_wait3A_87 = tpu.memref_slice %arg4[%dma_wait3A_85, %dma_wait3A_86] : memref<10000x128xf32, #tpu.memory_space<hbm>> -> memref<10000x128xf32, #tpu.memory_space<hbm>>
      tpu.wait_indirect_dma semaphore(%arg14 : memref<!tpu.dma_semaphore, #tpu.memory_space<semaphore_mem>>) src(%dma_wait3A_87 : memref<10000x128xf32, #tpu.memory_space<hbm>>) dst(%arg10 : memref<200x128xf32, #tpu.memory_space<vmem>>)
      "tpu.region"() ({
        %run_scoped3A = tpu.sem_alloc : memref<!tpu.dma_semaphore, #tpu.memory_space<semaphore_mem>>
        %dma_start3A_114 = arith.constant 0 : i32
        %dma_start3A_115 = tpu.memref_slice %arg5[%multiple_of3A_79, %dma_start3A_114] : memref<64000x128xf32, #tpu.memory_space<hbm>> -> memref<200x128xf32, #tpu.memory_space<hbm>>
        %dma_start3A_116 = arith.constant 0 : i32
        %dma_start3A_117 = tpu.memref_slice %arg5[%multiple_of3A_79, %dma_start3A_116] : memref<64000x128xf32, #tpu.memory_space<hbm>> -> memref<200x128xf32, #tpu.memory_space<hbm>>
        tpu.enqueue_dma source(%arg9 : memref<200x128xf32, #tpu.memory_space<vmem>>) target(%dma_start3A_117 : memref<200x128xf32, #tpu.memory_space<hbm>>) target_semaphore(%run_scoped3A : memref<!tpu.dma_semaphore, #tpu.memory_space<semaphore_mem>>)
        %dma_wait3A_118 = arith.constant 0 : i32
        %dma_wait3A_119 = tpu.memref_slice %arg5[%multiple_of3A_79, %dma_wait3A_118] : memref<64000x128xf32, #tpu.memory_space<hbm>> -> memref<200x128xf32, #tpu.memory_space<hbm>>
        %dma_wait3A_120 = arith.constant 0 : i32
        %dma_wait3A_121 = tpu.memref_slice %arg5[%multiple_of3A_79, %dma_wait3A_120] : memref<64000x128xf32, #tpu.memory_space<hbm>> -> memref<200x128xf32, #tpu.memory_space<hbm>>
        tpu.wait_dma2 semaphore(%run_scoped3A : memref<!tpu.dma_semaphore, #tpu.memory_space<semaphore_mem>>) src(%arg9 : memref<200x128xf32, #tpu.memory_space<vmem>>) dst(%dma_wait3A_121 : memref<200x128xf32, #tpu.memory_space<hbm>>)
        tpu.yield
      }) : () -> ()
      "tpu.region"() ({
        %run_scoped3A = tpu.sem_alloc : memref<!tpu.dma_semaphore, #tpu.memory_space<semaphore_mem>>
        %dma_start3A_114 = arith.constant 0 : i32
        %dma_start3A_115 = tpu.memref_slice %arg6[%multiple_of3A_79, %dma_start3A_114] : memref<64000x128xf32, #tpu.memory_space<hbm>> -> memref<200x128xf32, #tpu.memory_space<hbm>>
        %dma_start3A_116 = arith.constant 0 : i32
        %dma_start3A_117 = tpu.memref_slice %arg6[%multiple_of3A_79, %dma_start3A_116] : memref<64000x128xf32, #tpu.memory_space<hbm>> -> memref<200x128xf32, #tpu.memory_space<hbm>>
        tpu.enqueue_dma source(%arg10 : memref<200x128xf32, #tpu.memory_space<vmem>>) target(%dma_start3A_117 : memref<200x128xf32, #tpu.memory_space<hbm>>) target_semaphore(%run_scoped3A : memref<!tpu.dma_semaphore, #tpu.memory_space<semaphore_mem>>)
        %dma_wait3A_118 = arith.constant 0 : i32
        %dma_wait3A_119 = tpu.memref_slice %arg6[%multiple_of3A_79, %dma_wait3A_118] : memref<64000x128xf32, #tpu.memory_space<hbm>> -> memref<200x128xf32, #tpu.memory_space<hbm>>
        %dma_wait3A_120 = arith.constant 0 : i32
        %dma_wait3A_121 = tpu.memref_slice %arg6[%multiple_of3A_79, %dma_wait3A_120] : memref<64000x128xf32, #tpu.memory_space<hbm>> -> memref<200x128xf32, #tpu.memory_space<hbm>>
        tpu.wait_dma2 semaphore(%run_scoped3A : memref<!tpu.dma_semaphore, #tpu.memory_space<semaphore_mem>>) src(%arg10 : memref<200x128xf32, #tpu.memory_space<vmem>>) dst(%dma_wait3A_121 : memref<200x128xf32, #tpu.memory_space<hbm>>)
        tpu.yield
      }) : () -> ()
      %mul3A_88 = arith.constant 200 : i32
      %mul3A_89 = arith.muli %add3A_61, %mul3A_88 : i32
      %multiple_of3A_90 = tpu.assume_multiple %mul3A_89, 8 : i32
      %dma_start3A_91 = tpu.memref_slice %arg7[%multiple_of3A_90] : memref<2000xi32, #tpu.memory_space<vmem>> -> memref<200xi32, #tpu.memory_space<vmem>>
      %dma_start3A_92 = arith.constant 0 : i32
      %dma_start3A_93 = arith.constant 0 : i32
      %dma_start3A_94 = tpu.memref_slice %arg4[%dma_start3A_92, %dma_start3A_93] : memref<10000x128xf32, #tpu.memory_space<hbm>> -> memref<10000x128xf32, #tpu.memory_space<hbm>>
      tpu.enqueue_indirect_dma source(%dma_start3A_94 : memref<10000x128xf32, #tpu.memory_space<hbm>>) target(%arg9 : memref<200x128xf32, #tpu.memory_space<vmem>>) offsets(%dma_start3A_91 : memref<200xi32, #tpu.memory_space<vmem>>) semaphore(%arg13 : memref<!tpu.dma_semaphore, #tpu.memory_space<semaphore_mem>>)
      %dma_start3A_95 = tpu.memref_slice %arg8[%multiple_of3A_90] : memref<2000xi32, #tpu.memory_space<vmem>> -> memref<200xi32, #tpu.memory_space<vmem>>
      %dma_start3A_96 = arith.constant 0 : i32
      %dma_start3A_97 = arith.constant 0 : i32
      %dma_start3A_98 = tpu.memref_slice %arg4[%dma_start3A_96, %dma_start3A_97] : memref<10000x128xf32, #tpu.memory_space<hbm>> -> memref<10000x128xf32, #tpu.memory_space<hbm>>
      tpu.enqueue_indirect_dma source(%dma_start3A_98 : memref<10000x128xf32, #tpu.memory_space<hbm>>) target(%arg10 : memref<200x128xf32, #tpu.memory_space<vmem>>) offsets(%dma_start3A_95 : memref<200xi32, #tpu.memory_space<vmem>>) semaphore(%arg14 : memref<!tpu.dma_semaphore, #tpu.memory_space<semaphore_mem>>)
      %mul3A_99 = arith.constant 200 : i32
      %mul3A_100 = arith.muli %add3A_57, %mul3A_99 : i32
      %multiple_of3A_101 = tpu.assume_multiple %mul3A_100, 8 : i32
      %mul3A_102 = arith.constant 200 : i32
      %mul3A_103 = arith.muli %add3A_57, %mul3A_102 : i32
      %add3A_104 = arith.addi %mul3A_2, %mul3A_103 : i32
      %multiple_of3A_105 = tpu.assume_multiple %add3A_104, 8 : i32
      %dma_wait3A_106 = tpu.memref_slice %arg7[%multiple_of3A_101] : memref<2000xi32, #tpu.memory_space<vmem>> -> memref<200xi32, #tpu.memory_space<vmem>>
      %dma_wait3A_107 = arith.constant 0 : i32
      %dma_wait3A_108 = arith.constant 0 : i32
      %dma_wait3A_109 = tpu.memref_slice %arg4[%dma_wait3A_107, %dma_wait3A_108] : memref<10000x128xf32, #tpu.memory_space<hbm>> -> memref<10000x128xf32, #tpu.memory_space<hbm>>
      tpu.wait_indirect_dma semaphore(%arg15 : memref<!tpu.dma_semaphore, #tpu.memory_space<semaphore_mem>>) src(%dma_wait3A_109 : memref<10000x128xf32, #tpu.memory_space<hbm>>) dst(%arg11 : memref<200x128xf32, #tpu.memory_space<vmem>>)
      %dma_wait3A_110 = tpu.memref_slice %arg8[%multiple_of3A_101] : memref<2000xi32, #tpu.memory_space<vmem>> -> memref<200xi32, #tpu.memory_space<vmem>>
      %dma_wait3A_111 = arith.constant 0 : i32
      %dma_wait3A_112 = arith.constant 0 : i32
      %dma_wait3A_113 = tpu.memref_slice %arg4[%dma_wait3A_111, %dma_wait3A_112] : memref<10000x128xf32, #tpu.memory_space<hbm>> -> memref<10000x128xf32, #tpu.memory_space<hbm>>
      tpu.wait_indirect_dma semaphore(%arg16 : memref<!tpu.dma_semaphore, #tpu.memory_space<semaphore_mem>>) src(%dma_wait3A_113 : memref<10000x128xf32, #tpu.memory_space<hbm>>) dst(%arg12 : memref<200x128xf32, #tpu.memory_space<vmem>>)
      "tpu.region"() ({
        %run_scoped3A = tpu.sem_alloc : memref<!tpu.dma_semaphore, #tpu.memory_space<semaphore_mem>>
        %dma_start3A_114 = arith.constant 0 : i32
        %dma_start3A_115 = tpu.memref_slice %arg5[%multiple_of3A_105, %dma_start3A_114] : memref<64000x128xf32, #tpu.memory_space<hbm>> -> memref<200x128xf32, #tpu.memory_space<hbm>>
        %dma_start3A_116 = arith.constant 0 : i32
        %dma_start3A_117 = tpu.memref_slice %arg5[%multiple_of3A_105, %dma_start3A_116] : memref<64000x128xf32, #tpu.memory_space<hbm>> -> memref<200x128xf32, #tpu.memory_space<hbm>>
        tpu.enqueue_dma source(%arg11 : memref<200x128xf32, #tpu.memory_space<vmem>>) target(%dma_start3A_117 : memref<200x128xf32, #tpu.memory_space<hbm>>) target_semaphore(%run_scoped3A : memref<!tpu.dma_semaphore, #tpu.memory_space<semaphore_mem>>)
        %dma_wait3A_118 = arith.constant 0 : i32
        %dma_wait3A_119 = tpu.memref_slice %arg5[%multiple_of3A_105, %dma_wait3A_118] : memref<64000x128xf32, #tpu.memory_space<hbm>> -> memref<200x128xf32, #tpu.memory_space<hbm>>
        %dma_wait3A_120 = arith.constant 0 : i32
        %dma_wait3A_121 = tpu.memref_slice %arg5[%multiple_of3A_105, %dma_wait3A_120] : memref<64000x128xf32, #tpu.memory_space<hbm>> -> memref<200x128xf32, #tpu.memory_space<hbm>>
        tpu.wait_dma2 semaphore(%run_scoped3A : memref<!tpu.dma_semaphore, #tpu.memory_space<semaphore_mem>>) src(%arg11 : memref<200x128xf32, #tpu.memory_space<vmem>>) dst(%dma_wait3A_121 : memref<200x128xf32, #tpu.memory_space<hbm>>)
        tpu.yield
      }) : () -> ()
      "tpu.region"() ({
        %run_scoped3A = tpu.sem_alloc : memref<!tpu.dma_semaphore, #tpu.memory_space<semaphore_mem>>
        %dma_start3A_114 = arith.constant 0 : i32
        %dma_start3A_115 = tpu.memref_slice %arg6[%multiple_of3A_105, %dma_start3A_114] : memref<64000x128xf32, #tpu.memory_space<hbm>> -> memref<200x128xf32, #tpu.memory_space<hbm>>
        %dma_start3A_116 = arith.constant 0 : i32
        %dma_start3A_117 = tpu.memref_slice %arg6[%multiple_of3A_105, %dma_start3A_116] : memref<64000x128xf32, #tpu.memory_space<hbm>> -> memref<200x128xf32, #tpu.memory_space<hbm>>
        tpu.enqueue_dma source(%arg12 : memref<200x128xf32, #tpu.memory_space<vmem>>) target(%dma_start3A_117 : memref<200x128xf32, #tpu.memory_space<hbm>>) target_semaphore(%run_scoped3A : memref<!tpu.dma_semaphore, #tpu.memory_space<semaphore_mem>>)
        %dma_wait3A_118 = arith.constant 0 : i32
        %dma_wait3A_119 = tpu.memref_slice %arg6[%multiple_of3A_105, %dma_wait3A_118] : memref<64000x128xf32, #tpu.memory_space<hbm>> -> memref<200x128xf32, #tpu.memory_space<hbm>>
        %dma_wait3A_120 = arith.constant 0 : i32
        %dma_wait3A_121 = tpu.memref_slice %arg6[%multiple_of3A_105, %dma_wait3A_120] : memref<64000x128xf32, #tpu.memory_space<hbm>> -> memref<200x128xf32, #tpu.memory_space<hbm>>
        tpu.wait_dma2 semaphore(%run_scoped3A : memref<!tpu.dma_semaphore, #tpu.memory_space<semaphore_mem>>) src(%arg12 : memref<200x128xf32, #tpu.memory_space<vmem>>) dst(%dma_wait3A_121 : memref<200x128xf32, #tpu.memory_space<hbm>>)
        tpu.yield
      }) : () -> ()
    }
    %scan3A_15 = arith.constant 4 : i32
    %multiple_of3A_16 = arith.constant 1800 : i32
    %multiple_of3A_17 = tpu.assume_multiple %multiple_of3A_16, 8 : i32
    %dma_start3A_18 = tpu.memref_slice %arg7[%multiple_of3A_17] : memref<2000xi32, #tpu.memory_space<vmem>> -> memref<200xi32, #tpu.memory_space<vmem>>
    %dma_start3A_19 = arith.constant 0 : i32
    %dma_start3A_20 = arith.constant 0 : i32
    %dma_start3A_21 = tpu.memref_slice %arg4[%dma_start3A_19, %dma_start3A_20] : memref<10000x128xf32, #tpu.memory_space<hbm>> -> memref<10000x128xf32, #tpu.memory_space<hbm>>
    tpu.enqueue_indirect_dma source(%dma_start3A_21 : memref<10000x128xf32, #tpu.memory_space<hbm>>) target(%arg11 : memref<200x128xf32, #tpu.memory_space<vmem>>) offsets(%dma_start3A_18 : memref<200xi32, #tpu.memory_space<vmem>>) semaphore(%arg15 : memref<!tpu.dma_semaphore, #tpu.memory_space<semaphore_mem>>)
    %dma_start3A_22 = tpu.memref_slice %arg8[%multiple_of3A_17] : memref<2000xi32, #tpu.memory_space<vmem>> -> memref<200xi32, #tpu.memory_space<vmem>>
    %dma_start3A_23 = arith.constant 0 : i32
    %dma_start3A_24 = arith.constant 0 : i32
    %dma_start3A_25 = tpu.memref_slice %arg4[%dma_start3A_23, %dma_start3A_24] : memref<10000x128xf32, #tpu.memory_space<hbm>> -> memref<10000x128xf32, #tpu.memory_space<hbm>>
    tpu.enqueue_indirect_dma source(%dma_start3A_25 : memref<10000x128xf32, #tpu.memory_space<hbm>>) target(%arg12 : memref<200x128xf32, #tpu.memory_space<vmem>>) offsets(%dma_start3A_22 : memref<200xi32, #tpu.memory_space<vmem>>) semaphore(%arg16 : memref<!tpu.dma_semaphore, #tpu.memory_space<semaphore_mem>>)
    %multiple_of3A_26 = arith.constant 1600 : i32
    %multiple_of3A_27 = tpu.assume_multiple %multiple_of3A_26, 8 : i32
    %add3A_28 = arith.constant 1600 : i32
    %add3A_29 = arith.addi %mul3A_2, %add3A_28 : i32
    %multiple_of3A_30 = tpu.assume_multiple %add3A_29, 8 : i32
    %dma_wait3A = tpu.memref_slice %arg7[%multiple_of3A_27] : memref<2000xi32, #tpu.memory_space<vmem>> -> memref<200xi32, #tpu.memory_space<vmem>>
    %dma_wait3A_31 = arith.constant 0 : i32
    %dma_wait3A_32 = arith.constant 0 : i32
    %dma_wait3A_33 = tpu.memref_slice %arg4[%dma_wait3A_31, %dma_wait3A_32] : memref<10000x128xf32, #tpu.memory_space<hbm>> -> memref<10000x128xf32, #tpu.memory_space<hbm>>
    tpu.wait_indirect_dma semaphore(%arg13 : memref<!tpu.dma_semaphore, #tpu.memory_space<semaphore_mem>>) src(%dma_wait3A_33 : memref<10000x128xf32, #tpu.memory_space<hbm>>) dst(%arg9 : memref<200x128xf32, #tpu.memory_space<vmem>>)
    %dma_wait3A_34 = tpu.memref_slice %arg8[%multiple_of3A_27] : memref<2000xi32, #tpu.memory_space<vmem>> -> memref<200xi32, #tpu.memory_space<vmem>>
    %dma_wait3A_35 = arith.constant 0 : i32
    %dma_wait3A_36 = arith.constant 0 : i32
    %dma_wait3A_37 = tpu.memref_slice %arg4[%dma_wait3A_35, %dma_wait3A_36] : memref<10000x128xf32, #tpu.memory_space<hbm>> -> memref<10000x128xf32, #tpu.memory_space<hbm>>
    tpu.wait_indirect_dma semaphore(%arg14 : memref<!tpu.dma_semaphore, #tpu.memory_space<semaphore_mem>>) src(%dma_wait3A_37 : memref<10000x128xf32, #tpu.memory_space<hbm>>) dst(%arg10 : memref<200x128xf32, #tpu.memory_space<vmem>>)
    "tpu.region"() ({
      %run_scoped3A = tpu.sem_alloc : memref<!tpu.dma_semaphore, #tpu.memory_space<semaphore_mem>>
      %dma_start3A_51 = arith.constant 0 : i32
      %dma_start3A_52 = tpu.memref_slice %arg5[%multiple_of3A_30, %dma_start3A_51] : memref<64000x128xf32, #tpu.memory_space<hbm>> -> memref<200x128xf32, #tpu.memory_space<hbm>>
      %dma_start3A_53 = arith.constant 0 : i32
      %dma_start3A_54 = tpu.memref_slice %arg5[%multiple_of3A_30, %dma_start3A_53] : memref<64000x128xf32, #tpu.memory_space<hbm>> -> memref<200x128xf32, #tpu.memory_space<hbm>>
      tpu.enqueue_dma source(%arg9 : memref<200x128xf32, #tpu.memory_space<vmem>>) target(%dma_start3A_54 : memref<200x128xf32, #tpu.memory_space<hbm>>) target_semaphore(%run_scoped3A : memref<!tpu.dma_semaphore, #tpu.memory_space<semaphore_mem>>)
      %dma_wait3A_55 = arith.constant 0 : i32
      %dma_wait3A_56 = tpu.memref_slice %arg5[%multiple_of3A_30, %dma_wait3A_55] : memref<64000x128xf32, #tpu.memory_space<hbm>> -> memref<200x128xf32, #tpu.memory_space<hbm>>
      %dma_wait3A_57 = arith.constant 0 : i32
      %dma_wait3A_58 = tpu.memref_slice %arg5[%multiple_of3A_30, %dma_wait3A_57] : memref<64000x128xf32, #tpu.memory_space<hbm>> -> memref<200x128xf32, #tpu.memory_space<hbm>>
      tpu.wait_dma2 semaphore(%run_scoped3A : memref<!tpu.dma_semaphore, #tpu.memory_space<semaphore_mem>>) src(%arg9 : memref<200x128xf32, #tpu.memory_space<vmem>>) dst(%dma_wait3A_58 : memref<200x128xf32, #tpu.memory_space<hbm>>)
      tpu.yield
    }) : () -> ()
    "tpu.region"() ({
      %run_scoped3A = tpu.sem_alloc : memref<!tpu.dma_semaphore, #tpu.memory_space<semaphore_mem>>
      %dma_start3A_51 = arith.constant 0 : i32
      %dma_start3A_52 = tpu.memref_slice %arg6[%multiple_of3A_30, %dma_start3A_51] : memref<64000x128xf32, #tpu.memory_space<hbm>> -> memref<200x128xf32, #tpu.memory_space<hbm>>
      %dma_start3A_53 = arith.constant 0 : i32
      %dma_start3A_54 = tpu.memref_slice %arg6[%multiple_of3A_30, %dma_start3A_53] : memref<64000x128xf32, #tpu.memory_space<hbm>> -> memref<200x128xf32, #tpu.memory_space<hbm>>
      tpu.enqueue_dma source(%arg10 : memref<200x128xf32, #tpu.memory_space<vmem>>) target(%dma_start3A_54 : memref<200x128xf32, #tpu.memory_space<hbm>>) target_semaphore(%run_scoped3A : memref<!tpu.dma_semaphore, #tpu.memory_space<semaphore_mem>>)
      %dma_wait3A_55 = arith.constant 0 : i32
      %dma_wait3A_56 = tpu.memref_slice %arg6[%multiple_of3A_30, %dma_wait3A_55] : memref<64000x128xf32, #tpu.memory_space<hbm>> -> memref<200x128xf32, #tpu.memory_space<hbm>>
      %dma_wait3A_57 = arith.constant 0 : i32
      %dma_wait3A_58 = tpu.memref_slice %arg6[%multiple_of3A_30, %dma_wait3A_57] : memref<64000x128xf32, #tpu.memory_space<hbm>> -> memref<200x128xf32, #tpu.memory_space<hbm>>
      tpu.wait_dma2 semaphore(%run_scoped3A : memref<!tpu.dma_semaphore, #tpu.memory_space<semaphore_mem>>) src(%arg10 : memref<200x128xf32, #tpu.memory_space<vmem>>) dst(%dma_wait3A_58 : memref<200x128xf32, #tpu.memory_space<hbm>>)
      tpu.yield
    }) : () -> ()
    %multiple_of3A_38 = arith.constant 1800 : i32
    %multiple_of3A_39 = tpu.assume_multiple %multiple_of3A_38, 8 : i32
    %add3A_40 = arith.constant 1800 : i32
    %add3A_41 = arith.addi %mul3A_2, %add3A_40 : i32
    %multiple_of3A_42 = tpu.assume_multiple %add3A_41, 8 : i32
    %dma_wait3A_43 = tpu.memref_slice %arg7[%multiple_of3A_39] : memref<2000xi32, #tpu.memory_space<vmem>> -> memref<200xi32, #tpu.memory_space<vmem>>
    %dma_wait3A_44 = arith.constant 0 : i32
    %dma_wait3A_45 = arith.constant 0 : i32
    %dma_wait3A_46 = tpu.memref_slice %arg4[%dma_wait3A_44, %dma_wait3A_45] : memref<10000x128xf32, #tpu.memory_space<hbm>> -> memref<10000x128xf32, #tpu.memory_space<hbm>>
    tpu.wait_indirect_dma semaphore(%arg15 : memref<!tpu.dma_semaphore, #tpu.memory_space<semaphore_mem>>) src(%dma_wait3A_46 : memref<10000x128xf32, #tpu.memory_space<hbm>>) dst(%arg11 : memref<200x128xf32, #tpu.memory_space<vmem>>)
    %dma_wait3A_47 = tpu.memref_slice %arg8[%multiple_of3A_39] : memref<2000xi32, #tpu.memory_space<vmem>> -> memref<200xi32, #tpu.memory_space<vmem>>
    %dma_wait3A_48 = arith.constant 0 : i32
    %dma_wait3A_49 = arith.constant 0 : i32
    %dma_wait3A_50 = tpu.memref_slice %arg4[%dma_wait3A_48, %dma_wait3A_49] : memref<10000x128xf32, #tpu.memory_space<hbm>> -> memref<10000x128xf32, #tpu.memory_space<hbm>>
    tpu.wait_indirect_dma semaphore(%arg16 : memref<!tpu.dma_semaphore, #tpu.memory_space<semaphore_mem>>) src(%dma_wait3A_50 : memref<10000x128xf32, #tpu.memory_space<hbm>>) dst(%arg12 : memref<200x128xf32, #tpu.memory_space<vmem>>)
    "tpu.region"() ({
      %run_scoped3A = tpu.sem_alloc : memref<!tpu.dma_semaphore, #tpu.memory_space<semaphore_mem>>
      %dma_start3A_51 = arith.constant 0 : i32
      %dma_start3A_52 = tpu.memref_slice %arg5[%multiple_of3A_42, %dma_start3A_51] : memref<64000x128xf32, #tpu.memory_space<hbm>> -> memref<200x128xf32, #tpu.memory_space<hbm>>
      %dma_start3A_53 = arith.constant 0 : i32
      %dma_start3A_54 = tpu.memref_slice %arg5[%multiple_of3A_42, %dma_start3A_53] : memref<64000x128xf32, #tpu.memory_space<hbm>> -> memref<200x128xf32, #tpu.memory_space<hbm>>
      tpu.enqueue_dma source(%arg11 : memref<200x128xf32, #tpu.memory_space<vmem>>) target(%dma_start3A_54 : memref<200x128xf32, #tpu.memory_space<hbm>>) target_semaphore(%run_scoped3A : memref<!tpu.dma_semaphore, #tpu.memory_space<semaphore_mem>>)
      %dma_wait3A_55 = arith.constant 0 : i32
      %dma_wait3A_56 = tpu.memref_slice %arg5[%multiple_of3A_42, %dma_wait3A_55] : memref<64000x128xf32, #tpu.memory_space<hbm>> -> memref<200x128xf32, #tpu.memory_space<hbm>>
      %dma_wait3A_57 = arith.constant 0 : i32
      %dma_wait3A_58 = tpu.memref_slice %arg5[%multiple_of3A_42, %dma_wait3A_57] : memref<64000x128xf32, #tpu.memory_space<hbm>> -> memref<200x128xf32, #tpu.memory_space<hbm>>
      tpu.wait_dma2 semaphore(%run_scoped3A : memref<!tpu.dma_semaphore, #tpu.memory_space<semaphore_mem>>) src(%arg11 : memref<200x128xf32, #tpu.memory_space<vmem>>) dst(%dma_wait3A_58 : memref<200x128xf32, #tpu.memory_space<hbm>>)
      tpu.yield
    }) : () -> ()
    "tpu.region"() ({
      %run_scoped3A = tpu.sem_alloc : memref<!tpu.dma_semaphore, #tpu.memory_space<semaphore_mem>>
      %dma_start3A_51 = arith.constant 0 : i32
      %dma_start3A_52 = tpu.memref_slice %arg6[%multiple_of3A_42, %dma_start3A_51] : memref<64000x128xf32, #tpu.memory_space<hbm>> -> memref<200x128xf32, #tpu.memory_space<hbm>>
      %dma_start3A_53 = arith.constant 0 : i32
      %dma_start3A_54 = tpu.memref_slice %arg6[%multiple_of3A_42, %dma_start3A_53] : memref<64000x128xf32, #tpu.memory_space<hbm>> -> memref<200x128xf32, #tpu.memory_space<hbm>>
      tpu.enqueue_dma source(%arg12 : memref<200x128xf32, #tpu.memory_space<vmem>>) target(%dma_start3A_54 : memref<200x128xf32, #tpu.memory_space<hbm>>) target_semaphore(%run_scoped3A : memref<!tpu.dma_semaphore, #tpu.memory_space<semaphore_mem>>)
      %dma_wait3A_55 = arith.constant 0 : i32
      %dma_wait3A_56 = tpu.memref_slice %arg6[%multiple_of3A_42, %dma_wait3A_55] : memref<64000x128xf32, #tpu.memory_space<hbm>> -> memref<200x128xf32, #tpu.memory_space<hbm>>
      %dma_wait3A_57 = arith.constant 0 : i32
      %dma_wait3A_58 = tpu.memref_slice %arg6[%multiple_of3A_42, %dma_wait3A_57] : memref<64000x128xf32, #tpu.memory_space<hbm>> -> memref<200x128xf32, #tpu.memory_space<hbm>>
      tpu.wait_dma2 semaphore(%run_scoped3A : memref<!tpu.dma_semaphore, #tpu.memory_space<semaphore_mem>>) src(%arg12 : memref<200x128xf32, #tpu.memory_space<vmem>>) dst(%dma_wait3A_58 : memref<200x128xf32, #tpu.memory_space<hbm>>)
      tpu.yield
    }) : () -> ()
    return
  }
}

#map = affine_map<(d0, d1) -> (0)>
#map1 = affine_map<(d0, d1) -> (0, 0)>
module attributes {stable_mosaic.version = 14 : i64} {
  func.func @_pair_body(%arg0: i32, %arg1: i32, %arg2: memref<64000xi32, #tpu.memory_space<hbm>>, %arg3: memref<64000xi32, #tpu.memory_space<hbm>>, %arg4: memref<10000x128xf32, #tpu.memory_space<hbm>>, %arg5: memref<64000x128xf32, #tpu.memory_space<hbm>>, %arg6: memref<64000x128xf32, #tpu.memory_space<hbm>>, %arg7: memref<2000xi32, #tpu.memory_space<vmem>>, %arg8: memref<2000xi32, #tpu.memory_space<vmem>>, %arg9: memref<200x128xf32, #tpu.memory_space<vmem>>, %arg10: memref<200x128xf32, #tpu.memory_space<vmem>>, %arg11: memref<200x128xf32, #tpu.memory_space<vmem>>, %arg12: memref<200x128xf32, #tpu.memory_space<vmem>>, %arg13: memref<!tpu.dma_semaphore, #tpu.memory_space<semaphore_mem>>, %arg14: memref<!tpu.dma_semaphore, #tpu.memory_space<semaphore_mem>>, %arg15: memref<!tpu.dma_semaphore, #tpu.memory_space<semaphore_mem>>, %arg16: memref<!tpu.dma_semaphore, #tpu.memory_space<semaphore_mem>>) attributes {dimension_semantics = [#tpu.dimension_semantics<core_parallel>, #tpu.dimension_semantics<subcore_parallel>], iteration_bounds = array<i64: 2, 16>, scalar_prefetch = 0 : i64, scratch_operands = 10 : i64, tpu.core_type = #tpu.core_type<sc_vector_subcore>, window_params = [{transform_indices = #map}, {transform_indices = #map}, {transform_indices = #map1}, {transform_indices = #map1}, {transform_indices = #map1}]} {
    %mul3A = arith.constant 2 : i32
    %mul3A_0 = arith.muli %arg1, %mul3A : i32
    %add3A = arith.addi %mul3A_0, %arg0 : i32
    %mul3A_1 = arith.constant 2000 : i32
    %mul3A_2 = arith.muli %add3A, %mul3A_1 : i32
    "tpu.region"() ({
      %run_scoped3A = tpu.sem_alloc : memref<!tpu.dma_semaphore, #tpu.memory_space<semaphore_mem>>
      %dma_start3A_51 = tpu.memref_slice %arg2[%mul3A_2] : memref<64000xi32, #tpu.memory_space<hbm>> -> memref<2000xi32, #tpu.memory_space<hbm>>
      %dma_start3A_52 = tpu.memref_slice %arg2[%mul3A_2] : memref<64000xi32, #tpu.memory_space<hbm>> -> memref<2000xi32, #tpu.memory_space<hbm>>
      tpu.enqueue_dma source(%dma_start3A_52 : memref<2000xi32, #tpu.memory_space<hbm>>) target(%arg7 : memref<2000xi32, #tpu.memory_space<vmem>>) target_semaphore(%run_scoped3A : memref<!tpu.dma_semaphore, #tpu.memory_space<semaphore_mem>>)
      %dma_wait3A_53 = tpu.memref_slice %arg2[%mul3A_2] : memref<64000xi32, #tpu.memory_space<hbm>> -> memref<2000xi32, #tpu.memory_space<hbm>>
      %dma_wait3A_54 = tpu.memref_slice %arg2[%mul3A_2] : memref<64000xi32, #tpu.memory_space<hbm>> -> memref<2000xi32, #tpu.memory_space<hbm>>
      tpu.wait_dma2 semaphore(%run_scoped3A : memref<!tpu.dma_semaphore, #tpu.memory_space<semaphore_mem>>) src(%dma_wait3A_54 : memref<2000xi32, #tpu.memory_space<hbm>>) dst(%arg7 : memref<2000xi32, #tpu.memory_space<vmem>>)
      tpu.yield
    }) : () -> ()
    "tpu.region"() ({
      %run_scoped3A = tpu.sem_alloc : memref<!tpu.dma_semaphore, #tpu.memory_space<semaphore_mem>>
      %dma_start3A_51 = tpu.memref_slice %arg3[%mul3A_2] : memref<64000xi32, #tpu.memory_space<hbm>> -> memref<2000xi32, #tpu.memory_space<hbm>>
      %dma_start3A_52 = tpu.memref_slice %arg3[%mul3A_2] : memref<64000xi32, #tpu.memory_space<hbm>> -> memref<2000xi32, #tpu.memory_space<hbm>>
      tpu.enqueue_dma source(%dma_start3A_52 : memref<2000xi32, #tpu.memory_space<hbm>>) target(%arg8 : memref<2000xi32, #tpu.memory_space<vmem>>) target_semaphore(%run_scoped3A : memref<!tpu.dma_semaphore, #tpu.memory_space<semaphore_mem>>)
      %dma_wait3A_53 = tpu.memref_slice %arg3[%mul3A_2] : memref<64000xi32, #tpu.memory_space<hbm>> -> memref<2000xi32, #tpu.memory_space<hbm>>
      %dma_wait3A_54 = tpu.memref_slice %arg3[%mul3A_2] : memref<64000xi32, #tpu.memory_space<hbm>> -> memref<2000xi32, #tpu.memory_space<hbm>>
      tpu.wait_dma2 semaphore(%run_scoped3A : memref<!tpu.dma_semaphore, #tpu.memory_space<semaphore_mem>>) src(%dma_wait3A_54 : memref<2000xi32, #tpu.memory_space<hbm>>) dst(%arg8 : memref<2000xi32, #tpu.memory_space<vmem>>)
      tpu.yield
    }) : () -> ()
    %multiple_of3A = arith.constant 0 : i32
    %multiple_of3A_3 = tpu.assume_multiple %multiple_of3A, 8 : i32
    %dma_start3A = tpu.memref_slice %arg7[%multiple_of3A_3] : memref<2000xi32, #tpu.memory_space<vmem>> -> memref<200xi32, #tpu.memory_space<vmem>>
    %dma_start3A_4 = arith.constant 0 : i32
    %dma_start3A_5 = arith.constant 0 : i32
    %dma_start3A_6 = tpu.memref_slice %arg4[%dma_start3A_4, %dma_start3A_5] : memref<10000x128xf32, #tpu.memory_space<hbm>> -> memref<10000x128xf32, #tpu.memory_space<hbm>>
    tpu.enqueue_indirect_dma source(%dma_start3A_6 : memref<10000x128xf32, #tpu.memory_space<hbm>>) target(%arg9 : memref<200x128xf32, #tpu.memory_space<vmem>>) offsets(%dma_start3A : memref<200xi32, #tpu.memory_space<vmem>>) semaphore(%arg13 : memref<!tpu.dma_semaphore, #tpu.memory_space<semaphore_mem>>)
    %dma_start3A_7 = tpu.memref_slice %arg8[%multiple_of3A_3] : memref<2000xi32, #tpu.memory_space<vmem>> -> memref<200xi32, #tpu.memory_space<vmem>>
    %dma_start3A_8 = arith.constant 0 : i32
    %dma_start3A_9 = arith.constant 0 : i32
    %dma_start3A_10 = tpu.memref_slice %arg4[%dma_start3A_8, %dma_start3A_9] : memref<10000x128xf32, #tpu.memory_space<hbm>> -> memref<10000x128xf32, #tpu.memory_space<hbm>>
    tpu.enqueue_indirect_dma source(%dma_start3A_10 : memref<10000x128xf32, #tpu.memory_space<hbm>>) target(%arg10 : memref<200x128xf32, #tpu.memory_space<vmem>>) offsets(%dma_start3A_7 : memref<200xi32, #tpu.memory_space<vmem>>) semaphore(%arg14 : memref<!tpu.dma_semaphore, #tpu.memory_space<semaphore_mem>>)
    %scan3A = arith.constant 0 : i32
    %scan3A_11 = arith.constant 0 : i32
    %scan3A_12 = arith.constant 4 : i32
    %scan3A_13 = arith.addi %scan3A_11, %scan3A_12 : i32
    %scan3A_14 = arith.constant 1 : i32
    scf.for %scan3A_51 = %scan3A_11 to %scan3A_13 step %scan3A_14  : i32 {
      %mul3A_52 = arith.constant 2 : i32
      %mul3A_53 = arith.muli %mul3A_52, %scan3A_51 : i32
      %mul3A_54 = arith.constant 2 : i32
      %mul3A_55 = arith.muli %mul3A_54, %scan3A_51 : i32
      %add3A_56 = arith.constant 1 : i32
      %add3A_57 = arith.addi %mul3A_55, %add3A_56 : i32
      %mul3A_58 = arith.constant 2 : i32
      %mul3A_59 = arith.muli %mul3A_58, %scan3A_51 : i32
      %add3A_60 = arith.constant 2 : i32
      %add3A_61 = arith.addi %mul3A_59, %add3A_60 : i32
      %mul3A_62 = arith.constant 200 : i32
      %mul3A_63 = arith.muli %add3A_57, %mul3A_62 : i32
      %multiple_of3A_64 = tpu.assume_multiple %mul3A_63, 8 : i32
      %dma_start3A_65 = tpu.memref_slice %arg7[%multiple_of3A_64] : memref<2000xi32, #tpu.memory_space<vmem>> -> memref<200xi32, #tpu.memory_space<vmem>>
      %dma_start3A_66 = arith.constant 0 : i32
      %dma_start3A_67 = arith.constant 0 : i32
      %dma_start3A_68 = tpu.memref_slice %arg4[%dma_start3A_66, %dma_start3A_67] : memref<10000x128xf32, #tpu.memory_space<hbm>> -> memref<10000x128xf32, #tpu.memory_space<hbm>>
      tpu.enqueue_indirect_dma source(%dma_start3A_68 : memref<10000x128xf32, #tpu.memory_space<hbm>>) target(%arg11 : memref<200x128xf32, #tpu.memory_space<vmem>>) offsets(%dma_start3A_65 : memref<200xi32, #tpu.memory_space<vmem>>) semaphore(%arg15 : memref<!tpu.dma_semaphore, #tpu.memory_space<semaphore_mem>>)
      %dma_start3A_69 = tpu.memref_slice %arg8[%multiple_of3A_64] : memref<2000xi32, #tpu.memory_space<vmem>> -> memref<200xi32, #tpu.memory_space<vmem>>
      %dma_start3A_70 = arith.constant 0 : i32
      %dma_start3A_71 = arith.constant 0 : i32
      %dma_start3A_72 = tpu.memref_slice %arg4[%dma_start3A_70, %dma_start3A_71] : memref<10000x128xf32, #tpu.memory_space<hbm>> -> memref<10000x128xf32, #tpu.memory_space<hbm>>
      tpu.enqueue_indirect_dma source(%dma_start3A_72 : memref<10000x128xf32, #tpu.memory_space<hbm>>) target(%arg12 : memref<200x128xf32, #tpu.memory_space<vmem>>) offsets(%dma_start3A_69 : memref<200xi32, #tpu.memory_space<vmem>>) semaphore(%arg16 : memref<!tpu.dma_semaphore, #tpu.memory_space<semaphore_mem>>)
      %mul3A_73 = arith.constant 200 : i32
      %mul3A_74 = arith.muli %mul3A_53, %mul3A_73 : i32
      %multiple_of3A_75 = tpu.assume_multiple %mul3A_74, 8 : i32
      %mul3A_76 = arith.constant 200 : i32
      %mul3A_77 = arith.muli %mul3A_53, %mul3A_76 : i32
      %add3A_78 = arith.addi %mul3A_2, %mul3A_77 : i32
      %multiple_of3A_79 = tpu.assume_multiple %add3A_78, 8 : i32
      %dma_wait3A_80 = tpu.memref_slice %arg7[%multiple_of3A_75] : memref<2000xi32, #tpu.memory_space<vmem>> -> memref<200xi32, #tpu.memory_space<vmem>>
      %dma_wait3A_81 = arith.constant 0 : i32
      %dma_wait3A_82 = arith.constant 0 : i32
      %dma_wait3A_83 = tpu.memref_slice %arg4[%dma_wait3A_81, %dma_wait3A_82] : memref<10000x128xf32, #tpu.memory_space<hbm>> -> memref<10000x128xf32, #tpu.memory_space<hbm>>
      tpu.wait_indirect_dma semaphore(%arg13 : memref<!tpu.dma_semaphore, #tpu.memory_space<semaphore_mem>>) src(%dma_wait3A_83 : memref<10000x128xf32, #tpu.memory_space<hbm>>) dst(%arg9 : memref<200x128xf32, #tpu.memory_space<vmem>>)
      %dma_wait3A_84 = tpu.memref_slice %arg8[%multiple_of3A_75] : memref<2000xi32, #tpu.memory_space<vmem>> -> memref<200xi32, #tpu.memory_space<vmem>>
      %dma_wait3A_85 = arith.constant 0 : i32
      %dma_wait3A_86 = arith.constant 0 : i32
      %dma_wait3A_87 = tpu.memref_slice %arg4[%dma_wait3A_85, %dma_wait3A_86] : memref<10000x128xf32, #tpu.memory_space<hbm>> -> memref<10000x128xf32, #tpu.memory_space<hbm>>
      tpu.wait_indirect_dma semaphore(%arg14 : memref<!tpu.dma_semaphore, #tpu.memory_space<semaphore_mem>>) src(%dma_wait3A_87 : memref<10000x128xf32, #tpu.memory_space<hbm>>) dst(%arg10 : memref<200x128xf32, #tpu.memory_space<vmem>>)
      "tpu.region"() ({
        %run_scoped3A = tpu.sem_alloc : memref<!tpu.dma_semaphore, #tpu.memory_space<semaphore_mem>>
        %dma_start3A_114 = arith.constant 0 : i32
        %dma_start3A_115 = tpu.memref_slice %arg5[%multiple_of3A_79, %dma_start3A_114] : memref<64000x128xf32, #tpu.memory_space<hbm>> -> memref<200x128xf32, #tpu.memory_space<hbm>>
        %dma_start3A_116 = arith.constant 0 : i32
        %dma_start3A_117 = tpu.memref_slice %arg5[%multiple_of3A_79, %dma_start3A_116] : memref<64000x128xf32, #tpu.memory_space<hbm>> -> memref<200x128xf32, #tpu.memory_space<hbm>>
        tpu.enqueue_dma source(%arg9 : memref<200x128xf32, #tpu.memory_space<vmem>>) target(%dma_start3A_117 : memref<200x128xf32, #tpu.memory_space<hbm>>) target_semaphore(%run_scoped3A : memref<!tpu.dma_semaphore, #tpu.memory_space<semaphore_mem>>)
        %dma_wait3A_118 = arith.constant 0 : i32
        %dma_wait3A_119 = tpu.memref_slice %arg5[%multiple_of3A_79, %dma_wait3A_118] : memref<64000x128xf32, #tpu.memory_space<hbm>> -> memref<200x128xf32, #tpu.memory_space<hbm>>
        %dma_wait3A_120 = arith.constant 0 : i32
        %dma_wait3A_121 = tpu.memref_slice %arg5[%multiple_of3A_79, %dma_wait3A_120] : memref<64000x128xf32, #tpu.memory_space<hbm>> -> memref<200x128xf32, #tpu.memory_space<hbm>>
        tpu.wait_dma2 semaphore(%run_scoped3A : memref<!tpu.dma_semaphore, #tpu.memory_space<semaphore_mem>>) src(%arg9 : memref<200x128xf32, #tpu.memory_space<vmem>>) dst(%dma_wait3A_121 : memref<200x128xf32, #tpu.memory_space<hbm>>)
        tpu.yield
      }) : () -> ()
      "tpu.region"() ({
        %run_scoped3A = tpu.sem_alloc : memref<!tpu.dma_semaphore, #tpu.memory_space<semaphore_mem>>
        %dma_start3A_114 = arith.constant 0 : i32
        %dma_start3A_115 = tpu.memref_slice %arg6[%multiple_of3A_79, %dma_start3A_114] : memref<64000x128xf32, #tpu.memory_space<hbm>> -> memref<200x128xf32, #tpu.memory_space<hbm>>
        %dma_start3A_116 = arith.constant 0 : i32
        %dma_start3A_117 = tpu.memref_slice %arg6[%multiple_of3A_79, %dma_start3A_116] : memref<64000x128xf32, #tpu.memory_space<hbm>> -> memref<200x128xf32, #tpu.memory_space<hbm>>
        tpu.enqueue_dma source(%arg10 : memref<200x128xf32, #tpu.memory_space<vmem>>) target(%dma_start3A_117 : memref<200x128xf32, #tpu.memory_space<hbm>>) target_semaphore(%run_scoped3A : memref<!tpu.dma_semaphore, #tpu.memory_space<semaphore_mem>>)
        %dma_wait3A_118 = arith.constant 0 : i32
        %dma_wait3A_119 = tpu.memref_slice %arg6[%multiple_of3A_79, %dma_wait3A_118] : memref<64000x128xf32, #tpu.memory_space<hbm>> -> memref<200x128xf32, #tpu.memory_space<hbm>>
        %dma_wait3A_120 = arith.constant 0 : i32
        %dma_wait3A_121 = tpu.memref_slice %arg6[%multiple_of3A_79, %dma_wait3A_120] : memref<64000x128xf32, #tpu.memory_space<hbm>> -> memref<200x128xf32, #tpu.memory_space<hbm>>
        tpu.wait_dma2 semaphore(%run_scoped3A : memref<!tpu.dma_semaphore, #tpu.memory_space<semaphore_mem>>) src(%arg10 : memref<200x128xf32, #tpu.memory_space<vmem>>) dst(%dma_wait3A_121 : memref<200x128xf32, #tpu.memory_space<hbm>>)
        tpu.yield
      }) : () -> ()
      %mul3A_88 = arith.constant 200 : i32
      %mul3A_89 = arith.muli %add3A_61, %mul3A_88 : i32
      %multiple_of3A_90 = tpu.assume_multiple %mul3A_89, 8 : i32
      %dma_start3A_91 = tpu.memref_slice %arg7[%multiple_of3A_90] : memref<2000xi32, #tpu.memory_space<vmem>> -> memref<200xi32, #tpu.memory_space<vmem>>
      %dma_start3A_92 = arith.constant 0 : i32
      %dma_start3A_93 = arith.constant 0 : i32
      %dma_start3A_94 = tpu.memref_slice %arg4[%dma_start3A_92, %dma_start3A_93] : memref<10000x128xf32, #tpu.memory_space<hbm>> -> memref<10000x128xf32, #tpu.memory_space<hbm>>
      tpu.enqueue_indirect_dma source(%dma_start3A_94 : memref<10000x128xf32, #tpu.memory_space<hbm>>) target(%arg9 : memref<200x128xf32, #tpu.memory_space<vmem>>) offsets(%dma_start3A_91 : memref<200xi32, #tpu.memory_space<vmem>>) semaphore(%arg13 : memref<!tpu.dma_semaphore, #tpu.memory_space<semaphore_mem>>)
      %dma_start3A_95 = tpu.memref_slice %arg8[%multiple_of3A_90] : memref<2000xi32, #tpu.memory_space<vmem>> -> memref<200xi32, #tpu.memory_space<vmem>>
      %dma_start3A_96 = arith.constant 0 : i32
      %dma_start3A_97 = arith.constant 0 : i32
      %dma_start3A_98 = tpu.memref_slice %arg4[%dma_start3A_96, %dma_start3A_97] : memref<10000x128xf32, #tpu.memory_space<hbm>> -> memref<10000x128xf32, #tpu.memory_space<hbm>>
      tpu.enqueue_indirect_dma source(%dma_start3A_98 : memref<10000x128xf32, #tpu.memory_space<hbm>>) target(%arg10 : memref<200x128xf32, #tpu.memory_space<vmem>>) offsets(%dma_start3A_95 : memref<200xi32, #tpu.memory_space<vmem>>) semaphore(%arg14 : memref<!tpu.dma_semaphore, #tpu.memory_space<semaphore_mem>>)
      %mul3A_99 = arith.constant 200 : i32
      %mul3A_100 = arith.muli %add3A_57, %mul3A_99 : i32
      %multiple_of3A_101 = tpu.assume_multiple %mul3A_100, 8 : i32
      %mul3A_102 = arith.constant 200 : i32
      %mul3A_103 = arith.muli %add3A_57, %mul3A_102 : i32
      %add3A_104 = arith.addi %mul3A_2, %mul3A_103 : i32
      %multiple_of3A_105 = tpu.assume_multiple %add3A_104, 8 : i32
      %dma_wait3A_106 = tpu.memref_slice %arg7[%multiple_of3A_101] : memref<2000xi32, #tpu.memory_space<vmem>> -> memref<200xi32, #tpu.memory_space<vmem>>
      %dma_wait3A_107 = arith.constant 0 : i32
      %dma_wait3A_108 = arith.constant 0 : i32
      %dma_wait3A_109 = tpu.memref_slice %arg4[%dma_wait3A_107, %dma_wait3A_108] : memref<10000x128xf32, #tpu.memory_space<hbm>> -> memref<10000x128xf32, #tpu.memory_space<hbm>>
      tpu.wait_indirect_dma semaphore(%arg15 : memref<!tpu.dma_semaphore, #tpu.memory_space<semaphore_mem>>) src(%dma_wait3A_109 : memref<10000x128xf32, #tpu.memory_space<hbm>>) dst(%arg11 : memref<200x128xf32, #tpu.memory_space<vmem>>)
      %dma_wait3A_110 = tpu.memref_slice %arg8[%multiple_of3A_101] : memref<2000xi32, #tpu.memory_space<vmem>> -> memref<200xi32, #tpu.memory_space<vmem>>
      %dma_wait3A_111 = arith.constant 0 : i32
      %dma_wait3A_112 = arith.constant 0 : i32
      %dma_wait3A_113 = tpu.memref_slice %arg4[%dma_wait3A_111, %dma_wait3A_112] : memref<10000x128xf32, #tpu.memory_space<hbm>> -> memref<10000x128xf32, #tpu.memory_space<hbm>>
      tpu.wait_indirect_dma semaphore(%arg16 : memref<!tpu.dma_semaphore, #tpu.memory_space<semaphore_mem>>) src(%dma_wait3A_113 : memref<10000x128xf32, #tpu.memory_space<hbm>>) dst(%arg12 : memref<200x128xf32, #tpu.memory_space<vmem>>)
      "tpu.region"() ({
        %run_scoped3A = tpu.sem_alloc : memref<!tpu.dma_semaphore, #tpu.memory_space<semaphore_mem>>
        %dma_start3A_114 = arith.constant 0 : i32
        %dma_start3A_115 = tpu.memref_slice %arg5[%multiple_of3A_105, %dma_start3A_114] : memref<64000x128xf32, #tpu.memory_space<hbm>> -> memref<200x128xf32, #tpu.memory_space<hbm>>
        %dma_start3A_116 = arith.constant 0 : i32
        %dma_start3A_117 = tpu.memref_slice %arg5[%multiple_of3A_105, %dma_start3A_116] : memref<64000x128xf32, #tpu.memory_space<hbm>> -> memref<200x128xf32, #tpu.memory_space<hbm>>
        tpu.enqueue_dma source(%arg11 : memref<200x128xf32, #tpu.memory_space<vmem>>) target(%dma_start3A_117 : memref<200x128xf32, #tpu.memory_space<hbm>>) target_semaphore(%run_scoped3A : memref<!tpu.dma_semaphore, #tpu.memory_space<semaphore_mem>>)
        %dma_wait3A_118 = arith.constant 0 : i32
        %dma_wait3A_119 = tpu.memref_slice %arg5[%multiple_of3A_105, %dma_wait3A_118] : memref<64000x128xf32, #tpu.memory_space<hbm>> -> memref<200x128xf32, #tpu.memory_space<hbm>>
        %dma_wait3A_120 = arith.constant 0 : i32
        %dma_wait3A_121 = tpu.memref_slice %arg5[%multiple_of3A_105, %dma_wait3A_120] : memref<64000x128xf32, #tpu.memory_space<hbm>> -> memref<200x128xf32, #tpu.memory_space<hbm>>
        tpu.wait_dma2 semaphore(%run_scoped3A : memref<!tpu.dma_semaphore, #tpu.memory_space<semaphore_mem>>) src(%arg11 : memref<200x128xf32, #tpu.memory_space<vmem>>) dst(%dma_wait3A_121 : memref<200x128xf32, #tpu.memory_space<hbm>>)
        tpu.yield
      }) : () -> ()
      "tpu.region"() ({
        %run_scoped3A = tpu.sem_alloc : memref<!tpu.dma_semaphore, #tpu.memory_space<semaphore_mem>>
        %dma_start3A_114 = arith.constant 0 : i32
        %dma_start3A_115 = tpu.memref_slice %arg6[%multiple_of3A_105, %dma_start3A_114] : memref<64000x128xf32, #tpu.memory_space<hbm>> -> memref<200x128xf32, #tpu.memory_space<hbm>>
        %dma_start3A_116 = arith.constant 0 : i32
        %dma_start3A_117 = tpu.memref_slice %arg6[%multiple_of3A_105, %dma_start3A_116] : memref<64000x128xf32, #tpu.memory_space<hbm>> -> memref<200x128xf32, #tpu.memory_space<hbm>>
        tpu.enqueue_dma source(%arg12 : memref<200x128xf32, #tpu.memory_space<vmem>>) target(%dma_start3A_117 : memref<200x128xf32, #tpu.memory_space<hbm>>) target_semaphore(%run_scoped3A : memref<!tpu.dma_semaphore, #tpu.memory_space<semaphore_mem>>)
        %dma_wait3A_118 = arith.constant 0 : i32
        %dma_wait3A_119 = tpu.memref_slice %arg6[%multiple_of3A_105, %dma_wait3A_118] : memref<64000x128xf32, #tpu.memory_space<hbm>> -> memref<200x128xf32, #tpu.memory_space<hbm>>
        %dma_wait3A_120 = arith.constant 0 : i32
        %dma_wait3A_121 = tpu.memref_slice %arg6[%multiple_of3A_105, %dma_wait3A_120] : memref<64000x128xf32, #tpu.memory_space<hbm>> -> memref<200x128xf32, #tpu.memory_space<hbm>>
        tpu.wait_dma2 semaphore(%run_scoped3A : memref<!tpu.dma_semaphore, #tpu.memory_space<semaphore_mem>>) src(%arg12 : memref<200x128xf32, #tpu.memory_space<vmem>>) dst(%dma_wait3A_121 : memref<200x128xf32, #tpu.memory_space<hbm>>)
        tpu.yield
      }) : () -> ()
    }
    %scan3A_15 = arith.constant 4 : i32
    %multiple_of3A_16 = arith.constant 1800 : i32
    %multiple_of3A_17 = tpu.assume_multiple %multiple_of3A_16, 8 : i32
    %dma_start3A_18 = tpu.memref_slice %arg7[%multiple_of3A_17] : memref<2000xi32, #tpu.memory_space<vmem>> -> memref<200xi32, #tpu.memory_space<vmem>>
    %dma_start3A_19 = arith.constant 0 : i32
    %dma_start3A_20 = arith.constant 0 : i32
    %dma_start3A_21 = tpu.memref_slice %arg4[%dma_start3A_19, %dma_start3A_20] : memref<10000x128xf32, #tpu.memory_space<hbm>> -> memref<10000x128xf32, #tpu.memory_space<hbm>>
    tpu.enqueue_indirect_dma source(%dma_start3A_21 : memref<10000x128xf32, #tpu.memory_space<hbm>>) target(%arg11 : memref<200x128xf32, #tpu.memory_space<vmem>>) offsets(%dma_start3A_18 : memref<200xi32, #tpu.memory_space<vmem>>) semaphore(%arg15 : memref<!tpu.dma_semaphore, #tpu.memory_space<semaphore_mem>>)
    %dma_start3A_22 = tpu.memref_slice %arg8[%multiple_of3A_17] : memref<2000xi32, #tpu.memory_space<vmem>> -> memref<200xi32, #tpu.memory_space<vmem>>
    %dma_start3A_23 = arith.constant 0 : i32
    %dma_start3A_24 = arith.constant 0 : i32
    %dma_start3A_25 = tpu.memref_slice %arg4[%dma_start3A_23, %dma_start3A_24] : memref<10000x128xf32, #tpu.memory_space<hbm>> -> memref<10000x128xf32, #tpu.memory_space<hbm>>
    tpu.enqueue_indirect_dma source(%dma_start3A_25 : memref<10000x128xf32, #tpu.memory_space<hbm>>) target(%arg12 : memref<200x128xf32, #tpu.memory_space<vmem>>) offsets(%dma_start3A_22 : memref<200xi32, #tpu.memory_space<vmem>>) semaphore(%arg16 : memref<!tpu.dma_semaphore, #tpu.memory_space<semaphore_mem>>)
    %multiple_of3A_26 = arith.constant 1600 : i32
    %multiple_of3A_27 = tpu.assume_multiple %multiple_of3A_26, 8 : i32
    %add3A_28 = arith.constant 1600 : i32
    %add3A_29 = arith.addi %mul3A_2, %add3A_28 : i32
    %multiple_of3A_30 = tpu.assume_multiple %add3A_29, 8 : i32
    %dma_wait3A = tpu.memref_slice %arg7[%multiple_of3A_27] : memref<2000xi32, #tpu.memory_space<vmem>> -> memref<200xi32, #tpu.memory_space<vmem>>
    %dma_wait3A_31 = arith.constant 0 : i32
    %dma_wait3A_32 = arith.constant 0 : i32
    %dma_wait3A_33 = tpu.memref_slice %arg4[%dma_wait3A_31, %dma_wait3A_32] : memref<10000x128xf32, #tpu.memory_space<hbm>> -> memref<10000x128xf32, #tpu.memory_space<hbm>>
    tpu.wait_indirect_dma semaphore(%arg13 : memref<!tpu.dma_semaphore, #tpu.memory_space<semaphore_mem>>) src(%dma_wait3A_33 : memref<10000x128xf32, #tpu.memory_space<hbm>>) dst(%arg9 : memref<200x128xf32, #tpu.memory_space<vmem>>)
    %dma_wait3A_34 = tpu.memref_slice %arg8[%multiple_of3A_27] : memref<2000xi32, #tpu.memory_space<vmem>> -> memref<200xi32, #tpu.memory_space<vmem>>
    %dma_wait3A_35 = arith.constant 0 : i32
    %dma_wait3A_36 = arith.constant 0 : i32
    %dma_wait3A_37 = tpu.memref_slice %arg4[%dma_wait3A_35, %dma_wait3A_36] : memref<10000x128xf32, #tpu.memory_space<hbm>> -> memref<10000x128xf32, #tpu.memory_space<hbm>>
    tpu.wait_indirect_dma semaphore(%arg14 : memref<!tpu.dma_semaphore, #tpu.memory_space<semaphore_mem>>) src(%dma_wait3A_37 : memref<10000x128xf32, #tpu.memory_space<hbm>>) dst(%arg10 : memref<200x128xf32, #tpu.memory_space<vmem>>)
    "tpu.region"() ({
      %run_scoped3A = tpu.sem_alloc : memref<!tpu.dma_semaphore, #tpu.memory_space<semaphore_mem>>
      %dma_start3A_51 = arith.constant 0 : i32
      %dma_start3A_52 = tpu.memref_slice %arg5[%multiple_of3A_30, %dma_start3A_51] : memref<64000x128xf32, #tpu.memory_space<hbm>> -> memref<200x128xf32, #tpu.memory_space<hbm>>
      %dma_start3A_53 = arith.constant 0 : i32
      %dma_start3A_54 = tpu.memref_slice %arg5[%multiple_of3A_30, %dma_start3A_53] : memref<64000x128xf32, #tpu.memory_space<hbm>> -> memref<200x128xf32, #tpu.memory_space<hbm>>
      tpu.enqueue_dma source(%arg9 : memref<200x128xf32, #tpu.memory_space<vmem>>) target(%dma_start3A_54 : memref<200x128xf32, #tpu.memory_space<hbm>>) target_semaphore(%run_scoped3A : memref<!tpu.dma_semaphore, #tpu.memory_space<semaphore_mem>>)
      %dma_wait3A_55 = arith.constant 0 : i32
      %dma_wait3A_56 = tpu.memref_slice %arg5[%multiple_of3A_30, %dma_wait3A_55] : memref<64000x128xf32, #tpu.memory_space<hbm>> -> memref<200x128xf32, #tpu.memory_space<hbm>>
      %dma_wait3A_57 = arith.constant 0 : i32
      %dma_wait3A_58 = tpu.memref_slice %arg5[%multiple_of3A_30, %dma_wait3A_57] : memref<64000x128xf32, #tpu.memory_space<hbm>> -> memref<200x128xf32, #tpu.memory_space<hbm>>
      tpu.wait_dma2 semaphore(%run_scoped3A : memref<!tpu.dma_semaphore, #tpu.memory_space<semaphore_mem>>) src(%arg9 : memref<200x128xf32, #tpu.memory_space<vmem>>) dst(%dma_wait3A_58 : memref<200x128xf32, #tpu.memory_space<hbm>>)
      tpu.yield
    }) : () -> ()
    "tpu.region"() ({
      %run_scoped3A = tpu.sem_alloc : memref<!tpu.dma_semaphore, #tpu.memory_space<semaphore_mem>>
      %dma_start3A_51 = arith.constant 0 : i32
      %dma_start3A_52 = tpu.memref_slice %arg6[%multiple_of3A_30, %dma_start3A_51] : memref<64000x128xf32, #tpu.memory_space<hbm>> -> memref<200x128xf32, #tpu.memory_space<hbm>>
      %dma_start3A_53 = arith.constant 0 : i32
      %dma_start3A_54 = tpu.memref_slice %arg6[%multiple_of3A_30, %dma_start3A_53] : memref<64000x128xf32, #tpu.memory_space<hbm>> -> memref<200x128xf32, #tpu.memory_space<hbm>>
      tpu.enqueue_dma source(%arg10 : memref<200x128xf32, #tpu.memory_space<vmem>>) target(%dma_start3A_54 : memref<200x128xf32, #tpu.memory_space<hbm>>) target_semaphore(%run_scoped3A : memref<!tpu.dma_semaphore, #tpu.memory_space<semaphore_mem>>)
      %dma_wait3A_55 = arith.constant 0 : i32
      %dma_wait3A_56 = tpu.memref_slice %arg6[%multiple_of3A_30, %dma_wait3A_55] : memref<64000x128xf32, #tpu.memory_space<hbm>> -> memref<200x128xf32, #tpu.memory_space<hbm>>
      %dma_wait3A_57 = arith.constant 0 : i32
      %dma_wait3A_58 = tpu.memref_slice %arg6[%multiple_of3A_30, %dma_wait3A_57] : memref<64000x128xf32, #tpu.memory_space<hbm>> -> memref<200x128xf32, #tpu.memory_space<hbm>>
      tpu.wait_dma2 semaphore(%run_scoped3A : memref<!tpu.dma_semaphore, #tpu.memory_space<semaphore_mem>>) src(%arg10 : memref<200x128xf32, #tpu.memory_space<vmem>>) dst(%dma_wait3A_58 : memref<200x128xf32, #tpu.memory_space<hbm>>)
      tpu.yield
    }) : () -> ()
    %multiple_of3A_38 = arith.constant 1800 : i32
    %multiple_of3A_39 = tpu.assume_multiple %multiple_of3A_38, 8 : i32
    %add3A_40 = arith.constant 1800 : i32
    %add3A_41 = arith.addi %mul3A_2, %add3A_40 : i32
    %multiple_of3A_42 = tpu.assume_multiple %add3A_41, 8 : i32
    %dma_wait3A_43 = tpu.memref_slice %arg7[%multiple_of3A_39] : memref<2000xi32, #tpu.memory_space<vmem>> -> memref<200xi32, #tpu.memory_space<vmem>>
    %dma_wait3A_44 = arith.constant 0 : i32
    %dma_wait3A_45 = arith.constant 0 : i32
    %dma_wait3A_46 = tpu.memref_slice %arg4[%dma_wait3A_44, %dma_wait3A_45] : memref<10000x128xf32, #tpu.memory_space<hbm>> -> memref<10000x128xf32, #tpu.memory_space<hbm>>
    tpu.wait_indirect_dma semaphore(%arg15 : memref<!tpu.dma_semaphore, #tpu.memory_space<semaphore_mem>>) src(%dma_wait3A_46 : memref<10000x128xf32, #tpu.memory_space<hbm>>) dst(%arg11 : memref<200x128xf32, #tpu.memory_space<vmem>>)
    %dma_wait3A_47 = tpu.memref_slice %arg8[%multiple_of3A_39] : memref<2000xi32, #tpu.memory_space<vmem>> -> memref<200xi32, #tpu.memory_space<vmem>>
    %dma_wait3A_48 = arith.constant 0 : i32
    %dma_wait3A_49 = arith.constant 0 : i32
    %dma_wait3A_50 = tpu.memref_slice %arg4[%dma_wait3A_48, %dma_wait3A_49] : memref<10000x128xf32, #tpu.memory_space<hbm>> -> memref<10000x128xf32, #tpu.memory_space<hbm>>
    tpu.wait_indirect_dma semaphore(%arg16 : memref<!tpu.dma_semaphore, #tpu.memory_space<semaphore_mem>>) src(%dma_wait3A_50 : memref<10000x128xf32, #tpu.memory_space<hbm>>) dst(%arg12 : memref<200x128xf32, #tpu.memory_space<vmem>>)
    "tpu.region"() ({
      %run_scoped3A = tpu.sem_alloc : memref<!tpu.dma_semaphore, #tpu.memory_space<semaphore_mem>>
      %dma_start3A_51 = arith.constant 0 : i32
      %dma_start3A_52 = tpu.memref_slice %arg5[%multiple_of3A_42, %dma_start3A_51] : memref<64000x128xf32, #tpu.memory_space<hbm>> -> memref<200x128xf32, #tpu.memory_space<hbm>>
      %dma_start3A_53 = arith.constant 0 : i32
      %dma_start3A_54 = tpu.memref_slice %arg5[%multiple_of3A_42, %dma_start3A_53] : memref<64000x128xf32, #tpu.memory_space<hbm>> -> memref<200x128xf32, #tpu.memory_space<hbm>>
      tpu.enqueue_dma source(%arg11 : memref<200x128xf32, #tpu.memory_space<vmem>>) target(%dma_start3A_54 : memref<200x128xf32, #tpu.memory_space<hbm>>) target_semaphore(%run_scoped3A : memref<!tpu.dma_semaphore, #tpu.memory_space<semaphore_mem>>)
      %dma_wait3A_55 = arith.constant 0 : i32
      %dma_wait3A_56 = tpu.memref_slice %arg5[%multiple_of3A_42, %dma_wait3A_55] : memref<64000x128xf32, #tpu.memory_space<hbm>> -> memref<200x128xf32, #tpu.memory_space<hbm>>
      %dma_wait3A_57 = arith.constant 0 : i32
      %dma_wait3A_58 = tpu.memref_slice %arg5[%multiple_of3A_42, %dma_wait3A_57] : memref<64000x128xf32, #tpu.memory_space<hbm>> -> memref<200x128xf32, #tpu.memory_space<hbm>>
      tpu.wait_dma2 semaphore(%run_scoped3A : memref<!tpu.dma_semaphore, #tpu.memory_space<semaphore_mem>>) src(%arg11 : memref<200x128xf32, #tpu.memory_space<vmem>>) dst(%dma_wait3A_58 : memref<200x128xf32, #tpu.memory_space<hbm>>)
      tpu.yield
    }) : () -> ()
    "tpu.region"() ({
      %run_scoped3A = tpu.sem_alloc : memref<!tpu.dma_semaphore, #tpu.memory_space<semaphore_mem>>
      %dma_start3A_51 = arith.constant 0 : i32
      %dma_start3A_52 = tpu.memref_slice %arg6[%multiple_of3A_42, %dma_start3A_51] : memref<64000x128xf32, #tpu.memory_space<hbm>> -> memref<200x128xf32, #tpu.memory_space<hbm>>
      %dma_start3A_53 = arith.constant 0 : i32
      %dma_start3A_54 = tpu.memref_slice %arg6[%multiple_of3A_42, %dma_start3A_53] : memref<64000x128xf32, #tpu.memory_space<hbm>> -> memref<200x128xf32, #tpu.memory_space<hbm>>
      tpu.enqueue_dma source(%arg12 : memref<200x128xf32, #tpu.memory_space<vmem>>) target(%dma_start3A_54 : memref<200x128xf32, #tpu.memory_space<hbm>>) target_semaphore(%run_scoped3A : memref<!tpu.dma_semaphore, #tpu.memory_space<semaphore_mem>>)
      %dma_wait3A_55 = arith.constant 0 : i32
      %dma_wait3A_56 = tpu.memref_slice %arg6[%multiple_of3A_42, %dma_wait3A_55] : memref<64000x128xf32, #tpu.memory_space<hbm>> -> memref<200x128xf32, #tpu.memory_space<hbm>>
      %dma_wait3A_57 = arith.constant 0 : i32
      %dma_wait3A_58 = tpu.memref_slice %arg6[%multiple_of3A_42, %dma_wait3A_57] : memref<64000x128xf32, #tpu.memory_space<hbm>> -> memref<200x128xf32, #tpu.memory_space<hbm>>
      tpu.wait_dma2 semaphore(%run_scoped3A : memref<!tpu.dma_semaphore, #tpu.memory_space<semaphore_mem>>) src(%arg12 : memref<200x128xf32, #tpu.memory_space<vmem>>) dst(%dma_wait3A_58 : memref<200x128xf32, #tpu.memory_space<hbm>>)
      tpu.yield
    }) : () -> ()
    return
  }
}

module attributes {stable_mosaic.version = 14 : i64} {
  func.func @_tc1_body(%arg0: i32, %arg1: memref<1000x128xf32, #tpu.memory_space<vmem>>, %arg2: memref<128x128xf32, #tpu.memory_space<vmem>>, %arg3: memref<2x1000x1xf32, #tpu.memory_space<vmem>>, %arg4: memref<1000x128xf32, #tpu.memory_space<vmem>>) attributes {dimension_semantics = [#tpu.dimension_semantics<arbitrary>], iteration_bounds = array<i64: 10>, scalar_prefetch = 0 : i64, scratch_operands = 0 : i64, tpu.core_type = #tpu.core_type<tc>, window_params = [{transform_indices = @transform_0, window_bounds = array<i64: 1000, 128>}, {pipeline_mode = #tpu.pipeline_mode<synchronous>, transform_indices = @transform_1, window_bounds = array<i64: 128, 128>}, {transform_indices = @transform_2, window_bounds = array<i64: 2, 1000, 1>}, {transform_indices = @transform_3, window_bounds = array<i64: 1000, 128>}]} {
    %get3A = arith.constant 0 : index
    %get3A_0 = arith.constant 0 : index
    %get3A_1 = vector.load %arg1[%get3A, %get3A_0] : memref<1000x128xf32, #tpu.memory_space<vmem>>, vector<1000x128xf32>
    %get3A_2 = arith.constant 0 : index
    %get3A_3 = arith.constant 0 : index
    %get3A_4 = vector.load %arg2[%get3A_2, %get3A_3] : memref<128x128xf32, #tpu.memory_space<vmem>>, vector<128x128xf32>
    %dot_general3A = arith.constant dense<0.000000e+00> : vector<1000x128xf32>
    %dot_general3A_5 = tpu.matmul %get3A_1, %get3A_4, %dot_general3A {dimension_numbers = #tpu.dot_dimension_numbers<[1], [0], [0], [1], [0, 0, 1, 1], [], []>, transpose_lhs_hint = false} : vector<1000x128xf32>, vector<128x128xf32>, vector<1000x128xf32> -> vector<1000x128xf32>
    %get3A_6 = arith.constant 0 : index
    %get3A_7 = arith.constant 0 : index
    %get3A_8 = arith.constant 0 : index
    %get3A_9 = vector.load %arg3[%get3A_6, %get3A_7, %get3A_8] : memref<2x1000x1xf32, #tpu.memory_space<vmem>>, vector<2x1000x1xf32>
    %slice3A = vector.extract_strided_slice %get3A_9 {offsets = [0, 0, 0], sizes = [1, 1000, 1], strides = [1, 1, 1]} : vector<2x1000x1xf32> to vector<1x1000x1xf32>
    %squeeze3A = vector.shape_cast %slice3A : vector<1x1000x1xf32> to vector<1000x1xf32>
    %add3A = arith.constant 1.000000e+00 : f32
    %add3A_10 = vector.broadcast %add3A : f32 to vector<1000x1xf32>
    %add3A_11 = arith.addf %add3A_10, %squeeze3A : vector<1000x1xf32>
    %slice3A_12 = vector.extract_strided_slice %get3A_9 {offsets = [1, 0, 0], sizes = [1, 1000, 1], strides = [1, 1, 1]} : vector<2x1000x1xf32> to vector<1x1000x1xf32>
    %squeeze3A_13 = vector.shape_cast %slice3A_12 : vector<1x1000x1xf32> to vector<1000x1xf32>
    %add3A_14 = arith.addf %add3A_11, %squeeze3A_13 : vector<1000x1xf32>
    %rsqrt3A = math.rsqrt %add3A_14 : vector<1000x1xf32>
    %mul3A = vector.broadcast %rsqrt3A : vector<1000x1xf32> to vector<1000x128xf32>
    %mul3A_15 = arith.mulf %mul3A, %dot_general3A_5 : vector<1000x128xf32>
    %swap3A = arith.constant 0 : index
    %swap3A_16 = arith.constant 0 : index
    %swap3A_17 = vector.load %arg4[%swap3A, %swap3A_16] : memref<1000x128xf32, #tpu.memory_space<vmem>>, vector<1000x128xf32>
    tpu.vector_store %arg4[%swap3A, %swap3A_16], %mul3A_15 {strides = array<i32>} : memref<1000x128xf32, #tpu.memory_space<vmem>>, vector<1000x128xf32>,
    return
  }
  func.func @transform_0(%arg0: i32) -> (i32, i32) {
    %c0_i32 = arith.constant 0 : i32
    %c0_i32_0 = arith.constant 0 : i32
    return %arg0, %c0_i32 : i32, i32
  }
  func.func @transform_1(%arg0: i32) -> (i32, i32) {
    %c0_i32 = arith.constant 0 : i32
    %c0_i32_0 = arith.constant 0 : i32
    %c0_i32_1 = arith.constant 0 : i32
    return %c0_i32, %c0_i32_0 : i32, i32
  }
  func.func @transform_2(%arg0: i32) -> (i32, i32, i32) {
    %c0_i32 = arith.constant 0 : i32
    %c0_i32_0 = arith.constant 0 : i32
    %c0_i32_1 = arith.constant 0 : i32
    return %c0_i32, %arg0, %c0_i32_0 : i32, i32, i32
  }
  func.func @transform_3(%arg0: i32) -> (i32, i32) {
    %c0_i32 = arith.constant 0 : i32
    %c0_i32_0 = arith.constant 0 : i32
    return %arg0, %c0_i32 : i32, i32
  }
}

module attributes {stable_mosaic.version = 14 : i64} {
  func.func @_tc2_body(%arg0: i32, %arg1: memref<2x1000x128xf32, #tpu.memory_space<vmem>>, %arg2: memref<1000x128xf32, #tpu.memory_space<vmem>>, %arg3: memref<2x1000x1xf32, #tpu.memory_space<vmem>>, %arg4: memref<1x128xf32, #tpu.memory_space<vmem>>, %arg5: memref<128x128xf32, #tpu.memory_space<vmem>>, %arg6: memref<1000x128xf32, #tpu.memory_space<vmem>>) attributes {dimension_semantics = [#tpu.dimension_semantics<arbitrary>], iteration_bounds = array<i64: 10>, scalar_prefetch = 0 : i64, scratch_operands = 0 : i64, tpu.core_type = #tpu.core_type<tc>, window_params = [{transform_indices = @transform_0, window_bounds = array<i64: 2, 1000, 128>}, {transform_indices = @transform_1, window_bounds = array<i64: 1000, 128>}, {transform_indices = @transform_2, window_bounds = array<i64: 2, 1000, 1>}, {pipeline_mode = #tpu.pipeline_mode<synchronous>, transform_indices = @transform_3, window_bounds = array<i64: 1, 128>}, {pipeline_mode = #tpu.pipeline_mode<synchronous>, transform_indices = @transform_4, window_bounds = array<i64: 128, 128>}, {transform_indices = @transform_5, window_bounds = array<i64: 1000, 128>}]} {
    %get3A = arith.constant 0 : index
    %get3A_0 = arith.constant 0 : index
    %get3A_1 = arith.constant 0 : index
    %get3A_2 = vector.load %arg3[%get3A, %get3A_0, %get3A_1] : memref<2x1000x1xf32, #tpu.memory_space<vmem>>, vector<2x1000x1xf32>
    %slice3A = vector.extract_strided_slice %get3A_2 {offsets = [0, 0, 0], sizes = [1, 1000, 1], strides = [1, 1, 1]} : vector<2x1000x1xf32> to vector<1x1000x1xf32>
    %squeeze3A = vector.shape_cast %slice3A : vector<1x1000x1xf32> to vector<1000x1xf32>
    %add3A = arith.constant 1.000000e+00 : f32
    %add3A_3 = vector.broadcast %add3A : f32 to vector<1000x1xf32>
    %add3A_4 = arith.addf %add3A_3, %squeeze3A : vector<1000x1xf32>
    %slice3A_5 = vector.extract_strided_slice %get3A_2 {offsets = [1, 0, 0], sizes = [1, 1000, 1], strides = [1, 1, 1]} : vector<2x1000x1xf32> to vector<1x1000x1xf32>
    %squeeze3A_6 = vector.shape_cast %slice3A_5 : vector<1x1000x1xf32> to vector<1000x1xf32>
    %add3A_7 = arith.addf %add3A_4, %squeeze3A_6 : vector<1000x1xf32>
    %rsqrt3A = math.rsqrt %add3A_7 : vector<1000x1xf32>
    %get3A_8 = arith.constant 0 : index
    %get3A_9 = arith.constant 0 : index
    %get3A_10 = arith.constant 0 : index
    %get3A_11 = vector.load %arg1[%get3A_8, %get3A_9, %get3A_10] : memref<2x1000x128xf32, #tpu.memory_space<vmem>>, vector<1x1000x128xf32>
    %get3A_12 = vector.shape_cast %get3A_11 : vector<1x1000x128xf32> to vector<1000x128xf32>
    %get3A_13 = arith.constant 1 : index
    %get3A_14 = arith.constant 0 : index
    %get3A_15 = arith.constant 0 : index
    %get3A_16 = vector.load %arg1[%get3A_13, %get3A_14, %get3A_15] : memref<2x1000x128xf32, #tpu.memory_space<vmem>>, vector<1x1000x128xf32>
    %get3A_17 = vector.shape_cast %get3A_16 : vector<1x1000x128xf32> to vector<1000x128xf32>
    %add3A_18 = arith.addf %get3A_12, %get3A_17 : vector<1000x128xf32>
    %get3A_19 = arith.constant 0 : index
    %get3A_20 = arith.constant 0 : index
    %get3A_21 = vector.load %arg2[%get3A_19, %get3A_20] : memref<1000x128xf32, #tpu.memory_space<vmem>>, vector<1000x128xf32>
    %add3A_22 = arith.addf %add3A_18, %get3A_21 : vector<1000x128xf32>
    %mul3A = vector.broadcast %rsqrt3A : vector<1000x1xf32> to vector<1000x128xf32>
    %mul3A_23 = arith.mulf %mul3A, %add3A_22 : vector<1000x128xf32>
    %get3A_24 = arith.constant 0 : index
    %get3A_25 = arith.constant 0 : index
    %get3A_26 = vector.load %arg4[%get3A_24, %get3A_25] : memref<1x128xf32, #tpu.memory_space<vmem>>, vector<1x128xf32>
    %add3A_27 = vector.broadcast %get3A_26 : vector<1x128xf32> to vector<1000x128xf32>
    %add3A_28 = arith.addf %mul3A_23, %add3A_27 : vector<1000x128xf32>
    %max3A = arith.constant 0.000000e+00 : f32
    %max3A_29 = vector.broadcast %max3A : f32 to vector<1000x128xf32>
    %max3A_30 = arith.maximumf %add3A_28, %max3A_29 : vector<1000x128xf32>
    %get3A_31 = arith.constant 0 : index
    %get3A_32 = arith.constant 0 : index
    %get3A_33 = vector.load %arg5[%get3A_31, %get3A_32] : memref<128x128xf32, #tpu.memory_space<vmem>>, vector<128x128xf32>
    %dot_general3A = arith.constant dense<0.000000e+00> : vector<1000x128xf32>
    %dot_general3A_34 = tpu.matmul %max3A_30, %get3A_33, %dot_general3A {dimension_numbers = #tpu.dot_dimension_numbers<[1], [0], [0], [1], [0, 0, 1, 1], [], []>, transpose_lhs_hint = false} : vector<1000x128xf32>, vector<128x128xf32>, vector<1000x128xf32> -> vector<1000x128xf32>
    %mul3A_35 = vector.broadcast %rsqrt3A : vector<1000x1xf32> to vector<1000x128xf32>
    %mul3A_36 = arith.mulf %mul3A_35, %dot_general3A_34 : vector<1000x128xf32>
    %swap3A = arith.constant 0 : index
    %swap3A_37 = arith.constant 0 : index
    %swap3A_38 = vector.load %arg6[%swap3A, %swap3A_37] : memref<1000x128xf32, #tpu.memory_space<vmem>>, vector<1000x128xf32>
    tpu.vector_store %arg6[%swap3A, %swap3A_37], %mul3A_36 {strides = array<i32>} : memref<1000x128xf32, #tpu.memory_space<vmem>>, vector<1000x128xf32>,
    return
  }
  func.func @transform_0(%arg0: i32) -> (i32, i32, i32) {
    %c0_i32 = arith.constant 0 : i32
    %c0_i32_0 = arith.constant 0 : i32
    %c0_i32_1 = arith.constant 0 : i32
    return %c0_i32, %arg0, %c0_i32_0 : i32, i32, i32
  }
  func.func @transform_1(%arg0: i32) -> (i32, i32) {
    %c0_i32 = arith.constant 0 : i32
    %c0_i32_0 = arith.constant 0 : i32
    return %arg0, %c0_i32 : i32, i32
  }
  func.func @transform_2(%arg0: i32) -> (i32, i32, i32) {
    %c0_i32 = arith.constant 0 : i32
    %c0_i32_0 = arith.constant 0 : i32
    %c0_i32_1 = arith.constant 0 : i32
    return %c0_i32, %arg0, %c0_i32_0 : i32, i32, i32
  }
  func.func @transform_3(%arg0: i32) -> (i32, i32) {
    %c0_i32 = arith.constant 0 : i32
    %c0_i32_0 = arith.constant 0 : i32
    %c0_i32_1 = arith.constant 0 : i32
    return %c0_i32, %c0_i32_0 : i32, i32
  }
  func.func @transform_4(%arg0: i32) -> (i32, i32) {
    %c0_i32 = arith.constant 0 : i32
    %c0_i32_0 = arith.constant 0 : i32
    %c0_i32_1 = arith.constant 0 : i32
    return %c0_i32, %c0_i32_0 : i32, i32
  }
  func.func @transform_5(%arg0: i32) -> (i32, i32) {
    %c0_i32 = arith.constant 0 : i32
    %c0_i32_0 = arith.constant 0 : i32
    return %arg0, %c0_i32 : i32, i32
  }
}

module attributes {stable_mosaic.version = 14 : i64} {
  func.func @_tc3_body(%arg0: i32, %arg1: memref<2x1000x128xf32, #tpu.memory_space<vmem>>, %arg2: memref<1000x128xf32, #tpu.memory_space<vmem>>, %arg3: memref<2x1000x1xf32, #tpu.memory_space<vmem>>, %arg4: memref<1x128xf32, #tpu.memory_space<vmem>>, %arg5: memref<1000x128xf32, #tpu.memory_space<vmem>>) attributes {dimension_semantics = [#tpu.dimension_semantics<arbitrary>], iteration_bounds = array<i64: 10>, scalar_prefetch = 0 : i64, scratch_operands = 0 : i64, tpu.core_type = #tpu.core_type<tc>, window_params = [{transform_indices = @transform_0, window_bounds = array<i64: 2, 1000, 128>}, {transform_indices = @transform_1, window_bounds = array<i64: 1000, 128>}, {transform_indices = @transform_2, window_bounds = array<i64: 2, 1000, 1>}, {pipeline_mode = #tpu.pipeline_mode<synchronous>, transform_indices = @transform_3, window_bounds = array<i64: 1, 128>}, {transform_indices = @transform_4, window_bounds = array<i64: 1000, 128>}]} {
    %get3A = arith.constant 0 : index
    %get3A_0 = arith.constant 0 : index
    %get3A_1 = arith.constant 0 : index
    %get3A_2 = vector.load %arg3[%get3A, %get3A_0, %get3A_1] : memref<2x1000x1xf32, #tpu.memory_space<vmem>>, vector<2x1000x1xf32>
    %slice3A = vector.extract_strided_slice %get3A_2 {offsets = [0, 0, 0], sizes = [1, 1000, 1], strides = [1, 1, 1]} : vector<2x1000x1xf32> to vector<1x1000x1xf32>
    %squeeze3A = vector.shape_cast %slice3A : vector<1x1000x1xf32> to vector<1000x1xf32>
    %add3A = arith.constant 1.000000e+00 : f32
    %add3A_3 = vector.broadcast %add3A : f32 to vector<1000x1xf32>
    %add3A_4 = arith.addf %add3A_3, %squeeze3A : vector<1000x1xf32>
    %slice3A_5 = vector.extract_strided_slice %get3A_2 {offsets = [1, 0, 0], sizes = [1, 1000, 1], strides = [1, 1, 1]} : vector<2x1000x1xf32> to vector<1x1000x1xf32>
    %squeeze3A_6 = vector.shape_cast %slice3A_5 : vector<1x1000x1xf32> to vector<1000x1xf32>
    %add3A_7 = arith.addf %add3A_4, %squeeze3A_6 : vector<1000x1xf32>
    %rsqrt3A = math.rsqrt %add3A_7 : vector<1000x1xf32>
    %get3A_8 = arith.constant 0 : index
    %get3A_9 = arith.constant 0 : index
    %get3A_10 = arith.constant 0 : index
    %get3A_11 = vector.load %arg1[%get3A_8, %get3A_9, %get3A_10] : memref<2x1000x128xf32, #tpu.memory_space<vmem>>, vector<1x1000x128xf32>
    %get3A_12 = vector.shape_cast %get3A_11 : vector<1x1000x128xf32> to vector<1000x128xf32>
    %get3A_13 = arith.constant 1 : index
    %get3A_14 = arith.constant 0 : index
    %get3A_15 = arith.constant 0 : index
    %get3A_16 = vector.load %arg1[%get3A_13, %get3A_14, %get3A_15] : memref<2x1000x128xf32, #tpu.memory_space<vmem>>, vector<1x1000x128xf32>
    %get3A_17 = vector.shape_cast %get3A_16 : vector<1x1000x128xf32> to vector<1000x128xf32>
    %add3A_18 = arith.addf %get3A_12, %get3A_17 : vector<1000x128xf32>
    %get3A_19 = arith.constant 0 : index
    %get3A_20 = arith.constant 0 : index
    %get3A_21 = vector.load %arg2[%get3A_19, %get3A_20] : memref<1000x128xf32, #tpu.memory_space<vmem>>, vector<1000x128xf32>
    %add3A_22 = arith.addf %add3A_18, %get3A_21 : vector<1000x128xf32>
    %mul3A = vector.broadcast %rsqrt3A : vector<1000x1xf32> to vector<1000x128xf32>
    %mul3A_23 = arith.mulf %mul3A, %add3A_22 : vector<1000x128xf32>
    %get3A_24 = arith.constant 0 : index
    %get3A_25 = arith.constant 0 : index
    %get3A_26 = vector.load %arg4[%get3A_24, %get3A_25] : memref<1x128xf32, #tpu.memory_space<vmem>>, vector<1x128xf32>
    %add3A_27 = vector.broadcast %get3A_26 : vector<1x128xf32> to vector<1000x128xf32>
    %add3A_28 = arith.addf %mul3A_23, %add3A_27 : vector<1000x128xf32>
    %max3A = arith.constant 0.000000e+00 : f32
    %max3A_29 = vector.broadcast %max3A : f32 to vector<1000x128xf32>
    %max3A_30 = arith.maximumf %add3A_28, %max3A_29 : vector<1000x128xf32>
    %swap3A = arith.constant 0 : index
    %swap3A_31 = arith.constant 0 : index
    %swap3A_32 = vector.load %arg5[%swap3A, %swap3A_31] : memref<1000x128xf32, #tpu.memory_space<vmem>>, vector<1000x128xf32>
    tpu.vector_store %arg5[%swap3A, %swap3A_31], %max3A_30 {strides = array<i32>} : memref<1000x128xf32, #tpu.memory_space<vmem>>, vector<1000x128xf32>,
    return
  }
  func.func @transform_0(%arg0: i32) -> (i32, i32, i32) {
    %c0_i32 = arith.constant 0 : i32
    %c0_i32_0 = arith.constant 0 : i32
    %c0_i32_1 = arith.constant 0 : i32
    return %c0_i32, %arg0, %c0_i32_0 : i32, i32, i32
  }
  func.func @transform_1(%arg0: i32) -> (i32, i32) {
    %c0_i32 = arith.constant 0 : i32
    %c0_i32_0 = arith.constant 0 : i32
    return %arg0, %c0_i32 : i32, i32
  }
  func.func @transform_2(%arg0: i32) -> (i32, i32, i32) {
    %c0_i32 = arith.constant 0 : i32
    %c0_i32_0 = arith.constant 0 : i32
    %c0_i32_1 = arith.constant 0 : i32
    return %c0_i32, %arg0, %c0_i32_0 : i32, i32, i32
  }
  func.func @transform_3(%arg0: i32) -> (i32, i32) {
    %c0_i32 = arith.constant 0 : i32
    %c0_i32_0 = arith.constant 0 : i32
    %c0_i32_1 = arith.constant 0 : i32
    return %c0_i32, %c0_i32_0 : i32, i32
  }
  func.func @transform_4(%arg0: i32) -> (i32, i32) {
    %c0_i32 = arith.constant 0 : i32
    %c0_i32_0 = arith.constant 0 : i32
    return %arg0, %c0_i32 : i32, i32
  }
}

module attributes {stable_mosaic.version = 14 : i64} {
  func.func @_head_body(%arg0: i32, %arg1: memref<6400x128xf32, #tpu.memory_space<vmem>>, %arg2: memref<6400x128xf32, #tpu.memory_space<vmem>>, %arg3: memref<128x128xf32, #tpu.memory_space<vmem>>, %arg4: memref<128x128xf32, #tpu.memory_space<vmem>>, %arg5: memref<1x128xf32, #tpu.memory_space<vmem>>, %arg6: memref<128x1xf32, #tpu.memory_space<vmem>>, %arg7: memref<1x1xf32, #tpu.memory_space<vmem>>, %arg8: memref<6400x1xf32, #tpu.memory_space<vmem>>) attributes {dimension_semantics = [#tpu.dimension_semantics<arbitrary>], iteration_bounds = array<i64: 10>, scalar_prefetch = 0 : i64, scratch_operands = 0 : i64, tpu.core_type = #tpu.core_type<tc>, window_params = [{transform_indices = @transform_0, window_bounds = array<i64: 6400, 128>}, {transform_indices = @transform_1, window_bounds = array<i64: 6400, 128>}, {pipeline_mode = #tpu.pipeline_mode<synchronous>, transform_indices = @transform_2, window_bounds = array<i64: 128, 128>}, {pipeline_mode = #tpu.pipeline_mode<synchronous>, transform_indices = @transform_3, window_bounds = array<i64: 128, 128>}, {pipeline_mode = #tpu.pipeline_mode<synchronous>, transform_indices = @transform_4, window_bounds = array<i64: 1, 128>}, {pipeline_mode = #tpu.pipeline_mode<synchronous>, transform_indices = @transform_5, window_bounds = array<i64: 128, 1>}, {pipeline_mode = #tpu.pipeline_mode<synchronous>, transform_indices = @transform_6, window_bounds = array<i64: 1, 1>}, {transform_indices = @transform_7, window_bounds = array<i64: 6400, 1>}]} {
    %get3A = arith.constant 0 : index
    %get3A_0 = arith.constant 0 : index
    %get3A_1 = vector.load %arg1[%get3A, %get3A_0] : memref<6400x128xf32, #tpu.memory_space<vmem>>, vector<6400x128xf32>
    %get3A_2 = arith.constant 0 : index
    %get3A_3 = arith.constant 0 : index
    %get3A_4 = vector.load %arg2[%get3A_2, %get3A_3] : memref<6400x128xf32, #tpu.memory_space<vmem>>, vector<6400x128xf32>
    %mul3A = arith.mulf %get3A_1, %get3A_4 : vector<6400x128xf32>
    %get3A_5 = arith.constant 0 : index
    %get3A_6 = arith.constant 0 : index
    %get3A_7 = vector.load %arg3[%get3A_5, %get3A_6] : memref<128x128xf32, #tpu.memory_space<vmem>>, vector<128x128xf32>
    %dot_general3A = arith.constant dense<0.000000e+00> : vector<6400x128xf32>
    %dot_general3A_8 = tpu.matmul %mul3A, %get3A_7, %dot_general3A {dimension_numbers = #tpu.dot_dimension_numbers<[1], [0], [0], [1], [0, 0, 1, 1], [], []>, transpose_lhs_hint = false} : vector<6400x128xf32>, vector<128x128xf32>, vector<6400x128xf32> -> vector<6400x128xf32>
    %sub3A = arith.subf %get3A_1, %get3A_4 : vector<6400x128xf32>
    %get3A_9 = arith.constant 0 : index
    %get3A_10 = arith.constant 0 : index
    %get3A_11 = vector.load %arg4[%get3A_9, %get3A_10] : memref<128x128xf32, #tpu.memory_space<vmem>>, vector<128x128xf32>
    %dot_general3A_12 = arith.constant dense<0.000000e+00> : vector<6400x128xf32>
    %dot_general3A_13 = tpu.matmul %sub3A, %get3A_11, %dot_general3A_12 {dimension_numbers = #tpu.dot_dimension_numbers<[1], [0], [0], [1], [0, 0, 1, 1], [], []>, transpose_lhs_hint = false} : vector<6400x128xf32>, vector<128x128xf32>, vector<6400x128xf32> -> vector<6400x128xf32>
    %add3A = arith.addf %dot_general3A_8, %dot_general3A_13 : vector<6400x128xf32>
    %get3A_14 = arith.constant 0 : index
    %get3A_15 = arith.constant 0 : index
    %get3A_16 = vector.load %arg5[%get3A_14, %get3A_15] : memref<1x128xf32, #tpu.memory_space<vmem>>, vector<1x128xf32>
    %add3A_17 = vector.broadcast %get3A_16 : vector<1x128xf32> to vector<6400x128xf32>
    %add3A_18 = arith.addf %add3A, %add3A_17 : vector<6400x128xf32>
    %max3A = arith.constant 0.000000e+00 : f32
    %max3A_19 = vector.broadcast %max3A : f32 to vector<6400x128xf32>
    %max3A_20 = arith.maximumf %add3A_18, %max3A_19 : vector<6400x128xf32>
    %get3A_21 = arith.constant 0 : index
    %get3A_22 = arith.constant 0 : index
    %get3A_23 = vector.load %arg6[%get3A_21, %get3A_22] : memref<128x1xf32, #tpu.memory_space<vmem>>, vector<128x1xf32>
    %dot_general3A_24 = arith.constant dense<0.000000e+00> : vector<6400x1xf32>
    %dot_general3A_25 = tpu.matmul %max3A_20, %get3A_23, %dot_general3A_24 {dimension_numbers = #tpu.dot_dimension_numbers<[1], [0], [0], [1], [0, 0, 1, 1], [], []>, transpose_lhs_hint = false} : vector<6400x128xf32>, vector<128x1xf32>, vector<6400x1xf32> -> vector<6400x1xf32>
    %get3A_26 = arith.constant 0 : index
    %get3A_27 = arith.constant 0 : index
    %get3A_28 = vector.load %arg7[%get3A_26, %get3A_27] : memref<1x1xf32, #tpu.memory_space<vmem>>, vector<1x1xf32>
    %add3A_29 = vector.broadcast %get3A_28 : vector<1x1xf32> to vector<6400x1xf32>
    %add3A_30 = arith.addf %dot_general3A_25, %add3A_29 : vector<6400x1xf32>
    %logistic3A = arith.negf %add3A_30 : vector<6400x1xf32>
    %logistic3A_31 = math.exp %logistic3A : vector<6400x1xf32>
    %logistic3A_32 = arith.constant 1.000000e+00 : f32
    %logistic3A_33 = vector.broadcast %logistic3A_32 : f32 to vector<6400x1xf32>
    %logistic3A_34 = arith.addf %logistic3A_33, %logistic3A_31 : vector<6400x1xf32>
    %logistic3A_35 = arith.divf %logistic3A_33, %logistic3A_34 : vector<6400x1xf32>
    %swap3A = arith.constant 0 : index
    %swap3A_36 = arith.constant 0 : index
    %swap3A_37 = vector.load %arg8[%swap3A, %swap3A_36] : memref<6400x1xf32, #tpu.memory_space<vmem>>, vector<6400x1xf32>
    tpu.vector_store %arg8[%swap3A, %swap3A_36], %logistic3A_35 {strides = array<i32>} : memref<6400x1xf32, #tpu.memory_space<vmem>>, vector<6400x1xf32>,
    return
  }
  func.func @transform_0(%arg0: i32) -> (i32, i32) {
    %c0_i32 = arith.constant 0 : i32
    %c0_i32_0 = arith.constant 0 : i32
    return %arg0, %c0_i32 : i32, i32
  }
  func.func @transform_1(%arg0: i32) -> (i32, i32) {
    %c0_i32 = arith.constant 0 : i32
    %c0_i32_0 = arith.constant 0 : i32
    return %arg0, %c0_i32 : i32, i32
  }
  func.func @transform_2(%arg0: i32) -> (i32, i32) {
    %c0_i32 = arith.constant 0 : i32
    %c0_i32_0 = arith.constant 0 : i32
    %c0_i32_1 = arith.constant 0 : i32
    return %c0_i32, %c0_i32_0 : i32, i32
  }
  func.func @transform_3(%arg0: i32) -> (i32, i32) {
    %c0_i32 = arith.constant 0 : i32
    %c0_i32_0 = arith.constant 0 : i32
    %c0_i32_1 = arith.constant 0 : i32
    return %c0_i32, %c0_i32_0 : i32, i32
  }
  func.func @transform_4(%arg0: i32) -> (i32, i32) {
    %c0_i32 = arith.constant 0 : i32
    %c0_i32_0 = arith.constant 0 : i32
    %c0_i32_1 = arith.constant 0 : i32
    return %c0_i32, %c0_i32_0 : i32, i32
  }
  func.func @transform_5(%arg0: i32) -> (i32, i32) {
    %c0_i32 = arith.constant 0 : i32
    %c0_i32_0 = arith.constant 0 : i32
    %c0_i32_1 = arith.constant 0 : i32
    return %c0_i32, %c0_i32_0 : i32, i32
  }
  func.func @transform_6(%arg0: i32) -> (i32, i32) {
    %c0_i32 = arith.constant 0 : i32
    %c0_i32_0 = arith.constant 0 : i32
    %c0_i32_1 = arith.constant 0 : i32
    return %c0_i32, %c0_i32_0 : i32, i32
  }
  func.func @transform_7(%arg0: i32) -> (i32, i32) {
    %c0_i32 = arith.constant 0 : i32
    %c0_i32_0 = arith.constant 0 : i32
    return %arg0, %c0_i32 : i32, i32
  }
}

</mosaic_0001>

<sc_bundles>
// kernel: kernel.18.cloned.1.call-start
scs
__scs_entry_jumppad:
0x0: {  	(pc) =	sbr.rel $0x88, $3  }
0x1: {  	(tag) =	ssettag $0x0;
	lr =	simm.s32 $0x1  }
0x2: {  	[smem:$0x3F97] =	sst lr;
	_ =	strace $0xD0000000  }
0x3: {  	_ = 	snop  }
0x4: {  	_ = 	snop  }
0x5: {  	_ = 	snop  }
0x6: {  	_ = 	snop  }
0x7: {  	_ = 	snop  }
__scs_overlays_trampoline_lowered:
0x8: {  	[smem:$0x3FA6] =	sst s0  }
0x9: {  	[smem:$0x3FA7] =	sst s1  }
0xa: {  	[smem:$0x3FA8] =	sst s2  }
0xb: {  	[smem:$0x3FA9] =	sst s3  }
0xc: {  	[smem:$0x3FAA] =	sst s4  }
0xd: {  	[smem:$0x3FAB] =	sst s5  }
0xe: {  	[smem:$0x3FAC] =	sst s6  }
0xf: {  	[smem:$0x3FAD] =	sst s7  }
0x10: {  	[smem:$0x3FAE] =	sst s8  }
0x11: {  	[smem:$0x3FAF] =	sst s9;
	s0 =	simm.s32 @!p0 $0x0  }
0x12: {  	s1 =	sld [smem:$0x3F95];
	s0 =	simm.s32 @p0 $0x1  }
0x13: {  	[smem:$0x3FB0] =	sst s0;
	s0 =	simm.s32 @!p1 $0x0  }
0x14: {  	s2 =	sld [smem:$0x3F94];
	s0 =	simm.s32 @p1 $0x1  }
0x15: {  	[smem:$0x3FB1] =	sst s0;
	s0 =	simm.s32 @!p2 $0x0  }
0x16: {  	s3 =	sld [smem:$0x3FDB];
	s0 =	simm.s32 @p2 $0x1  }
0x17: {  	s4 =	simm.s32 $0x1BF5;
	[smem:$0x3FB3] =	sst s0  }
0x18: {  	s0 =	sld [smem:$0x3F96];
	_ =	swait.ge [sflag:s4], $0x0  }
0x19: {  	s7 =	sld [smem:$0x3F97]  }
0x1a: {  	s8 =	sadd.s32 $0xFFFFE003, lr  }
0x1b: {  	s9 =	sadd.s32 $0xFFFFFEF7, lr;
	s5 =	simm.s32 $0xFFFFFFFF;
	p2 =	slt.u32 s8, $0xFFFFF086  }
0x1c: {  	p1 =	slt.u32 s9, $0xF7A;
	s5 =	simm.s32 @!p2 $0x0  }
0x1d: {  	s5 =	simm.s32 @p1 $0x1;
	p0 =	seq.s32 s7, s2  }
0x1e: {  	s7 =	smul.u32 @!p0 $0xF7A, s2;
	p2 =	seq.s32 @!p0 s5, $0x0  }
0x1f: {  	s9 =	smul.u32 $0xF7A, s1;
	s8 =	simm.s32 @!p0 $0x1BF5;
	p2 =	por !p2, p0  }
0x20: {  	[sflag:s8] =	ssyncset.s32 @!p0 $0xFFFFF086;
	s6 =	sadd.s32 @!p0 s3, s7;
	s7 =	simm.s32 @!p0 $0x108  }
0x21: {  	s3 =	sadd.s32 s3, s9;
	s6 =	sadd.s32 @!p0 $0x88, s6;
	s7 =	simm.s32 @p2 $0x1082  }
0x22: {  	[simem:s7], [sflag:s8] =	dma.local @!p0 [hbm:s6], $0xF7A  }
0x23: {  	s9 =	sor.u32 $0xD0000000, s2;
	s6 =	simm.s32 $0x108;
	_ =	swait.ge @!p0 [sflag:s8], $0x0  }
0x24: {  	s3 =	sadd.s32 $0x88, s3;
	s6 =	simm.s32 @!p1 $0x1082;
	[sflag:s4] =	ssyncset.s32 $0xFFFFF086  }
0x25: {  	[simem:s6], [sflag:s4] =	dma.local [hbm:s3], $0xF7A  }
0x26: {  	[smem:$0x3F97] =	sst s1;
	(tag) =	ssettag s2;
	_ =	strace s9  }
0x27: {  	s1 =	sld [smem:$0x3FA7]  }
0x28: {  	s2 =	sld [smem:$0x3FA8]  }
0x29: {  	s4 =	sld [smem:$0x3FAA]  }
0x2a: {  	p0 =	seq.s32 s5, $0x0;
	s5 =	sld [smem:$0x3FAB]  }
0x2b: {  	s6 =	sld [smem:$0x3FAC]  }
0x2c: {  	s7 =	sld [smem:$0x3FAD]  }
0x2d: {  	s3 =	simm.s32 $0x108;
	s8 =	sld [smem:$0x3FAE]  }
0x2e: {  	s3 =	simm.s32 @!p0 $0x1082;
	s9 =	sld [smem:$0x3FAF]  }
0x2f: {  	lr =	sadd.s32 s0, s3;
	s0 =	sld [smem:$0x3FA6]  }
0x30: {  	s3 =	sld [smem:$0x3FA9]  }
0x31: {  	[smem:$0x3FB2] =	sst s10  }
0x32: {  	s10 =	sld [smem:$0x3FB0];
	_ =	sdelay $0x3  }
0x33: {  	p0 =	seq.s32 s10, $0x1;
	s10 =	sld [smem:$0x3FB2];
	_ =	sdelay $0x3  }
0x34: {  	[smem:$0x3FB2] =	sst s10  }
0x35: {  	s10 =	sld [smem:$0x3FB1];
	_ =	sdelay $0x3  }
0x36: {  	p1 =	seq.s32 s10, $0x1;
	s10 =	sld [smem:$0x3FB2];
	_ =	sdelay $0x3  }
0x37: {  	[smem:$0x3FB2] =	sst s10  }
0x38: {  	s10 =	sld [smem:$0x3FB3]  }
0x39: {  	_ = 	snop;
	(pc) =	sbr.ind lr, $3  }
0x3a: {  	_ = 	snop  }
0x3b: {  	_ = 	snop  }
0x3c: {  	p2 =	seq.s32 s10, $0x1;
	s10 =	sld [smem:$0x3FB2]  }
0x3d: {  	_ =	shalt  }
0x3e: {  	_ =	shalt  }
0x3f: {  	_ =	shalt  }
0x40: {  	_ =	shalt  }
0x41: {  	_ =	shalt  }
0x42: {  	_ =	shalt  }
0x43: {  	_ =	shalt  }
0x44: {  	_ =	shalt  }
0x45: {  	_ =	shalt  }
0x46: {  	_ =	shalt  }
0x47: {  	_ =	shalt  }
0x48: {  	_ =	shalt  }
0x49: {  	_ =	shalt  }
0x4a: {  	_ =	shalt  }
0x4b: {  	_ =	shalt  }
0x4c: {  	_ =	shalt  }
0x4d: {  	_ =	shalt  }
0x4e: {  	_ =	shalt  }
0x4f: {  	_ =	shalt  }
0x50: {  	_ =	shalt  }
0x51: {  	_ =	shalt  }
0x52: {  	_ =	shalt  }
0x53: {  	_ =	shalt  }
0x54: {  	_ =	shalt  }
0x55: {  	_ =	shalt  }
0x56: {  	_ =	shalt  }
0x57: {  	_ =	shalt  }
0x58: {  	_ =	shalt  }
0x59: {  	_ =	shalt  }
0x5a: {  	_ =	shalt  }
0x5b: {  	_ =	shalt  }
0x5c: {  	_ =	shalt  }
0x5d: {  	_ =	shalt  }
0x5e: {  	_ =	shalt  }
0x5f: {  	_ =	shalt  }
0x60: {  	_ =	shalt  }
0x61: {  	_ =	shalt  }
0x62: {  	_ =	shalt  }
0x63: {  	_ =	shalt  }
0x64: {  	_ =	shalt  }
0x65: {  	_ =	shalt  }
0x66: {  	_ =	shalt  }
0x67: {  	_ =	shalt  }
0x68: {  	_ =	shalt  }
0x69: {  	_ =	shalt  }
0x6a: {  	_ =	shalt  }
0x6b: {  	_ =	shalt  }
0x6c: {  	_ =	shalt  }
0x6d: {  	_ =	shalt  }
0x6e: {  	_ =	shalt  }
0x6f: {  	_ =	shalt  }
0x70: {  	_ =	shalt  }
0x71: {  	_ =	shalt  }
0x72: {  	_ =	shalt  }
0x73: {  	_ =	shalt  }
0x74: {  	_ =	shalt  }
0x75: {  	_ =	shalt  }
0x76: {  	_ =	shalt  }
0x77: {  	_ =	shalt  }
0x78: {  	_ =	shalt  }
0x79: {  	_ =	shalt  }
0x7a: {  	_ =	shalt  }
0x7b: {  	_ =	shalt  }
0x7c: {  	_ =	shalt  }
0x7d: {  	_ =	shalt  }
0x7e: {  	_ =	shalt  }
0x7f: {  	_ =	shalt  }
0x80: {  	_ =	shalt  }
0x81: {  	_ =	shalt  }
0x82: {  	_ =	shalt  }
0x83: {  	_ =	shalt  }
0x84: {  	_ =	shalt  }
0x85: {  	_ =	shalt  }
0x86: {  	_ =	shalt  }
0x87: {  	_ =	shalt  }
.Lfunc_end0:
.L_simem_size_0:
called_computation_lowered:
.L_overlay_start_0:
0x88: {  	s2 =	sld [smem:$0x3FD9]  }
0x89: {  	s3 =	sld [smem:$0x3FFE];
	_ =	sdelay $0x1  }
0x8a: {  	s1 =	srdreg.scid  }
0x8b: {  	s0 =	sand.u32 $0x1, s1  }
0x8c: {  	s17 =	sshll.u32 s0, $0xA;
	s2 =	sadd.s32 s3, s2  }
0x8d: {  	s2 =	sadd.s32 s2, s17  }
0x8e: {  	[smem:$0x3FBE] =	sst s2  }
0x8f: {  	_ = 	snop  }
0x90: {  	s2 =	sld [smem:$0x3FD0];
	(tm) =	ssettm $0x1  }
0x91: {  	s18 =	sld [smem:$0x3FFB];
	_ =	sdelay $0x3  }
0x92: {  	_ =	strace s18  }
0x93: {  	s3 =	sld [smem:$0x3FFC];
	_ =	sdelay $0x3  }
0x94: {  	_ =	strace s3  }
0x95: {  	s3 =	sld [smem:$0x3FFD];
	_ =	sdelay $0x3  }
0x96: {  	_ =	strace s3  }
0x97: {  	_ =	strace $0x8FFFFFFF  }
0x98: {  	s19 =	sld [smem:$0x3FDB];
	_ =	sdelay $0x1  }
0x99: {  	s4 =	simm.s32 $_scs_section_size  }
0x9a: {  	s5 =	simm.s32 $_size__tile_overlayer_lowered;
	s6 =	simm.s32 $_tile_overlayer_lowered  }
0x9b: {  	s22 =	simm.s32 $0x1BFF;
	s21 =	sshll.u32 s6, $0x1;
	s3 =	sadd.s32 s4, s19  }
0x9c: {  	s7 =	simm.s32 $0x0;
	s20 =	sshll.u32 s5, $0x1;
	s5 =	sadd.s32 s21, s3  }
0x9d: {  	[timem:s7], [sflag:s22] =	dma.local [hbm:s5], s20  }
0x9e: {  	_ =	swait.ge [sflag:s22], s20  }
0x9f: {  	s4 =	ssub.s32 $0x0, s20;
	[sflag:s22] =	ssyncset.done $0x0  }
0xa0: {  	[sflag:s22] =	ssyncadd.s32 s4;
	_ =	sdelay $0x1  }
0xa1: {  	s23 =	simm.s32 $0x1B8B  }
0xa2: {  	_ =	swait.ge [sflag:s23], $0x1  }
0xa3: {  	[sflag:s23] =	ssyncset.done $0x0  }
0xa4: {  	s25 =	simm.s32 $0x1B8E;
	s24 =	sld [smem:$0x3FFE];
	[sflag:s23] =	ssyncadd.s32 $0xFFFFFFFF  }
0xa5: {  	s26 =	simm.s32 $execute0_lowered;
	[smem:$0x3FD2] =	sst s25  }
0xa6: {  	s5 =	sshll.u32 s26, $0x1;
	_ =	strace $0x80000046;
	[dreg:$0x1] =	wrdreg $0xFFFFFFFF  }
0xa7: {  	s28 =	simm.s32 $_size_execute0_lowered;
	s3 =	sadd.s32 s3, s5;
	[dreg:$0x0] =	wrdreg $0x0  }
0xa8: {  	s5 =	sshll.u32 s28, $0x1;
	[dreg:$0x2] =	wrdreg s3  }
0xa9: {  	[dreg:$0x3] =	wrdreg s5  }
0xaa: {  	[dreg:$0x4] =	wrdreg $0xC0  }
0xab: {  	_ =	task [dreg:s7], $0x5FFFF  }
0xac: {  	[dreg:$0x1] =	wrdreg $0xFFFFFFFF  }
0xad: {  	[dreg:$0x0] =	wrdreg $0x60  }
0xae: {  	[dreg:$0x2] =	wrdreg s24  }
0xaf: {  	[dreg:$0x3] =	wrdreg s2  }
0xb0: {  	[dreg:$0x4] =	wrdreg $0x2F800  }
0xb1: {  	[dreg:$0x5] =	wrdreg $0x9  }
0xb2: {  	_ =	task.clear_ibuf [dreg:s7], $0x6FFFF;
	_ =	strace $0x90000046  }
0xb3: {  	s29 =	simm.s32 $0x9;
	_ =	strace $0x80000048  }
0xb4: {  	_ =	swait.ge [sflag:s29], $0x1  }
0xb5: {  	[sflag:s29] =	ssyncadd.s32 $0xFFFFFFFF  }
0xb6: {  	_ =	strace $0x90000048  }
0xb7: {  	_ =	sfence  }
0xb8: {  	s30 =	sld [smem:$0x0];
	_ =	sdelay $0x2  }
0xb9: {  	s31 =	sshll.u32 s1, $0xD;
	s1 =	sshrl.u32 s1, $0x2  }
0xba: {  	s3 =	sand.u32 $0x4000, s31;
	s1 =	sadd.s32 s1, s30  }
0xbb: {  	s0 =	sor.u32 s3, s0;
	s1 =	sshll.u32 s1, $0x11  }
0xbc: {  	s0 =	sor.u32 s1, s0  }
0xbd: {  	s0 =	sadd.s32 $0x8F2B, s0  }
0xbe: {  	[sflag:s0] =	ssyncadd.remote.s32 $0x1  }
0xbf: {  	_ =	sfence.sel $0xFFFF  }
0xc0: {  	[dreg:$0x0] =	wrdreg $0xFFFFFFFF;
	(pc) =	sbr.abs _section_cstart, $3  }
0xc1: {  	[dreg:$0x1] =	wrdreg $0xFFFFFFFF  }
0xc2: {  	_ =	task.clear_ibuf [dreg:s7], $0x2FFFF;
	_ =	strace $0x9FFFFFFF  }
0xc3: {  	(tm) =	ssettm $0x7FFFFFFF  }
tec
execute0_lowered:
.L_overlay_start_1:
0x0: {  	(tag) =	ssettag $0x1  }
0x1: {  	s0 =	srdreg.scid  }
0x2: {  	s2 =	rddreg [dreg:$0x0];
	s6 =	sand.u32 $0x1, s0  }
0x3: {  	s4 =	rddreg [dreg:$0x1];
	s8 =	ssub.s32 $0x2, s6  }
0x4: {  	s3 =	stileid.u32;
	s1 =	rddreg [dreg:$0x2];
	s9 =	sshrl.u32 s8, $0x1  }
0x5: {  	s5 =	simm.s32 $0x0;
	s11 =	simm.s32 $0xFA0;
	s8 =	ssub.s32 s8, s9  }
0x6: {  	p1 =	por $0x0, $0x0;
	s0 =	rddreg [dreg:$0x3];
	s31 =	smax.u32 s8, $0x1  }
0x7: {  	s29 =	sshll.u32 s3, $0x1;
	[smem:$0x7FF] =	sst s5;
	s16 =	sadd.s32 $0xFFFFFFFF, s31  }
0x8: {  	s10 =	sadd.s32 $0x19400, s2;
	s13 =	sadd.s32 $0x18E00, s2;
	p2 =	sne.s32 s16, $0x0  }
.Ltmp0:
0x9: {  	p0 =	sne.s32 s3, $0x0;
	s7 =	sor.u32 s6, s29;
	(pc) =	sbr.rel @!p2 .LBB2_3-.Ltmp0, $4  }
0xa: {  	_ =	strace $0x80000047;
	s30 =	sshll.u32 s6, $0x4;
	s7 =	smul.u32 $0x4E2, s7  }
0xb: {  	s3 =	sshrl.u32 @!p0 s1, $0x3;
	s6 =	simm.s32 $0x2780;
	s9 =	simm.s32 $0x1770  }
0xc: {  	s7 =	sadd.s32 s7, s2;
	s2 =	sadd.s32 s4, s30;
	s4 =	simm.s32 $0x1  }
0xd: {  	s8 =	simm.s32 $0x1F40;
	s12 =	sadd.s32 $0x5200, s7;
	s7 =	simm.s32 $0x7D0  }
0xe: {  	s15 =	simm.s32 @!p0 $0x1C01;
	s14 =	simm.s32 @!p0 $0x1  }
0xf: {  	[spmem:s3], [sflag:s15] =	dma.local @!p0 [hbm:s13], $0x4F0  }
0x10: {  	_ =	swait.ge @!p0 [sflag:s14], $0x4F0  }
0x11: {  	[sflag:s14] =	ssyncset.done @!p0 $0x0  }
0x12: {  	[sflag:s14] =	ssyncadd.s32 @!p0 $0xFFFFFB10  }
0x13: {  	[tilespmem:s5], [sflag:$0x1] =	stream.linear.gather [hbm4b:s12+s5], $0x2710, $0x38;
	[tilespmem:$0x31F8] =	vst v63  }
0x14: {  	_ =	swait.ge [sflag:s4], $0x2710  }
0x15: {  	[sflag:s4] =	ssyncset.done $0x0  }
0x16: {  	[sflag:s4] =	ssyncadd.s32 $0xFFFFD8F0  }
0x17: {  	[tilespmem:s6], [sflag:$0x1] =	stream.linear.gather [hbm4b:s10+s5], $0x800, $0x38;
	[tilespmem:$0x31F8] =	vst v63  }
0x18: {  	_ =	swait.ge [sflag:s4], $0x800  }
0x19: {  	[sflag:s4] =	ssyncset.done $0x0  }
0x1a: {  	[sflag:s4] =	ssyncadd.s32 $0xFFFFF800  }
0x1b: {  	[bflag:$0x0] =	sbarrier.arrive $0xFFFF  }
0x1c: {  	[spmem:s1] =	stream.indirect.scatter.add.f32 [tilespmem:s6], [sflag:$0x1], $0x1, s5, s7, $0xb8;
	[tilespmem:$0x31F8] =	vst v63  }
0x1d: {  	_ =	swait.ge [sflag:s4], $0x7D0  }
0x1e: {  	[sflag:s4] =	ssyncset.done $0x0  }
0x1f: {  	[sflag:s4] =	ssyncadd.s32 $0xFFFFF830  }
0x20: {  	[spmem:s1] =	stream.indirect.scatter.add.f32 [tilespmem:s6], [sflag:$0x1], $0x1, s7, s7, $0xb8;
	[tilespmem:$0x31F8] =	vst v63  }
0x21: {  	_ =	swait.ge [sflag:s4], $0x7D0  }
0x22: {  	[sflag:s4] =	ssyncset.done $0x0  }
0x23: {  	[sflag:s4] =	ssyncadd.s32 $0xFFFFF830  }
0x24: {  	[spmem:s1] =	stream.indirect.scatter.add.f32 [tilespmem:s6], [sflag:$0x1], $0x1, s11, s7, $0xb8;
	[tilespmem:$0x31F8] =	vst v63  }
0x25: {  	_ =	swait.ge [sflag:s4], $0x7D0  }
0x26: {  	[sflag:s4] =	ssyncset.done $0x0  }
0x27: {  	[sflag:s4] =	ssyncadd.s32 $0xFFFFF830  }
0x28: {  	[spmem:s1] =	stream.indirect.scatter.add.f32 [tilespmem:s6], [sflag:$0x1], $0x1, s9, s7, $0xb8;
	[tilespmem:$0x31F8] =	vst v63  }
0x29: {  	_ =	swait.ge [sflag:s4], $0x7D0  }
0x2a: {  	[sflag:s4] =	ssyncset.done $0x0  }
0x2b: {  	[sflag:s4] =	ssyncadd.s32 $0xFFFFF830  }
0x2c: {  	[spmem:s1] =	stream.indirect.scatter.add.f32 [tilespmem:s6], [sflag:$0x1], $0x1, s8, s7, $0xb8;
	[tilespmem:$0x31F8] =	vst v63  }
0x2d: {  	s16 =	sadd.s32 $0xFFFFFFFF, s16;
	_ =	swait.ge [sflag:s4], $0x7D0  }
0x2e: {  	p2 =	sne.s32 s16, $0x0;
	[sflag:s4] =	ssyncset.done $0x0  }
.Ltmp1:
0x2f: {  	[sflag:s4] =	ssyncadd.s32 $0xFFFFF830;
	(pc) =	sbr.rel @!p2 .LBB2_3-.Ltmp1, $4  }
0x30: {  	s17 =	simm.s32 @!p0 $0x20;
	s18 =	simm.s32 @!p0 $0x10;
	[bflag:$0x0] =	sbarrier.arrive $0xFFFF  }
0x31: {  	[hbm:s2@s17], [sflag:s15] =	dma.strided @!p0 [spmem:s3@s18], $0x4F0, s14, $0x10   }
0x32: {  	_ =	swait.ge @!p0 [sflag:s14], $0x4F0  }
0x33: {  	p1 =	por $0x1, $0x1;
	[sflag:s14] =	ssyncset.done @!p0 $0x0  }
.LBB2_2:
0x34: {  	[sflag:s14] =	ssyncadd.s32 @!p0 $0xFFFFFB10  }
0x35: {  	[spmem:s3], [sflag:s15] =	dma.local @!p0 [hbm:s13], $0x4F0  }
0x36: {  	s16 =	sadd.s32 $0xFFFFFFFF, s16;
	_ =	swait.ge @!p0 [sflag:s14], $0x4F0  }
0x37: {  	p2 =	sne.s32 s16, $0x0;
	[sflag:s14] =	ssyncset.done @!p0 $0x0  }
0x38: {  	[sflag:s14] =	ssyncadd.s32 @!p0 $0xFFFFFB10  }
0x39: {  	[tilespmem:s5], [sflag:$0x1] =	stream.linear.gather [hbm4b:s12+s5], $0x2710, $0x38;
	[tilespmem:$0x31F8] =	vst v63  }
0x3a: {  	_ =	swait.ge [sflag:s4], $0x2710  }
0x3b: {  	[sflag:s4] =	ssyncset.done $0x0  }
0x3c: {  	[sflag:s4] =	ssyncadd.s32 $0xFFFFD8F0  }
0x3d: {  	[tilespmem:s6], [sflag:$0x1] =	stream.linear.gather [hbm4b:s10+s5], $0x800, $0x38;
	[tilespmem:$0x31F8] =	vst v63  }
0x3e: {  	_ =	swait.ge [sflag:s4], $0x800  }
0x3f: {  	[sflag:s4] =	ssyncset.done $0x0  }
0x40: {  	[sflag:s4] =	ssyncadd.s32 $0xFFFFF800  }
0x41: {  	[bflag:$0x0] =	sbarrier.arrive $0xFFFF  }
0x42: {  	[spmem:s1] =	stream.indirect.scatter.add.f32 [tilespmem:s6], [sflag:$0x1], $0x1, s5, s7, $0xb8;
	[tilespmem:$0x31F8] =	vst v63  }
0x43: {  	_ =	swait.ge [sflag:s4], $0x7D0  }
0x44: {  	[sflag:s4] =	ssyncset.done $0x0  }
0x45: {  	[sflag:s4] =	ssyncadd.s32 $0xFFFFF830  }
0x46: {  	[spmem:s1] =	stream.indirect.scatter.add.f32 [tilespmem:s6], [sflag:$0x1], $0x1, s7, s7, $0xb8;
	[tilespmem:$0x31F8] =	vst v63  }
0x47: {  	_ =	swait.ge [sflag:s4], $0x7D0  }
0x48: {  	[sflag:s4] =	ssyncset.done $0x0  }
0x49: {  	[sflag:s4] =	ssyncadd.s32 $0xFFFFF830  }
0x4a: {  	[spmem:s1] =	stream.indirect.scatter.add.f32 [tilespmem:s6], [sflag:$0x1], $0x1, s11, s7, $0xb8;
	[tilespmem:$0x31F8] =	vst v63  }
0x4b: {  	_ =	swait.ge [sflag:s4], $0x7D0  }
0x4c: {  	[sflag:s4] =	ssyncset.done $0x0  }
0x4d: {  	[sflag:s4] =	ssyncadd.s32 $0xFFFFF830  }
0x4e: {  	[spmem:s1] =	stream.indirect.scatter.add.f32 [tilespmem:s6], [sflag:$0x1], $0x1, s9, s7, $0xb8;
	[tilespmem:$0x31F8] =	vst v63  }
0x4f: {  	_ =	swait.ge [sflag:s4], $0x7D0  }
0x50: {  	[sflag:s4] =	ssyncset.done $0x0  }
0x51: {  	[sflag:s4] =	ssyncadd.s32 $0xFFFFF830  }
0x52: {  	[spmem:s1] =	stream.indirect.scatter.add.f32 [tilespmem:s6], [sflag:$0x1], $0x1, s8, s7, $0xb8;
	[tilespmem:$0x31F8] =	vst v63  }
0x53: {  	_ =	swait.ge [sflag:s4], $0x7D0  }
0x54: {  	[sflag:s4] =	ssyncset.done $0x0  }
.Ltmp2:
0x55: {  	[sflag:s4] =	ssyncadd.s32 $0xFFFFF830;
	(pc) =	sbr.rel @p2 .LBB2_2-.Ltmp2, $4  }
0x56: {  	[bflag:$0x0] =	sbarrier.arrive $0xFFFF  }
0x57: {  	[hbm:s2@s17], [sflag:s15] =	dma.strided @!p0 [spmem:s3@s18], $0x4F0, s14, $0x10   }
0x58: {  	_ =	swait.ge @!p0 [sflag:s14], $0x4F0  }
0x59: {  	[sflag:s14] =	ssyncset.done @!p0 $0x0  }
.LBB2_3:
0x5a: {  	p1 =	por p0, !p1  }
0x5b: {  	s15 =	simm.s32 @!p0 $0x1C01;
	s16 =	simm.s32 @!p0 $0x1;
	[sflag:s14] =	ssyncadd.s32 @!p1 $0xFFFFFB10  }
0x5c: {  	[spmem:s3], [sflag:s15] =	dma.local @!p0 [hbm:s13], $0x4F0  }
0x5d: {  	_ =	swait.ge @!p0 [sflag:s16], $0x4F0  }
0x5e: {  	[sflag:s16] =	ssyncset.done @!p0 $0x0  }
0x5f: {  	[sflag:s16] =	ssyncadd.s32 @!p0 $0xFFFFFB10  }
0x60: {  	[tilespmem:s5], [sflag:$0x1] =	stream.linear.gather [hbm4b:s12+s5], $0x2710, $0x38;
	[tilespmem:$0x31F8] =	vst v63  }
0x61: {  	_ =	swait.ge [sflag:s4], $0x2710  }
0x62: {  	[sflag:s4] =	ssyncset.done $0x0  }
0x63: {  	[sflag:s4] =	ssyncadd.s32 $0xFFFFD8F0  }
0x64: {  	[tilespmem:s6], [sflag:$0x1] =	stream.linear.gather [hbm4b:s10+s5], $0x800, $0x38;
	[tilespmem:$0x31F8] =	vst v63  }
0x65: {  	_ =	swait.ge [sflag:s4], $0x800  }
0x66: {  	[sflag:s4] =	ssyncset.done $0x0  }
0x67: {  	[sflag:s4] =	ssyncadd.s32 $0xFFFFF800  }
0x68: {  	[bflag:$0x0] =	sbarrier.arrive $0xFFFF  }
0x69: {  	[spmem:s1] =	stream.indirect.scatter.add.f32 [tilespmem:s6], [sflag:$0x1], $0x1, s5, s7, $0xb8;
	[tilespmem:$0x31F8] =	vst v63  }
0x6a: {  	_ =	swait.ge [sflag:s4], $0x7D0  }
0x6b: {  	[sflag:s4] =	ssyncset.done $0x0  }
0x6c: {  	[sflag:s4] =	ssyncadd.s32 $0xFFFFF830  }
0x6d: {  	[spmem:s1] =	stream.indirect.scatter.add.f32 [tilespmem:s6], [sflag:$0x1], $0x1, s7, s7, $0xb8;
	[tilespmem:$0x31F8] =	vst v63  }
0x6e: {  	_ =	swait.ge [sflag:s4], $0x7D0  }
0x6f: {  	[sflag:s4] =	ssyncset.done $0x0  }
0x70: {  	[sflag:s4] =	ssyncadd.s32 $0xFFFFF830  }
0x71: {  	[spmem:s1] =	stream.indirect.scatter.add.f32 [tilespmem:s6], [sflag:$0x1], $0x1, s11, s7, $0xb8;
	[tilespmem:$0x31F8] =	vst v63  }
0x72: {  	_ =	swait.ge [sflag:s4], $0x7D0  }
0x73: {  	[sflag:s4] =	ssyncset.done $0x0  }
0x74: {  	[sflag:s4] =	ssyncadd.s32 $0xFFFFF830  }
0x75: {  	[spmem:s1] =	stream.indirect.scatter.add.f32 [tilespmem:s6], [sflag:$0x1], $0x1, s9, s7, $0xb8;
	[tilespmem:$0x31F8] =	vst v63  }
0x76: {  	_ =	swait.ge [sflag:s4], $0x7D0  }
0x77: {  	[sflag:s4] =	ssyncset.done $0x0  }
0x78: {  	[sflag:s4] =	ssyncadd.s32 $0xFFFFF830  }
0x79: {  	[spmem:s1] =	stream.indirect.scatter.add.f32 [tilespmem:s6], [sflag:$0x1], $0x1, s8, s7, $0xb8;
	[tilespmem:$0x31F8] =	vst v63  }
0x7a: {  	_ =	swait.ge [sflag:s4], $0x7D0  }
0x7b: {  	[sflag:s4] =	ssyncset.done $0x0  }
0x7c: {  	[sflag:s4] =	ssyncadd.s32 $0xFFFFF830  }
0x7d: {  	s1 =	simm.s32 @!p0 $0x20;
	s4 =	simm.s32 @!p0 $0x10;
	[bflag:$0x0] =	sbarrier.arrive $0xFFFF  }
0x7e: {  	[hbm:s2@s1], [sflag:s15] =	dma.strided @!p0 [spmem:s3@s4], $0x4F0, s16, $0x10   }
0x7f: {  	_ =	swait.ge @!p0 [sflag:s16], $0x4F0  }
0x80: {  	[sflag:s16] =	ssyncset.done @!p0 $0x0  }
0x81: {  	[sflag:s16] =	ssyncadd.s32 @!p0 $0xFFFFFB10  }
0x82: {  	_ =	sfence.sel $0x180000  }
0x83: {  	[bflag:$0x0] =	sbarrier.arrive $0xFFFF  }
0x84: {  	_ =	strace $0x90000047  }
0x85: {  	s0 =	sadd.s32 @!p0 $0x100000, s0;
	[bflag:$0x2] =	sbarrier.arrive $0xFFFF  }
0x86: {  	[sflag:s0] =	ssyncadd.tile.s32 @!p0 $0x1;
	_ =	shalt  }
.Lfunc_end2:
_tile_overlayer_lowered:
.L_overlay_start_2:
0x87: {  	(tag) =	ssettag $0x2  }
0x88: {  	s0 =	rddreg [dreg:$0x0];
	s2 =	stileid.u32  }
0x89: {  	s1 =	rddreg [dreg:$0x1];
	p0 =	sne.s32 s2, $0x0  }
0x8a: {  	s3 =	rddreg [dreg:$0x2];
	[bflag:$0x3] =	sbarrier.arrive $0xFFFF;
	s2 =	simm.s32 @!p0 $0x1C01  }
0x8b: {  	[timem:s3], [sflag:s2] =	dma.local @!p0 [hbm:s0], s1  }
0x8c: {  	s0 =	simm.s32 @!p0 $0x1  }
0x8d: {  	_ =	swait.ge @!p0 [sflag:s0], s1  }
0x8e: {  	s1 =	ssub.s32 @!p0 $0x0, s1;
	[sflag:s0] =	ssyncset.done @!p0 $0x0  }
0x8f: {  	[sflag:s0] =	ssyncadd.s32 @!p0 s1  }
0x90: {  	[bflag:$0x3] =	sbarrier.arrive $0xFFFF  }
0x91: {  	_ =	shalt  }

// kernel: kernel.21.cloned.1.call-start
scs
__scs_entry_jumppad:
0x0: {  	(pc) =	sbr.rel $0x88, $3  }
0x1: {  	(tag) =	ssettag $0x0;
	lr =	simm.s32 $0x1  }
0x2: {  	[smem:$0x3F97] =	sst lr;
	_ =	strace $0xD0000000  }
0x3: {  	_ = 	snop  }
0x4: {  	_ = 	snop  }
0x5: {  	_ = 	snop  }
0x6: {  	_ = 	snop  }
0x7: {  	_ = 	snop  }
__scs_overlays_trampoline_lowered:
0x8: {  	[smem:$0x3FA6] =	sst s0  }
0x9: {  	[smem:$0x3FA7] =	sst s1  }
0xa: {  	[smem:$0x3FA8] =	sst s2  }
0xb: {  	[smem:$0x3FA9] =	sst s3  }
0xc: {  	[smem:$0x3FAA] =	sst s4  }
0xd: {  	[smem:$0x3FAB] =	sst s5  }
0xe: {  	[smem:$0x3FAC] =	sst s6  }
0xf: {  	[smem:$0x3FAD] =	sst s7  }
0x10: {  	[smem:$0x3FAE] =	sst s8  }
0x11: {  	[smem:$0x3FAF] =	sst s9;
	s0 =	simm.s32 @!p0 $0x0  }
0x12: {  	s1 =	sld [smem:$0x3F95];
	s0 =	simm.s32 @p0 $0x1  }
0x13: {  	[smem:$0x3FB0] =	sst s0;
	s0 =	simm.s32 @!p1 $0x0  }
0x14: {  	s2 =	sld [smem:$0x3F94];
	s0 =	simm.s32 @p1 $0x1  }
0x15: {  	[smem:$0x3FB1] =	sst s0;
	s0 =	simm.s32 @!p2 $0x0  }
0x16: {  	s3 =	sld [smem:$0x3FDB];
	s0 =	simm.s32 @p2 $0x1  }
0x17: {  	s4 =	simm.s32 $0x1BF5;
	[smem:$0x3FB3] =	sst s0  }
0x18: {  	s0 =	sld [smem:$0x3F96];
	_ =	swait.ge [sflag:s4], $0x0  }
0x19: {  	s7 =	sld [smem:$0x3F97]  }
0x1a: {  	s8 =	sadd.s32 $0xFFFFE003, lr  }
0x1b: {  	s9 =	sadd.s32 $0xFFFFFEF7, lr;
	s5 =	simm.s32 $0xFFFFFFFF;
	p2 =	slt.u32 s8, $0xFFFFF086  }
0x1c: {  	p1 =	slt.u32 s9, $0xF7A;
	s5 =	simm.s32 @!p2 $0x0  }
0x1d: {  	s5 =	simm.s32 @p1 $0x1;
	p0 =	seq.s32 s7, s2  }
0x1e: {  	s7 =	smul.u32 @!p0 $0xF7A, s2;
	p2 =	seq.s32 @!p0 s5, $0x0  }
0x1f: {  	s9 =	smul.u32 $0xF7A, s1;
	s8 =	simm.s32 @!p0 $0x1BF5;
	p2 =	por !p2, p0  }
0x20: {  	[sflag:s8] =	ssyncset.s32 @!p0 $0xFFFFF086;
	s6 =	sadd.s32 @!p0 s3, s7;
	s7 =	simm.s32 @!p0 $0x108  }
0x21: {  	s3 =	sadd.s32 s3, s9;
	s6 =	sadd.s32 @!p0 $0x88, s6;
	s7 =	simm.s32 @p2 $0x1082  }
0x22: {  	[simem:s7], [sflag:s8] =	dma.local @!p0 [hbm:s6], $0xF7A  }
0x23: {  	s9 =	sor.u32 $0xD0000000, s2;
	s6 =	simm.s32 $0x108;
	_ =	swait.ge @!p0 [sflag:s8], $0x0  }
0x24: {  	s3 =	sadd.s32 $0x88, s3;
	s6 =	simm.s32 @!p1 $0x1082;
	[sflag:s4] =	ssyncset.s32 $0xFFFFF086  }
0x25: {  	[simem:s6], [sflag:s4] =	dma.local [hbm:s3], $0xF7A  }
0x26: {  	[smem:$0x3F97] =	sst s1;
	(tag) =	ssettag s2;
	_ =	strace s9  }
0x27: {  	s1 =	sld [smem:$0x3FA7]  }
0x28: {  	s2 =	sld [smem:$0x3FA8]  }
0x29: {  	s4 =	sld [smem:$0x3FAA]  }
0x2a: {  	p0 =	seq.s32 s5, $0x0;
	s5 =	sld [smem:$0x3FAB]  }
0x2b: {  	s6 =	sld [smem:$0x3FAC]  }
0x2c: {  	s7 =	sld [smem:$0x3FAD]  }
0x2d: {  	s3 =	simm.s32 $0x108;
	s8 =	sld [smem:$0x3FAE]  }
0x2e: {  	s3 =	simm.s32 @!p0 $0x1082;
	s9 =	sld [smem:$0x3FAF]  }
0x2f: {  	lr =	sadd.s32 s0, s3;
	s0 =	sld [smem:$0x3FA6]  }
0x30: {  	s3 =	sld [smem:$0x3FA9]  }
0x31: {  	[smem:$0x3FB2] =	sst s10  }
0x32: {  	s10 =	sld [smem:$0x3FB0];
	_ =	sdelay $0x3  }
0x33: {  	p0 =	seq.s32 s10, $0x1;
	s10 =	sld [smem:$0x3FB2];
	_ =	sdelay $0x3  }
0x34: {  	[smem:$0x3FB2] =	sst s10  }
0x35: {  	s10 =	sld [smem:$0x3FB1];
	_ =	sdelay $0x3  }
0x36: {  	p1 =	seq.s32 s10, $0x1;
	s10 =	sld [smem:$0x3FB2];
	_ =	sdelay $0x3  }
0x37: {  	[smem:$0x3FB2] =	sst s10  }
0x38: {  	s10 =	sld [smem:$0x3FB3]  }
0x39: {  	_ = 	snop;
	(pc) =	sbr.ind lr, $3  }
0x3a: {  	_ = 	snop  }
0x3b: {  	_ = 	snop  }
0x3c: {  	p2 =	seq.s32 s10, $0x1;
	s10 =	sld [smem:$0x3FB2]  }
0x3d: {  	_ =	shalt  }
0x3e: {  	_ =	shalt  }
0x3f: {  	_ =	shalt  }
0x40: {  	_ =	shalt  }
0x41: {  	_ =	shalt  }
0x42: {  	_ =	shalt  }
0x43: {  	_ =	shalt  }
0x44: {  	_ =	shalt  }
0x45: {  	_ =	shalt  }
0x46: {  	_ =	shalt  }
0x47: {  	_ =	shalt  }
0x48: {  	_ =	shalt  }
0x49: {  	_ =	shalt  }
0x4a: {  	_ =	shalt  }
0x4b: {  	_ =	shalt  }
0x4c: {  	_ =	shalt  }
0x4d: {  	_ =	shalt  }
0x4e: {  	_ =	shalt  }
0x4f: {  	_ =	shalt  }
0x50: {  	_ =	shalt  }
0x51: {  	_ =	shalt  }
0x52: {  	_ =	shalt  }
0x53: {  	_ =	shalt  }
0x54: {  	_ =	shalt  }
0x55: {  	_ =	shalt  }
0x56: {  	_ =	shalt  }
0x57: {  	_ =	shalt  }
0x58: {  	_ =	shalt  }
0x59: {  	_ =	shalt  }
0x5a: {  	_ =	shalt  }
0x5b: {  	_ =	shalt  }
0x5c: {  	_ =	shalt  }
0x5d: {  	_ =	shalt  }
0x5e: {  	_ =	shalt  }
0x5f: {  	_ =	shalt  }
0x60: {  	_ =	shalt  }
0x61: {  	_ =	shalt  }
0x62: {  	_ =	shalt  }
0x63: {  	_ =	shalt  }
0x64: {  	_ =	shalt  }
0x65: {  	_ =	shalt  }
0x66: {  	_ =	shalt  }
0x67: {  	_ =	shalt  }
0x68: {  	_ =	shalt  }
0x69: {  	_ =	shalt  }
0x6a: {  	_ =	shalt  }
0x6b: {  	_ =	shalt  }
0x6c: {  	_ =	shalt  }
0x6d: {  	_ =	shalt  }
0x6e: {  	_ =	shalt  }
0x6f: {  	_ =	shalt  }
0x70: {  	_ =	shalt  }
0x71: {  	_ =	shalt  }
0x72: {  	_ =	shalt  }
0x73: {  	_ =	shalt  }
0x74: {  	_ =	shalt  }
0x75: {  	_ =	shalt  }
0x76: {  	_ =	shalt  }
0x77: {  	_ =	shalt  }
0x78: {  	_ =	shalt  }
0x79: {  	_ =	shalt  }
0x7a: {  	_ =	shalt  }
0x7b: {  	_ =	shalt  }
0x7c: {  	_ =	shalt  }
0x7d: {  	_ =	shalt  }
0x7e: {  	_ =	shalt  }
0x7f: {  	_ =	shalt  }
0x80: {  	_ =	shalt  }
0x81: {  	_ =	shalt  }
0x82: {  	_ =	shalt  }
0x83: {  	_ =	shalt  }
0x84: {  	_ =	shalt  }
0x85: {  	_ =	shalt  }
0x86: {  	_ =	shalt  }
0x87: {  	_ =	shalt  }
.Lfunc_end0:
.L_simem_size_0:
called_computation.1_lowered:
.L_overlay_start_0:
0x88: {  	s2 =	sld [smem:$0x3FD9]  }
0x89: {  	s3 =	sld [smem:$0x3FFE];
	_ =	sdelay $0x1  }
0x8a: {  	s1 =	srdreg.scid  }
0x8b: {  	s0 =	sand.u32 $0x1, s1  }
0x8c: {  	s16 =	sshll.u32 s0, $0xA;
	s2 =	sadd.s32 s3, s2  }
0x8d: {  	s2 =	sadd.s32 s2, s16  }
0x8e: {  	[smem:$0x3FBE] =	sst s2  }
0x8f: {  	_ = 	snop  }
0x90: {  	(tm) =	ssettm $0x1  }
0x91: {  	s17 =	sld [smem:$0x3FFB];
	_ =	sdelay $0x3  }
0x92: {  	_ =	strace s17  }
0x93: {  	s2 =	sld [smem:$0x3FFC];
	_ =	sdelay $0x3  }
0x94: {  	_ =	strace s2  }
0x95: {  	s2 =	sld [smem:$0x3FFD];
	_ =	sdelay $0x3  }
0x96: {  	_ =	strace s2  }
0x97: {  	_ =	strace $0x8FFFFFFF  }
0x98: {  	s18 =	sld [smem:$0x3FDB];
	_ =	sdelay $0x1  }
0x99: {  	s19 =	simm.s32 $_scs_section_size  }
0x9a: {  	s4 =	simm.s32 $_size__tile_overlayer_lowered;
	s5 =	simm.s32 $_tile_overlayer_lowered  }
0x9b: {  	s22 =	simm.s32 $0x1BFF;
	s21 =	sshll.u32 s5, $0x1;
	s2 =	sadd.s32 s19, s18  }
0x9c: {  	s6 =	simm.s32 $0x0;
	s20 =	sshll.u32 s4, $0x1;
	s4 =	sadd.s32 s21, s2  }
0x9d: {  	[timem:s6], [sflag:s22] =	dma.local [hbm:s4], s20  }
0x9e: {  	_ =	swait.ge [sflag:s22], s20  }
0x9f: {  	s3 =	ssub.s32 $0x0, s20;
	[sflag:s22] =	ssyncset.done $0x0  }
0xa0: {  	[sflag:s22] =	ssyncadd.s32 s3;
	_ =	sdelay $0x1  }
0xa1: {  	s23 =	simm.s32 $0x1B8B  }
0xa2: {  	_ =	swait.ge [sflag:s23], $0x1  }
0xa3: {  	[sflag:s23] =	ssyncset.done $0x0  }
0xa4: {  	s25 =	simm.s32 $0x1B8E;
	s24 =	sld [smem:$0x3FFE];
	[sflag:s23] =	ssyncadd.s32 $0xFFFFFFFF  }
0xa5: {  	s26 =	simm.s32 $execute0_lowered;
	[smem:$0x3FD2] =	sst s25  }
0xa6: {  	s4 =	sshll.u32 s26, $0x1;
	_ =	strace $0x80000049;
	[dreg:$0x1] =	wrdreg $0xFFFFFFFF  }
0xa7: {  	s28 =	simm.s32 $_size_execute0_lowered;
	s2 =	sadd.s32 s2, s4;
	[dreg:$0x0] =	wrdreg $0x0  }
0xa8: {  	s4 =	sshll.u32 s28, $0x1;
	[dreg:$0x2] =	wrdreg s2  }
0xa9: {  	[dreg:$0x3] =	wrdreg s4  }
0xaa: {  	[dreg:$0x4] =	wrdreg $0xC0  }
0xab: {  	_ =	task [dreg:s6], $0x5FFFF  }
0xac: {  	[dreg:$0x1] =	wrdreg $0xFFFFFFFF  }
0xad: {  	[dreg:$0x0] =	wrdreg $0x60  }
0xae: {  	[dreg:$0x2] =	wrdreg s24  }
0xaf: {  	[dreg:$0x3] =	wrdreg $0xBF000  }
0xb0: {  	[dreg:$0x4] =	wrdreg $0x9  }
0xb1: {  	_ =	task.clear_ibuf [dreg:s6], $0x5FFFF;
	_ =	strace $0x90000049  }
0xb2: {  	s29 =	simm.s32 $0x9;
	_ =	strace $0x8000004B  }
0xb3: {  	_ =	swait.ge [sflag:s29], $0x1  }
0xb4: {  	[sflag:s29] =	ssyncadd.s32 $0xFFFFFFFF  }
0xb5: {  	_ =	strace $0x9000004B  }
0xb6: {  	_ =	sfence  }
0xb7: {  	s30 =	sld [smem:$0x0];
	_ =	sdelay $0x2  }
0xb8: {  	s31 =	sshll.u32 s1, $0xD;
	s1 =	sshrl.u32 s1, $0x2  }
0xb9: {  	s3 =	sand.u32 $0x4000, s31;
	s1 =	sadd.s32 s1, s30  }
0xba: {  	s0 =	sor.u32 s3, s0;
	s1 =	sshll.u32 s1, $0x11  }
0xbb: {  	s0 =	sor.u32 s1, s0  }
0xbc: {  	s0 =	sadd.s32 $0x8F2B, s0  }
0xbd: {  	[sflag:s0] =	ssyncadd.remote.s32 $0x1  }
0xbe: {  	_ =	sfence.sel $0xFFFF  }
0xbf: {  	[dreg:$0x0] =	wrdreg $0xFFFFFFFF;
	(pc) =	sbr.abs _section_cstart, $3  }
0xc0: {  	[dreg:$0x1] =	wrdreg $0xFFFFFFFF  }
0xc1: {  	_ =	task.clear_ibuf [dreg:s6], $0x2FFFF;
	_ =	strace $0x9FFFFFFF  }
0xc2: {  	(tm) =	ssettm $0x7FFFFFFF  }
0xc3: {  	_ =	shalt  }
tec
execute0_lowered:
.L_overlay_start_1:
0x0: {  	(tag) =	ssettag $0x1  }
0x1: {  	s1 =	srdreg.scid;
	s6 =	rddreg [dreg:$0x0]  }
0x2: {  	s0 =	stileid.u32;
	s2 =	rddreg [dreg:$0x1];
	s3 =	simm.s32 $0x0  }
0x3: {  	s16 =	simm.s32 $0x2780;
	s17 =	simm.s32 $0x70;
	s18 =	simm.s32 $0x4F00  }
0x4: {  	s19 =	simm.s32 $0x8700;
	s20 =	simm.s32 $0x1;
	s21 =	simm.s32 $0x2  }
0x5: {  	s22 =	simm.s32 $0x4E00;
	s23 =	simm.s32 $0x20;
	s24 =	simm.s32 $0x26F0  }
0x6: {  	s25 =	simm.s32 $0x4E70;
	s26 =	simm.s32 $0x0;
	s7 =	smul.u32 $0x2700, s0  }
0x7: {  	s5 =	sand.u32 $0x1, s1;
	s28 =	sshll.u32 s0, $0x1;
	s10 =	smul.u32 $0x4E000, s0  }
0x8: {  	[smem:$0x7FF] =	sst s3;
	s11 =	sadd.s32 $0xB5400, s6;
	s30 =	smul.u32 $0x13800, s0  }
0x9: {  	s15 =	sadd.s32 $0x124800, s2;
	p0 =	seq.s32 s0, $0xF;
	s4 =	sor.u32 s5, s28  }
0xa: {  	_ =	strace $0x8000004A;
	s9 =	ssub.s32 $0x2, s5;
	s13 =	smul.u32 $0x138800, s5  }
0xb: {  	s4 =	smul.u32 $0x4E2, s4;
	s12 =	sshrl.u32 s9, $0x1;
	s29 =	sshrl.u32 s10, $0x2  }
0xc: {  	s7 =	sadd.s32 s7, s6;
	s12 =	ssub.s32 s9, s12;
	s14 =	sadd.s32 s29, s2  }
0xd: {  	s5 =	sadd.s32 $0x8E200, s7;
	s9 =	sadd.s32 s30, s13;
	s31 =	sshrl.u32 s13, $0x3  }
0xe: {  	s13 =	sshll.u32 @!p0 s0, $0x6;
	s8 =	sadd.s32 s4, s6;
	s4 =	sadd.s32 $0x67000, s6  }
0xf: {  	s6 =	sadd.s32 $0xB2B00, s6;
	s9 =	sshrl.u32 s9, $0x3;
	s10 =	sadd.s32 s11, s31  }
0x10: {  	s13 =	sor.u32 @!p0 $0x1C03, s13;
	s14 =	sshrl.u32 @!p0 s14, $0x3;
	s7 =	sadd.s32 $0xF000, s8  }
0x11: {  	s8 =	sadd.s32 $0x5200, s8;
	s9 =	sadd.s32 s11, s9;
	s10 =	sadd.s32 $0x24900, s10  }
0x12: {  	s11 =	smax.u32 s12, $0x1;
	s12 =	sshrl.u32 @p0 s15, $0x3;
	s15 =	simm.s32 $0x3  }
.LBB2_1:
0x13: {  	s28 =	simm.s32 @p0 $0x1FC3  }
0x14: {  	[spmem:s12], [sflag:s28] =	dma.local @p0 [hbm:s6], $0x2800  }
0x15: {  	s28 =	simm.s32 @p0 $0x3  }
0x16: {  	_ =	swait.ge @p0 [sflag:s28], $0x2800  }
0x17: {  	[sflag:s28] =	ssyncset.done @p0 $0x0  }
0x18: {  	[sflag:s28] =	ssyncadd.s32 @p0 $0xFFFFD800;
	s28 =	simm.s32 @!p0 $0x3  }
0x19: {  	[spmem:s14], [sflag:s13] =	dma.local @!p0 [hbm:s5], $0x2700  }
0x1a: {  	_ =	swait.ge @!p0 [sflag:s28], $0x2700  }
0x1b: {  	[sflag:s28] =	ssyncset.done @!p0 $0x0  }
0x1c: {  	[sflag:s28] =	ssyncadd.s32 @!p0 $0xFFFFD900  }
0x1d: {  	[tilespmem:s3], [sflag:$0x3] =	stream.linear.gather [hbm4b:s7+s3], $0x2710, $0x38;
	[tilespmem:$0x1F780] =	vst v63  }
0x1e: {  	_ =	swait.ge [sflag:s15], $0x2710  }
0x1f: {  	[sflag:s15] =	ssyncset.done $0x0  }
0x20: {  	[sflag:s15] =	ssyncadd.s32 $0xFFFFD8F0  }
0x21: {  	[tilespmem:s16], [sflag:$0x3] =	stream.linear.gather [hbm4b:s8+s3], $0x2710, $0x38;
	[tilespmem:$0x1F780] =	vst v63  }
0x22: {  	_ =	swait.ge [sflag:s15], $0x2710  }
0x23: {  	[sflag:s15] =	ssyncset.done $0x0  }
0x24: {  	[sflag:s15] =	ssyncadd.s32 $0xFFFFD8F0  }
0x25: {  	[bflag:$0x0] =	sbarrier.arrive $0xFFFF  }
0x26: {  	[tilespmem:s18], [sflag:$0x1] =	stream.indirect.gather [hbm4b:s4+s17], $0x80, s3, s17, $0xb8;
	[tilespmem:$0x1F780] =	vst v63  }
0x27: {  	s28 =	simm.s32 $0x70  }
0x28: {  	[tilespmem:s19], [sflag:$0x2] =	stream.indirect.gather [hbm4b:s4+s17], $0x80, s28, s17, $0xb8;
	[tilespmem:$0x1F780] =	vst v63  }
0x29: {  	_ =	swait.ge [sflag:s20], $0x3800  }
0x2a: {  	[sflag:s20] =	ssyncset.done $0x0  }
0x2b: {  	s28 =	simm.s32 $0x2780;
	[sflag:s20] =	ssyncadd.s32 $0xFFFFC800  }
0x2c: {  	[spmem:s2] =	stream.indirect.scatter.add.f32 [tilespmem:s18], [sflag:$0x3], $0x80, s28, s17, $0xb8;
	[tilespmem:$0x1F780] =	vst v63  }
0x2d: {  	_ =	swait.ge [sflag:s15], $0x3800  }
0x2e: {  	[sflag:s15] =	ssyncset.done $0x0  }
0x2f: {  	s28 =	simm.s32 $0xE0;
	[sflag:s15] =	ssyncadd.s32 $0xFFFFC800  }
0x30: {  	[tilespmem:s18], [sflag:$0x1] =	stream.indirect.gather [hbm4b:s4+s17], $0x80, s28, s17, $0xb8;
	[tilespmem:$0x1F780] =	vst v63  }
0x31: {  	_ =	swait.ge [sflag:s21], $0x3800  }
0x32: {  	[sflag:s21] =	ssyncset.done $0x0  }
0x33: {  	s28 =	simm.s32 $0x27F0;
	[sflag:s21] =	ssyncadd.s32 $0xFFFFC800  }
0x34: {  	[spmem:s2] =	stream.indirect.scatter.add.f32 [tilespmem:s19], [sflag:$0x3], $0x80, s28, s17, $0xb8;
	[tilespmem:$0x1F780] =	vst v63  }
0x35: {  	_ =	swait.ge [sflag:s15], $0x3800  }
0x36: {  	s29 =	simm.s32 $0x700;
	s28 =	simm.s32 $0xE0;
	[sflag:s15] =	ssyncset.done $0x0  }
.LBB2_2:
0x37: {  	s30 =	sadd.s32 $0x70, s28  }
0x38: {  	[sflag:s15] =	ssyncadd.s32 $0xFFFFC800;
	s31 =	smov.u32 s29;
	s1 =	sadd.s32 $0x380, s29  }
0x39: {  	[tilespmem:s19], [sflag:$0x2] =	stream.indirect.gather [hbm4b:s4+s17], $0x80, s30, s17, $0xb8;
	[tilespmem:$0x1F780] =	vst v63  }
0x3a: {  	p1 =	sne.s32 s29, $0x9680;
	_ =	swait.ge [sflag:s20], $0x3800  }
0x3b: {  	[sflag:s20] =	ssyncset.done $0x0  }
0x3c: {  	s29 =	sadd.s32 $0x2780, s28;
	[sflag:s20] =	ssyncadd.s32 $0xFFFFC800  }
0x3d: {  	[spmem:s2] =	stream.indirect.scatter.add.f32 [tilespmem:s18], [sflag:$0x3], $0x80, s29, s17, $0xb8;
	[tilespmem:$0x1F780] =	vst v63  }
0x3e: {  	_ =	swait.ge [sflag:s15], $0x3800  }
0x3f: {  	[sflag:s15] =	ssyncset.done $0x0  }
0x40: {  	s29 =	sadd.s32 $0xE0, s28;
	[sflag:s15] =	ssyncadd.s32 $0xFFFFC800  }
0x41: {  	[tilespmem:s18], [sflag:$0x1] =	stream.indirect.gather [hbm4b:s4+s17], $0x80, s29, s17, $0xb8;
	[tilespmem:$0x1F780] =	vst v63  }
0x42: {  	_ =	swait.ge [sflag:s21], $0x3800  }
.Ltmp0:
0x43: {  	[sflag:s21] =	ssyncset.done $0x0;
	(pc) =	sbr.rel @p1 .LBB2_2-.Ltmp0, $4  }
0x44: {  	s28 =	sadd.s32 $0x27F0, s28;
	[sflag:s21] =	ssyncadd.s32 $0xFFFFC800  }
0x45: {  	[spmem:s2] =	stream.indirect.scatter.add.f32 [tilespmem:s19], [sflag:$0x3], $0x80, s28, s17, $0xb8;
	[tilespmem:$0x1F780] =	vst v63  }
0x46: {  	_ =	swait.ge [sflag:s15], $0x3800  }
0x47: {  	s29 =	smov.u32 s1;
	s28 =	sshra.s32 s31, $0x2;
	[sflag:s15] =	ssyncset.done $0x0  }
0x48: {  	s1 =	sadd.s32 $0x70, s28;
	[sflag:s15] =	ssyncadd.s32 $0xFFFFC800  }
0x49: {  	[tilespmem:s19], [sflag:$0x2] =	stream.indirect.gather [hbm4b:s4+s17], $0x80, s1, s17, $0xb8;
	[tilespmem:$0x1F780] =	vst v63  }
0x4a: {  	_ =	swait.ge [sflag:s20], $0x3800  }
0x4b: {  	[sflag:s20] =	ssyncset.done $0x0  }
0x4c: {  	s29 =	sadd.s32 $0x2780, s28;
	[sflag:s20] =	ssyncadd.s32 $0xFFFFC800  }
0x4d: {  	[spmem:s2] =	stream.indirect.scatter.add.f32 [tilespmem:s18], [sflag:$0x3], $0x80, s29, s17, $0xb8;
	[tilespmem:$0x1F780] =	vst v63  }
0x4e: {  	_ =	swait.ge [sflag:s15], $0x3800  }
0x4f: {  	[sflag:s15] =	ssyncset.done $0x0  }
0x50: {  	s30 =	sadd.s32 $0xE0, s28;
	[sflag:s15] =	ssyncadd.s32 $0xFFFFC800  }
0x51: {  	[tilespmem:s18], [sflag:$0x1] =	stream.indirect.gather [hbm4b:s4+s17], $0x80, s30, s17, $0xb8;
	[tilespmem:$0x1F780] =	vst v63  }
0x52: {  	_ =	swait.ge [sflag:s21], $0x3800  }
0x53: {  	[sflag:s21] =	ssyncset.done $0x0  }
0x54: {  	s31 =	sadd.s32 $0x27F0, s28;
	[sflag:s21] =	ssyncadd.s32 $0xFFFFC800  }
0x55: {  	[spmem:s2] =	stream.indirect.scatter.add.f32 [tilespmem:s19], [sflag:$0x3], $0x80, s31, s17, $0xb8;
	[tilespmem:$0x1F780] =	vst v63  }
0x56: {  	_ =	swait.ge [sflag:s15], $0x3800  }
0x57: {  	[sflag:s15] =	ssyncset.done $0x0  }
0x58: {  	[sflag:s15] =	ssyncadd.s32 $0xFFFFC800  }
0x59: {  	_ =	swait.ge [sflag:s20], $0x3800  }
0x5a: {  	[sflag:s20] =	ssyncset.done $0x0  }
0x5b: {  	[sflag:s20] =	ssyncadd.s32 $0xFFFFC800  }
0x5c: {  	[spmem:s2] =	stream.indirect.scatter.add.f32 [tilespmem:s18], [sflag:$0x3], $0x80, s22, s17, $0xb8;
	[tilespmem:$0x1F780] =	vst v63  }
0x5d: {  	_ =	swait.ge [sflag:s15], $0x3800  }
0x5e: {  	[sflag:s15] =	ssyncset.done $0x0  }
0x5f: {  	[sflag:s15] =	ssyncadd.s32 $0xFFFFC800  }
0x60: {  	[tilespmem:s19], [sflag:$0x2] =	stream.indirect.gather [hbm4b:s4+s23], $0x80, s24, s23, $0xb8;
	[tilespmem:$0x1F780] =	vst v63  }
0x61: {  	_ =	swait.ge [sflag:s21], $0x1000  }
0x62: {  	[sflag:s21] =	ssyncset.done $0x0  }
0x63: {  	[sflag:s21] =	ssyncadd.s32 $0xFFFFF000  }
0x64: {  	[spmem:s2] =	stream.indirect.scatter.add.f32 [tilespmem:s19], [sflag:$0x3], $0x80, s25, s23, $0xb8;
	[tilespmem:$0x1F780] =	vst v63  }
0x65: {  	_ =	swait.ge [sflag:s15], $0x1000  }
0x66: {  	[sflag:s15] =	ssyncset.done $0x0  }
0x67: {  	[sflag:s15] =	ssyncadd.s32 $0xFFFFF000  }
0x68: {  	s1 =	simm.s32 @p0 $0x1FC3;
	[bflag:$0x0] =	sbarrier.arrive $0xFFFF  }
0x69: {  	[hbm:s10], [sflag:s1] =	dma.local @p0 [spmem:s12], $0x2800  }
0x6a: {  	s1 =	simm.s32 @p0 $0x3  }
0x6b: {  	s26 =	sadd.s32 $0x1, s26;
	_ =	swait.ge @p0 [sflag:s1], $0x2800  }
0x6c: {  	p1 =	sne.s32 s26, s11;
	[sflag:s1] =	ssyncset.done @p0 $0x0  }
.Ltmp1:
0x6d: {  	[sflag:s1] =	ssyncadd.s32 @p0 $0xFFFFD800;
	s1 =	simm.s32 @!p0 $0x3;
	(pc) =	sbr.rel @p1 .LBB2_1-.Ltmp1, $4  }
0x6e: {  	[hbm:s9], [sflag:s13] =	dma.local @!p0 [spmem:s14], $0x2700  }
0x6f: {  	_ =	swait.ge @!p0 [sflag:s1], $0x2700  }
0x70: {  	[sflag:s1] =	ssyncset.done @!p0 $0x0  }
0x71: {  	[sflag:s1] =	ssyncadd.s32 @!p0 $0xFFFFD900  }
0x72: {  	_ =	sfence.sel $0x180000  }
0x73: {  	[bflag:$0x0] =	sbarrier.arrive $0xFFFF  }
0x74: {  	_ =	strace $0x9000004A  }
0x75: {  	[bflag:$0x2] =	sbarrier.arrive $0xFFFF  }
0x76: {  	p0 =	sne.s32 s0, $0x0;
	s0 =	rddreg [dreg:$0x2]  }
0x77: {  	s0 =	sadd.s32 @!p0 $0x100000, s0  }
0x78: {  	[sflag:s0] =	ssyncadd.tile.s32 @!p0 $0x1;
	_ =	shalt  }
.Lfunc_end2:
_tile_overlayer_lowered:
.L_overlay_start_2:
0x79: {  	(tag) =	ssettag $0x2  }
0x7a: {  	s0 =	rddreg [dreg:$0x0];
	s2 =	stileid.u32  }
0x7b: {  	s1 =	rddreg [dreg:$0x1];
	p0 =	sne.s32 s2, $0x0  }
0x7c: {  	s3 =	rddreg [dreg:$0x2];
	[bflag:$0x3] =	sbarrier.arrive $0xFFFF;
	s2 =	simm.s32 @!p0 $0x1C03  }
0x7d: {  	[timem:s3], [sflag:s2] =	dma.local @!p0 [hbm:s0], s1  }
0x7e: {  	s0 =	simm.s32 @!p0 $0x3  }
0x7f: {  	_ =	swait.ge @!p0 [sflag:s0], s1  }
0x80: {  	s1 =	ssub.s32 @!p0 $0x0, s1;
	[sflag:s0] =	ssyncset.done @!p0 $0x0  }
0x81: {  	[sflag:s0] =	ssyncadd.s32 @!p0 s1  }
0x82: {  	[bflag:$0x3] =	sbarrier.arrive $0xFFFF  }
0x83: {  	_ =	shalt  }

// kernel: kernel.24.cloned.1.call-start
scs
__scs_entry_jumppad:
0x0: {  	(pc) =	sbr.rel $0x88, $3  }
0x1: {  	(tag) =	ssettag $0x0;
	lr =	simm.s32 $0x1  }
0x2: {  	[smem:$0x3F97] =	sst lr;
	_ =	strace $0xD0000000  }
0x3: {  	_ = 	snop  }
0x4: {  	_ = 	snop  }
0x5: {  	_ = 	snop  }
0x6: {  	_ = 	snop  }
0x7: {  	_ = 	snop  }
__scs_overlays_trampoline_lowered:
0x8: {  	[smem:$0x3FA6] =	sst s0  }
0x9: {  	[smem:$0x3FA7] =	sst s1  }
0xa: {  	[smem:$0x3FA8] =	sst s2  }
0xb: {  	[smem:$0x3FA9] =	sst s3  }
0xc: {  	[smem:$0x3FAA] =	sst s4  }
0xd: {  	[smem:$0x3FAB] =	sst s5  }
0xe: {  	[smem:$0x3FAC] =	sst s6  }
0xf: {  	[smem:$0x3FAD] =	sst s7  }
0x10: {  	[smem:$0x3FAE] =	sst s8  }
0x11: {  	[smem:$0x3FAF] =	sst s9;
	s0 =	simm.s32 @!p0 $0x0  }
0x12: {  	s1 =	sld [smem:$0x3F95];
	s0 =	simm.s32 @p0 $0x1  }
0x13: {  	[smem:$0x3FB0] =	sst s0;
	s0 =	simm.s32 @!p1 $0x0  }
0x14: {  	s2 =	sld [smem:$0x3F94];
	s0 =	simm.s32 @p1 $0x1  }
0x15: {  	[smem:$0x3FB1] =	sst s0;
	s0 =	simm.s32 @!p2 $0x0  }
0x16: {  	s3 =	sld [smem:$0x3FDB];
	s0 =	simm.s32 @p2 $0x1  }
0x17: {  	s4 =	simm.s32 $0x1BF5;
	[smem:$0x3FB3] =	sst s0  }
0x18: {  	s0 =	sld [smem:$0x3F96];
	_ =	swait.ge [sflag:s4], $0x0  }
0x19: {  	s7 =	sld [smem:$0x3F97]  }
0x1a: {  	s8 =	sadd.s32 $0xFFFFE003, lr  }
0x1b: {  	s9 =	sadd.s32 $0xFFFFFEF7, lr;
	s5 =	simm.s32 $0xFFFFFFFF;
	p2 =	slt.u32 s8, $0xFFFFF086  }
0x1c: {  	p1 =	slt.u32 s9, $0xF7A;
	s5 =	simm.s32 @!p2 $0x0  }
0x1d: {  	s5 =	simm.s32 @p1 $0x1;
	p0 =	seq.s32 s7, s2  }
0x1e: {  	s7 =	smul.u32 @!p0 $0xF7A, s2;
	p2 =	seq.s32 @!p0 s5, $0x0  }
0x1f: {  	s9 =	smul.u32 $0xF7A, s1;
	s8 =	simm.s32 @!p0 $0x1BF5;
	p2 =	por !p2, p0  }
0x20: {  	[sflag:s8] =	ssyncset.s32 @!p0 $0xFFFFF086;
	s6 =	sadd.s32 @!p0 s3, s7;
	s7 =	simm.s32 @!p0 $0x108  }
0x21: {  	s3 =	sadd.s32 s3, s9;
	s6 =	sadd.s32 @!p0 $0x88, s6;
	s7 =	simm.s32 @p2 $0x1082  }
0x22: {  	[simem:s7], [sflag:s8] =	dma.local @!p0 [hbm:s6], $0xF7A  }
0x23: {  	s9 =	sor.u32 $0xD0000000, s2;
	s6 =	simm.s32 $0x108;
	_ =	swait.ge @!p0 [sflag:s8], $0x0  }
0x24: {  	s3 =	sadd.s32 $0x88, s3;
	s6 =	simm.s32 @!p1 $0x1082;
	[sflag:s4] =	ssyncset.s32 $0xFFFFF086  }
0x25: {  	[simem:s6], [sflag:s4] =	dma.local [hbm:s3], $0xF7A  }
0x26: {  	[smem:$0x3F97] =	sst s1;
	(tag) =	ssettag s2;
	_ =	strace s9  }
0x27: {  	s1 =	sld [smem:$0x3FA7]  }
0x28: {  	s2 =	sld [smem:$0x3FA8]  }
0x29: {  	s4 =	sld [smem:$0x3FAA]  }
0x2a: {  	p0 =	seq.s32 s5, $0x0;
	s5 =	sld [smem:$0x3FAB]  }
0x2b: {  	s6 =	sld [smem:$0x3FAC]  }
0x2c: {  	s7 =	sld [smem:$0x3FAD]  }
0x2d: {  	s3 =	simm.s32 $0x108;
	s8 =	sld [smem:$0x3FAE]  }
0x2e: {  	s3 =	simm.s32 @!p0 $0x1082;
	s9 =	sld [smem:$0x3FAF]  }
0x2f: {  	lr =	sadd.s32 s0, s3;
	s0 =	sld [smem:$0x3FA6]  }
0x30: {  	s3 =	sld [smem:$0x3FA9]  }
0x31: {  	[smem:$0x3FB2] =	sst s10  }
0x32: {  	s10 =	sld [smem:$0x3FB0];
	_ =	sdelay $0x3  }
0x33: {  	p0 =	seq.s32 s10, $0x1;
	s10 =	sld [smem:$0x3FB2];
	_ =	sdelay $0x3  }
0x34: {  	[smem:$0x3FB2] =	sst s10  }
0x35: {  	s10 =	sld [smem:$0x3FB1];
	_ =	sdelay $0x3  }
0x36: {  	p1 =	seq.s32 s10, $0x1;
	s10 =	sld [smem:$0x3FB2];
	_ =	sdelay $0x3  }
0x37: {  	[smem:$0x3FB2] =	sst s10  }
0x38: {  	s10 =	sld [smem:$0x3FB3]  }
0x39: {  	_ = 	snop;
	(pc) =	sbr.ind lr, $3  }
0x3a: {  	_ = 	snop  }
0x3b: {  	_ = 	snop  }
0x3c: {  	p2 =	seq.s32 s10, $0x1;
	s10 =	sld [smem:$0x3FB2]  }
0x3d: {  	_ =	shalt  }
0x3e: {  	_ =	shalt  }
0x3f: {  	_ =	shalt  }
0x40: {  	_ =	shalt  }
0x41: {  	_ =	shalt  }
0x42: {  	_ =	shalt  }
0x43: {  	_ =	shalt  }
0x44: {  	_ =	shalt  }
0x45: {  	_ =	shalt  }
0x46: {  	_ =	shalt  }
0x47: {  	_ =	shalt  }
0x48: {  	_ =	shalt  }
0x49: {  	_ =	shalt  }
0x4a: {  	_ =	shalt  }
0x4b: {  	_ =	shalt  }
0x4c: {  	_ =	shalt  }
0x4d: {  	_ =	shalt  }
0x4e: {  	_ =	shalt  }
0x4f: {  	_ =	shalt  }
0x50: {  	_ =	shalt  }
0x51: {  	_ =	shalt  }
0x52: {  	_ =	shalt  }
0x53: {  	_ =	shalt  }
0x54: {  	_ =	shalt  }
0x55: {  	_ =	shalt  }
0x56: {  	_ =	shalt  }
0x57: {  	_ =	shalt  }
0x58: {  	_ =	shalt  }
0x59: {  	_ =	shalt  }
0x5a: {  	_ =	shalt  }
0x5b: {  	_ =	shalt  }
0x5c: {  	_ =	shalt  }
0x5d: {  	_ =	shalt  }
0x5e: {  	_ =	shalt  }
0x5f: {  	_ =	shalt  }
0x60: {  	_ =	shalt  }
0x61: {  	_ =	shalt  }
0x62: {  	_ =	shalt  }
0x63: {  	_ =	shalt  }
0x64: {  	_ =	shalt  }
0x65: {  	_ =	shalt  }
0x66: {  	_ =	shalt  }
0x67: {  	_ =	shalt  }
0x68: {  	_ =	shalt  }
0x69: {  	_ =	shalt  }
0x6a: {  	_ =	shalt  }
0x6b: {  	_ =	shalt  }
0x6c: {  	_ =	shalt  }
0x6d: {  	_ =	shalt  }
0x6e: {  	_ =	shalt  }
0x6f: {  	_ =	shalt  }
0x70: {  	_ =	shalt  }
0x71: {  	_ =	shalt  }
0x72: {  	_ =	shalt  }
0x73: {  	_ =	shalt  }
0x74: {  	_ =	shalt  }
0x75: {  	_ =	shalt  }
0x76: {  	_ =	shalt  }
0x77: {  	_ =	shalt  }
0x78: {  	_ =	shalt  }
0x79: {  	_ =	shalt  }
0x7a: {  	_ =	shalt  }
0x7b: {  	_ =	shalt  }
0x7c: {  	_ =	shalt  }
0x7d: {  	_ =	shalt  }
0x7e: {  	_ =	shalt  }
0x7f: {  	_ =	shalt  }
0x80: {  	_ =	shalt  }
0x81: {  	_ =	shalt  }
0x82: {  	_ =	shalt  }
0x83: {  	_ =	shalt  }
0x84: {  	_ =	shalt  }
0x85: {  	_ =	shalt  }
0x86: {  	_ =	shalt  }
0x87: {  	_ =	shalt  }
.Lfunc_end0:
.L_simem_size_0:
called_computation.2_lowered:
.L_overlay_start_0:
0x88: {  	s2 =	sld [smem:$0x3FD9]  }
0x89: {  	s3 =	sld [smem:$0x3FFE];
	_ =	sdelay $0x1  }
0x8a: {  	s1 =	srdreg.scid  }
0x8b: {  	s0 =	sand.u32 $0x1, s1  }
0x8c: {  	s16 =	sshll.u32 s0, $0xA;
	s2 =	sadd.s32 s3, s2  }
0x8d: {  	s2 =	sadd.s32 s2, s16  }
0x8e: {  	[smem:$0x3FBE] =	sst s2  }
0x8f: {  	_ = 	snop  }
0x90: {  	(tm) =	ssettm $0x1  }
0x91: {  	s17 =	sld [smem:$0x3FFB];
	_ =	sdelay $0x3  }
0x92: {  	_ =	strace s17  }
0x93: {  	s2 =	sld [smem:$0x3FFC];
	_ =	sdelay $0x3  }
0x94: {  	_ =	strace s2  }
0x95: {  	s2 =	sld [smem:$0x3FFD];
	_ =	sdelay $0x3  }
0x96: {  	_ =	strace s2  }
0x97: {  	_ =	strace $0x8FFFFFFF  }
0x98: {  	s18 =	sld [smem:$0x3FDB];
	_ =	sdelay $0x1  }
0x99: {  	s19 =	simm.s32 $_scs_section_size  }
0x9a: {  	s4 =	simm.s32 $_size__tile_overlayer_lowered;
	s5 =	simm.s32 $_tile_overlayer_lowered  }
0x9b: {  	s22 =	simm.s32 $0x1BFF;
	s21 =	sshll.u32 s5, $0x1;
	s2 =	sadd.s32 s19, s18  }
0x9c: {  	s6 =	simm.s32 $0x0;
	s20 =	sshll.u32 s4, $0x1;
	s4 =	sadd.s32 s21, s2  }
0x9d: {  	[timem:s6], [sflag:s22] =	dma.local [hbm:s4], s20  }
0x9e: {  	_ =	swait.ge [sflag:s22], s20  }
0x9f: {  	s3 =	ssub.s32 $0x0, s20;
	[sflag:s22] =	ssyncset.done $0x0  }
0xa0: {  	[sflag:s22] =	ssyncadd.s32 s3;
	_ =	sdelay $0x1  }
0xa1: {  	s23 =	simm.s32 $0x1B8B  }
0xa2: {  	_ =	swait.ge [sflag:s23], $0x1  }
0xa3: {  	[sflag:s23] =	ssyncset.done $0x0  }
0xa4: {  	s25 =	simm.s32 $0x1B8E;
	s24 =	sld [smem:$0x3FFE];
	[sflag:s23] =	ssyncadd.s32 $0xFFFFFFFF  }
0xa5: {  	s26 =	simm.s32 $execute0_lowered;
	[smem:$0x3FD2] =	sst s25  }
0xa6: {  	s4 =	sshll.u32 s26, $0x1;
	_ =	strace $0x8000004C;
	[dreg:$0x1] =	wrdreg $0xFFFFFFFF  }
0xa7: {  	s28 =	simm.s32 $_size_execute0_lowered;
	s2 =	sadd.s32 s2, s4;
	[dreg:$0x0] =	wrdreg $0x0  }
0xa8: {  	s4 =	sshll.u32 s28, $0x1;
	[dreg:$0x2] =	wrdreg s2  }
0xa9: {  	[dreg:$0x3] =	wrdreg s4  }
0xaa: {  	[dreg:$0x4] =	wrdreg $0xC0  }
0xab: {  	_ =	task [dreg:s6], $0x5FFFF  }
0xac: {  	[dreg:$0x1] =	wrdreg $0xFFFFFFFF  }
0xad: {  	[dreg:$0x0] =	wrdreg $0x60  }
0xae: {  	[dreg:$0x2] =	wrdreg s24  }
0xaf: {  	[dreg:$0x3] =	wrdreg $0xBF000  }
0xb0: {  	[dreg:$0x4] =	wrdreg $0x9  }
0xb1: {  	_ =	task.clear_ibuf [dreg:s6], $0x5FFFF;
	_ =	strace $0x9000004C  }
0xb2: {  	s29 =	simm.s32 $0x9;
	_ =	strace $0x8000004E  }
0xb3: {  	_ =	swait.ge [sflag:s29], $0x1  }
0xb4: {  	[sflag:s29] =	ssyncadd.s32 $0xFFFFFFFF  }
0xb5: {  	_ =	strace $0x9000004E  }
0xb6: {  	_ =	sfence  }
0xb7: {  	s30 =	sld [smem:$0x0];
	_ =	sdelay $0x2  }
0xb8: {  	s31 =	sshll.u32 s1, $0xD;
	s1 =	sshrl.u32 s1, $0x2  }
0xb9: {  	s3 =	sand.u32 $0x4000, s31;
	s1 =	sadd.s32 s1, s30  }
0xba: {  	s0 =	sor.u32 s3, s0;
	s1 =	sshll.u32 s1, $0x11  }
0xbb: {  	s0 =	sor.u32 s1, s0  }
0xbc: {  	s0 =	sadd.s32 $0x8F2B, s0  }
0xbd: {  	[sflag:s0] =	ssyncadd.remote.s32 $0x1  }
0xbe: {  	_ =	sfence.sel $0xFFFF  }
0xbf: {  	[dreg:$0x0] =	wrdreg $0xFFFFFFFF;
	(pc) =	sbr.abs _section_cstart, $3  }
0xc0: {  	[dreg:$0x1] =	wrdreg $0xFFFFFFFF  }
0xc1: {  	_ =	task.clear_ibuf [dreg:s6], $0x2FFFF;
	_ =	strace $0x9FFFFFFF  }
0xc2: {  	(tm) =	ssettm $0x7FFFFFFF  }
0xc3: {  	_ =	shalt  }
tec
execute0_lowered:
.L_overlay_start_1:
0x0: {  	(tag) =	ssettag $0x1  }
0x1: {  	s1 =	srdreg.scid;
	s6 =	rddreg [dreg:$0x0]  }
0x2: {  	s0 =	stileid.u32;
	s2 =	rddreg [dreg:$0x1];
	s3 =	simm.s32 $0x0  }
0x3: {  	s16 =	simm.s32 $0x2780;
	s17 =	simm.s32 $0x70;
	s18 =	simm.s32 $0x4F00  }
0x4: {  	s19 =	simm.s32 $0x8700;
	s20 =	simm.s32 $0x1;
	s21 =	simm.s32 $0x2  }
0x5: {  	s22 =	simm.s32 $0x4E00;
	s23 =	simm.s32 $0x20;
	s24 =	simm.s32 $0x26F0  }
0x6: {  	s25 =	simm.s32 $0x4E70;
	s26 =	simm.s32 $0x0;
	s7 =	smul.u32 $0x2700, s0  }
0x7: {  	s5 =	sand.u32 $0x1, s1;
	s28 =	sshll.u32 s0, $0x1;
	s10 =	smul.u32 $0x4E000, s0  }
0x8: {  	[smem:$0x7FF] =	sst s3;
	s11 =	sadd.s32 $0xB5400, s6;
	s30 =	smul.u32 $0x13800, s0  }
0x9: {  	s15 =	sadd.s32 $0x124800, s2;
	p0 =	seq.s32 s0, $0xF;
	s4 =	sor.u32 s5, s28  }
0xa: {  	_ =	strace $0x8000004D;
	s9 =	ssub.s32 $0x2, s5;
	s13 =	smul.u32 $0x138800, s5  }
0xb: {  	s4 =	smul.u32 $0x4E2, s4;
	s12 =	sshrl.u32 s9, $0x1;
	s29 =	sshrl.u32 s10, $0x2  }
0xc: {  	s7 =	sadd.s32 s7, s6;
	s12 =	ssub.s32 s9, s12;
	s14 =	sadd.s32 s29, s2  }
0xd: {  	s5 =	sadd.s32 $0x8E200, s7;
	s9 =	sadd.s32 s30, s13;
	s31 =	sshrl.u32 s13, $0x3  }
0xe: {  	s13 =	sshll.u32 @!p0 s0, $0x6;
	s8 =	sadd.s32 s4, s6;
	s4 =	sadd.s32 $0x67000, s6  }
0xf: {  	s6 =	sadd.s32 $0xB2B00, s6;
	s9 =	sshrl.u32 s9, $0x3;
	s10 =	sadd.s32 s11, s31  }
0x10: {  	s13 =	sor.u32 @!p0 $0x1C03, s13;
	s14 =	sshrl.u32 @!p0 s14, $0x3;
	s7 =	sadd.s32 $0xF000, s8  }
0x11: {  	s8 =	sadd.s32 $0x5200, s8;
	s9 =	sadd.s32 s11, s9;
	s10 =	sadd.s32 $0x24900, s10  }
0x12: {  	s11 =	smax.u32 s12, $0x1;
	s12 =	sshrl.u32 @p0 s15, $0x3;
	s15 =	simm.s32 $0x3  }
.LBB2_1:
0x13: {  	s28 =	simm.s32 @p0 $0x1FC3  }
0x14: {  	[spmem:s12], [sflag:s28] =	dma.local @p0 [hbm:s6], $0x2800  }
0x15: {  	s28 =	simm.s32 @p0 $0x3  }
0x16: {  	_ =	swait.ge @p0 [sflag:s28], $0x2800  }
0x17: {  	[sflag:s28] =	ssyncset.done @p0 $0x0  }
0x18: {  	[sflag:s28] =	ssyncadd.s32 @p0 $0xFFFFD800;
	s28 =	simm.s32 @!p0 $0x3  }
0x19: {  	[spmem:s14], [sflag:s13] =	dma.local @!p0 [hbm:s5], $0x2700  }
0x1a: {  	_ =	swait.ge @!p0 [sflag:s28], $0x2700  }
0x1b: {  	[sflag:s28] =	ssyncset.done @!p0 $0x0  }
0x1c: {  	[sflag:s28] =	ssyncadd.s32 @!p0 $0xFFFFD900  }
0x1d: {  	[tilespmem:s3], [sflag:$0x3] =	stream.linear.gather [hbm4b:s7+s3], $0x2710, $0x38;
	[tilespmem:$0x1F780] =	vst v63  }
0x1e: {  	_ =	swait.ge [sflag:s15], $0x2710  }
0x1f: {  	[sflag:s15] =	ssyncset.done $0x0  }
0x20: {  	[sflag:s15] =	ssyncadd.s32 $0xFFFFD8F0  }
0x21: {  	[tilespmem:s16], [sflag:$0x3] =	stream.linear.gather [hbm4b:s8+s3], $0x2710, $0x38;
	[tilespmem:$0x1F780] =	vst v63  }
0x22: {  	_ =	swait.ge [sflag:s15], $0x2710  }
0x23: {  	[sflag:s15] =	ssyncset.done $0x0  }
0x24: {  	[sflag:s15] =	ssyncadd.s32 $0xFFFFD8F0  }
0x25: {  	[bflag:$0x0] =	sbarrier.arrive $0xFFFF  }
0x26: {  	[tilespmem:s18], [sflag:$0x1] =	stream.indirect.gather [hbm4b:s4+s17], $0x80, s3, s17, $0xb8;
	[tilespmem:$0x1F780] =	vst v63  }
0x27: {  	s28 =	simm.s32 $0x70  }
0x28: {  	[tilespmem:s19], [sflag:$0x2] =	stream.indirect.gather [hbm4b:s4+s17], $0x80, s28, s17, $0xb8;
	[tilespmem:$0x1F780] =	vst v63  }
0x29: {  	_ =	swait.ge [sflag:s20], $0x3800  }
0x2a: {  	[sflag:s20] =	ssyncset.done $0x0  }
0x2b: {  	s28 =	simm.s32 $0x2780;
	[sflag:s20] =	ssyncadd.s32 $0xFFFFC800  }
0x2c: {  	[spmem:s2] =	stream.indirect.scatter.add.f32 [tilespmem:s18], [sflag:$0x3], $0x80, s28, s17, $0xb8;
	[tilespmem:$0x1F780] =	vst v63  }
0x2d: {  	_ =	swait.ge [sflag:s15], $0x3800  }
0x2e: {  	[sflag:s15] =	ssyncset.done $0x0  }
0x2f: {  	s28 =	simm.s32 $0xE0;
	[sflag:s15] =	ssyncadd.s32 $0xFFFFC800  }
0x30: {  	[tilespmem:s18], [sflag:$0x1] =	stream.indirect.gather [hbm4b:s4+s17], $0x80, s28, s17, $0xb8;
	[tilespmem:$0x1F780] =	vst v63  }
0x31: {  	_ =	swait.ge [sflag:s21], $0x3800  }
0x32: {  	[sflag:s21] =	ssyncset.done $0x0  }
0x33: {  	s28 =	simm.s32 $0x27F0;
	[sflag:s21] =	ssyncadd.s32 $0xFFFFC800  }
0x34: {  	[spmem:s2] =	stream.indirect.scatter.add.f32 [tilespmem:s19], [sflag:$0x3], $0x80, s28, s17, $0xb8;
	[tilespmem:$0x1F780] =	vst v63  }
0x35: {  	_ =	swait.ge [sflag:s15], $0x3800  }
0x36: {  	s29 =	simm.s32 $0x700;
	s28 =	simm.s32 $0xE0;
	[sflag:s15] =	ssyncset.done $0x0  }
.LBB2_2:
0x37: {  	s30 =	sadd.s32 $0x70, s28  }
0x38: {  	[sflag:s15] =	ssyncadd.s32 $0xFFFFC800;
	s31 =	smov.u32 s29;
	s1 =	sadd.s32 $0x380, s29  }
0x39: {  	[tilespmem:s19], [sflag:$0x2] =	stream.indirect.gather [hbm4b:s4+s17], $0x80, s30, s17, $0xb8;
	[tilespmem:$0x1F780] =	vst v63  }
0x3a: {  	p1 =	sne.s32 s29, $0x9680;
	_ =	swait.ge [sflag:s20], $0x3800  }
0x3b: {  	[sflag:s20] =	ssyncset.done $0x0  }
0x3c: {  	s29 =	sadd.s32 $0x2780, s28;
	[sflag:s20] =	ssyncadd.s32 $0xFFFFC800  }
0x3d: {  	[spmem:s2] =	stream.indirect.scatter.add.f32 [tilespmem:s18], [sflag:$0x3], $0x80, s29, s17, $0xb8;
	[tilespmem:$0x1F780] =	vst v63  }
0x3e: {  	_ =	swait.ge [sflag:s15], $0x3800  }
0x3f: {  	[sflag:s15] =	ssyncset.done $0x0  }
0x40: {  	s29 =	sadd.s32 $0xE0, s28;
	[sflag:s15] =	ssyncadd.s32 $0xFFFFC800  }
0x41: {  	[tilespmem:s18], [sflag:$0x1] =	stream.indirect.gather [hbm4b:s4+s17], $0x80, s29, s17, $0xb8;
	[tilespmem:$0x1F780] =	vst v63  }
0x42: {  	_ =	swait.ge [sflag:s21], $0x3800  }
.Ltmp0:
0x43: {  	[sflag:s21] =	ssyncset.done $0x0;
	(pc) =	sbr.rel @p1 .LBB2_2-.Ltmp0, $4  }
0x44: {  	s28 =	sadd.s32 $0x27F0, s28;
	[sflag:s21] =	ssyncadd.s32 $0xFFFFC800  }
0x45: {  	[spmem:s2] =	stream.indirect.scatter.add.f32 [tilespmem:s19], [sflag:$0x3], $0x80, s28, s17, $0xb8;
	[tilespmem:$0x1F780] =	vst v63  }
0x46: {  	_ =	swait.ge [sflag:s15], $0x3800  }
0x47: {  	s29 =	smov.u32 s1;
	s28 =	sshra.s32 s31, $0x2;
	[sflag:s15] =	ssyncset.done $0x0  }
0x48: {  	s1 =	sadd.s32 $0x70, s28;
	[sflag:s15] =	ssyncadd.s32 $0xFFFFC800  }
0x49: {  	[tilespmem:s19], [sflag:$0x2] =	stream.indirect.gather [hbm4b:s4+s17], $0x80, s1, s17, $0xb8;
	[tilespmem:$0x1F780] =	vst v63  }
0x4a: {  	_ =	swait.ge [sflag:s20], $0x3800  }
0x4b: {  	[sflag:s20] =	ssyncset.done $0x0  }
0x4c: {  	s29 =	sadd.s32 $0x2780, s28;
	[sflag:s20] =	ssyncadd.s32 $0xFFFFC800  }
0x4d: {  	[spmem:s2] =	stream.indirect.scatter.add.f32 [tilespmem:s18], [sflag:$0x3], $0x80, s29, s17, $0xb8;
	[tilespmem:$0x1F780] =	vst v63  }
0x4e: {  	_ =	swait.ge [sflag:s15], $0x3800  }
0x4f: {  	[sflag:s15] =	ssyncset.done $0x0  }
0x50: {  	s30 =	sadd.s32 $0xE0, s28;
	[sflag:s15] =	ssyncadd.s32 $0xFFFFC800  }
0x51: {  	[tilespmem:s18], [sflag:$0x1] =	stream.indirect.gather [hbm4b:s4+s17], $0x80, s30, s17, $0xb8;
	[tilespmem:$0x1F780] =	vst v63  }
0x52: {  	_ =	swait.ge [sflag:s21], $0x3800  }
0x53: {  	[sflag:s21] =	ssyncset.done $0x0  }
0x54: {  	s31 =	sadd.s32 $0x27F0, s28;
	[sflag:s21] =	ssyncadd.s32 $0xFFFFC800  }
0x55: {  	[spmem:s2] =	stream.indirect.scatter.add.f32 [tilespmem:s19], [sflag:$0x3], $0x80, s31, s17, $0xb8;
	[tilespmem:$0x1F780] =	vst v63  }
0x56: {  	_ =	swait.ge [sflag:s15], $0x3800  }
0x57: {  	[sflag:s15] =	ssyncset.done $0x0  }
0x58: {  	[sflag:s15] =	ssyncadd.s32 $0xFFFFC800  }
0x59: {  	_ =	swait.ge [sflag:s20], $0x3800  }
0x5a: {  	[sflag:s20] =	ssyncset.done $0x0  }
0x5b: {  	[sflag:s20] =	ssyncadd.s32 $0xFFFFC800  }
0x5c: {  	[spmem:s2] =	stream.indirect.scatter.add.f32 [tilespmem:s18], [sflag:$0x3], $0x80, s22, s17, $0xb8;
	[tilespmem:$0x1F780] =	vst v63  }
0x5d: {  	_ =	swait.ge [sflag:s15], $0x3800  }
0x5e: {  	[sflag:s15] =	ssyncset.done $0x0  }
0x5f: {  	[sflag:s15] =	ssyncadd.s32 $0xFFFFC800  }
0x60: {  	[tilespmem:s19], [sflag:$0x2] =	stream.indirect.gather [hbm4b:s4+s23], $0x80, s24, s23, $0xb8;
	[tilespmem:$0x1F780] =	vst v63  }
0x61: {  	_ =	swait.ge [sflag:s21], $0x1000  }
0x62: {  	[sflag:s21] =	ssyncset.done $0x0  }
0x63: {  	[sflag:s21] =	ssyncadd.s32 $0xFFFFF000  }
0x64: {  	[spmem:s2] =	stream.indirect.scatter.add.f32 [tilespmem:s19], [sflag:$0x3], $0x80, s25, s23, $0xb8;
	[tilespmem:$0x1F780] =	vst v63  }
0x65: {  	_ =	swait.ge [sflag:s15], $0x1000  }
0x66: {  	[sflag:s15] =	ssyncset.done $0x0  }
0x67: {  	[sflag:s15] =	ssyncadd.s32 $0xFFFFF000  }
0x68: {  	s1 =	simm.s32 @p0 $0x1FC3;
	[bflag:$0x0] =	sbarrier.arrive $0xFFFF  }
0x69: {  	[hbm:s10], [sflag:s1] =	dma.local @p0 [spmem:s12], $0x2800  }
0x6a: {  	s1 =	simm.s32 @p0 $0x3  }
0x6b: {  	s26 =	sadd.s32 $0x1, s26;
	_ =	swait.ge @p0 [sflag:s1], $0x2800  }
0x6c: {  	p1 =	sne.s32 s26, s11;
	[sflag:s1] =	ssyncset.done @p0 $0x0  }
.Ltmp1:
0x6d: {  	[sflag:s1] =	ssyncadd.s32 @p0 $0xFFFFD800;
	s1 =	simm.s32 @!p0 $0x3;
	(pc) =	sbr.rel @p1 .LBB2_1-.Ltmp1, $4  }
0x6e: {  	[hbm:s9], [sflag:s13] =	dma.local @!p0 [spmem:s14], $0x2700  }
0x6f: {  	_ =	swait.ge @!p0 [sflag:s1], $0x2700  }
0x70: {  	[sflag:s1] =	ssyncset.done @!p0 $0x0  }
0x71: {  	[sflag:s1] =	ssyncadd.s32 @!p0 $0xFFFFD900  }
0x72: {  	_ =	sfence.sel $0x180000  }
0x73: {  	[bflag:$0x0] =	sbarrier.arrive $0xFFFF  }
0x74: {  	_ =	strace $0x9000004D  }
0x75: {  	[bflag:$0x2] =	sbarrier.arrive $0xFFFF  }
0x76: {  	p0 =	sne.s32 s0, $0x0;
	s0 =	rddreg [dreg:$0x2]  }
0x77: {  	s0 =	sadd.s32 @!p0 $0x100000, s0  }
0x78: {  	[sflag:s0] =	ssyncadd.tile.s32 @!p0 $0x1;
	_ =	shalt  }
.Lfunc_end2:
_tile_overlayer_lowered:
.L_overlay_start_2:
0x79: {  	(tag) =	ssettag $0x2  }
0x7a: {  	s0 =	rddreg [dreg:$0x0];
	s2 =	stileid.u32  }
0x7b: {  	s1 =	rddreg [dreg:$0x1];
	p0 =	sne.s32 s2, $0x0  }
0x7c: {  	s3 =	rddreg [dreg:$0x2];
	[bflag:$0x3] =	sbarrier.arrive $0xFFFF;
	s2 =	simm.s32 @!p0 $0x1C03  }
0x7d: {  	[timem:s3], [sflag:s2] =	dma.local @!p0 [hbm:s0], s1  }
0x7e: {  	s0 =	simm.s32 @!p0 $0x3  }
0x7f: {  	_ =	swait.ge @!p0 [sflag:s0], s1  }
0x80: {  	s1 =	ssub.s32 @!p0 $0x0, s1;
	[sflag:s0] =	ssyncset.done @!p0 $0x0  }
0x81: {  	[sflag:s0] =	ssyncadd.s32 @!p0 s1  }
0x82: {  	[bflag:$0x3] =	sbarrier.arrive $0xFFFF  }
0x83: {  	_ =	shalt  }

// kernel: kernel.27.cloned.1.call-start
scs
__scs_entry_jumppad:
0x0: {  	(pc) =	sbr.rel $0x88, $3  }
0x1: {  	(tag) =	ssettag $0x0;
	lr =	simm.s32 $0x1  }
0x2: {  	[smem:$0x3F97] =	sst lr;
	_ =	strace $0xD0000000  }
0x3: {  	_ = 	snop  }
0x4: {  	_ = 	snop  }
0x5: {  	_ = 	snop  }
0x6: {  	_ = 	snop  }
0x7: {  	_ = 	snop  }
__scs_overlays_trampoline_lowered:
0x8: {  	[smem:$0x3FA6] =	sst s0  }
0x9: {  	[smem:$0x3FA7] =	sst s1  }
0xa: {  	[smem:$0x3FA8] =	sst s2  }
0xb: {  	[smem:$0x3FA9] =	sst s3  }
0xc: {  	[smem:$0x3FAA] =	sst s4  }
0xd: {  	[smem:$0x3FAB] =	sst s5  }
0xe: {  	[smem:$0x3FAC] =	sst s6  }
0xf: {  	[smem:$0x3FAD] =	sst s7  }
0x10: {  	[smem:$0x3FAE] =	sst s8  }
0x11: {  	[smem:$0x3FAF] =	sst s9;
	s0 =	simm.s32 @!p0 $0x0  }
0x12: {  	s1 =	sld [smem:$0x3F95];
	s0 =	simm.s32 @p0 $0x1  }
0x13: {  	[smem:$0x3FB0] =	sst s0;
	s0 =	simm.s32 @!p1 $0x0  }
0x14: {  	s2 =	sld [smem:$0x3F94];
	s0 =	simm.s32 @p1 $0x1  }
0x15: {  	[smem:$0x3FB1] =	sst s0;
	s0 =	simm.s32 @!p2 $0x0  }
0x16: {  	s3 =	sld [smem:$0x3FDB];
	s0 =	simm.s32 @p2 $0x1  }
0x17: {  	s4 =	simm.s32 $0x1BF5;
	[smem:$0x3FB3] =	sst s0  }
0x18: {  	s0 =	sld [smem:$0x3F96];
	_ =	swait.ge [sflag:s4], $0x0  }
0x19: {  	s7 =	sld [smem:$0x3F97]  }
0x1a: {  	s8 =	sadd.s32 $0xFFFFE003, lr  }
0x1b: {  	s9 =	sadd.s32 $0xFFFFFEF7, lr;
	s5 =	simm.s32 $0xFFFFFFFF;
	p2 =	slt.u32 s8, $0xFFFFF086  }
0x1c: {  	p1 =	slt.u32 s9, $0xF7A;
	s5 =	simm.s32 @!p2 $0x0  }
0x1d: {  	s5 =	simm.s32 @p1 $0x1;
	p0 =	seq.s32 s7, s2  }
0x1e: {  	s7 =	smul.u32 @!p0 $0xF7A, s2;
	p2 =	seq.s32 @!p0 s5, $0x0  }
0x1f: {  	s9 =	smul.u32 $0xF7A, s1;
	s8 =	simm.s32 @!p0 $0x1BF5;
	p2 =	por !p2, p0  }
0x20: {  	[sflag:s8] =	ssyncset.s32 @!p0 $0xFFFFF086;
	s6 =	sadd.s32 @!p0 s3, s7;
	s7 =	simm.s32 @!p0 $0x108  }
0x21: {  	s3 =	sadd.s32 s3, s9;
	s6 =	sadd.s32 @!p0 $0x88, s6;
	s7 =	simm.s32 @p2 $0x1082  }
0x22: {  	[simem:s7], [sflag:s8] =	dma.local @!p0 [hbm:s6], $0xF7A  }
0x23: {  	s9 =	sor.u32 $0xD0000000, s2;
	s6 =	simm.s32 $0x108;
	_ =	swait.ge @!p0 [sflag:s8], $0x0  }
0x24: {  	s3 =	sadd.s32 $0x88, s3;
	s6 =	simm.s32 @!p1 $0x1082;
	[sflag:s4] =	ssyncset.s32 $0xFFFFF086  }
0x25: {  	[simem:s6], [sflag:s4] =	dma.local [hbm:s3], $0xF7A  }
0x26: {  	[smem:$0x3F97] =	sst s1;
	(tag) =	ssettag s2;
	_ =	strace s9  }
0x27: {  	s1 =	sld [smem:$0x3FA7]  }
0x28: {  	s2 =	sld [smem:$0x3FA8]  }
0x29: {  	s4 =	sld [smem:$0x3FAA]  }
0x2a: {  	p0 =	seq.s32 s5, $0x0;
	s5 =	sld [smem:$0x3FAB]  }
0x2b: {  	s6 =	sld [smem:$0x3FAC]  }
0x2c: {  	s7 =	sld [smem:$0x3FAD]  }
0x2d: {  	s3 =	simm.s32 $0x108;
	s8 =	sld [smem:$0x3FAE]  }
0x2e: {  	s3 =	simm.s32 @!p0 $0x1082;
	s9 =	sld [smem:$0x3FAF]  }
0x2f: {  	lr =	sadd.s32 s0, s3;
	s0 =	sld [smem:$0x3FA6]  }
0x30: {  	s3 =	sld [smem:$0x3FA9]  }
0x31: {  	[smem:$0x3FB2] =	sst s10  }
0x32: {  	s10 =	sld [smem:$0x3FB0];
	_ =	sdelay $0x3  }
0x33: {  	p0 =	seq.s32 s10, $0x1;
	s10 =	sld [smem:$0x3FB2];
	_ =	sdelay $0x3  }
0x34: {  	[smem:$0x3FB2] =	sst s10  }
0x35: {  	s10 =	sld [smem:$0x3FB1];
	_ =	sdelay $0x3  }
0x36: {  	p1 =	seq.s32 s10, $0x1;
	s10 =	sld [smem:$0x3FB2];
	_ =	sdelay $0x3  }
0x37: {  	[smem:$0x3FB2] =	sst s10  }
0x38: {  	s10 =	sld [smem:$0x3FB3]  }
0x39: {  	_ = 	snop;
	(pc) =	sbr.ind lr, $3  }
0x3a: {  	_ = 	snop  }
0x3b: {  	_ = 	snop  }
0x3c: {  	p2 =	seq.s32 s10, $0x1;
	s10 =	sld [smem:$0x3FB2]  }
0x3d: {  	_ =	shalt  }
0x3e: {  	_ =	shalt  }
0x3f: {  	_ =	shalt  }
0x40: {  	_ =	shalt  }
0x41: {  	_ =	shalt  }
0x42: {  	_ =	shalt  }
0x43: {  	_ =	shalt  }
0x44: {  	_ =	shalt  }
0x45: {  	_ =	shalt  }
0x46: {  	_ =	shalt  }
0x47: {  	_ =	shalt  }
0x48: {  	_ =	shalt  }
0x49: {  	_ =	shalt  }
0x4a: {  	_ =	shalt  }
0x4b: {  	_ =	shalt  }
0x4c: {  	_ =	shalt  }
0x4d: {  	_ =	shalt  }
0x4e: {  	_ =	shalt  }
0x4f: {  	_ =	shalt  }
0x50: {  	_ =	shalt  }
0x51: {  	_ =	shalt  }
0x52: {  	_ =	shalt  }
0x53: {  	_ =	shalt  }
0x54: {  	_ =	shalt  }
0x55: {  	_ =	shalt  }
0x56: {  	_ =	shalt  }
0x57: {  	_ =	shalt  }
0x58: {  	_ =	shalt  }
0x59: {  	_ =	shalt  }
0x5a: {  	_ =	shalt  }
0x5b: {  	_ =	shalt  }
0x5c: {  	_ =	shalt  }
0x5d: {  	_ =	shalt  }
0x5e: {  	_ =	shalt  }
0x5f: {  	_ =	shalt  }
0x60: {  	_ =	shalt  }
0x61: {  	_ =	shalt  }
0x62: {  	_ =	shalt  }
0x63: {  	_ =	shalt  }
0x64: {  	_ =	shalt  }
0x65: {  	_ =	shalt  }
0x66: {  	_ =	shalt  }
0x67: {  	_ =	shalt  }
0x68: {  	_ =	shalt  }
0x69: {  	_ =	shalt  }
0x6a: {  	_ =	shalt  }
0x6b: {  	_ =	shalt  }
0x6c: {  	_ =	shalt  }
0x6d: {  	_ =	shalt  }
0x6e: {  	_ =	shalt  }
0x6f: {  	_ =	shalt  }
0x70: {  	_ =	shalt  }
0x71: {  	_ =	shalt  }
0x72: {  	_ =	shalt  }
0x73: {  	_ =	shalt  }
0x74: {  	_ =	shalt  }
0x75: {  	_ =	shalt  }
0x76: {  	_ =	shalt  }
0x77: {  	_ =	shalt  }
0x78: {  	_ =	shalt  }
0x79: {  	_ =	shalt  }
0x7a: {  	_ =	shalt  }
0x7b: {  	_ =	shalt  }
0x7c: {  	_ =	shalt  }
0x7d: {  	_ =	shalt  }
0x7e: {  	_ =	shalt  }
0x7f: {  	_ =	shalt  }
0x80: {  	_ =	shalt  }
0x81: {  	_ =	shalt  }
0x82: {  	_ =	shalt  }
0x83: {  	_ =	shalt  }
0x84: {  	_ =	shalt  }
0x85: {  	_ =	shalt  }
0x86: {  	_ =	shalt  }
0x87: {  	_ =	shalt  }
.Lfunc_end0:
.L_simem_size_0:
called_computation.3_lowered:
.L_overlay_start_0:
0x88: {  	s2 =	sld [smem:$0x3FD9]  }
0x89: {  	s3 =	sld [smem:$0x3FFE];
	_ =	sdelay $0x1  }
0x8a: {  	s1 =	srdreg.scid  }
0x8b: {  	s0 =	sand.u32 $0x1, s1  }
0x8c: {  	s17 =	sshll.u32 s0, $0xA;
	s2 =	sadd.s32 s3, s2  }
0x8d: {  	s2 =	sadd.s32 s2, s17  }
0x8e: {  	[smem:$0x3FBE] =	sst s2  }
0x8f: {  	_ = 	snop  }
0x90: {  	s18 =	sld [smem:$0x3FD0];
	(tm) =	ssettm $0x1  }
0x91: {  	s19 =	sld [smem:$0x3FFB];
	_ =	sdelay $0x3  }
0x92: {  	_ =	strace s19  }
0x93: {  	s2 =	sld [smem:$0x3FFC];
	_ =	sdelay $0x3  }
0x94: {  	_ =	strace s2  }
0x95: {  	s2 =	sld [smem:$0x3FFD];
	_ =	sdelay $0x3  }
0x96: {  	_ =	strace s2  }
0x97: {  	_ =	strace $0x8FFFFFFF  }
0x98: {  	s20 =	sld [smem:$0x3FDB];
	_ =	sdelay $0x1  }
0x99: {  	s4 =	simm.s32 $_scs_section_size  }
0x9a: {  	s5 =	simm.s32 $_size__tile_overlayer_lowered;
	s6 =	simm.s32 $_tile_overlayer_lowered  }
0x9b: {  	s7 =	simm.s32 $0x1BFF;
	s21 =	sshll.u32 s6, $0x1;
	s4 =	sadd.s32 s4, s20  }
0x9c: {  	s22 =	simm.s32 $0x0;
	s5 =	sshll.u32 s5, $0x1;
	s6 =	sadd.s32 s21, s4  }
0x9d: {  	[timem:s22], [sflag:s7] =	dma.local [hbm:s6], s5  }
0x9e: {  	_ =	swait.ge [sflag:s7], s5  }
0x9f: {  	s5 =	ssub.s32 $0x0, s5;
	[sflag:s7] =	ssyncset.done $0x0  }
0xa0: {  	[sflag:s7] =	ssyncadd.s32 s5;
	_ =	sdelay $0x1  }
0xa1: {  	s23 =	simm.s32 $0x1B8B  }
0xa2: {  	_ =	swait.ge [sflag:s23], $0x1  }
0xa3: {  	[sflag:s23] =	ssyncset.done $0x0  }
0xa4: {  	[sflag:s23] =	ssyncadd.s32 $0xFFFFFFFF  }
0xa5: {  	s5 =	sld [smem:$0x0]  }
0xa6: {  	s6 =	sand.u32 $0xFFFFFFFE, s1  }
0xa7: {  	p0 =	sne.s32 s1, s6  }
0xa8: {  	s6 =	sshll.u32 @p0 s6, $0xE  }
0xa9: {  	s6 =	sadd.s32 @p0 $0x11B8D, s6;
	s7 =	sshll.u32 @p0 s5, $0x11  }
0xaa: {  	s6 =	sor.u32 @p0 s7, s6  }
0xab: {  	[sflag:s6] =	ssyncadd.remote.s32 @p0 $0x1;
	_ =	sdelay $0x1  }
0xac: {  	s6 =	simm.s32 @p0 $0x1B8D  }
0xad: {  	_ =	swait.eq @p0 [sflag:s6], $0x1  }
0xae: {  	[sflag:s6] =	ssyncadd.s32 @p0 $0xFFFFFFFF  }
0xaf: {  	s7 =	sshll.u32 @!p0 s1, $0xE  }
0xb0: {  	s7 =	sor.u32 @!p0 $0x4000, s7;
	s6 =	simm.s32 @!p0 $0x1B8D  }
0xb1: {  	s5 =	sshll.u32 @!p0 s5, $0x11;
	s7 =	sadd.s32 @!p0 $0x11B8D, s7;
	_ =	swait.eq @!p0 [sflag:s6], $0x1  }
0xb2: {  	s5 =	sor.u32 @!p0 s5, s7;
	[sflag:s6] =	ssyncadd.s32 @!p0 $0xFFFFFFFF  }
0xb3: {  	s25 =	simm.s32 $0x1B8E;
	s24 =	sld [smem:$0x3FFE];
	[sflag:s5] =	ssyncadd.remote.s32 @!p0 $0x1  }
0xb4: {  	s26 =	simm.s32 $execute0_lowered;
	[smem:$0x3FD2] =	sst s25  }
0xb5: {  	s6 =	sshll.u32 s26, $0x1;
	_ =	strace $0x80000055;
	[dreg:$0x1] =	wrdreg $0xFFFFFFFF  }
0xb6: {  	s28 =	simm.s32 $_size_execute0_lowered;
	s4 =	sadd.s32 s4, s6;
	[dreg:$0x0] =	wrdreg $0x0  }
0xb7: {  	s6 =	sshll.u32 s28, $0x1;
	[dreg:$0x2] =	wrdreg s4  }
0xb8: {  	[dreg:$0x3] =	wrdreg s6  }
0xb9: {  	[dreg:$0x4] =	wrdreg $0xC0  }
0xba: {  	_ =	task [dreg:s22], $0x5FFFF  }
0xbb: {  	[dreg:$0x1] =	wrdreg $0xFFFFFFFF  }
0xbc: {  	[dreg:$0x0] =	wrdreg $0x60  }
0xbd: {  	[dreg:$0x2] =	wrdreg s24  }
0xbe: {  	[dreg:$0x3] =	wrdreg s18  }
0xbf: {  	[dreg:$0x4] =	wrdreg $0x9  }
0xc0: {  	_ =	task.clear_ibuf [dreg:s22], $0x5FFFF;
	_ =	strace $0x90000055  }
0xc1: {  	s29 =	simm.s32 $0x9;
	_ =	strace $0x80000057  }
0xc2: {  	_ =	swait.ge [sflag:s29], $0x1  }
0xc3: {  	[sflag:s29] =	ssyncadd.s32 $0xFFFFFFFF  }
0xc4: {  	_ =	strace $0x90000057  }
0xc5: {  	_ =	sfence  }
0xc6: {  	s30 =	sld [smem:$0x0];
	_ =	sdelay $0x2  }
0xc7: {  	s31 =	sshll.u32 s1, $0xD;
	s1 =	sshrl.u32 s1, $0x2  }
0xc8: {  	s4 =	sand.u32 $0x4000, s31;
	s1 =	sadd.s32 s1, s30  }
0xc9: {  	s0 =	sor.u32 s4, s0;
	s1 =	sshll.u32 s1, $0x11  }
0xca: {  	s0 =	sor.u32 s1, s0  }
0xcb: {  	s0 =	sadd.s32 $0x8F2B, s0  }
0xcc: {  	[sflag:s0] =	ssyncadd.remote.s32 $0x1  }
0xcd: {  	_ =	sfence.sel $0xFFFF  }
0xce: {  	[dreg:$0x0] =	wrdreg $0xFFFFFFFF;
	(pc) =	sbr.abs _section_cstart, $3  }
0xcf: {  	[dreg:$0x1] =	wrdreg $0xFFFFFFFF  }
0xd0: {  	_ =	task.clear_ibuf [dreg:s22], $0x2FFFF;
	_ =	strace $0x9FFFFFFF  }
0xd1: {  	(tm) =	ssettm $0x7FFFFFFF  }
tec
execute0_lowered:
.L_overlay_start_1:
0x0: {  	(tag) =	ssettag $0x1  }
0x1: {  	s0 =	srdreg.scid;
	s4 =	rddreg [dreg:$0x0]  }
0x2: {  	s9 =	stileid.u32;
	s5 =	rddreg [dreg:$0x1]  }
0x3: {  	s2 =	simm.s32 $0x0;
	s14 =	simm.s32 $0x800;
	s15 =	simm.s32 $0xC8  }
0x4: {  	s16 =	simm.s32 $0x1000;
	s17 =	simm.s32 $0x7400;
	s18 =	simm.s32 $0xD800  }
0x5: {  	s19 =	simm.s32 $0x13C00;
	s20 =	simm.s32 $0x1;
	s21 =	simm.s32 $0x2  }
0x6: {  	s22 =	simm.s32 $0x3;
	s23 =	simm.s32 $0x4;
	s25 =	simm.s32 $0xF08  }
0x7: {  	s0 =	sand.u32 $0x1, s0;
	s1 =	sshll.u32 s9, $0x1;
	s10 =	sadd.s32 $0x4FB600, s4  }
0x8: {  	[smem:$0x7FF] =	sst s2;
	s12 =	sadd.s32 $0x5F5600, s4;
	s13 =	smul.u32 $0xFA00, s9  }
0x9: {  	s1 =	sor.u32 s0, s1;
	s8 =	ssub.s32 $0x2, s0;
	s0 =	smul.u32 $0x7D00, s0  }
0xa: {  	s26 =	simm.s32 $0x0;
	_ =	strace $0x80000056;
	s3 =	smul.u32 $0x7D0, s1  }
0xb: {  	s1 =	smul.u32 $0x3E800, s1;
	s28 =	sshrl.u32 s8, $0x1;
	s30 =	sadd.s32 s13, s10  }
0xc: {  	s31 =	sadd.s32 s13, s12;
	s13 =	simm.s32 $0x5;
	s11 =	ssub.s32 s8, s28  }
0xd: {  	s6 =	sshrl.u32 s3, $0x3;
	s3 =	sadd.s32 $0x5200, s4;
	s1 =	sshrl.u32 s1, $0x3  }
0xe: {  	s7 =	sadd.s32 s6, s4;
	s29 =	sadd.s32 $0x6400, s1;
	s5 =	sadd.s32 s5, s6  }
0xf: {  	s1 =	sadd.s32 $0x7080, s1;
	s4 =	sadd.s32 $0x2C400, s7;
	s6 =	sadd.s32 s10, s29  }
0x10: {  	s7 =	sadd.s32 s12, s29;
	s8 =	sadd.s32 s10, s1;
	s9 =	sadd.s32 s12, s1  }
0x11: {  	s10 =	smax.u32 s11, $0x1;
	s11 =	sadd.s32 s0, s30;
	s12 =	sadd.s32 s0, s31  }
.LBB2_1:
0x12: {  	[tilespmem:s2], [sflag:$0x5] =	stream.linear.gather [hbm4b:s4+s2], $0x7D0, $0x38;
	[tilespmem:$0x1A000] =	vst v63  }
0x13: {  	_ =	swait.ge [sflag:s13], $0x7D0  }
0x14: {  	[sflag:s13] =	ssyncset.done $0x0  }
0x15: {  	[sflag:s13] =	ssyncadd.s32 $0xFFFFF830  }
0x16: {  	[tilespmem:s14], [sflag:$0x5] =	stream.linear.gather [hbm4b:s5+s2], $0x7D0, $0x38;
	[tilespmem:$0x1A000] =	vst v63  }
0x17: {  	_ =	swait.ge [sflag:s13], $0x7D0  }
0x18: {  	[sflag:s13] =	ssyncset.done $0x0  }
0x19: {  	[sflag:s13] =	ssyncadd.s32 $0xFFFFF830  }
0x1a: {  	[tilespmem:s16], [sflag:$0x1] =	stream.indirect.gather [hbm4b:s3+s15], $0x80, s2, s15, $0xb8;
	[tilespmem:$0x1A000] =	vst v63  }
0x1b: {  	_ = 	snop  }
0x1c: {  	[tilespmem:s17], [sflag:$0x2] =	stream.indirect.gather [hbm4b:s3+s15], $0x80, s14, s15, $0xb8;
	[tilespmem:$0x1A000] =	vst v63  }
0x1d: {  	s0 =	simm.s32 $0xC8  }
0x1e: {  	[tilespmem:s18], [sflag:$0x3] =	stream.indirect.gather [hbm4b:s3+s15], $0x80, s0, s15, $0xb8;
	[tilespmem:$0x1A000] =	vst v63  }
0x1f: {  	s24 =	simm.s32 $0x8C8  }
0x20: {  	[tilespmem:s19], [sflag:$0x4] =	stream.indirect.gather [hbm4b:s3+s15], $0x80, s24, s15, $0xb8;
	[tilespmem:$0x1A000] =	vst v63  }
0x21: {  	_ =	swait.ge [sflag:s20], $0x6400  }
0x22: {  	[sflag:s20] =	ssyncset.done $0x0  }
0x23: {  	[sflag:s20] =	ssyncadd.s32 $0xFFFF9C00  }
0x24: {  	_ =	swait.ge [sflag:s21], $0x6400  }
0x25: {  	[sflag:s21] =	ssyncset.done $0x0  }
0x26: {  	[sflag:s21] =	ssyncadd.s32 $0xFFFF9C00  }
0x27: {  	[hbm4b:s11+s2] =	stream.linear.scatter [tilespmem:s16], [sflag:$0x5], $0x6400, $0x38;
	[tilespmem:$0x1A000] =	vst v63  }
0x28: {  	_ =	swait.ge [sflag:s13], $0x6400  }
0x29: {  	[sflag:s13] =	ssyncset.done $0x0  }
0x2a: {  	[sflag:s13] =	ssyncadd.s32 $0xFFFF9C00  }
0x2b: {  	[hbm4b:s12+s2] =	stream.linear.scatter [tilespmem:s17], [sflag:$0x5], $0x6400, $0x38;
	[tilespmem:$0x1A000] =	vst v63  }
0x2c: {  	_ =	swait.ge [sflag:s13], $0x6400  }
0x2d: {  	[sflag:s13] =	ssyncset.done $0x0  }
0x2e: {  	s1 =	simm.s32 $0x190;
	[sflag:s13] =	ssyncadd.s32 $0xFFFF9C00  }
0x2f: {  	[tilespmem:s16], [sflag:$0x1] =	stream.indirect.gather [hbm4b:s3+s15], $0x80, s1, s15, $0xb8;
	[tilespmem:$0x1A000] =	vst v63  }
0x30: {  	s24 =	simm.s32 $0x990  }
0x31: {  	[tilespmem:s17], [sflag:$0x2] =	stream.indirect.gather [hbm4b:s3+s15], $0x80, s24, s15, $0xb8;
	[tilespmem:$0x1A000] =	vst v63  }
0x32: {  	_ =	swait.ge [sflag:s22], $0x6400  }
0x33: {  	[sflag:s22] =	ssyncset.done $0x0  }
0x34: {  	[sflag:s22] =	ssyncadd.s32 $0xFFFF9C00  }
0x35: {  	_ =	swait.ge [sflag:s23], $0x6400  }
0x36: {  	[sflag:s23] =	ssyncset.done $0x0  }
0x37: {  	s1 =	sadd.s32 $0xC80, s11;
	[sflag:s23] =	ssyncadd.s32 $0xFFFF9C00  }
0x38: {  	[hbm4b:s1+s2] =	stream.linear.scatter [tilespmem:s18], [sflag:$0x5], $0x6400, $0x38;
	[tilespmem:$0x1A000] =	vst v63  }
0x39: {  	_ =	swait.ge [sflag:s13], $0x6400  }
0x3a: {  	[sflag:s13] =	ssyncset.done $0x0  }
0x3b: {  	s24 =	sadd.s32 $0xC80, s12;
	[sflag:s13] =	ssyncadd.s32 $0xFFFF9C00  }
0x3c: {  	[hbm4b:s24+s2] =	stream.linear.scatter [tilespmem:s19], [sflag:$0x5], $0x6400, $0x38;
	[tilespmem:$0x1A000] =	vst v63  }
0x3d: {  	s31 =	simm.s32 $0xC80;
	s28 =	sadd.s32 $0x1900, s12;
	_ =	swait.ge [sflag:s13], $0x6400  }
0x3e: {  	s30 =	simm.s32 $0x190;
	s29 =	sadd.s32 $0x1900, s11;
	[sflag:s13] =	ssyncset.done $0x0  }
.LBB2_2:
0x3f: {  	s24 =	sadd.s32 $0xC8, s30  }
0x40: {  	[sflag:s13] =	ssyncadd.s32 $0xFFFF9C00;
	s1 =	smov.u32 s31;
	s0 =	sadd.s32 $0x640, s31  }
0x41: {  	[tilespmem:s18], [sflag:$0x3] =	stream.indirect.gather [hbm4b:s3+s15], $0x80, s24, s15, $0xb8;
	[tilespmem:$0x1A000] =	vst v63  }
0x42: {  	p0 =	sne.s32 s31, $0x12C0;
	s24 =	sadd.s32 $0x8C8, s30  }
0x43: {  	[tilespmem:s19], [sflag:$0x4] =	stream.indirect.gather [hbm4b:s3+s15], $0x80, s24, s15, $0xb8;
	[tilespmem:$0x1A000] =	vst v63  }
0x44: {  	_ =	swait.ge [sflag:s20], $0x6400  }
0x45: {  	[sflag:s20] =	ssyncset.done $0x0  }
0x46: {  	[sflag:s20] =	ssyncadd.s32 $0xFFFF9C00  }
0x47: {  	_ =	swait.ge [sflag:s21], $0x6400  }
0x48: {  	[sflag:s21] =	ssyncset.done $0x0  }
0x49: {  	[sflag:s21] =	ssyncadd.s32 $0xFFFF9C00  }
0x4a: {  	[hbm4b:s29+s2] =	stream.linear.scatter [tilespmem:s16], [sflag:$0x5], $0x6400, $0x38;
	[tilespmem:$0x1A000] =	vst v63  }
0x4b: {  	_ =	swait.ge [sflag:s13], $0x6400  }
0x4c: {  	[sflag:s13] =	ssyncset.done $0x0  }
0x4d: {  	[sflag:s13] =	ssyncadd.s32 $0xFFFF9C00  }
0x4e: {  	[hbm4b:s28+s2] =	stream.linear.scatter [tilespmem:s17], [sflag:$0x5], $0x6400, $0x38;
	[tilespmem:$0x1A000] =	vst v63  }
0x4f: {  	_ =	swait.ge [sflag:s13], $0x6400  }
0x50: {  	[sflag:s13] =	ssyncset.done $0x0  }
0x51: {  	s24 =	sadd.s32 $0x190, s30;
	[sflag:s13] =	ssyncadd.s32 $0xFFFF9C00  }
0x52: {  	[tilespmem:s16], [sflag:$0x1] =	stream.indirect.gather [hbm4b:s3+s15], $0x80, s24, s15, $0xb8;
	[tilespmem:$0x1A000] =	vst v63  }
0x53: {  	s24 =	sadd.s32 $0x990, s30  }
0x54: {  	[tilespmem:s17], [sflag:$0x2] =	stream.indirect.gather [hbm4b:s3+s15], $0x80, s24, s15, $0xb8;
	[tilespmem:$0x1A000] =	vst v63  }
0x55: {  	_ =	swait.ge [sflag:s22], $0x6400  }
0x56: {  	[sflag:s22] =	ssyncset.done $0x0  }
0x57: {  	[sflag:s22] =	ssyncadd.s32 $0xFFFF9C00  }
0x58: {  	_ =	swait.ge [sflag:s23], $0x6400  }
0x59: {  	[sflag:s23] =	ssyncset.done $0x0  }
0x5a: {  	s24 =	sadd.s32 $0xC80, s29;
	[sflag:s23] =	ssyncadd.s32 $0xFFFF9C00  }
0x5b: {  	[hbm4b:s24+s2] =	stream.linear.scatter [tilespmem:s18], [sflag:$0x5], $0x6400, $0x38;
	[tilespmem:$0x1A000] =	vst v63  }
0x5c: {  	_ =	swait.ge [sflag:s13], $0x6400  }
.Ltmp0:
0x5d: {  	[sflag:s13] =	ssyncset.done $0x0;
	(pc) =	sbr.rel @p0 .LBB2_2-.Ltmp0, $4  }
0x5e: {  	s24 =	sadd.s32 $0xC80, s28;
	[sflag:s13] =	ssyncadd.s32 $0xFFFF9C00  }
0x5f: {  	[hbm4b:s24+s2] =	stream.linear.scatter [tilespmem:s19], [sflag:$0x5], $0x6400, $0x38;
	[tilespmem:$0x1A000] =	vst v63  }
0x60: {  	s31 =	smov.u32 s0;
	s28 =	sadd.s32 $0x1900, s28;
	_ =	swait.ge [sflag:s13], $0x6400  }
0x61: {  	s30 =	sshra.s32 s1, $0x2;
	s29 =	sadd.s32 $0x1900, s29;
	[sflag:s13] =	ssyncset.done $0x0  }
0x62: {  	s0 =	sadd.s32 $0xC8, s30;
	[sflag:s13] =	ssyncadd.s32 $0xFFFF9C00  }
0x63: {  	[tilespmem:s18], [sflag:$0x3] =	stream.indirect.gather [hbm4b:s3+s15], $0x80, s0, s15, $0xb8;
	[tilespmem:$0x1A000] =	vst v63  }
0x64: {  	s31 =	sadd.s32 $0x8C8, s30  }
0x65: {  	[tilespmem:s19], [sflag:$0x4] =	stream.indirect.gather [hbm4b:s3+s15], $0x80, s31, s15, $0xb8;
	[tilespmem:$0x1A000] =	vst v63  }
0x66: {  	_ =	swait.ge [sflag:s20], $0x6400  }
0x67: {  	[sflag:s20] =	ssyncset.done $0x0  }
0x68: {  	[sflag:s20] =	ssyncadd.s32 $0xFFFF9C00  }
0x69: {  	_ =	swait.ge [sflag:s21], $0x6400  }
0x6a: {  	[sflag:s21] =	ssyncset.done $0x0  }
0x6b: {  	[sflag:s21] =	ssyncadd.s32 $0xFFFF9C00  }
0x6c: {  	[hbm4b:s29+s2] =	stream.linear.scatter [tilespmem:s16], [sflag:$0x5], $0x6400, $0x38;
	[tilespmem:$0x1A000] =	vst v63  }
0x6d: {  	_ =	swait.ge [sflag:s13], $0x6400  }
0x6e: {  	[sflag:s13] =	ssyncset.done $0x0  }
0x6f: {  	[sflag:s13] =	ssyncadd.s32 $0xFFFF9C00  }
0x70: {  	[hbm4b:s28+s2] =	stream.linear.scatter [tilespmem:s17], [sflag:$0x5], $0x6400, $0x38;
	[tilespmem:$0x1A000] =	vst v63  }
0x71: {  	_ =	swait.ge [sflag:s13], $0x6400  }
0x72: {  	[sflag:s13] =	ssyncset.done $0x0  }
0x73: {  	s1 =	sadd.s32 $0x190, s30;
	[sflag:s13] =	ssyncadd.s32 $0xFFFF9C00  }
0x74: {  	[tilespmem:s16], [sflag:$0x1] =	stream.indirect.gather [hbm4b:s3+s15], $0x80, s1, s15, $0xb8;
	[tilespmem:$0x1A000] =	vst v63  }
0x75: {  	s24 =	sadd.s32 $0x990, s30  }
0x76: {  	[tilespmem:s17], [sflag:$0x2] =	stream.indirect.gather [hbm4b:s3+s15], $0x80, s24, s15, $0xb8;
	[tilespmem:$0x1A000] =	vst v63  }
0x77: {  	_ =	swait.ge [sflag:s22], $0x6400  }
0x78: {  	[sflag:s22] =	ssyncset.done $0x0  }
0x79: {  	[sflag:s22] =	ssyncadd.s32 $0xFFFF9C00  }
0x7a: {  	_ =	swait.ge [sflag:s23], $0x6400  }
0x7b: {  	[sflag:s23] =	ssyncset.done $0x0  }
0x7c: {  	s29 =	sadd.s32 $0xC80, s29;
	[sflag:s23] =	ssyncadd.s32 $0xFFFF9C00  }
0x7d: {  	[hbm4b:s29+s2] =	stream.linear.scatter [tilespmem:s18], [sflag:$0x5], $0x6400, $0x38;
	[tilespmem:$0x1A000] =	vst v63  }
0x7e: {  	_ =	swait.ge [sflag:s13], $0x6400  }
0x7f: {  	[sflag:s13] =	ssyncset.done $0x0  }
0x80: {  	s30 =	sadd.s32 $0xC80, s28;
	[sflag:s13] =	ssyncadd.s32 $0xFFFF9C00  }
0x81: {  	[hbm4b:s30+s2] =	stream.linear.scatter [tilespmem:s19], [sflag:$0x5], $0x6400, $0x38;
	[tilespmem:$0x1A000] =	vst v63  }
0x82: {  	_ =	swait.ge [sflag:s13], $0x6400  }
0x83: {  	[sflag:s13] =	ssyncset.done $0x0  }
0x84: {  	s31 =	simm.s32 $0x708;
	[sflag:s13] =	ssyncadd.s32 $0xFFFF9C00  }
0x85: {  	[tilespmem:s18], [sflag:$0x3] =	stream.indirect.gather [hbm4b:s3+s15], $0x80, s31, s15, $0xb8;
	[tilespmem:$0x1A000] =	vst v63  }
0x86: {  	_ = 	snop  }
0x87: {  	[tilespmem:s19], [sflag:$0x4] =	stream.indirect.gather [hbm4b:s3+s15], $0x80, s25, s15, $0xb8;
	[tilespmem:$0x1A000] =	vst v63  }
0x88: {  	_ =	swait.ge [sflag:s20], $0x6400  }
0x89: {  	[sflag:s20] =	ssyncset.done $0x0  }
0x8a: {  	[sflag:s20] =	ssyncadd.s32 $0xFFFF9C00  }
0x8b: {  	_ =	swait.ge [sflag:s21], $0x6400  }
0x8c: {  	[sflag:s21] =	ssyncset.done $0x0  }
0x8d: {  	[sflag:s21] =	ssyncadd.s32 $0xFFFF9C00  }
0x8e: {  	[hbm4b:s6+s2] =	stream.linear.scatter [tilespmem:s16], [sflag:$0x5], $0x6400, $0x38;
	[tilespmem:$0x1A000] =	vst v63  }
0x8f: {  	_ =	swait.ge [sflag:s13], $0x6400  }
0x90: {  	[sflag:s13] =	ssyncset.done $0x0  }
0x91: {  	[sflag:s13] =	ssyncadd.s32 $0xFFFF9C00  }
0x92: {  	[hbm4b:s7+s2] =	stream.linear.scatter [tilespmem:s17], [sflag:$0x5], $0x6400, $0x38;
	[tilespmem:$0x1A000] =	vst v63  }
0x93: {  	_ =	swait.ge [sflag:s13], $0x6400  }
0x94: {  	[sflag:s13] =	ssyncset.done $0x0  }
0x95: {  	[sflag:s13] =	ssyncadd.s32 $0xFFFF9C00  }
0x96: {  	_ =	swait.ge [sflag:s22], $0x6400  }
0x97: {  	[sflag:s22] =	ssyncset.done $0x0  }
0x98: {  	[sflag:s22] =	ssyncadd.s32 $0xFFFF9C00  }
0x99: {  	_ =	swait.ge [sflag:s23], $0x6400  }
0x9a: {  	[sflag:s23] =	ssyncset.done $0x0  }
0x9b: {  	[sflag:s23] =	ssyncadd.s32 $0xFFFF9C00  }
0x9c: {  	[hbm4b:s8+s2] =	stream.linear.scatter [tilespmem:s18], [sflag:$0x5], $0x6400, $0x38;
	[tilespmem:$0x1A000] =	vst v63  }
0x9d: {  	s26 =	sadd.s32 $0x1, s26;
	_ =	swait.ge [sflag:s13], $0x6400  }
0x9e: {  	p0 =	sne.s32 s26, s10;
	[sflag:s13] =	ssyncset.done $0x0  }
.Ltmp1:
0x9f: {  	[sflag:s13] =	ssyncadd.s32 $0xFFFF9C00;
	(pc) =	sbr.rel @p0 .LBB2_1-.Ltmp1, $4  }
0xa0: {  	[hbm4b:s9+s2] =	stream.linear.scatter [tilespmem:s19], [sflag:$0x5], $0x6400, $0x38;
	[tilespmem:$0x1A000] =	vst v63  }
0xa1: {  	_ =	swait.ge [sflag:s13], $0x6400  }
0xa2: {  	[sflag:s13] =	ssyncset.done $0x0  }
0xa3: {  	[sflag:s13] =	ssyncadd.s32 $0xFFFF9C00  }
0xa4: {  	_ =	sfence.sel $0x180000  }
0xa5: {  	[bflag:$0x0] =	sbarrier.arrive $0xFFFF  }
0xa6: {  	_ =	strace $0x90000056  }
0xa7: {  	s0 =	stileid.u32;
	[bflag:$0x2] =	sbarrier.arrive $0xFFFF  }
0xa8: {  	p0 =	sne.s32 s0, $0x0;
	s0 =	rddreg [dreg:$0x2]  }
0xa9: {  	s0 =	sadd.s32 @!p0 $0x100000, s0  }
0xaa: {  	[sflag:s0] =	ssyncadd.tile.s32 @!p0 $0x1;
	_ =	shalt  }
.Lfunc_end2:
_tile_overlayer_lowered:
.L_overlay_start_2:
0xab: {  	(tag) =	ssettag $0x2  }
0xac: {  	s0 =	rddreg [dreg:$0x0];
	s2 =	stileid.u32  }
0xad: {  	s1 =	rddreg [dreg:$0x1];
	p0 =	sne.s32 s2, $0x0  }
0xae: {  	s3 =	rddreg [dreg:$0x2];
	[bflag:$0x3] =	sbarrier.arrive $0xFFFF;
	s2 =	simm.s32 @!p0 $0x1C05  }
0xaf: {  	[timem:s3], [sflag:s2] =	dma.local @!p0 [hbm:s0], s1  }
0xb0: {  	s0 =	simm.s32 @!p0 $0x5  }
0xb1: {  	_ =	swait.ge @!p0 [sflag:s0], s1  }
0xb2: {  	s1 =	ssub.s32 @!p0 $0x0, s1;
	[sflag:s0] =	ssyncset.done @!p0 $0x0  }
0xb3: {  	[sflag:s0] =	ssyncadd.s32 @!p0 s1  }
0xb4: {  	[bflag:$0x3] =	sbarrier.arrive $0xFFFF  }
0xb5: {  	_ =	shalt  }

// kernel: kernel.30.cloned.1.call-start
scs
__scs_entry_jumppad:
0x0: {  	(pc) =	sbr.rel $0x88, $3  }
0x1: {  	(tag) =	ssettag $0x0;
	lr =	simm.s32 $0x1  }
0x2: {  	[smem:$0x3F97] =	sst lr;
	_ =	strace $0xD0000000  }
0x3: {  	_ = 	snop  }
0x4: {  	_ = 	snop  }
0x5: {  	_ = 	snop  }
0x6: {  	_ = 	snop  }
0x7: {  	_ = 	snop  }
__scs_overlays_trampoline_lowered:
0x8: {  	[smem:$0x3FA6] =	sst s0  }
0x9: {  	[smem:$0x3FA7] =	sst s1  }
0xa: {  	[smem:$0x3FA8] =	sst s2  }
0xb: {  	[smem:$0x3FA9] =	sst s3  }
0xc: {  	[smem:$0x3FAA] =	sst s4  }
0xd: {  	[smem:$0x3FAB] =	sst s5  }
0xe: {  	[smem:$0x3FAC] =	sst s6  }
0xf: {  	[smem:$0x3FAD] =	sst s7  }
0x10: {  	[smem:$0x3FAE] =	sst s8  }
0x11: {  	[smem:$0x3FAF] =	sst s9;
	s0 =	simm.s32 @!p0 $0x0  }
0x12: {  	s1 =	sld [smem:$0x3F95];
	s0 =	simm.s32 @p0 $0x1  }
0x13: {  	[smem:$0x3FB0] =	sst s0;
	s0 =	simm.s32 @!p1 $0x0  }
0x14: {  	s2 =	sld [smem:$0x3F94];
	s0 =	simm.s32 @p1 $0x1  }
0x15: {  	[smem:$0x3FB1] =	sst s0;
	s0 =	simm.s32 @!p2 $0x0  }
0x16: {  	s3 =	sld [smem:$0x3FDB];
	s0 =	simm.s32 @p2 $0x1  }
0x17: {  	s4 =	simm.s32 $0x1BF5;
	[smem:$0x3FB3] =	sst s0  }
0x18: {  	s0 =	sld [smem:$0x3F96];
	_ =	swait.ge [sflag:s4], $0x0  }
0x19: {  	s7 =	sld [smem:$0x3F97]  }
0x1a: {  	s8 =	sadd.s32 $0xFFFFE003, lr  }
0x1b: {  	s9 =	sadd.s32 $0xFFFFFEF7, lr;
	s5 =	simm.s32 $0xFFFFFFFF;
	p2 =	slt.u32 s8, $0xFFFFF086  }
0x1c: {  	p1 =	slt.u32 s9, $0xF7A;
	s5 =	simm.s32 @!p2 $0x0  }
0x1d: {  	s5 =	simm.s32 @p1 $0x1;
	p0 =	seq.s32 s7, s2  }
0x1e: {  	s7 =	smul.u32 @!p0 $0xF7A, s2;
	p2 =	seq.s32 @!p0 s5, $0x0  }
0x1f: {  	s9 =	smul.u32 $0xF7A, s1;
	s8 =	simm.s32 @!p0 $0x1BF5;
	p2 =	por !p2, p0  }
0x20: {  	[sflag:s8] =	ssyncset.s32 @!p0 $0xFFFFF086;
	s6 =	sadd.s32 @!p0 s3, s7;
	s7 =	simm.s32 @!p0 $0x108  }
0x21: {  	s3 =	sadd.s32 s3, s9;
	s6 =	sadd.s32 @!p0 $0x88, s6;
	s7 =	simm.s32 @p2 $0x1082  }
0x22: {  	[simem:s7], [sflag:s8] =	dma.local @!p0 [hbm:s6], $0xF7A  }
0x23: {  	s9 =	sor.u32 $0xD0000000, s2;
	s6 =	simm.s32 $0x108;
	_ =	swait.ge @!p0 [sflag:s8], $0x0  }
0x24: {  	s3 =	sadd.s32 $0x88, s3;
	s6 =	simm.s32 @!p1 $0x1082;
	[sflag:s4] =	ssyncset.s32 $0xFFFFF086  }
0x25: {  	[simem:s6], [sflag:s4] =	dma.local [hbm:s3], $0xF7A  }
0x26: {  	[smem:$0x3F97] =	sst s1;
	(tag) =	ssettag s2;
	_ =	strace s9  }
0x27: {  	s1 =	sld [smem:$0x3FA7]  }
0x28: {  	s2 =	sld [smem:$0x3FA8]  }
0x29: {  	s4 =	sld [smem:$0x3FAA]  }
0x2a: {  	p0 =	seq.s32 s5, $0x0;
	s5 =	sld [smem:$0x3FAB]  }
0x2b: {  	s6 =	sld [smem:$0x3FAC]  }
0x2c: {  	s7 =	sld [smem:$0x3FAD]  }
0x2d: {  	s3 =	simm.s32 $0x108;
	s8 =	sld [smem:$0x3FAE]  }
0x2e: {  	s3 =	simm.s32 @!p0 $0x1082;
	s9 =	sld [smem:$0x3FAF]  }
0x2f: {  	lr =	sadd.s32 s0, s3;
	s0 =	sld [smem:$0x3FA6]  }
0x30: {  	s3 =	sld [smem:$0x3FA9]  }
0x31: {  	[smem:$0x3FB2] =	sst s10  }
0x32: {  	s10 =	sld [smem:$0x3FB0];
	_ =	sdelay $0x3  }
0x33: {  	p0 =	seq.s32 s10, $0x1;
	s10 =	sld [smem:$0x3FB2];
	_ =	sdelay $0x3  }
0x34: {  	[smem:$0x3FB2] =	sst s10  }
0x35: {  	s10 =	sld [smem:$0x3FB1];
	_ =	sdelay $0x3  }
0x36: {  	p1 =	seq.s32 s10, $0x1;
	s10 =	sld [smem:$0x3FB2];
	_ =	sdelay $0x3  }
0x37: {  	[smem:$0x3FB2] =	sst s10  }
0x38: {  	s10 =	sld [smem:$0x3FB3]  }
0x39: {  	_ = 	snop;
	(pc) =	sbr.ind lr, $3  }
0x3a: {  	_ = 	snop  }
0x3b: {  	_ = 	snop  }
0x3c: {  	p2 =	seq.s32 s10, $0x1;
	s10 =	sld [smem:$0x3FB2]  }
0x3d: {  	_ =	shalt  }
0x3e: {  	_ =	shalt  }
0x3f: {  	_ =	shalt  }
0x40: {  	_ =	shalt  }
0x41: {  	_ =	shalt  }
0x42: {  	_ =	shalt  }
0x43: {  	_ =	shalt  }
0x44: {  	_ =	shalt  }
0x45: {  	_ =	shalt  }
0x46: {  	_ =	shalt  }
0x47: {  	_ =	shalt  }
0x48: {  	_ =	shalt  }
0x49: {  	_ =	shalt  }
0x4a: {  	_ =	shalt  }
0x4b: {  	_ =	shalt  }
0x4c: {  	_ =	shalt  }
0x4d: {  	_ =	shalt  }
0x4e: {  	_ =	shalt  }
0x4f: {  	_ =	shalt  }
0x50: {  	_ =	shalt  }
0x51: {  	_ =	shalt  }
0x52: {  	_ =	shalt  }
0x53: {  	_ =	shalt  }
0x54: {  	_ =	shalt  }
0x55: {  	_ =	shalt  }
0x56: {  	_ =	shalt  }
0x57: {  	_ =	shalt  }
0x58: {  	_ =	shalt  }
0x59: {  	_ =	shalt  }
0x5a: {  	_ =	shalt  }
0x5b: {  	_ =	shalt  }
0x5c: {  	_ =	shalt  }
0x5d: {  	_ =	shalt  }
0x5e: {  	_ =	shalt  }
0x5f: {  	_ =	shalt  }
0x60: {  	_ =	shalt  }
0x61: {  	_ =	shalt  }
0x62: {  	_ =	shalt  }
0x63: {  	_ =	shalt  }
0x64: {  	_ =	shalt  }
0x65: {  	_ =	shalt  }
0x66: {  	_ =	shalt  }
0x67: {  	_ =	shalt  }
0x68: {  	_ =	shalt  }
0x69: {  	_ =	shalt  }
0x6a: {  	_ =	shalt  }
0x6b: {  	_ =	shalt  }
0x6c: {  	_ =	shalt  }
0x6d: {  	_ =	shalt  }
0x6e: {  	_ =	shalt  }
0x6f: {  	_ =	shalt  }
0x70: {  	_ =	shalt  }
0x71: {  	_ =	shalt  }
0x72: {  	_ =	shalt  }
0x73: {  	_ =	shalt  }
0x74: {  	_ =	shalt  }
0x75: {  	_ =	shalt  }
0x76: {  	_ =	shalt  }
0x77: {  	_ =	shalt  }
0x78: {  	_ =	shalt  }
0x79: {  	_ =	shalt  }
0x7a: {  	_ =	shalt  }
0x7b: {  	_ =	shalt  }
0x7c: {  	_ =	shalt  }
0x7d: {  	_ =	shalt  }
0x7e: {  	_ =	shalt  }
0x7f: {  	_ =	shalt  }
0x80: {  	_ =	shalt  }
0x81: {  	_ =	shalt  }
0x82: {  	_ =	shalt  }
0x83: {  	_ =	shalt  }
0x84: {  	_ =	shalt  }
0x85: {  	_ =	shalt  }
0x86: {  	_ =	shalt  }
0x87: {  	_ =	shalt  }
.Lfunc_end0:
.L_simem_size_0:
called_computation.4_lowered:
.L_overlay_start_0:
0x88: {  	s2 =	sld [smem:$0x3FD9]  }
0x89: {  	s3 =	sld [smem:$0x3FFE];
	_ =	sdelay $0x1  }
0x8a: {  	s1 =	srdreg.scid  }
0x8b: {  	s0 =	sand.u32 $0x1, s1  }
0x8c: {  	s17 =	sshll.u32 s0, $0xA;
	s2 =	sadd.s32 s3, s2  }
0x8d: {  	s2 =	sadd.s32 s2, s17  }
0x8e: {  	[smem:$0x3FBE] =	sst s2  }
0x8f: {  	_ = 	snop  }
0x90: {  	(tm) =	ssettm $0x1  }
0x91: {  	s18 =	sld [smem:$0x3FFB];
	_ =	sdelay $0x3  }
0x92: {  	_ =	strace s18  }
0x93: {  	s2 =	sld [smem:$0x3FFC];
	_ =	sdelay $0x3  }
0x94: {  	_ =	strace s2  }
0x95: {  	s2 =	sld [smem:$0x3FFD];
	_ =	sdelay $0x3  }
0x96: {  	_ =	strace s2  }
0x97: {  	_ =	strace $0x8FFFFFFF  }
0x98: {  	s19 =	sld [smem:$0x3FDB];
	_ =	sdelay $0x1  }
0x99: {  	s20 =	simm.s32 $_scs_section_size  }
0x9a: {  	s4 =	simm.s32 $_size__tile_overlayer_lowered;
	s5 =	simm.s32 $_tile_overlayer_lowered  }
0x9b: {  	s6 =	simm.s32 $0x1BFF;
	s21 =	sshll.u32 s5, $0x1;
	s3 =	sadd.s32 s20, s19  }
0x9c: {  	s22 =	simm.s32 $0x0;
	s4 =	sshll.u32 s4, $0x1;
	s5 =	sadd.s32 s21, s3  }
0x9d: {  	[timem:s22], [sflag:s6] =	dma.local [hbm:s5], s4  }
0x9e: {  	_ =	swait.ge [sflag:s6], s4  }
0x9f: {  	s4 =	ssub.s32 $0x0, s4;
	[sflag:s6] =	ssyncset.done $0x0  }
0xa0: {  	[sflag:s6] =	ssyncadd.s32 s4;
	_ =	sdelay $0x1  }
0xa1: {  	s23 =	simm.s32 $0x1B8B  }
0xa2: {  	_ =	swait.ge [sflag:s23], $0x1  }
0xa3: {  	[sflag:s23] =	ssyncset.done $0x0  }
0xa4: {  	[sflag:s23] =	ssyncadd.s32 $0xFFFFFFFF  }
0xa5: {  	s4 =	sld [smem:$0x0]  }
0xa6: {  	s5 =	sand.u32 $0xFFFFFFFE, s1  }
0xa7: {  	p0 =	sne.s32 s1, s5  }
0xa8: {  	s5 =	sshll.u32 @p0 s5, $0xE  }
0xa9: {  	s5 =	sadd.s32 @p0 $0x11B8D, s5;
	s6 =	sshll.u32 @p0 s4, $0x11  }
0xaa: {  	s5 =	sor.u32 @p0 s6, s5  }
0xab: {  	[sflag:s5] =	ssyncadd.remote.s32 @p0 $0x1;
	_ =	sdelay $0x1  }
0xac: {  	s5 =	simm.s32 @p0 $0x1B8D  }
0xad: {  	_ =	swait.eq @p0 [sflag:s5], $0x1  }
0xae: {  	[sflag:s5] =	ssyncadd.s32 @p0 $0xFFFFFFFF  }
0xaf: {  	s6 =	sshll.u32 @!p0 s1, $0xE  }
0xb0: {  	s6 =	sor.u32 @!p0 $0x4000, s6;
	s5 =	simm.s32 @!p0 $0x1B8D  }
0xb1: {  	s4 =	sshll.u32 @!p0 s4, $0x11;
	s6 =	sadd.s32 @!p0 $0x11B8D, s6;
	_ =	swait.eq @!p0 [sflag:s5], $0x1  }
0xb2: {  	s4 =	sor.u32 @!p0 s4, s6;
	[sflag:s5] =	ssyncadd.s32 @!p0 $0xFFFFFFFF  }
0xb3: {  	s25 =	simm.s32 $0x1B8E;
	s24 =	sld [smem:$0x3FFE];
	[sflag:s4] =	ssyncadd.remote.s32 @!p0 $0x1  }
0xb4: {  	s26 =	simm.s32 $execute0_lowered;
	[smem:$0x3FD2] =	sst s25  }
0xb5: {  	s5 =	sshll.u32 s26, $0x1;
	_ =	strace $0x80000052;
	[dreg:$0x1] =	wrdreg $0xFFFFFFFF  }
0xb6: {  	s28 =	simm.s32 $_size_execute0_lowered;
	s3 =	sadd.s32 s3, s5;
	[dreg:$0x0] =	wrdreg $0x0  }
0xb7: {  	s5 =	sshll.u32 s28, $0x1;
	[dreg:$0x2] =	wrdreg s3  }
0xb8: {  	[dreg:$0x3] =	wrdreg s5  }
0xb9: {  	[dreg:$0x4] =	wrdreg $0xC0  }
0xba: {  	_ =	task [dreg:s22], $0x5FFFF  }
0xbb: {  	[dreg:$0x1] =	wrdreg $0xFFFFFFFF  }
0xbc: {  	[dreg:$0x0] =	wrdreg $0x60  }
0xbd: {  	[dreg:$0x2] =	wrdreg s24  }
0xbe: {  	[dreg:$0x3] =	wrdreg $0xA  }
0xbf: {  	_ =	task.clear_ibuf [dreg:s22], $0x4FFFF;
	_ =	strace $0x90000052  }
0xc0: {  	s29 =	simm.s32 $0xA;
	_ =	strace $0x80000054  }
0xc1: {  	_ =	swait.ge [sflag:s29], $0x1  }
0xc2: {  	[sflag:s29] =	ssyncadd.s32 $0xFFFFFFFF  }
0xc3: {  	_ =	strace $0x90000054  }
0xc4: {  	_ =	sfence  }
0xc5: {  	s30 =	sld [smem:$0x0];
	_ =	sdelay $0x2  }
0xc6: {  	s31 =	sshll.u32 s1, $0xD;
	s1 =	sshrl.u32 s1, $0x2  }
0xc7: {  	s4 =	sand.u32 $0x4000, s31;
	s1 =	sadd.s32 s1, s30  }
0xc8: {  	s0 =	sor.u32 s4, s0;
	s1 =	sshll.u32 s1, $0x11  }
0xc9: {  	s0 =	sor.u32 s1, s0  }
0xca: {  	s0 =	sadd.s32 $0x8F2B, s0  }
0xcb: {  	[sflag:s0] =	ssyncadd.remote.s32 $0x1  }
0xcc: {  	_ =	sfence.sel $0xFFFF  }
0xcd: {  	[dreg:$0x0] =	wrdreg $0xFFFFFFFF;
	(pc) =	sbr.abs _section_cstart, $3  }
0xce: {  	[dreg:$0x1] =	wrdreg $0xFFFFFFFF  }
0xcf: {  	_ =	task.clear_ibuf [dreg:s22], $0x2FFFF;
	_ =	strace $0x9FFFFFFF  }
0xd0: {  	(tm) =	ssettm $0x7FFFFFFF  }
0xd1: {  	_ =	shalt  }
tec
execute0_lowered:
.L_overlay_start_1:
0x0: {  	(tag) =	ssettag $0x1  }
0x1: {  	s0 =	srdreg.scid  }
0x2: {  	s8 =	stileid.u32;
	s4 =	rddreg [dreg:$0x0]  }
0x3: {  	s2 =	simm.s32 $0x0;
	s14 =	simm.s32 $0x800;
	s15 =	simm.s32 $0xC8  }
0x4: {  	s16 =	simm.s32 $0x1000;
	s17 =	simm.s32 $0x7400;
	s18 =	simm.s32 $0xD800  }
0x5: {  	s19 =	simm.s32 $0x13C00;
	s20 =	simm.s32 $0x1;
	s21 =	simm.s32 $0x2  }
0x6: {  	s22 =	simm.s32 $0x3;
	s23 =	simm.s32 $0x4;
	s25 =	simm.s32 $0xF08  }
0x7: {  	s0 =	sand.u32 $0x1, s0;
	s1 =	sshll.u32 s8, $0x1;
	s10 =	sadd.s32 $0x307600, s4  }
0x8: {  	[smem:$0x7FF] =	sst s2;
	s12 =	sadd.s32 $0x401600, s4;
	s13 =	smul.u32 $0xFA00, s8  }
0x9: {  	s1 =	sor.u32 s0, s1;
	s6 =	ssub.s32 $0x2, s0;
	s0 =	smul.u32 $0x7D00, s0  }
0xa: {  	s26 =	simm.s32 $0x0;
	_ =	strace $0x80000053;
	s3 =	smul.u32 $0x7D0, s1  }
0xb: {  	s1 =	smul.u32 $0x3E800, s1;
	s29 =	sshrl.u32 s6, $0x1;
	s30 =	sadd.s32 s13, s10  }
0xc: {  	s31 =	sadd.s32 s13, s12;
	s13 =	simm.s32 $0x5;
	s3 =	sshrl.u32 s3, $0x3  }
0xd: {  	s11 =	ssub.s32 s6, s29;
	s1 =	sshrl.u32 s1, $0x3;
	s5 =	sadd.s32 s3, s4  }
0xe: {  	s3 =	sadd.s32 $0x5200, s4;
	s7 =	sadd.s32 $0x6400, s1;
	s1 =	sadd.s32 $0x7080, s1  }
0xf: {  	s4 =	sadd.s32 $0x109600, s5;
	s5 =	sadd.s32 $0x107600, s5;
	s6 =	sadd.s32 s10, s7  }
0x10: {  	s7 =	sadd.s32 s12, s7;
	s8 =	sadd.s32 s10, s1;
	s9 =	sadd.s32 s12, s1  }
0x11: {  	s10 =	smax.u32 s11, $0x1;
	s11 =	sadd.s32 s0, s30;
	s12 =	sadd.s32 s0, s31  }
.LBB2_1:
0x12: {  	[tilespmem:s2], [sflag:$0x5] =	stream.linear.gather [hbm4b:s4+s2], $0x7D0, $0x38;
	[tilespmem:$0x1A000] =	vst v63  }
0x13: {  	_ =	swait.ge [sflag:s13], $0x7D0  }
0x14: {  	[sflag:s13] =	ssyncset.done $0x0  }
0x15: {  	[sflag:s13] =	ssyncadd.s32 $0xFFFFF830  }
0x16: {  	[tilespmem:s14], [sflag:$0x5] =	stream.linear.gather [hbm4b:s5+s2], $0x7D0, $0x38;
	[tilespmem:$0x1A000] =	vst v63  }
0x17: {  	_ =	swait.ge [sflag:s13], $0x7D0  }
0x18: {  	[sflag:s13] =	ssyncset.done $0x0  }
0x19: {  	[sflag:s13] =	ssyncadd.s32 $0xFFFFF830  }
0x1a: {  	[tilespmem:s16], [sflag:$0x1] =	stream.indirect.gather [hbm4b:s3+s15], $0x80, s2, s15, $0xb8;
	[tilespmem:$0x1A000] =	vst v63  }
0x1b: {  	_ = 	snop  }
0x1c: {  	[tilespmem:s17], [sflag:$0x2] =	stream.indirect.gather [hbm4b:s3+s15], $0x80, s14, s15, $0xb8;
	[tilespmem:$0x1A000] =	vst v63  }
0x1d: {  	s0 =	simm.s32 $0xC8  }
0x1e: {  	[tilespmem:s18], [sflag:$0x3] =	stream.indirect.gather [hbm4b:s3+s15], $0x80, s0, s15, $0xb8;
	[tilespmem:$0x1A000] =	vst v63  }
0x1f: {  	s24 =	simm.s32 $0x8C8  }
0x20: {  	[tilespmem:s19], [sflag:$0x4] =	stream.indirect.gather [hbm4b:s3+s15], $0x80, s24, s15, $0xb8;
	[tilespmem:$0x1A000] =	vst v63  }
0x21: {  	_ =	swait.ge [sflag:s20], $0x6400  }
0x22: {  	[sflag:s20] =	ssyncset.done $0x0  }
0x23: {  	[sflag:s20] =	ssyncadd.s32 $0xFFFF9C00  }
0x24: {  	_ =	swait.ge [sflag:s21], $0x6400  }
0x25: {  	[sflag:s21] =	ssyncset.done $0x0  }
0x26: {  	[sflag:s21] =	ssyncadd.s32 $0xFFFF9C00  }
0x27: {  	[hbm4b:s11+s2] =	stream.linear.scatter [tilespmem:s16], [sflag:$0x5], $0x6400, $0x38;
	[tilespmem:$0x1A000] =	vst v63  }
0x28: {  	_ =	swait.ge [sflag:s13], $0x6400  }
0x29: {  	[sflag:s13] =	ssyncset.done $0x0  }
0x2a: {  	[sflag:s13] =	ssyncadd.s32 $0xFFFF9C00  }
0x2b: {  	[hbm4b:s12+s2] =	stream.linear.scatter [tilespmem:s17], [sflag:$0x5], $0x6400, $0x38;
	[tilespmem:$0x1A000] =	vst v63  }
0x2c: {  	_ =	swait.ge [sflag:s13], $0x6400  }
0x2d: {  	[sflag:s13] =	ssyncset.done $0x0  }
0x2e: {  	s1 =	simm.s32 $0x190;
	[sflag:s13] =	ssyncadd.s32 $0xFFFF9C00  }
0x2f: {  	[tilespmem:s16], [sflag:$0x1] =	stream.indirect.gather [hbm4b:s3+s15], $0x80, s1, s15, $0xb8;
	[tilespmem:$0x1A000] =	vst v63  }
0x30: {  	s24 =	simm.s32 $0x990  }
0x31: {  	[tilespmem:s17], [sflag:$0x2] =	stream.indirect.gather [hbm4b:s3+s15], $0x80, s24, s15, $0xb8;
	[tilespmem:$0x1A000] =	vst v63  }
0x32: {  	_ =	swait.ge [sflag:s22], $0x6400  }
0x33: {  	[sflag:s22] =	ssyncset.done $0x0  }
0x34: {  	[sflag:s22] =	ssyncadd.s32 $0xFFFF9C00  }
0x35: {  	_ =	swait.ge [sflag:s23], $0x6400  }
0x36: {  	[sflag:s23] =	ssyncset.done $0x0  }
0x37: {  	s1 =	sadd.s32 $0xC80, s11;
	[sflag:s23] =	ssyncadd.s32 $0xFFFF9C00  }
0x38: {  	[hbm4b:s1+s2] =	stream.linear.scatter [tilespmem:s18], [sflag:$0x5], $0x6400, $0x38;
	[tilespmem:$0x1A000] =	vst v63  }
0x39: {  	_ =	swait.ge [sflag:s13], $0x6400  }
0x3a: {  	[sflag:s13] =	ssyncset.done $0x0  }
0x3b: {  	s24 =	sadd.s32 $0xC80, s12;
	[sflag:s13] =	ssyncadd.s32 $0xFFFF9C00  }
0x3c: {  	[hbm4b:s24+s2] =	stream.linear.scatter [tilespmem:s19], [sflag:$0x5], $0x6400, $0x38;
	[tilespmem:$0x1A000] =	vst v63  }
0x3d: {  	s31 =	simm.s32 $0xC80;
	s28 =	sadd.s32 $0x1900, s12;
	_ =	swait.ge [sflag:s13], $0x6400  }
0x3e: {  	s30 =	simm.s32 $0x190;
	s29 =	sadd.s32 $0x1900, s11;
	[sflag:s13] =	ssyncset.done $0x0  }
.LBB2_2:
0x3f: {  	s24 =	sadd.s32 $0xC8, s30  }
0x40: {  	[sflag:s13] =	ssyncadd.s32 $0xFFFF9C00;
	s1 =	smov.u32 s31;
	s0 =	sadd.s32 $0x640, s31  }
0x41: {  	[tilespmem:s18], [sflag:$0x3] =	stream.indirect.gather [hbm4b:s3+s15], $0x80, s24, s15, $0xb8;
	[tilespmem:$0x1A000] =	vst v63  }
0x42: {  	p0 =	sne.s32 s31, $0x12C0;
	s24 =	sadd.s32 $0x8C8, s30  }
0x43: {  	[tilespmem:s19], [sflag:$0x4] =	stream.indirect.gather [hbm4b:s3+s15], $0x80, s24, s15, $0xb8;
	[tilespmem:$0x1A000] =	vst v63  }
0x44: {  	_ =	swait.ge [sflag:s20], $0x6400  }
0x45: {  	[sflag:s20] =	ssyncset.done $0x0  }
0x46: {  	[sflag:s20] =	ssyncadd.s32 $0xFFFF9C00  }
0x47: {  	_ =	swait.ge [sflag:s21], $0x6400  }
0x48: {  	[sflag:s21] =	ssyncset.done $0x0  }
0x49: {  	[sflag:s21] =	ssyncadd.s32 $0xFFFF9C00  }
0x4a: {  	[hbm4b:s29+s2] =	stream.linear.scatter [tilespmem:s16], [sflag:$0x5], $0x6400, $0x38;
	[tilespmem:$0x1A000] =	vst v63  }
0x4b: {  	_ =	swait.ge [sflag:s13], $0x6400  }
0x4c: {  	[sflag:s13] =	ssyncset.done $0x0  }
0x4d: {  	[sflag:s13] =	ssyncadd.s32 $0xFFFF9C00  }
0x4e: {  	[hbm4b:s28+s2] =	stream.linear.scatter [tilespmem:s17], [sflag:$0x5], $0x6400, $0x38;
	[tilespmem:$0x1A000] =	vst v63  }
0x4f: {  	_ =	swait.ge [sflag:s13], $0x6400  }
0x50: {  	[sflag:s13] =	ssyncset.done $0x0  }
0x51: {  	s24 =	sadd.s32 $0x190, s30;
	[sflag:s13] =	ssyncadd.s32 $0xFFFF9C00  }
0x52: {  	[tilespmem:s16], [sflag:$0x1] =	stream.indirect.gather [hbm4b:s3+s15], $0x80, s24, s15, $0xb8;
	[tilespmem:$0x1A000] =	vst v63  }
0x53: {  	s24 =	sadd.s32 $0x990, s30  }
0x54: {  	[tilespmem:s17], [sflag:$0x2] =	stream.indirect.gather [hbm4b:s3+s15], $0x80, s24, s15, $0xb8;
	[tilespmem:$0x1A000] =	vst v63  }
0x55: {  	_ =	swait.ge [sflag:s22], $0x6400  }
0x56: {  	[sflag:s22] =	ssyncset.done $0x0  }
0x57: {  	[sflag:s22] =	ssyncadd.s32 $0xFFFF9C00  }
0x58: {  	_ =	swait.ge [sflag:s23], $0x6400  }
0x59: {  	[sflag:s23] =	ssyncset.done $0x0  }
0x5a: {  	s24 =	sadd.s32 $0xC80, s29;
	[sflag:s23] =	ssyncadd.s32 $0xFFFF9C00  }
0x5b: {  	[hbm4b:s24+s2] =	stream.linear.scatter [tilespmem:s18], [sflag:$0x5], $0x6400, $0x38;
	[tilespmem:$0x1A000] =	vst v63  }
0x5c: {  	_ =	swait.ge [sflag:s13], $0x6400  }
.Ltmp0:
0x5d: {  	[sflag:s13] =	ssyncset.done $0x0;
	(pc) =	sbr.rel @p0 .LBB2_2-.Ltmp0, $4  }
0x5e: {  	s24 =	sadd.s32 $0xC80, s28;
	[sflag:s13] =	ssyncadd.s32 $0xFFFF9C00  }
0x5f: {  	[hbm4b:s24+s2] =	stream.linear.scatter [tilespmem:s19], [sflag:$0x5], $0x6400, $0x38;
	[tilespmem:$0x1A000] =	vst v63  }
0x60: {  	s31 =	smov.u32 s0;
	s28 =	sadd.s32 $0x1900, s28;
	_ =	swait.ge [sflag:s13], $0x6400  }
0x61: {  	s30 =	sshra.s32 s1, $0x2;
	s29 =	sadd.s32 $0x1900, s29;
	[sflag:s13] =	ssyncset.done $0x0  }
0x62: {  	s0 =	sadd.s32 $0xC8, s30;
	[sflag:s13] =	ssyncadd.s32 $0xFFFF9C00  }
0x63: {  	[tilespmem:s18], [sflag:$0x3] =	stream.indirect.gather [hbm4b:s3+s15], $0x80, s0, s15, $0xb8;
	[tilespmem:$0x1A000] =	vst v63  }
0x64: {  	s31 =	sadd.s32 $0x8C8, s30  }
0x65: {  	[tilespmem:s19], [sflag:$0x4] =	stream.indirect.gather [hbm4b:s3+s15], $0x80, s31, s15, $0xb8;
	[tilespmem:$0x1A000] =	vst v63  }
0x66: {  	_ =	swait.ge [sflag:s20], $0x6400  }
0x67: {  	[sflag:s20] =	ssyncset.done $0x0  }
0x68: {  	[sflag:s20] =	ssyncadd.s32 $0xFFFF9C00  }
0x69: {  	_ =	swait.ge [sflag:s21], $0x6400  }
0x6a: {  	[sflag:s21] =	ssyncset.done $0x0  }
0x6b: {  	[sflag:s21] =	ssyncadd.s32 $0xFFFF9C00  }
0x6c: {  	[hbm4b:s29+s2] =	stream.linear.scatter [tilespmem:s16], [sflag:$0x5], $0x6400, $0x38;
	[tilespmem:$0x1A000] =	vst v63  }
0x6d: {  	_ =	swait.ge [sflag:s13], $0x6400  }
0x6e: {  	[sflag:s13] =	ssyncset.done $0x0  }
0x6f: {  	[sflag:s13] =	ssyncadd.s32 $0xFFFF9C00  }
0x70: {  	[hbm4b:s28+s2] =	stream.linear.scatter [tilespmem:s17], [sflag:$0x5], $0x6400, $0x38;
	[tilespmem:$0x1A000] =	vst v63  }
0x71: {  	_ =	swait.ge [sflag:s13], $0x6400  }
0x72: {  	[sflag:s13] =	ssyncset.done $0x0  }
0x73: {  	s1 =	sadd.s32 $0x190, s30;
	[sflag:s13] =	ssyncadd.s32 $0xFFFF9C00  }
0x74: {  	[tilespmem:s16], [sflag:$0x1] =	stream.indirect.gather [hbm4b:s3+s15], $0x80, s1, s15, $0xb8;
	[tilespmem:$0x1A000] =	vst v63  }
0x75: {  	s24 =	sadd.s32 $0x990, s30  }
0x76: {  	[tilespmem:s17], [sflag:$0x2] =	stream.indirect.gather [hbm4b:s3+s15], $0x80, s24, s15, $0xb8;
	[tilespmem:$0x1A000] =	vst v63  }
0x77: {  	_ =	swait.ge [sflag:s22], $0x6400  }
0x78: {  	[sflag:s22] =	ssyncset.done $0x0  }
0x79: {  	[sflag:s22] =	ssyncadd.s32 $0xFFFF9C00  }
0x7a: {  	_ =	swait.ge [sflag:s23], $0x6400  }
0x7b: {  	[sflag:s23] =	ssyncset.done $0x0  }
0x7c: {  	s29 =	sadd.s32 $0xC80, s29;
	[sflag:s23] =	ssyncadd.s32 $0xFFFF9C00  }
0x7d: {  	[hbm4b:s29+s2] =	stream.linear.scatter [tilespmem:s18], [sflag:$0x5], $0x6400, $0x38;
	[tilespmem:$0x1A000] =	vst v63  }
0x7e: {  	_ =	swait.ge [sflag:s13], $0x6400  }
0x7f: {  	[sflag:s13] =	ssyncset.done $0x0  }
0x80: {  	s30 =	sadd.s32 $0xC80, s28;
	[sflag:s13] =	ssyncadd.s32 $0xFFFF9C00  }
0x81: {  	[hbm4b:s30+s2] =	stream.linear.scatter [tilespmem:s19], [sflag:$0x5], $0x6400, $0x38;
	[tilespmem:$0x1A000] =	vst v63  }
0x82: {  	_ =	swait.ge [sflag:s13], $0x6400  }
0x83: {  	[sflag:s13] =	ssyncset.done $0x0  }
0x84: {  	s31 =	simm.s32 $0x708;
	[sflag:s13] =	ssyncadd.s32 $0xFFFF9C00  }
0x85: {  	[tilespmem:s18], [sflag:$0x3] =	stream.indirect.gather [hbm4b:s3+s15], $0x80, s31, s15, $0xb8;
	[tilespmem:$0x1A000] =	vst v63  }
0x86: {  	_ = 	snop  }
0x87: {  	[tilespmem:s19], [sflag:$0x4] =	stream.indirect.gather [hbm4b:s3+s15], $0x80, s25, s15, $0xb8;
	[tilespmem:$0x1A000] =	vst v63  }
0x88: {  	_ =	swait.ge [sflag:s20], $0x6400  }
0x89: {  	[sflag:s20] =	ssyncset.done $0x0  }
0x8a: {  	[sflag:s20] =	ssyncadd.s32 $0xFFFF9C00  }
0x8b: {  	_ =	swait.ge [sflag:s21], $0x6400  }
0x8c: {  	[sflag:s21] =	ssyncset.done $0x0  }
0x8d: {  	[sflag:s21] =	ssyncadd.s32 $0xFFFF9C00  }
0x8e: {  	[hbm4b:s6+s2] =	stream.linear.scatter [tilespmem:s16], [sflag:$0x5], $0x6400, $0x38;
	[tilespmem:$0x1A000] =	vst v63  }
0x8f: {  	_ =	swait.ge [sflag:s13], $0x6400  }
0x90: {  	[sflag:s13] =	ssyncset.done $0x0  }
0x91: {  	[sflag:s13] =	ssyncadd.s32 $0xFFFF9C00  }
0x92: {  	[hbm4b:s7+s2] =	stream.linear.scatter [tilespmem:s17], [sflag:$0x5], $0x6400, $0x38;
	[tilespmem:$0x1A000] =	vst v63  }
0x93: {  	_ =	swait.ge [sflag:s13], $0x6400  }
0x94: {  	[sflag:s13] =	ssyncset.done $0x0  }
0x95: {  	[sflag:s13] =	ssyncadd.s32 $0xFFFF9C00  }
0x96: {  	_ =	swait.ge [sflag:s22], $0x6400  }
0x97: {  	[sflag:s22] =	ssyncset.done $0x0  }
0x98: {  	[sflag:s22] =	ssyncadd.s32 $0xFFFF9C00  }
0x99: {  	_ =	swait.ge [sflag:s23], $0x6400  }
0x9a: {  	[sflag:s23] =	ssyncset.done $0x0  }
0x9b: {  	[sflag:s23] =	ssyncadd.s32 $0xFFFF9C00  }
0x9c: {  	[hbm4b:s8+s2] =	stream.linear.scatter [tilespmem:s18], [sflag:$0x5], $0x6400, $0x38;
	[tilespmem:$0x1A000] =	vst v63  }
0x9d: {  	s26 =	sadd.s32 $0x1, s26;
	_ =	swait.ge [sflag:s13], $0x6400  }
0x9e: {  	p0 =	sne.s32 s26, s10;
	[sflag:s13] =	ssyncset.done $0x0  }
.Ltmp1:
0x9f: {  	[sflag:s13] =	ssyncadd.s32 $0xFFFF9C00;
	(pc) =	sbr.rel @p0 .LBB2_1-.Ltmp1, $4  }
0xa0: {  	[hbm4b:s9+s2] =	stream.linear.scatter [tilespmem:s19], [sflag:$0x5], $0x6400, $0x38;
	[tilespmem:$0x1A000] =	vst v63  }
0xa1: {  	_ =	swait.ge [sflag:s13], $0x6400  }
0xa2: {  	[sflag:s13] =	ssyncset.done $0x0  }
0xa3: {  	[sflag:s13] =	ssyncadd.s32 $0xFFFF9C00  }
0xa4: {  	_ =	sfence.sel $0x180000  }
0xa5: {  	[bflag:$0x0] =	sbarrier.arrive $0xFFFF  }
0xa6: {  	_ =	strace $0x90000053  }
0xa7: {  	s0 =	stileid.u32;
	[bflag:$0x2] =	sbarrier.arrive $0xFFFF  }
0xa8: {  	p0 =	sne.s32 s0, $0x0;
	s0 =	rddreg [dreg:$0x1]  }
0xa9: {  	s0 =	sadd.s32 @!p0 $0x100000, s0  }
0xaa: {  	[sflag:s0] =	ssyncadd.tile.s32 @!p0 $0x1;
	_ =	shalt  }
.Lfunc_end2:
_tile_overlayer_lowered:
.L_overlay_start_2:
0xab: {  	(tag) =	ssettag $0x2  }
0xac: {  	s0 =	rddreg [dreg:$0x0];
	s2 =	stileid.u32  }
0xad: {  	s1 =	rddreg [dreg:$0x1];
	p0 =	sne.s32 s2, $0x0  }
0xae: {  	s3 =	rddreg [dreg:$0x2];
	[bflag:$0x3] =	sbarrier.arrive $0xFFFF;
	s2 =	simm.s32 @!p0 $0x1C05  }
0xaf: {  	[timem:s3], [sflag:s2] =	dma.local @!p0 [hbm:s0], s1  }
0xb0: {  	s0 =	simm.s32 @!p0 $0x5  }
0xb1: {  	_ =	swait.ge @!p0 [sflag:s0], s1  }
0xb2: {  	s1 =	ssub.s32 @!p0 $0x0, s1;
	[sflag:s0] =	ssyncset.done @!p0 $0x0  }
0xb3: {  	[sflag:s0] =	ssyncadd.s32 @!p0 s1  }
0xb4: {  	[bflag:$0x3] =	sbarrier.arrive $0xFFFF  }
0xb5: {  	_ =	shalt  }

// kernel: kernel.33.cloned.1.call-start
scs
__scs_entry_jumppad:
0x0: {  	(pc) =	sbr.rel $0x88, $3  }
0x1: {  	(tag) =	ssettag $0x0;
	lr =	simm.s32 $0x1  }
0x2: {  	[smem:$0x3F97] =	sst lr;
	_ =	strace $0xD0000000  }
0x3: {  	_ = 	snop  }
0x4: {  	_ = 	snop  }
0x5: {  	_ = 	snop  }
0x6: {  	_ = 	snop  }
0x7: {  	_ = 	snop  }
__scs_overlays_trampoline_lowered:
0x8: {  	[smem:$0x3FA6] =	sst s0  }
0x9: {  	[smem:$0x3FA7] =	sst s1  }
0xa: {  	[smem:$0x3FA8] =	sst s2  }
0xb: {  	[smem:$0x3FA9] =	sst s3  }
0xc: {  	[smem:$0x3FAA] =	sst s4  }
0xd: {  	[smem:$0x3FAB] =	sst s5  }
0xe: {  	[smem:$0x3FAC] =	sst s6  }
0xf: {  	[smem:$0x3FAD] =	sst s7  }
0x10: {  	[smem:$0x3FAE] =	sst s8  }
0x11: {  	[smem:$0x3FAF] =	sst s9;
	s0 =	simm.s32 @!p0 $0x0  }
0x12: {  	s1 =	sld [smem:$0x3F95];
	s0 =	simm.s32 @p0 $0x1  }
0x13: {  	[smem:$0x3FB0] =	sst s0;
	s0 =	simm.s32 @!p1 $0x0  }
0x14: {  	s2 =	sld [smem:$0x3F94];
	s0 =	simm.s32 @p1 $0x1  }
0x15: {  	[smem:$0x3FB1] =	sst s0;
	s0 =	simm.s32 @!p2 $0x0  }
0x16: {  	s3 =	sld [smem:$0x3FDB];
	s0 =	simm.s32 @p2 $0x1  }
0x17: {  	s4 =	simm.s32 $0x1BF5;
	[smem:$0x3FB3] =	sst s0  }
0x18: {  	s0 =	sld [smem:$0x3F96];
	_ =	swait.ge [sflag:s4], $0x0  }
0x19: {  	s7 =	sld [smem:$0x3F97]  }
0x1a: {  	s8 =	sadd.s32 $0xFFFFE003, lr  }
0x1b: {  	s9 =	sadd.s32 $0xFFFFFEF7, lr;
	s5 =	simm.s32 $0xFFFFFFFF;
	p2 =	slt.u32 s8, $0xFFFFF086  }
0x1c: {  	p1 =	slt.u32 s9, $0xF7A;
	s5 =	simm.s32 @!p2 $0x0  }
0x1d: {  	s5 =	simm.s32 @p1 $0x1;
	p0 =	seq.s32 s7, s2  }
0x1e: {  	s7 =	smul.u32 @!p0 $0xF7A, s2;
	p2 =	seq.s32 @!p0 s5, $0x0  }
0x1f: {  	s9 =	smul.u32 $0xF7A, s1;
	s8 =	simm.s32 @!p0 $0x1BF5;
	p2 =	por !p2, p0  }
0x20: {  	[sflag:s8] =	ssyncset.s32 @!p0 $0xFFFFF086;
	s6 =	sadd.s32 @!p0 s3, s7;
	s7 =	simm.s32 @!p0 $0x108  }
0x21: {  	s3 =	sadd.s32 s3, s9;
	s6 =	sadd.s32 @!p0 $0x88, s6;
	s7 =	simm.s32 @p2 $0x1082  }
0x22: {  	[simem:s7], [sflag:s8] =	dma.local @!p0 [hbm:s6], $0xF7A  }
0x23: {  	s9 =	sor.u32 $0xD0000000, s2;
	s6 =	simm.s32 $0x108;
	_ =	swait.ge @!p0 [sflag:s8], $0x0  }
0x24: {  	s3 =	sadd.s32 $0x88, s3;
	s6 =	simm.s32 @!p1 $0x1082;
	[sflag:s4] =	ssyncset.s32 $0xFFFFF086  }
0x25: {  	[simem:s6], [sflag:s4] =	dma.local [hbm:s3], $0xF7A  }
0x26: {  	[smem:$0x3F97] =	sst s1;
	(tag) =	ssettag s2;
	_ =	strace s9  }
0x27: {  	s1 =	sld [smem:$0x3FA7]  }
0x28: {  	s2 =	sld [smem:$0x3FA8]  }
0x29: {  	s4 =	sld [smem:$0x3FAA]  }
0x2a: {  	p0 =	seq.s32 s5, $0x0;
	s5 =	sld [smem:$0x3FAB]  }
0x2b: {  	s6 =	sld [smem:$0x3FAC]  }
0x2c: {  	s7 =	sld [smem:$0x3FAD]  }
0x2d: {  	s3 =	simm.s32 $0x108;
	s8 =	sld [smem:$0x3FAE]  }
0x2e: {  	s3 =	simm.s32 @!p0 $0x1082;
	s9 =	sld [smem:$0x3FAF]  }
0x2f: {  	lr =	sadd.s32 s0, s3;
	s0 =	sld [smem:$0x3FA6]  }
0x30: {  	s3 =	sld [smem:$0x3FA9]  }
0x31: {  	[smem:$0x3FB2] =	sst s10  }
0x32: {  	s10 =	sld [smem:$0x3FB0];
	_ =	sdelay $0x3  }
0x33: {  	p0 =	seq.s32 s10, $0x1;
	s10 =	sld [smem:$0x3FB2];
	_ =	sdelay $0x3  }
0x34: {  	[smem:$0x3FB2] =	sst s10  }
0x35: {  	s10 =	sld [smem:$0x3FB1];
	_ =	sdelay $0x3  }
0x36: {  	p1 =	seq.s32 s10, $0x1;
	s10 =	sld [smem:$0x3FB2];
	_ =	sdelay $0x3  }
0x37: {  	[smem:$0x3FB2] =	sst s10  }
0x38: {  	s10 =	sld [smem:$0x3FB3]  }
0x39: {  	_ = 	snop;
	(pc) =	sbr.ind lr, $3  }
0x3a: {  	_ = 	snop  }
0x3b: {  	_ = 	snop  }
0x3c: {  	p2 =	seq.s32 s10, $0x1;
	s10 =	sld [smem:$0x3FB2]  }
0x3d: {  	_ =	shalt  }
0x3e: {  	_ =	shalt  }
0x3f: {  	_ =	shalt  }
0x40: {  	_ =	shalt  }
0x41: {  	_ =	shalt  }
0x42: {  	_ =	shalt  }
0x43: {  	_ =	shalt  }
0x44: {  	_ =	shalt  }
0x45: {  	_ =	shalt  }
0x46: {  	_ =	shalt  }
0x47: {  	_ =	shalt  }
0x48: {  	_ =	shalt  }
0x49: {  	_ =	shalt  }
0x4a: {  	_ =	shalt  }
0x4b: {  	_ =	shalt  }
0x4c: {  	_ =	shalt  }
0x4d: {  	_ =	shalt  }
0x4e: {  	_ =	shalt  }
0x4f: {  	_ =	shalt  }
0x50: {  	_ =	shalt  }
0x51: {  	_ =	shalt  }
0x52: {  	_ =	shalt  }
0x53: {  	_ =	shalt  }
0x54: {  	_ =	shalt  }
0x55: {  	_ =	shalt  }
0x56: {  	_ =	shalt  }
0x57: {  	_ =	shalt  }
0x58: {  	_ =	shalt  }
0x59: {  	_ =	shalt  }
0x5a: {  	_ =	shalt  }
0x5b: {  	_ =	shalt  }
0x5c: {  	_ =	shalt  }
0x5d: {  	_ =	shalt  }
0x5e: {  	_ =	shalt  }
0x5f: {  	_ =	shalt  }
0x60: {  	_ =	shalt  }
0x61: {  	_ =	shalt  }
0x62: {  	_ =	shalt  }
0x63: {  	_ =	shalt  }
0x64: {  	_ =	shalt  }
0x65: {  	_ =	shalt  }
0x66: {  	_ =	shalt  }
0x67: {  	_ =	shalt  }
0x68: {  	_ =	shalt  }
0x69: {  	_ =	shalt  }
0x6a: {  	_ =	shalt  }
0x6b: {  	_ =	shalt  }
0x6c: {  	_ =	shalt  }
0x6d: {  	_ =	shalt  }
0x6e: {  	_ =	shalt  }
0x6f: {  	_ =	shalt  }
0x70: {  	_ =	shalt  }
0x71: {  	_ =	shalt  }
0x72: {  	_ =	shalt  }
0x73: {  	_ =	shalt  }
0x74: {  	_ =	shalt  }
0x75: {  	_ =	shalt  }
0x76: {  	_ =	shalt  }
0x77: {  	_ =	shalt  }
0x78: {  	_ =	shalt  }
0x79: {  	_ =	shalt  }
0x7a: {  	_ =	shalt  }
0x7b: {  	_ =	shalt  }
0x7c: {  	_ =	shalt  }
0x7d: {  	_ =	shalt  }
0x7e: {  	_ =	shalt  }
0x7f: {  	_ =	shalt  }
0x80: {  	_ =	shalt  }
0x81: {  	_ =	shalt  }
0x82: {  	_ =	shalt  }
0x83: {  	_ =	shalt  }
0x84: {  	_ =	shalt  }
0x85: {  	_ =	shalt  }
0x86: {  	_ =	shalt  }
0x87: {  	_ =	shalt  }
.Lfunc_end0:
.L_simem_size_0:
called_computation.5_lowered:
.L_overlay_start_0:
0x88: {  	s2 =	sld [smem:$0x3FD9]  }
0x89: {  	s3 =	sld [smem:$0x3FFE];
	_ =	sdelay $0x1  }
0x8a: {  	s1 =	srdreg.scid  }
0x8b: {  	s0 =	sand.u32 $0x1, s1  }
0x8c: {  	s16 =	sshll.u32 s0, $0xA;
	s2 =	sadd.s32 s3, s2  }
0x8d: {  	s2 =	sadd.s32 s2, s16  }
0x8e: {  	[smem:$0x3FBE] =	sst s2  }
0x8f: {  	_ = 	snop  }
0x90: {  	(tm) =	ssettm $0x1  }
0x91: {  	s17 =	sld [smem:$0x3FFB];
	_ =	sdelay $0x3  }
0x92: {  	_ =	strace s17  }
0x93: {  	s2 =	sld [smem:$0x3FFC];
	_ =	sdelay $0x3  }
0x94: {  	_ =	strace s2  }
0x95: {  	s2 =	sld [smem:$0x3FFD];
	_ =	sdelay $0x3  }
0x96: {  	_ =	strace s2  }
0x97: {  	_ =	strace $0x8FFFFFFF  }
0x98: {  	s18 =	sld [smem:$0x3FDB];
	_ =	sdelay $0x1  }
0x99: {  	s19 =	simm.s32 $_scs_section_size  }
0x9a: {  	s4 =	simm.s32 $_size__tile_overlayer_lowered;
	s5 =	simm.s32 $_tile_overlayer_lowered  }
0x9b: {  	s22 =	simm.s32 $0x1BFF;
	s21 =	sshll.u32 s5, $0x1;
	s2 =	sadd.s32 s19, s18  }
0x9c: {  	s6 =	simm.s32 $0x0;
	s20 =	sshll.u32 s4, $0x1;
	s4 =	sadd.s32 s21, s2  }
0x9d: {  	[timem:s6], [sflag:s22] =	dma.local [hbm:s4], s20  }
0x9e: {  	_ =	swait.ge [sflag:s22], s20  }
0x9f: {  	s3 =	ssub.s32 $0x0, s20;
	[sflag:s22] =	ssyncset.done $0x0  }
0xa0: {  	[sflag:s22] =	ssyncadd.s32 s3;
	_ =	sdelay $0x1  }
0xa1: {  	s23 =	simm.s32 $0x1B8B  }
0xa2: {  	_ =	swait.ge [sflag:s23], $0x1  }
0xa3: {  	[sflag:s23] =	ssyncset.done $0x0  }
0xa4: {  	s25 =	simm.s32 $0x1B8E;
	s24 =	sld [smem:$0x3FFE];
	[sflag:s23] =	ssyncadd.s32 $0xFFFFFFFF  }
0xa5: {  	s26 =	simm.s32 $execute0_lowered;
	[smem:$0x3FD2] =	sst s25  }
0xa6: {  	s4 =	sshll.u32 s26, $0x1;
	_ =	strace $0x8000004F;
	[dreg:$0x1] =	wrdreg $0xFFFFFFFF  }
0xa7: {  	s28 =	simm.s32 $_size_execute0_lowered;
	s2 =	sadd.s32 s2, s4;
	[dreg:$0x0] =	wrdreg $0x0  }
0xa8: {  	s4 =	sshll.u32 s28, $0x1;
	[dreg:$0x2] =	wrdreg s2  }
0xa9: {  	[dreg:$0x3] =	wrdreg s4  }
0xaa: {  	[dreg:$0x4] =	wrdreg $0xC0  }
0xab: {  	_ =	task [dreg:s6], $0x5FFFF  }
0xac: {  	[dreg:$0x1] =	wrdreg $0xFFFFFFFF  }
0xad: {  	[dreg:$0x0] =	wrdreg $0x60  }
0xae: {  	[dreg:$0x2] =	wrdreg s24  }
0xaf: {  	[dreg:$0x3] =	wrdreg $0xB  }
0xb0: {  	_ =	task.clear_ibuf [dreg:s6], $0x4FFFF;
	_ =	strace $0x9000004F  }
0xb1: {  	s29 =	simm.s32 $0xB;
	_ =	strace $0x80000051  }
0xb2: {  	_ =	swait.ge [sflag:s29], $0x1  }
0xb3: {  	[sflag:s29] =	ssyncadd.s32 $0xFFFFFFFF  }
0xb4: {  	_ =	strace $0x90000051  }
0xb5: {  	_ =	sfence  }
0xb6: {  	s30 =	sld [smem:$0x0];
	_ =	sdelay $0x2  }
0xb7: {  	s31 =	sshll.u32 s1, $0xD;
	s1 =	sshrl.u32 s1, $0x2  }
0xb8: {  	s3 =	sand.u32 $0x4000, s31;
	s1 =	sadd.s32 s1, s30  }
0xb9: {  	s0 =	sor.u32 s3, s0;
	s1 =	sshll.u32 s1, $0x11  }
0xba: {  	s0 =	sor.u32 s1, s0  }
0xbb: {  	s0 =	sadd.s32 $0x8F2B, s0  }
0xbc: {  	[sflag:s0] =	ssyncadd.remote.s32 $0x1  }
0xbd: {  	_ =	sfence.sel $0xFFFF  }
0xbe: {  	[dreg:$0x0] =	wrdreg $0xFFFFFFFF;
	(pc) =	sbr.abs _section_cstart, $3  }
0xbf: {  	[dreg:$0x1] =	wrdreg $0xFFFFFFFF  }
0xc0: {  	_ =	task.clear_ibuf [dreg:s6], $0x2FFFF;
	_ =	strace $0x9FFFFFFF  }
0xc1: {  	(tm) =	ssettm $0x7FFFFFFF  }
tec
execute0_lowered:
.L_overlay_start_1:
0x0: {  	(tag) =	ssettag $0x1  }
0x1: {  	s0 =	srdreg.scid  }
0x2: {  	s8 =	stileid.u32;
	s4 =	rddreg [dreg:$0x0]  }
0x3: {  	s2 =	simm.s32 $0x0;
	s14 =	simm.s32 $0x800;
	s15 =	simm.s32 $0xC8  }
0x4: {  	s16 =	simm.s32 $0x1000;
	s17 =	simm.s32 $0x7400;
	s18 =	simm.s32 $0xD800  }
0x5: {  	s19 =	simm.s32 $0x13C00;
	s20 =	simm.s32 $0x1;
	s21 =	simm.s32 $0x2  }
0x6: {  	s22 =	simm.s32 $0x3;
	s23 =	simm.s32 $0x4;
	s25 =	simm.s32 $0xF08  }
0x7: {  	s0 =	sand.u32 $0x1, s0;
	s1 =	sshll.u32 s8, $0x1;
	s10 =	sadd.s32 $0x113600, s4  }
0x8: {  	[smem:$0x7FF] =	sst s2;
	s12 =	sadd.s32 $0x20D600, s4;
	s13 =	smul.u32 $0xFA00, s8  }
0x9: {  	s1 =	sor.u32 s0, s1;
	s6 =	ssub.s32 $0x2, s0;
	s0 =	smul.u32 $0x7D00, s0  }
0xa: {  	s26 =	simm.s32 $0x0;
	_ =	strace $0x80000050;
	s3 =	smul.u32 $0x7D0, s1  }
0xb: {  	s1 =	smul.u32 $0x3E800, s1;
	s29 =	sshrl.u32 s6, $0x1;
	s30 =	sadd.s32 s13, s10  }
0xc: {  	s31 =	sadd.s32 s13, s12;
	s13 =	simm.s32 $0x5;
	s3 =	sshrl.u32 s3, $0x3  }
0xd: {  	s11 =	ssub.s32 s6, s29;
	s1 =	sshrl.u32 s1, $0x3;
	s5 =	sadd.s32 s3, s4  }
0xe: {  	s3 =	sadd.s32 $0x5200, s4;
	s7 =	sadd.s32 $0x6400, s1;
	s1 =	sadd.s32 $0x7080, s1  }
0xf: {  	s4 =	sadd.s32 $0x105600, s5;
	s5 =	sadd.s32 $0x103600, s5;
	s6 =	sadd.s32 s10, s7  }
0x10: {  	s7 =	sadd.s32 s12, s7;
	s8 =	sadd.s32 s10, s1;
	s9 =	sadd.s32 s12, s1  }
0x11: {  	s10 =	smax.u32 s11, $0x1;
	s11 =	sadd.s32 s0, s30;
	s12 =	sadd.s32 s0, s31  }
.LBB2_1:
0x12: {  	[tilespmem:s2], [sflag:$0x5] =	stream.linear.gather [hbm4b:s4+s2], $0x7D0, $0x38;
	[tilespmem:$0x1A000] =	vst v63  }
0x13: {  	_ =	swait.ge [sflag:s13], $0x7D0  }
0x14: {  	[sflag:s13] =	ssyncset.done $0x0  }
0x15: {  	[sflag:s13] =	ssyncadd.s32 $0xFFFFF830  }
0x16: {  	[tilespmem:s14], [sflag:$0x5] =	stream.linear.gather [hbm4b:s5+s2], $0x7D0, $0x38;
	[tilespmem:$0x1A000] =	vst v63  }
0x17: {  	_ =	swait.ge [sflag:s13], $0x7D0  }
0x18: {  	[sflag:s13] =	ssyncset.done $0x0  }
0x19: {  	[sflag:s13] =	ssyncadd.s32 $0xFFFFF830  }
0x1a: {  	[tilespmem:s16], [sflag:$0x1] =	stream.indirect.gather [hbm4b:s3+s15], $0x80, s2, s15, $0xb8;
	[tilespmem:$0x1A000] =	vst v63  }
0x1b: {  	_ = 	snop  }
0x1c: {  	[tilespmem:s17], [sflag:$0x2] =	stream.indirect.gather [hbm4b:s3+s15], $0x80, s14, s15, $0xb8;
	[tilespmem:$0x1A000] =	vst v63  }
0x1d: {  	s0 =	simm.s32 $0xC8  }
0x1e: {  	[tilespmem:s18], [sflag:$0x3] =	stream.indirect.gather [hbm4b:s3+s15], $0x80, s0, s15, $0xb8;
	[tilespmem:$0x1A000] =	vst v63  }
0x1f: {  	s24 =	simm.s32 $0x8C8  }
0x20: {  	[tilespmem:s19], [sflag:$0x4] =	stream.indirect.gather [hbm4b:s3+s15], $0x80, s24, s15, $0xb8;
	[tilespmem:$0x1A000] =	vst v63  }
0x21: {  	_ =	swait.ge [sflag:s20], $0x6400  }
0x22: {  	[sflag:s20] =	ssyncset.done $0x0  }
0x23: {  	[sflag:s20] =	ssyncadd.s32 $0xFFFF9C00  }
0x24: {  	_ =	swait.ge [sflag:s21], $0x6400  }
0x25: {  	[sflag:s21] =	ssyncset.done $0x0  }
0x26: {  	[sflag:s21] =	ssyncadd.s32 $0xFFFF9C00  }
0x27: {  	[hbm4b:s11+s2] =	stream.linear.scatter [tilespmem:s16], [sflag:$0x5], $0x6400, $0x38;
	[tilespmem:$0x1A000] =	vst v63  }
0x28: {  	_ =	swait.ge [sflag:s13], $0x6400  }
0x29: {  	[sflag:s13] =	ssyncset.done $0x0  }
0x2a: {  	[sflag:s13] =	ssyncadd.s32 $0xFFFF9C00  }
0x2b: {  	[hbm4b:s12+s2] =	stream.linear.scatter [tilespmem:s17], [sflag:$0x5], $0x6400, $0x38;
	[tilespmem:$0x1A000] =	vst v63  }
0x2c: {  	_ =	swait.ge [sflag:s13], $0x6400  }
0x2d: {  	[sflag:s13] =	ssyncset.done $0x0  }
0x2e: {  	s1 =	simm.s32 $0x190;
	[sflag:s13] =	ssyncadd.s32 $0xFFFF9C00  }
0x2f: {  	[tilespmem:s16], [sflag:$0x1] =	stream.indirect.gather [hbm4b:s3+s15], $0x80, s1, s15, $0xb8;
	[tilespmem:$0x1A000] =	vst v63  }
0x30: {  	s24 =	simm.s32 $0x990  }
0x31: {  	[tilespmem:s17], [sflag:$0x2] =	stream.indirect.gather [hbm4b:s3+s15], $0x80, s24, s15, $0xb8;
	[tilespmem:$0x1A000] =	vst v63  }
0x32: {  	_ =	swait.ge [sflag:s22], $0x6400  }
0x33: {  	[sflag:s22] =	ssyncset.done $0x0  }
0x34: {  	[sflag:s22] =	ssyncadd.s32 $0xFFFF9C00  }
0x35: {  	_ =	swait.ge [sflag:s23], $0x6400  }
0x36: {  	[sflag:s23] =	ssyncset.done $0x0  }
0x37: {  	s1 =	sadd.s32 $0xC80, s11;
	[sflag:s23] =	ssyncadd.s32 $0xFFFF9C00  }
0x38: {  	[hbm4b:s1+s2] =	stream.linear.scatter [tilespmem:s18], [sflag:$0x5], $0x6400, $0x38;
	[tilespmem:$0x1A000] =	vst v63  }
0x39: {  	_ =	swait.ge [sflag:s13], $0x6400  }
0x3a: {  	[sflag:s13] =	ssyncset.done $0x0  }
0x3b: {  	s24 =	sadd.s32 $0xC80, s12;
	[sflag:s13] =	ssyncadd.s32 $0xFFFF9C00  }
0x3c: {  	[hbm4b:s24+s2] =	stream.linear.scatter [tilespmem:s19], [sflag:$0x5], $0x6400, $0x38;
	[tilespmem:$0x1A000] =	vst v63  }
0x3d: {  	s31 =	simm.s32 $0xC80;
	s28 =	sadd.s32 $0x1900, s12;
	_ =	swait.ge [sflag:s13], $0x6400  }
0x3e: {  	s30 =	simm.s32 $0x190;
	s29 =	sadd.s32 $0x1900, s11;
	[sflag:s13] =	ssyncset.done $0x0  }
.LBB2_2:
0x3f: {  	s24 =	sadd.s32 $0xC8, s30  }
0x40: {  	[sflag:s13] =	ssyncadd.s32 $0xFFFF9C00;
	s1 =	smov.u32 s31;
	s0 =	sadd.s32 $0x640, s31  }
0x41: {  	[tilespmem:s18], [sflag:$0x3] =	stream.indirect.gather [hbm4b:s3+s15], $0x80, s24, s15, $0xb8;
	[tilespmem:$0x1A000] =	vst v63  }
0x42: {  	p0 =	sne.s32 s31, $0x12C0;
	s24 =	sadd.s32 $0x8C8, s30  }
0x43: {  	[tilespmem:s19], [sflag:$0x4] =	stream.indirect.gather [hbm4b:s3+s15], $0x80, s24, s15, $0xb8;
	[tilespmem:$0x1A000] =	vst v63  }
0x44: {  	_ =	swait.ge [sflag:s20], $0x6400  }
0x45: {  	[sflag:s20] =	ssyncset.done $0x0  }
0x46: {  	[sflag:s20] =	ssyncadd.s32 $0xFFFF9C00  }
0x47: {  	_ =	swait.ge [sflag:s21], $0x6400  }
0x48: {  	[sflag:s21] =	ssyncset.done $0x0  }
0x49: {  	[sflag:s21] =	ssyncadd.s32 $0xFFFF9C00  }
0x4a: {  	[hbm4b:s29+s2] =	stream.linear.scatter [tilespmem:s16], [sflag:$0x5], $0x6400, $0x38;
	[tilespmem:$0x1A000] =	vst v63  }
0x4b: {  	_ =	swait.ge [sflag:s13], $0x6400  }
0x4c: {  	[sflag:s13] =	ssyncset.done $0x0  }
0x4d: {  	[sflag:s13] =	ssyncadd.s32 $0xFFFF9C00  }
0x4e: {  	[hbm4b:s28+s2] =	stream.linear.scatter [tilespmem:s17], [sflag:$0x5], $0x6400, $0x38;
	[tilespmem:$0x1A000] =	vst v63  }
0x4f: {  	_ =	swait.ge [sflag:s13], $0x6400  }
0x50: {  	[sflag:s13] =	ssyncset.done $0x0  }
0x51: {  	s24 =	sadd.s32 $0x190, s30;
	[sflag:s13] =	ssyncadd.s32 $0xFFFF9C00  }
0x52: {  	[tilespmem:s16], [sflag:$0x1] =	stream.indirect.gather [hbm4b:s3+s15], $0x80, s24, s15, $0xb8;
	[tilespmem:$0x1A000] =	vst v63  }
0x53: {  	s24 =	sadd.s32 $0x990, s30  }
0x54: {  	[tilespmem:s17], [sflag:$0x2] =	stream.indirect.gather [hbm4b:s3+s15], $0x80, s24, s15, $0xb8;
	[tilespmem:$0x1A000] =	vst v63  }
0x55: {  	_ =	swait.ge [sflag:s22], $0x6400  }
0x56: {  	[sflag:s22] =	ssyncset.done $0x0  }
0x57: {  	[sflag:s22] =	ssyncadd.s32 $0xFFFF9C00  }
0x58: {  	_ =	swait.ge [sflag:s23], $0x6400  }
0x59: {  	[sflag:s23] =	ssyncset.done $0x0  }
0x5a: {  	s24 =	sadd.s32 $0xC80, s29;
	[sflag:s23] =	ssyncadd.s32 $0xFFFF9C00  }
0x5b: {  	[hbm4b:s24+s2] =	stream.linear.scatter [tilespmem:s18], [sflag:$0x5], $0x6400, $0x38;
	[tilespmem:$0x1A000] =	vst v63  }
0x5c: {  	_ =	swait.ge [sflag:s13], $0x6400  }
.Ltmp0:
0x5d: {  	[sflag:s13] =	ssyncset.done $0x0;
	(pc) =	sbr.rel @p0 .LBB2_2-.Ltmp0, $4  }
0x5e: {  	s24 =	sadd.s32 $0xC80, s28;
	[sflag:s13] =	ssyncadd.s32 $0xFFFF9C00  }
0x5f: {  	[hbm4b:s24+s2] =	stream.linear.scatter [tilespmem:s19], [sflag:$0x5], $0x6400, $0x38;
	[tilespmem:$0x1A000] =	vst v63  }
0x60: {  	s31 =	smov.u32 s0;
	s28 =	sadd.s32 $0x1900, s28;
	_ =	swait.ge [sflag:s13], $0x6400  }
0x61: {  	s30 =	sshra.s32 s1, $0x2;
	s29 =	sadd.s32 $0x1900, s29;
	[sflag:s13] =	ssyncset.done $0x0  }
0x62: {  	s0 =	sadd.s32 $0xC8, s30;
	[sflag:s13] =	ssyncadd.s32 $0xFFFF9C00  }
0x63: {  	[tilespmem:s18], [sflag:$0x3] =	stream.indirect.gather [hbm4b:s3+s15], $0x80, s0, s15, $0xb8;
	[tilespmem:$0x1A000] =	vst v63  }
0x64: {  	s31 =	sadd.s32 $0x8C8, s30  }
0x65: {  	[tilespmem:s19], [sflag:$0x4] =	stream.indirect.gather [hbm4b:s3+s15], $0x80, s31, s15, $0xb8;
	[tilespmem:$0x1A000] =	vst v63  }
0x66: {  	_ =	swait.ge [sflag:s20], $0x6400  }
0x67: {  	[sflag:s20] =	ssyncset.done $0x0  }
0x68: {  	[sflag:s20] =	ssyncadd.s32 $0xFFFF9C00  }
0x69: {  	_ =	swait.ge [sflag:s21], $0x6400  }
0x6a: {  	[sflag:s21] =	ssyncset.done $0x0  }
0x6b: {  	[sflag:s21] =	ssyncadd.s32 $0xFFFF9C00  }
0x6c: {  	[hbm4b:s29+s2] =	stream.linear.scatter [tilespmem:s16], [sflag:$0x5], $0x6400, $0x38;
	[tilespmem:$0x1A000] =	vst v63  }
0x6d: {  	_ =	swait.ge [sflag:s13], $0x6400  }
0x6e: {  	[sflag:s13] =	ssyncset.done $0x0  }
0x6f: {  	[sflag:s13] =	ssyncadd.s32 $0xFFFF9C00  }
0x70: {  	[hbm4b:s28+s2] =	stream.linear.scatter [tilespmem:s17], [sflag:$0x5], $0x6400, $0x38;
	[tilespmem:$0x1A000] =	vst v63  }
0x71: {  	_ =	swait.ge [sflag:s13], $0x6400  }
0x72: {  	[sflag:s13] =	ssyncset.done $0x0  }
0x73: {  	s1 =	sadd.s32 $0x190, s30;
	[sflag:s13] =	ssyncadd.s32 $0xFFFF9C00  }
0x74: {  	[tilespmem:s16], [sflag:$0x1] =	stream.indirect.gather [hbm4b:s3+s15], $0x80, s1, s15, $0xb8;
	[tilespmem:$0x1A000] =	vst v63  }
0x75: {  	s24 =	sadd.s32 $0x990, s30  }
0x76: {  	[tilespmem:s17], [sflag:$0x2] =	stream.indirect.gather [hbm4b:s3+s15], $0x80, s24, s15, $0xb8;
	[tilespmem:$0x1A000] =	vst v63  }
0x77: {  	_ =	swait.ge [sflag:s22], $0x6400  }
0x78: {  	[sflag:s22] =	ssyncset.done $0x0  }
0x79: {  	[sflag:s22] =	ssyncadd.s32 $0xFFFF9C00  }
0x7a: {  	_ =	swait.ge [sflag:s23], $0x6400  }
0x7b: {  	[sflag:s23] =	ssyncset.done $0x0  }
0x7c: {  	s29 =	sadd.s32 $0xC80, s29;
	[sflag:s23] =	ssyncadd.s32 $0xFFFF9C00  }
0x7d: {  	[hbm4b:s29+s2] =	stream.linear.scatter [tilespmem:s18], [sflag:$0x5], $0x6400, $0x38;
	[tilespmem:$0x1A000] =	vst v63  }
0x7e: {  	_ =	swait.ge [sflag:s13], $0x6400  }
0x7f: {  	[sflag:s13] =	ssyncset.done $0x0  }
0x80: {  	s30 =	sadd.s32 $0xC80, s28;
	[sflag:s13] =	ssyncadd.s32 $0xFFFF9C00  }
0x81: {  	[hbm4b:s30+s2] =	stream.linear.scatter [tilespmem:s19], [sflag:$0x5], $0x6400, $0x38;
	[tilespmem:$0x1A000] =	vst v63  }
0x82: {  	_ =	swait.ge [sflag:s13], $0x6400  }
0x83: {  	[sflag:s13] =	ssyncset.done $0x0  }
0x84: {  	s31 =	simm.s32 $0x708;
	[sflag:s13] =	ssyncadd.s32 $0xFFFF9C00  }
0x85: {  	[tilespmem:s18], [sflag:$0x3] =	stream.indirect.gather [hbm4b:s3+s15], $0x80, s31, s15, $0xb8;
	[tilespmem:$0x1A000] =	vst v63  }
0x86: {  	_ = 	snop  }
0x87: {  	[tilespmem:s19], [sflag:$0x4] =	stream.indirect.gather [hbm4b:s3+s15], $0x80, s25, s15, $0xb8;
	[tilespmem:$0x1A000] =	vst v63  }
0x88: {  	_ =	swait.ge [sflag:s20], $0x6400  }
0x89: {  	[sflag:s20] =	ssyncset.done $0x0  }
0x8a: {  	[sflag:s20] =	ssyncadd.s32 $0xFFFF9C00  }
0x8b: {  	_ =	swait.ge [sflag:s21], $0x6400  }
0x8c: {  	[sflag:s21] =	ssyncset.done $0x0  }
0x8d: {  	[sflag:s21] =	ssyncadd.s32 $0xFFFF9C00  }
0x8e: {  	[hbm4b:s6+s2] =	stream.linear.scatter [tilespmem:s16], [sflag:$0x5], $0x6400, $0x38;
	[tilespmem:$0x1A000] =	vst v63  }
0x8f: {  	_ =	swait.ge [sflag:s13], $0x6400  }
0x90: {  	[sflag:s13] =	ssyncset.done $0x0  }
0x91: {  	[sflag:s13] =	ssyncadd.s32 $0xFFFF9C00  }
0x92: {  	[hbm4b:s7+s2] =	stream.linear.scatter [tilespmem:s17], [sflag:$0x5], $0x6400, $0x38;
	[tilespmem:$0x1A000] =	vst v63  }
0x93: {  	_ =	swait.ge [sflag:s13], $0x6400  }
0x94: {  	[sflag:s13] =	ssyncset.done $0x0  }
0x95: {  	[sflag:s13] =	ssyncadd.s32 $0xFFFF9C00  }
0x96: {  	_ =	swait.ge [sflag:s22], $0x6400  }
0x97: {  	[sflag:s22] =	ssyncset.done $0x0  }
0x98: {  	[sflag:s22] =	ssyncadd.s32 $0xFFFF9C00  }
0x99: {  	_ =	swait.ge [sflag:s23], $0x6400  }
0x9a: {  	[sflag:s23] =	ssyncset.done $0x0  }
0x9b: {  	[sflag:s23] =	ssyncadd.s32 $0xFFFF9C00  }
0x9c: {  	[hbm4b:s8+s2] =	stream.linear.scatter [tilespmem:s18], [sflag:$0x5], $0x6400, $0x38;
	[tilespmem:$0x1A000] =	vst v63  }
0x9d: {  	s26 =	sadd.s32 $0x1, s26;
	_ =	swait.ge [sflag:s13], $0x6400  }
0x9e: {  	p0 =	sne.s32 s26, s10;
	[sflag:s13] =	ssyncset.done $0x0  }
.Ltmp1:
0x9f: {  	[sflag:s13] =	ssyncadd.s32 $0xFFFF9C00;
	(pc) =	sbr.rel @p0 .LBB2_1-.Ltmp1, $4  }
0xa0: {  	[hbm4b:s9+s2] =	stream.linear.scatter [tilespmem:s19], [sflag:$0x5], $0x6400, $0x38;
	[tilespmem:$0x1A000] =	vst v63  }
0xa1: {  	_ =	swait.ge [sflag:s13], $0x6400  }
0xa2: {  	[sflag:s13] =	ssyncset.done $0x0  }
0xa3: {  	[sflag:s13] =	ssyncadd.s32 $0xFFFF9C00  }
0xa4: {  	_ =	sfence.sel $0x180000  }
0xa5: {  	[bflag:$0x0] =	sbarrier.arrive $0xFFFF  }
0xa6: {  	_ =	strace $0x90000050  }
0xa7: {  	s0 =	stileid.u32;
	[bflag:$0x2] =	sbarrier.arrive $0xFFFF  }
0xa8: {  	p0 =	sne.s32 s0, $0x0;
	s0 =	rddreg [dreg:$0x1]  }
0xa9: {  	s0 =	sadd.s32 @!p0 $0x100000, s0  }
0xaa: {  	[sflag:s0] =	ssyncadd.tile.s32 @!p0 $0x1;
	_ =	shalt  }
.Lfunc_end2:
_tile_overlayer_lowered:
.L_overlay_start_2:
0xab: {  	(tag) =	ssettag $0x2  }
0xac: {  	s0 =	rddreg [dreg:$0x0];
	s2 =	stileid.u32  }
0xad: {  	s1 =	rddreg [dreg:$0x1];
	p0 =	sne.s32 s2, $0x0  }
0xae: {  	s3 =	rddreg [dreg:$0x2];
	[bflag:$0x3] =	sbarrier.arrive $0xFFFF;
	s2 =	simm.s32 @!p0 $0x1C05  }
0xaf: {  	[timem:s3], [sflag:s2] =	dma.local @!p0 [hbm:s0], s1  }
0xb0: {  	s0 =	simm.s32 @!p0 $0x5  }
0xb1: {  	_ =	swait.ge @!p0 [sflag:s0], s1  }
0xb2: {  	s1 =	ssub.s32 @!p0 $0x0, s1;
	[sflag:s0] =	ssyncset.done @!p0 $0x0  }
0xb3: {  	[sflag:s0] =	ssyncadd.s32 @!p0 s1  }
0xb4: {  	[bflag:$0x3] =	sbarrier.arrive $0xFFFF  }
0xb5: {  	_ =	shalt  }

// kernel: kernel.36.cloned.1.call-start
scs
__scs_entry_jumppad:
0x0: {  	(pc) =	sbr.rel $0x88, $3  }
0x1: {  	(tag) =	ssettag $0x0;
	lr =	simm.s32 $0x1  }
0x2: {  	[smem:$0x3F97] =	sst lr;
	_ =	strace $0xD0000000  }
0x3: {  	_ = 	snop  }
0x4: {  	_ = 	snop  }
0x5: {  	_ = 	snop  }
0x6: {  	_ = 	snop  }
0x7: {  	_ = 	snop  }
__scs_overlays_trampoline_lowered:
0x8: {  	[smem:$0x3FA6] =	sst s0  }
0x9: {  	[smem:$0x3FA7] =	sst s1  }
0xa: {  	[smem:$0x3FA8] =	sst s2  }
0xb: {  	[smem:$0x3FA9] =	sst s3  }
0xc: {  	[smem:$0x3FAA] =	sst s4  }
0xd: {  	[smem:$0x3FAB] =	sst s5  }
0xe: {  	[smem:$0x3FAC] =	sst s6  }
0xf: {  	[smem:$0x3FAD] =	sst s7  }
0x10: {  	[smem:$0x3FAE] =	sst s8  }
0x11: {  	[smem:$0x3FAF] =	sst s9;
	s0 =	simm.s32 @!p0 $0x0  }
0x12: {  	s1 =	sld [smem:$0x3F95];
	s0 =	simm.s32 @p0 $0x1  }
0x13: {  	[smem:$0x3FB0] =	sst s0;
	s0 =	simm.s32 @!p1 $0x0  }
0x14: {  	s2 =	sld [smem:$0x3F94];
	s0 =	simm.s32 @p1 $0x1  }
0x15: {  	[smem:$0x3FB1] =	sst s0;
	s0 =	simm.s32 @!p2 $0x0  }
0x16: {  	s3 =	sld [smem:$0x3FDB];
	s0 =	simm.s32 @p2 $0x1  }
0x17: {  	s4 =	simm.s32 $0x1BF5;
	[smem:$0x3FB3] =	sst s0  }
0x18: {  	s0 =	sld [smem:$0x3F96];
	_ =	swait.ge [sflag:s4], $0x0  }
0x19: {  	s7 =	sld [smem:$0x3F97]  }
0x1a: {  	s8 =	sadd.s32 $0xFFFFE003, lr  }
0x1b: {  	s9 =	sadd.s32 $0xFFFFFEF7, lr;
	s5 =	simm.s32 $0xFFFFFFFF;
	p2 =	slt.u32 s8, $0xFFFFF086  }
0x1c: {  	p1 =	slt.u32 s9, $0xF7A;
	s5 =	simm.s32 @!p2 $0x0  }
0x1d: {  	s5 =	simm.s32 @p1 $0x1;
	p0 =	seq.s32 s7, s2  }
0x1e: {  	s7 =	smul.u32 @!p0 $0xF7A, s2;
	p2 =	seq.s32 @!p0 s5, $0x0  }
0x1f: {  	s9 =	smul.u32 $0xF7A, s1;
	s8 =	simm.s32 @!p0 $0x1BF5;
	p2 =	por !p2, p0  }
0x20: {  	[sflag:s8] =	ssyncset.s32 @!p0 $0xFFFFF086;
	s6 =	sadd.s32 @!p0 s3, s7;
	s7 =	simm.s32 @!p0 $0x108  }
0x21: {  	s3 =	sadd.s32 s3, s9;
	s6 =	sadd.s32 @!p0 $0x88, s6;
	s7 =	simm.s32 @p2 $0x1082  }
0x22: {  	[simem:s7], [sflag:s8] =	dma.local @!p0 [hbm:s6], $0xF7A  }
0x23: {  	s9 =	sor.u32 $0xD0000000, s2;
	s6 =	simm.s32 $0x108;
	_ =	swait.ge @!p0 [sflag:s8], $0x0  }
0x24: {  	s3 =	sadd.s32 $0x88, s3;
	s6 =	simm.s32 @!p1 $0x1082;
	[sflag:s4] =	ssyncset.s32 $0xFFFFF086  }
0x25: {  	[simem:s6], [sflag:s4] =	dma.local [hbm:s3], $0xF7A  }
0x26: {  	[smem:$0x3F97] =	sst s1;
	(tag) =	ssettag s2;
	_ =	strace s9  }
0x27: {  	s1 =	sld [smem:$0x3FA7]  }
0x28: {  	s2 =	sld [smem:$0x3FA8]  }
0x29: {  	s4 =	sld [smem:$0x3FAA]  }
0x2a: {  	p0 =	seq.s32 s5, $0x0;
	s5 =	sld [smem:$0x3FAB]  }
0x2b: {  	s6 =	sld [smem:$0x3FAC]  }
0x2c: {  	s7 =	sld [smem:$0x3FAD]  }
0x2d: {  	s3 =	simm.s32 $0x108;
	s8 =	sld [smem:$0x3FAE]  }
0x2e: {  	s3 =	simm.s32 @!p0 $0x1082;
	s9 =	sld [smem:$0x3FAF]  }
0x2f: {  	lr =	sadd.s32 s0, s3;
	s0 =	sld [smem:$0x3FA6]  }
0x30: {  	s3 =	sld [smem:$0x3FA9]  }
0x31: {  	[smem:$0x3FB2] =	sst s10  }
0x32: {  	s10 =	sld [smem:$0x3FB0];
	_ =	sdelay $0x3  }
0x33: {  	p0 =	seq.s32 s10, $0x1;
	s10 =	sld [smem:$0x3FB2];
	_ =	sdelay $0x3  }
0x34: {  	[smem:$0x3FB2] =	sst s10  }
0x35: {  	s10 =	sld [smem:$0x3FB1];
	_ =	sdelay $0x3  }
0x36: {  	p1 =	seq.s32 s10, $0x1;
	s10 =	sld [smem:$0x3FB2];
	_ =	sdelay $0x3  }
0x37: {  	[smem:$0x3FB2] =	sst s10  }
0x38: {  	s10 =	sld [smem:$0x3FB3]  }
0x39: {  	_ = 	snop;
	(pc) =	sbr.ind lr, $3  }
0x3a: {  	_ = 	snop  }
0x3b: {  	_ = 	snop  }
0x3c: {  	p2 =	seq.s32 s10, $0x1;
	s10 =	sld [smem:$0x3FB2]  }
0x3d: {  	_ =	shalt  }
0x3e: {  	_ =	shalt  }
0x3f: {  	_ =	shalt  }
0x40: {  	_ =	shalt  }
0x41: {  	_ =	shalt  }
0x42: {  	_ =	shalt  }
0x43: {  	_ =	shalt  }
0x44: {  	_ =	shalt  }
0x45: {  	_ =	shalt  }
0x46: {  	_ =	shalt  }
0x47: {  	_ =	shalt  }
0x48: {  	_ =	shalt  }
0x49: {  	_ =	shalt  }
0x4a: {  	_ =	shalt  }
0x4b: {  	_ =	shalt  }
0x4c: {  	_ =	shalt  }
0x4d: {  	_ =	shalt  }
0x4e: {  	_ =	shalt  }
0x4f: {  	_ =	shalt  }
0x50: {  	_ =	shalt  }
0x51: {  	_ =	shalt  }
0x52: {  	_ =	shalt  }
0x53: {  	_ =	shalt  }
0x54: {  	_ =	shalt  }
0x55: {  	_ =	shalt  }
0x56: {  	_ =	shalt  }
0x57: {  	_ =	shalt  }
0x58: {  	_ =	shalt  }
0x59: {  	_ =	shalt  }
0x5a: {  	_ =	shalt  }
0x5b: {  	_ =	shalt  }
0x5c: {  	_ =	shalt  }
0x5d: {  	_ =	shalt  }
0x5e: {  	_ =	shalt  }
0x5f: {  	_ =	shalt  }
0x60: {  	_ =	shalt  }
0x61: {  	_ =	shalt  }
0x62: {  	_ =	shalt  }
0x63: {  	_ =	shalt  }
0x64: {  	_ =	shalt  }
0x65: {  	_ =	shalt  }
0x66: {  	_ =	shalt  }
0x67: {  	_ =	shalt  }
0x68: {  	_ =	shalt  }
0x69: {  	_ =	shalt  }
0x6a: {  	_ =	shalt  }
0x6b: {  	_ =	shalt  }
0x6c: {  	_ =	shalt  }
0x6d: {  	_ =	shalt  }
0x6e: {  	_ =	shalt  }
0x6f: {  	_ =	shalt  }
0x70: {  	_ =	shalt  }
0x71: {  	_ =	shalt  }
0x72: {  	_ =	shalt  }
0x73: {  	_ =	shalt  }
0x74: {  	_ =	shalt  }
0x75: {  	_ =	shalt  }
0x76: {  	_ =	shalt  }
0x77: {  	_ =	shalt  }
0x78: {  	_ =	shalt  }
0x79: {  	_ =	shalt  }
0x7a: {  	_ =	shalt  }
0x7b: {  	_ =	shalt  }
0x7c: {  	_ =	shalt  }
0x7d: {  	_ =	shalt  }
0x7e: {  	_ =	shalt  }
0x7f: {  	_ =	shalt  }
0x80: {  	_ =	shalt  }
0x81: {  	_ =	shalt  }
0x82: {  	_ =	shalt  }
0x83: {  	_ =	shalt  }
0x84: {  	_ =	shalt  }
0x85: {  	_ =	shalt  }
0x86: {  	_ =	shalt  }
0x87: {  	_ =	shalt  }
.Lfunc_end0:
.L_simem_size_0:
called_computation.6_lowered:
.L_overlay_start_0:
0x88: {  	s2 =	sld [smem:$0x3FD9]  }
0x89: {  	s3 =	sld [smem:$0x3FFE];
	_ =	sdelay $0x1  }
0x8a: {  	s1 =	srdreg.scid  }
0x8b: {  	s0 =	sand.u32 $0x1, s1  }
0x8c: {  	s17 =	sshll.u32 s0, $0xA;
	s2 =	sadd.s32 s3, s2  }
0x8d: {  	s2 =	sadd.s32 s2, s17  }
0x8e: {  	[smem:$0x3FBE] =	sst s2  }
0x8f: {  	_ = 	snop  }
0x90: {  	(tm) =	ssettm $0x1  }
0x91: {  	s18 =	sld [smem:$0x3FFB];
	_ =	sdelay $0x3  }
0x92: {  	_ =	strace s18  }
0x93: {  	s2 =	sld [smem:$0x3FFC];
	_ =	sdelay $0x3  }
0x94: {  	_ =	strace s2  }
0x95: {  	s2 =	sld [smem:$0x3FFD];
	_ =	sdelay $0x3  }
0x96: {  	_ =	strace s2  }
0x97: {  	_ =	strace $0x8FFFFFFF  }
0x98: {  	s19 =	sld [smem:$0x3FDB];
	_ =	sdelay $0x1  }
0x99: {  	s20 =	simm.s32 $_scs_section_size  }
0x9a: {  	s4 =	simm.s32 $_size__tile_overlayer_lowered;
	s5 =	simm.s32 $_tile_overlayer_lowered  }
0x9b: {  	s6 =	simm.s32 $0x1BFF;
	s21 =	sshll.u32 s5, $0x1;
	s3 =	sadd.s32 s20, s19  }
0x9c: {  	s22 =	simm.s32 $0x0;
	s4 =	sshll.u32 s4, $0x1;
	s5 =	sadd.s32 s21, s3  }
0x9d: {  	[timem:s22], [sflag:s6] =	dma.local [hbm:s5], s4  }
0x9e: {  	_ =	swait.ge [sflag:s6], s4  }
0x9f: {  	s4 =	ssub.s32 $0x0, s4;
	[sflag:s6] =	ssyncset.done $0x0  }
0xa0: {  	[sflag:s6] =	ssyncadd.s32 s4;
	_ =	sdelay $0x1  }
0xa1: {  	s23 =	simm.s32 $0x1B8B  }
0xa2: {  	_ =	swait.ge [sflag:s23], $0x1  }
0xa3: {  	[sflag:s23] =	ssyncset.done $0x0  }
0xa4: {  	[sflag:s23] =	ssyncadd.s32 $0xFFFFFFFF  }
0xa5: {  	s4 =	sld [smem:$0x0]  }
0xa6: {  	s5 =	sand.u32 $0xFFFFFFFE, s1  }
0xa7: {  	p0 =	sne.s32 s1, s5  }
0xa8: {  	s5 =	sshll.u32 @p0 s5, $0xE  }
0xa9: {  	s5 =	sadd.s32 @p0 $0x11B8D, s5;
	s6 =	sshll.u32 @p0 s4, $0x11  }
0xaa: {  	s5 =	sor.u32 @p0 s6, s5  }
0xab: {  	[sflag:s5] =	ssyncadd.remote.s32 @p0 $0x1;
	_ =	sdelay $0x1  }
0xac: {  	s5 =	simm.s32 @p0 $0x1B8D  }
0xad: {  	_ =	swait.eq @p0 [sflag:s5], $0x1  }
0xae: {  	[sflag:s5] =	ssyncadd.s32 @p0 $0xFFFFFFFF  }
0xaf: {  	s6 =	sshll.u32 @!p0 s1, $0xE  }
0xb0: {  	s6 =	sor.u32 @!p0 $0x4000, s6;
	s5 =	simm.s32 @!p0 $0x1B8D  }
0xb1: {  	s4 =	sshll.u32 @!p0 s4, $0x11;
	s6 =	sadd.s32 @!p0 $0x11B8D, s6;
	_ =	swait.eq @!p0 [sflag:s5], $0x1  }
0xb2: {  	s4 =	sor.u32 @!p0 s4, s6;
	[sflag:s5] =	ssyncadd.s32 @!p0 $0xFFFFFFFF  }
0xb3: {  	s25 =	simm.s32 $0x1B8E;
	s24 =	sld [smem:$0x3FFE];
	[sflag:s4] =	ssyncadd.remote.s32 @!p0 $0x1  }
0xb4: {  	s26 =	simm.s32 $execute0_lowered;
	[smem:$0x3FD2] =	sst s25  }
0xb5: {  	s5 =	sshll.u32 s26, $0x1;
	_ =	strace $0x80000058;
	[dreg:$0x1] =	wrdreg $0xFFFFFFFF  }
0xb6: {  	s28 =	simm.s32 $_size_execute0_lowered;
	s3 =	sadd.s32 s3, s5;
	[dreg:$0x0] =	wrdreg $0x0  }
0xb7: {  	s5 =	sshll.u32 s28, $0x1;
	[dreg:$0x2] =	wrdreg s3  }
0xb8: {  	[dreg:$0x3] =	wrdreg s5  }
0xb9: {  	[dreg:$0x4] =	wrdreg $0xC0  }
0xba: {  	_ =	task [dreg:s22], $0x5FFFF  }
0xbb: {  	[dreg:$0x1] =	wrdreg $0xFFFFFFFF  }
0xbc: {  	[dreg:$0x0] =	wrdreg $0x60  }
0xbd: {  	[dreg:$0x2] =	wrdreg s24  }
0xbe: {  	[dreg:$0x3] =	wrdreg $0xC  }
0xbf: {  	_ =	task.clear_ibuf [dreg:s22], $0x4FFFF;
	_ =	strace $0x90000058  }
0xc0: {  	s29 =	simm.s32 $0xC;
	_ =	strace $0x8000005A  }
0xc1: {  	_ =	swait.ge [sflag:s29], $0x1  }
0xc2: {  	[sflag:s29] =	ssyncadd.s32 $0xFFFFFFFF  }
0xc3: {  	_ =	strace $0x9000005A  }
0xc4: {  	_ =	sfence  }
0xc5: {  	s30 =	sld [smem:$0x0];
	_ =	sdelay $0x2  }
0xc6: {  	s31 =	sshll.u32 s1, $0xD;
	s1 =	sshrl.u32 s1, $0x2  }
0xc7: {  	s4 =	sand.u32 $0x4000, s31;
	s1 =	sadd.s32 s1, s30  }
0xc8: {  	s0 =	sor.u32 s4, s0;
	s1 =	sshll.u32 s1, $0x11  }
0xc9: {  	s0 =	sor.u32 s1, s0  }
0xca: {  	s0 =	sadd.s32 $0x8F2B, s0  }
0xcb: {  	[sflag:s0] =	ssyncadd.remote.s32 $0x1  }
0xcc: {  	_ =	sfence.sel $0xFFFF  }
0xcd: {  	[dreg:$0x0] =	wrdreg $0xFFFFFFFF;
	(pc) =	sbr.abs _section_cstart, $3  }
0xce: {  	[dreg:$0x1] =	wrdreg $0xFFFFFFFF  }
0xcf: {  	_ =	task.clear_ibuf [dreg:s22], $0x2FFFF;
	_ =	strace $0x9FFFFFFF  }
0xd0: {  	(tm) =	ssettm $0x7FFFFFFF  }
0xd1: {  	_ =	shalt  }
tec
execute0_lowered:
.L_overlay_start_1:
0x0: {  	(tag) =	ssettag $0x1  }
0x1: {  	s0 =	srdreg.scid  }
0x2: {  	s8 =	stileid.u32;
	s4 =	rddreg [dreg:$0x0]  }
0x3: {  	s2 =	simm.s32 $0x0;
	s14 =	simm.s32 $0x800;
	s15 =	simm.s32 $0xC8  }
0x4: {  	s16 =	simm.s32 $0x1000;
	s17 =	simm.s32 $0x7400;
	s18 =	simm.s32 $0xD800  }
0x5: {  	s19 =	simm.s32 $0x13C00;
	s20 =	simm.s32 $0x1;
	s21 =	simm.s32 $0x2  }
0x6: {  	s22 =	simm.s32 $0x3;
	s23 =	simm.s32 $0x4;
	s25 =	simm.s32 $0xF08  }
0x7: {  	s0 =	sand.u32 $0x1, s0;
	s1 =	sshll.u32 s8, $0x1;
	s10 =	sadd.s32 $0x6EF600, s4  }
0x8: {  	[smem:$0x7FF] =	sst s2;
	s12 =	sadd.s32 $0x7E9600, s4;
	s13 =	smul.u32 $0xFA00, s8  }
0x9: {  	s1 =	sor.u32 s0, s1;
	s6 =	ssub.s32 $0x2, s0;
	s0 =	smul.u32 $0x7D00, s0  }
0xa: {  	s26 =	simm.s32 $0x0;
	_ =	strace $0x80000059;
	s3 =	smul.u32 $0x7D0, s1  }
0xb: {  	s1 =	smul.u32 $0x3E800, s1;
	s29 =	sshrl.u32 s6, $0x1;
	s30 =	sadd.s32 s13, s10  }
0xc: {  	s31 =	sadd.s32 s13, s12;
	s13 =	simm.s32 $0x5;
	s3 =	sshrl.u32 s3, $0x3  }
0xd: {  	s11 =	ssub.s32 s6, s29;
	s1 =	sshrl.u32 s1, $0x3;
	s5 =	sadd.s32 s3, s4  }
0xe: {  	s3 =	sadd.s32 $0x5200, s4;
	s7 =	sadd.s32 $0x6400, s1;
	s1 =	sadd.s32 $0x7080, s1  }
0xf: {  	s4 =	sadd.s32 $0x10D600, s5;
	s5 =	sadd.s32 $0x10B600, s5;
	s6 =	sadd.s32 s10, s7  }
0x10: {  	s7 =	sadd.s32 s12, s7;
	s8 =	sadd.s32 s10, s1;
	s9 =	sadd.s32 s12, s1  }
0x11: {  	s10 =	smax.u32 s11, $0x1;
	s11 =	sadd.s32 s0, s30;
	s12 =	sadd.s32 s0, s31  }
.LBB2_1:
0x12: {  	[tilespmem:s2], [sflag:$0x5] =	stream.linear.gather [hbm4b:s4+s2], $0x7D0, $0x38;
	[tilespmem:$0x1A000] =	vst v63  }
0x13: {  	_ =	swait.ge [sflag:s13], $0x7D0  }
0x14: {  	[sflag:s13] =	ssyncset.done $0x0  }
0x15: {  	[sflag:s13] =	ssyncadd.s32 $0xFFFFF830  }
0x16: {  	[tilespmem:s14], [sflag:$0x5] =	stream.linear.gather [hbm4b:s5+s2], $0x7D0, $0x38;
	[tilespmem:$0x1A000] =	vst v63  }
0x17: {  	_ =	swait.ge [sflag:s13], $0x7D0  }
0x18: {  	[sflag:s13] =	ssyncset.done $0x0  }
0x19: {  	[sflag:s13] =	ssyncadd.s32 $0xFFFFF830  }
0x1a: {  	[tilespmem:s16], [sflag:$0x1] =	stream.indirect.gather [hbm4b:s3+s15], $0x80, s2, s15, $0xb8;
	[tilespmem:$0x1A000] =	vst v63  }
0x1b: {  	_ = 	snop  }
0x1c: {  	[tilespmem:s17], [sflag:$0x2] =	stream.indirect.gather [hbm4b:s3+s15], $0x80, s14, s15, $0xb8;
	[tilespmem:$0x1A000] =	vst v63  }
0x1d: {  	s0 =	simm.s32 $0xC8  }
0x1e: {  	[tilespmem:s18], [sflag:$0x3] =	stream.indirect.gather [hbm4b:s3+s15], $0x80, s0, s15, $0xb8;
	[tilespmem:$0x1A000] =	vst v63  }
0x1f: {  	s24 =	simm.s32 $0x8C8  }
0x20: {  	[tilespmem:s19], [sflag:$0x4] =	stream.indirect.gather [hbm4b:s3+s15], $0x80, s24, s15, $0xb8;
	[tilespmem:$0x1A000] =	vst v63  }
0x21: {  	_ =	swait.ge [sflag:s20], $0x6400  }
0x22: {  	[sflag:s20] =	ssyncset.done $0x0  }
0x23: {  	[sflag:s20] =	ssyncadd.s32 $0xFFFF9C00  }
0x24: {  	_ =	swait.ge [sflag:s21], $0x6400  }
0x25: {  	[sflag:s21] =	ssyncset.done $0x0  }
0x26: {  	[sflag:s21] =	ssyncadd.s32 $0xFFFF9C00  }
0x27: {  	[hbm4b:s11+s2] =	stream.linear.scatter [tilespmem:s16], [sflag:$0x5], $0x6400, $0x38;
	[tilespmem:$0x1A000] =	vst v63  }
0x28: {  	_ =	swait.ge [sflag:s13], $0x6400  }
0x29: {  	[sflag:s13] =	ssyncset.done $0x0  }
0x2a: {  	[sflag:s13] =	ssyncadd.s32 $0xFFFF9C00  }
0x2b: {  	[hbm4b:s12+s2] =	stream.linear.scatter [tilespmem:s17], [sflag:$0x5], $0x6400, $0x38;
	[tilespmem:$0x1A000] =	vst v63  }
0x2c: {  	_ =	swait.ge [sflag:s13], $0x6400  }
0x2d: {  	[sflag:s13] =	ssyncset.done $0x0  }
0x2e: {  	s1 =	simm.s32 $0x190;
	[sflag:s13] =	ssyncadd.s32 $0xFFFF9C00  }
0x2f: {  	[tilespmem:s16], [sflag:$0x1] =	stream.indirect.gather [hbm4b:s3+s15], $0x80, s1, s15, $0xb8;
	[tilespmem:$0x1A000] =	vst v63  }
0x30: {  	s24 =	simm.s32 $0x990  }
0x31: {  	[tilespmem:s17], [sflag:$0x2] =	stream.indirect.gather [hbm4b:s3+s15], $0x80, s24, s15, $0xb8;
	[tilespmem:$0x1A000] =	vst v63  }
0x32: {  	_ =	swait.ge [sflag:s22], $0x6400  }
0x33: {  	[sflag:s22] =	ssyncset.done $0x0  }
0x34: {  	[sflag:s22] =	ssyncadd.s32 $0xFFFF9C00  }
0x35: {  	_ =	swait.ge [sflag:s23], $0x6400  }
0x36: {  	[sflag:s23] =	ssyncset.done $0x0  }
0x37: {  	s1 =	sadd.s32 $0xC80, s11;
	[sflag:s23] =	ssyncadd.s32 $0xFFFF9C00  }
0x38: {  	[hbm4b:s1+s2] =	stream.linear.scatter [tilespmem:s18], [sflag:$0x5], $0x6400, $0x38;
	[tilespmem:$0x1A000] =	vst v63  }
0x39: {  	_ =	swait.ge [sflag:s13], $0x6400  }
0x3a: {  	[sflag:s13] =	ssyncset.done $0x0  }
0x3b: {  	s24 =	sadd.s32 $0xC80, s12;
	[sflag:s13] =	ssyncadd.s32 $0xFFFF9C00  }
0x3c: {  	[hbm4b:s24+s2] =	stream.linear.scatter [tilespmem:s19], [sflag:$0x5], $0x6400, $0x38;
	[tilespmem:$0x1A000] =	vst v63  }
0x3d: {  	s31 =	simm.s32 $0xC80;
	s28 =	sadd.s32 $0x1900, s12;
	_ =	swait.ge [sflag:s13], $0x6400  }
0x3e: {  	s30 =	simm.s32 $0x190;
	s29 =	sadd.s32 $0x1900, s11;
	[sflag:s13] =	ssyncset.done $0x0  }
.LBB2_2:
0x3f: {  	s24 =	sadd.s32 $0xC8, s30  }
0x40: {  	[sflag:s13] =	ssyncadd.s32 $0xFFFF9C00;
	s1 =	smov.u32 s31;
	s0 =	sadd.s32 $0x640, s31  }
0x41: {  	[tilespmem:s18], [sflag:$0x3] =	stream.indirect.gather [hbm4b:s3+s15], $0x80, s24, s15, $0xb8;
	[tilespmem:$0x1A000] =	vst v63  }
0x42: {  	p0 =	sne.s32 s31, $0x12C0;
	s24 =	sadd.s32 $0x8C8, s30  }
0x43: {  	[tilespmem:s19], [sflag:$0x4] =	stream.indirect.gather [hbm4b:s3+s15], $0x80, s24, s15, $0xb8;
	[tilespmem:$0x1A000] =	vst v63  }
0x44: {  	_ =	swait.ge [sflag:s20], $0x6400  }
0x45: {  	[sflag:s20] =	ssyncset.done $0x0  }
0x46: {  	[sflag:s20] =	ssyncadd.s32 $0xFFFF9C00  }
0x47: {  	_ =	swait.ge [sflag:s21], $0x6400  }
0x48: {  	[sflag:s21] =	ssyncset.done $0x0  }
0x49: {  	[sflag:s21] =	ssyncadd.s32 $0xFFFF9C00  }
0x4a: {  	[hbm4b:s29+s2] =	stream.linear.scatter [tilespmem:s16], [sflag:$0x5], $0x6400, $0x38;
	[tilespmem:$0x1A000] =	vst v63  }
0x4b: {  	_ =	swait.ge [sflag:s13], $0x6400  }
0x4c: {  	[sflag:s13] =	ssyncset.done $0x0  }
0x4d: {  	[sflag:s13] =	ssyncadd.s32 $0xFFFF9C00  }
0x4e: {  	[hbm4b:s28+s2] =	stream.linear.scatter [tilespmem:s17], [sflag:$0x5], $0x6400, $0x38;
	[tilespmem:$0x1A000] =	vst v63  }
0x4f: {  	_ =	swait.ge [sflag:s13], $0x6400  }
0x50: {  	[sflag:s13] =	ssyncset.done $0x0  }
0x51: {  	s24 =	sadd.s32 $0x190, s30;
	[sflag:s13] =	ssyncadd.s32 $0xFFFF9C00  }
0x52: {  	[tilespmem:s16], [sflag:$0x1] =	stream.indirect.gather [hbm4b:s3+s15], $0x80, s24, s15, $0xb8;
	[tilespmem:$0x1A000] =	vst v63  }
0x53: {  	s24 =	sadd.s32 $0x990, s30  }
0x54: {  	[tilespmem:s17], [sflag:$0x2] =	stream.indirect.gather [hbm4b:s3+s15], $0x80, s24, s15, $0xb8;
	[tilespmem:$0x1A000] =	vst v63  }
0x55: {  	_ =	swait.ge [sflag:s22], $0x6400  }
0x56: {  	[sflag:s22] =	ssyncset.done $0x0  }
0x57: {  	[sflag:s22] =	ssyncadd.s32 $0xFFFF9C00  }
0x58: {  	_ =	swait.ge [sflag:s23], $0x6400  }
0x59: {  	[sflag:s23] =	ssyncset.done $0x0  }
0x5a: {  	s24 =	sadd.s32 $0xC80, s29;
	[sflag:s23] =	ssyncadd.s32 $0xFFFF9C00  }
0x5b: {  	[hbm4b:s24+s2] =	stream.linear.scatter [tilespmem:s18], [sflag:$0x5], $0x6400, $0x38;
	[tilespmem:$0x1A000] =	vst v63  }
0x5c: {  	_ =	swait.ge [sflag:s13], $0x6400  }
.Ltmp0:
0x5d: {  	[sflag:s13] =	ssyncset.done $0x0;
	(pc) =	sbr.rel @p0 .LBB2_2-.Ltmp0, $4  }
0x5e: {  	s24 =	sadd.s32 $0xC80, s28;
	[sflag:s13] =	ssyncadd.s32 $0xFFFF9C00  }
0x5f: {  	[hbm4b:s24+s2] =	stream.linear.scatter [tilespmem:s19], [sflag:$0x5], $0x6400, $0x38;
	[tilespmem:$0x1A000] =	vst v63  }
0x60: {  	s31 =	smov.u32 s0;
	s28 =	sadd.s32 $0x1900, s28;
	_ =	swait.ge [sflag:s13], $0x6400  }
0x61: {  	s30 =	sshra.s32 s1, $0x2;
	s29 =	sadd.s32 $0x1900, s29;
	[sflag:s13] =	ssyncset.done $0x0  }
0x62: {  	s0 =	sadd.s32 $0xC8, s30;
	[sflag:s13] =	ssyncadd.s32 $0xFFFF9C00  }
0x63: {  	[tilespmem:s18], [sflag:$0x3] =	stream.indirect.gather [hbm4b:s3+s15], $0x80, s0, s15, $0xb8;
	[tilespmem:$0x1A000] =	vst v63  }
0x64: {  	s31 =	sadd.s32 $0x8C8, s30  }
0x65: {  	[tilespmem:s19], [sflag:$0x4] =	stream.indirect.gather [hbm4b:s3+s15], $0x80, s31, s15, $0xb8;
	[tilespmem:$0x1A000] =	vst v63  }
0x66: {  	_ =	swait.ge [sflag:s20], $0x6400  }
0x67: {  	[sflag:s20] =	ssyncset.done $0x0  }
0x68: {  	[sflag:s20] =	ssyncadd.s32 $0xFFFF9C00  }
0x69: {  	_ =	swait.ge [sflag:s21], $0x6400  }
0x6a: {  	[sflag:s21] =	ssyncset.done $0x0  }
0x6b: {  	[sflag:s21] =	ssyncadd.s32 $0xFFFF9C00  }
0x6c: {  	[hbm4b:s29+s2] =	stream.linear.scatter [tilespmem:s16], [sflag:$0x5], $0x6400, $0x38;
	[tilespmem:$0x1A000] =	vst v63  }
0x6d: {  	_ =	swait.ge [sflag:s13], $0x6400  }
0x6e: {  	[sflag:s13] =	ssyncset.done $0x0  }
0x6f: {  	[sflag:s13] =	ssyncadd.s32 $0xFFFF9C00  }
0x70: {  	[hbm4b:s28+s2] =	stream.linear.scatter [tilespmem:s17], [sflag:$0x5], $0x6400, $0x38;
	[tilespmem:$0x1A000] =	vst v63  }
0x71: {  	_ =	swait.ge [sflag:s13], $0x6400  }
0x72: {  	[sflag:s13] =	ssyncset.done $0x0  }
0x73: {  	s1 =	sadd.s32 $0x190, s30;
	[sflag:s13] =	ssyncadd.s32 $0xFFFF9C00  }
0x74: {  	[tilespmem:s16], [sflag:$0x1] =	stream.indirect.gather [hbm4b:s3+s15], $0x80, s1, s15, $0xb8;
	[tilespmem:$0x1A000] =	vst v63  }
0x75: {  	s24 =	sadd.s32 $0x990, s30  }
0x76: {  	[tilespmem:s17], [sflag:$0x2] =	stream.indirect.gather [hbm4b:s3+s15], $0x80, s24, s15, $0xb8;
	[tilespmem:$0x1A000] =	vst v63  }
0x77: {  	_ =	swait.ge [sflag:s22], $0x6400  }
0x78: {  	[sflag:s22] =	ssyncset.done $0x0  }
0x79: {  	[sflag:s22] =	ssyncadd.s32 $0xFFFF9C00  }
0x7a: {  	_ =	swait.ge [sflag:s23], $0x6400  }
0x7b: {  	[sflag:s23] =	ssyncset.done $0x0  }
0x7c: {  	s29 =	sadd.s32 $0xC80, s29;
	[sflag:s23] =	ssyncadd.s32 $0xFFFF9C00  }
0x7d: {  	[hbm4b:s29+s2] =	stream.linear.scatter [tilespmem:s18], [sflag:$0x5], $0x6400, $0x38;
	[tilespmem:$0x1A000] =	vst v63  }
0x7e: {  	_ =	swait.ge [sflag:s13], $0x6400  }
0x7f: {  	[sflag:s13] =	ssyncset.done $0x0  }
0x80: {  	s30 =	sadd.s32 $0xC80, s28;
	[sflag:s13] =	ssyncadd.s32 $0xFFFF9C00  }
0x81: {  	[hbm4b:s30+s2] =	stream.linear.scatter [tilespmem:s19], [sflag:$0x5], $0x6400, $0x38;
	[tilespmem:$0x1A000] =	vst v63  }
0x82: {  	_ =	swait.ge [sflag:s13], $0x6400  }
0x83: {  	[sflag:s13] =	ssyncset.done $0x0  }
0x84: {  	s31 =	simm.s32 $0x708;
	[sflag:s13] =	ssyncadd.s32 $0xFFFF9C00  }
0x85: {  	[tilespmem:s18], [sflag:$0x3] =	stream.indirect.gather [hbm4b:s3+s15], $0x80, s31, s15, $0xb8;
	[tilespmem:$0x1A000] =	vst v63  }
0x86: {  	_ = 	snop  }
0x87: {  	[tilespmem:s19], [sflag:$0x4] =	stream.indirect.gather [hbm4b:s3+s15], $0x80, s25, s15, $0xb8;
	[tilespmem:$0x1A000] =	vst v63  }
0x88: {  	_ =	swait.ge [sflag:s20], $0x6400  }
0x89: {  	[sflag:s20] =	ssyncset.done $0x0  }
0x8a: {  	[sflag:s20] =	ssyncadd.s32 $0xFFFF9C00  }
0x8b: {  	_ =	swait.ge [sflag:s21], $0x6400  }
0x8c: {  	[sflag:s21] =	ssyncset.done $0x0  }
0x8d: {  	[sflag:s21] =	ssyncadd.s32 $0xFFFF9C00  }
0x8e: {  	[hbm4b:s6+s2] =	stream.linear.scatter [tilespmem:s16], [sflag:$0x5], $0x6400, $0x38;
	[tilespmem:$0x1A000] =	vst v63  }
0x8f: {  	_ =	swait.ge [sflag:s13], $0x6400  }
0x90: {  	[sflag:s13] =	ssyncset.done $0x0  }
0x91: {  	[sflag:s13] =	ssyncadd.s32 $0xFFFF9C00  }
0x92: {  	[hbm4b:s7+s2] =	stream.linear.scatter [tilespmem:s17], [sflag:$0x5], $0x6400, $0x38;
	[tilespmem:$0x1A000] =	vst v63  }
0x93: {  	_ =	swait.ge [sflag:s13], $0x6400  }
0x94: {  	[sflag:s13] =	ssyncset.done $0x0  }
0x95: {  	[sflag:s13] =	ssyncadd.s32 $0xFFFF9C00  }
0x96: {  	_ =	swait.ge [sflag:s22], $0x6400  }
0x97: {  	[sflag:s22] =	ssyncset.done $0x0  }
0x98: {  	[sflag:s22] =	ssyncadd.s32 $0xFFFF9C00  }
0x99: {  	_ =	swait.ge [sflag:s23], $0x6400  }
0x9a: {  	[sflag:s23] =	ssyncset.done $0x0  }
0x9b: {  	[sflag:s23] =	ssyncadd.s32 $0xFFFF9C00  }
0x9c: {  	[hbm4b:s8+s2] =	stream.linear.scatter [tilespmem:s18], [sflag:$0x5], $0x6400, $0x38;
	[tilespmem:$0x1A000] =	vst v63  }
0x9d: {  	s26 =	sadd.s32 $0x1, s26;
	_ =	swait.ge [sflag:s13], $0x6400  }
0x9e: {  	p0 =	sne.s32 s26, s10;
	[sflag:s13] =	ssyncset.done $0x0  }
.Ltmp1:
0x9f: {  	[sflag:s13] =	ssyncadd.s32 $0xFFFF9C00;
	(pc) =	sbr.rel @p0 .LBB2_1-.Ltmp1, $4  }
0xa0: {  	[hbm4b:s9+s2] =	stream.linear.scatter [tilespmem:s19], [sflag:$0x5], $0x6400, $0x38;
	[tilespmem:$0x1A000] =	vst v63  }
0xa1: {  	_ =	swait.ge [sflag:s13], $0x6400  }
0xa2: {  	[sflag:s13] =	ssyncset.done $0x0  }
0xa3: {  	[sflag:s13] =	ssyncadd.s32 $0xFFFF9C00  }
0xa4: {  	_ =	sfence.sel $0x180000  }
0xa5: {  	[bflag:$0x0] =	sbarrier.arrive $0xFFFF  }
0xa6: {  	_ =	strace $0x90000059  }
0xa7: {  	s0 =	stileid.u32;
	[bflag:$0x2] =	sbarrier.arrive $0xFFFF  }
0xa8: {  	p0 =	sne.s32 s0, $0x0;
	s0 =	rddreg [dreg:$0x1]  }
0xa9: {  	s0 =	sadd.s32 @!p0 $0x100000, s0  }
0xaa: {  	[sflag:s0] =	ssyncadd.tile.s32 @!p0 $0x1;
	_ =	shalt  }
.Lfunc_end2:
_tile_overlayer_lowered:
.L_overlay_start_2:
0xab: {  	(tag) =	ssettag $0x2  }
0xac: {  	s0 =	rddreg [dreg:$0x0];
	s2 =	stileid.u32  }
0xad: {  	s1 =	rddreg [dreg:$0x1];
	p0 =	sne.s32 s2, $0x0  }
0xae: {  	s3 =	rddreg [dreg:$0x2];
	[bflag:$0x3] =	sbarrier.arrive $0xFFFF;
	s2 =	simm.s32 @!p0 $0x1C05  }
0xaf: {  	[timem:s3], [sflag:s2] =	dma.local @!p0 [hbm:s0], s1  }
0xb0: {  	s0 =	simm.s32 @!p0 $0x5  }
0xb1: {  	_ =	swait.ge @!p0 [sflag:s0], s1  }
0xb2: {  	s1 =	ssub.s32 @!p0 $0x0, s1;
	[sflag:s0] =	ssyncset.done @!p0 $0x0  }
0xb3: {  	[sflag:s0] =	ssyncadd.s32 @!p0 s1  }
0xb4: {  	[bflag:$0x3] =	sbarrier.arrive $0xFFFF  }
0xb5: {  	_ =	shalt  }

// kernel: kernel.39.cloned.1.call-start
scs
__scs_entry_jumppad:
0x0: {  	(pc) =	sbr.rel $0x88, $3  }
0x1: {  	(tag) =	ssettag $0x0;
	lr =	simm.s32 $0x1  }
0x2: {  	[smem:$0x3F97] =	sst lr;
	_ =	strace $0xD0000000  }
0x3: {  	_ = 	snop  }
0x4: {  	_ = 	snop  }
0x5: {  	_ = 	snop  }
0x6: {  	_ = 	snop  }
0x7: {  	_ = 	snop  }
__scs_overlays_trampoline_lowered:
0x8: {  	[smem:$0x3FA6] =	sst s0  }
0x9: {  	[smem:$0x3FA7] =	sst s1  }
0xa: {  	[smem:$0x3FA8] =	sst s2  }
0xb: {  	[smem:$0x3FA9] =	sst s3  }
0xc: {  	[smem:$0x3FAA] =	sst s4  }
0xd: {  	[smem:$0x3FAB] =	sst s5  }
0xe: {  	[smem:$0x3FAC] =	sst s6  }
0xf: {  	[smem:$0x3FAD] =	sst s7  }
0x10: {  	[smem:$0x3FAE] =	sst s8  }
0x11: {  	[smem:$0x3FAF] =	sst s9;
	s0 =	simm.s32 @!p0 $0x0  }
0x12: {  	s1 =	sld [smem:$0x3F95];
	s0 =	simm.s32 @p0 $0x1  }
0x13: {  	[smem:$0x3FB0] =	sst s0;
	s0 =	simm.s32 @!p1 $0x0  }
0x14: {  	s2 =	sld [smem:$0x3F94];
	s0 =	simm.s32 @p1 $0x1  }
0x15: {  	[smem:$0x3FB1] =	sst s0;
	s0 =	simm.s32 @!p2 $0x0  }
0x16: {  	s3 =	sld [smem:$0x3FDB];
	s0 =	simm.s32 @p2 $0x1  }
0x17: {  	s4 =	simm.s32 $0x1BF5;
	[smem:$0x3FB3] =	sst s0  }
0x18: {  	s0 =	sld [smem:$0x3F96];
	_ =	swait.ge [sflag:s4], $0x0  }
0x19: {  	s7 =	sld [smem:$0x3F97]  }
0x1a: {  	s8 =	sadd.s32 $0xFFFFE003, lr  }
0x1b: {  	s9 =	sadd.s32 $0xFFFFFEF7, lr;
	s5 =	simm.s32 $0xFFFFFFFF;
	p2 =	slt.u32 s8, $0xFFFFF086  }
0x1c: {  	p1 =	slt.u32 s9, $0xF7A;
	s5 =	simm.s32 @!p2 $0x0  }
0x1d: {  	s5 =	simm.s32 @p1 $0x1;
	p0 =	seq.s32 s7, s2  }
0x1e: {  	s7 =	smul.u32 @!p0 $0xF7A, s2;
	p2 =	seq.s32 @!p0 s5, $0x0  }
0x1f: {  	s9 =	smul.u32 $0xF7A, s1;
	s8 =	simm.s32 @!p0 $0x1BF5;
	p2 =	por !p2, p0  }
0x20: {  	[sflag:s8] =	ssyncset.s32 @!p0 $0xFFFFF086;
	s6 =	sadd.s32 @!p0 s3, s7;
	s7 =	simm.s32 @!p0 $0x108  }
0x21: {  	s3 =	sadd.s32 s3, s9;
	s6 =	sadd.s32 @!p0 $0x88, s6;
	s7 =	simm.s32 @p2 $0x1082  }
0x22: {  	[simem:s7], [sflag:s8] =	dma.local @!p0 [hbm:s6], $0xF7A  }
0x23: {  	s9 =	sor.u32 $0xD0000000, s2;
	s6 =	simm.s32 $0x108;
	_ =	swait.ge @!p0 [sflag:s8], $0x0  }
0x24: {  	s3 =	sadd.s32 $0x88, s3;
	s6 =	simm.s32 @!p1 $0x1082;
	[sflag:s4] =	ssyncset.s32 $0xFFFFF086  }
0x25: {  	[simem:s6], [sflag:s4] =	dma.local [hbm:s3], $0xF7A  }
0x26: {  	[smem:$0x3F97] =	sst s1;
	(tag) =	ssettag s2;
	_ =	strace s9  }
0x27: {  	s1 =	sld [smem:$0x3FA7]  }
0x28: {  	s2 =	sld [smem:$0x3FA8]  }
0x29: {  	s4 =	sld [smem:$0x3FAA]  }
0x2a: {  	p0 =	seq.s32 s5, $0x0;
	s5 =	sld [smem:$0x3FAB]  }
0x2b: {  	s6 =	sld [smem:$0x3FAC]  }
0x2c: {  	s7 =	sld [smem:$0x3FAD]  }
0x2d: {  	s3 =	simm.s32 $0x108;
	s8 =	sld [smem:$0x3FAE]  }
0x2e: {  	s3 =	simm.s32 @!p0 $0x1082;
	s9 =	sld [smem:$0x3FAF]  }
0x2f: {  	lr =	sadd.s32 s0, s3;
	s0 =	sld [smem:$0x3FA6]  }
0x30: {  	s3 =	sld [smem:$0x3FA9]  }
0x31: {  	[smem:$0x3FB2] =	sst s10  }
0x32: {  	s10 =	sld [smem:$0x3FB0];
	_ =	sdelay $0x3  }
0x33: {  	p0 =	seq.s32 s10, $0x1;
	s10 =	sld [smem:$0x3FB2];
	_ =	sdelay $0x3  }
0x34: {  	[smem:$0x3FB2] =	sst s10  }
0x35: {  	s10 =	sld [smem:$0x3FB1];
	_ =	sdelay $0x3  }
0x36: {  	p1 =	seq.s32 s10, $0x1;
	s10 =	sld [smem:$0x3FB2];
	_ =	sdelay $0x3  }
0x37: {  	[smem:$0x3FB2] =	sst s10  }
0x38: {  	s10 =	sld [smem:$0x3FB3]  }
0x39: {  	_ = 	snop;
	(pc) =	sbr.ind lr, $3  }
0x3a: {  	_ = 	snop  }
0x3b: {  	_ = 	snop  }
0x3c: {  	p2 =	seq.s32 s10, $0x1;
	s10 =	sld [smem:$0x3FB2]  }
0x3d: {  	_ =	shalt  }
0x3e: {  	_ =	shalt  }
0x3f: {  	_ =	shalt  }
0x40: {  	_ =	shalt  }
0x41: {  	_ =	shalt  }
0x42: {  	_ =	shalt  }
0x43: {  	_ =	shalt  }
0x44: {  	_ =	shalt  }
0x45: {  	_ =	shalt  }
0x46: {  	_ =	shalt  }
0x47: {  	_ =	shalt  }
0x48: {  	_ =	shalt  }
0x49: {  	_ =	shalt  }
0x4a: {  	_ =	shalt  }
0x4b: {  	_ =	shalt  }
0x4c: {  	_ =	shalt  }
0x4d: {  	_ =	shalt  }
0x4e: {  	_ =	shalt  }
0x4f: {  	_ =	shalt  }
0x50: {  	_ =	shalt  }
0x51: {  	_ =	shalt  }
0x52: {  	_ =	shalt  }
0x53: {  	_ =	shalt  }
0x54: {  	_ =	shalt  }
0x55: {  	_ =	shalt  }
0x56: {  	_ =	shalt  }
0x57: {  	_ =	shalt  }
0x58: {  	_ =	shalt  }
0x59: {  	_ =	shalt  }
0x5a: {  	_ =	shalt  }
0x5b: {  	_ =	shalt  }
0x5c: {  	_ =	shalt  }
0x5d: {  	_ =	shalt  }
0x5e: {  	_ =	shalt  }
0x5f: {  	_ =	shalt  }
0x60: {  	_ =	shalt  }
0x61: {  	_ =	shalt  }
0x62: {  	_ =	shalt  }
0x63: {  	_ =	shalt  }
0x64: {  	_ =	shalt  }
0x65: {  	_ =	shalt  }
0x66: {  	_ =	shalt  }
0x67: {  	_ =	shalt  }
0x68: {  	_ =	shalt  }
0x69: {  	_ =	shalt  }
0x6a: {  	_ =	shalt  }
0x6b: {  	_ =	shalt  }
0x6c: {  	_ =	shalt  }
0x6d: {  	_ =	shalt  }
0x6e: {  	_ =	shalt  }
0x6f: {  	_ =	shalt  }
0x70: {  	_ =	shalt  }
0x71: {  	_ =	shalt  }
0x72: {  	_ =	shalt  }
0x73: {  	_ =	shalt  }
0x74: {  	_ =	shalt  }
0x75: {  	_ =	shalt  }
0x76: {  	_ =	shalt  }
0x77: {  	_ =	shalt  }
0x78: {  	_ =	shalt  }
0x79: {  	_ =	shalt  }
0x7a: {  	_ =	shalt  }
0x7b: {  	_ =	shalt  }
0x7c: {  	_ =	shalt  }
0x7d: {  	_ =	shalt  }
0x7e: {  	_ =	shalt  }
0x7f: {  	_ =	shalt  }
0x80: {  	_ =	shalt  }
0x81: {  	_ =	shalt  }
0x82: {  	_ =	shalt  }
0x83: {  	_ =	shalt  }
0x84: {  	_ =	shalt  }
0x85: {  	_ =	shalt  }
0x86: {  	_ =	shalt  }
0x87: {  	_ =	shalt  }
.Lfunc_end0:
.L_simem_size_0:
called_computation.7_lowered:
.L_overlay_start_0:
0x88: {  	s2 =	sld [smem:$0x3FD9]  }
0x89: {  	s3 =	sld [smem:$0x3FFE];
	_ =	sdelay $0x1  }
0x8a: {  	s1 =	srdreg.scid  }
0x8b: {  	s0 =	sand.u32 $0x1, s1  }
0x8c: {  	s17 =	sshll.u32 s0, $0xA;
	s2 =	sadd.s32 s3, s2  }
0x8d: {  	s2 =	sadd.s32 s2, s17  }
0x8e: {  	[smem:$0x3FBE] =	sst s2  }
0x8f: {  	_ = 	snop  }
0x90: {  	(tm) =	ssettm $0x1  }
0x91: {  	s18 =	sld [smem:$0x3FFB];
	_ =	sdelay $0x3  }
0x92: {  	_ =	strace s18  }
0x93: {  	s2 =	sld [smem:$0x3FFC];
	_ =	sdelay $0x3  }
0x94: {  	_ =	strace s2  }
0x95: {  	s2 =	sld [smem:$0x3FFD];
	_ =	sdelay $0x3  }
0x96: {  	_ =	strace s2  }
0x97: {  	_ =	strace $0x8FFFFFFF  }
0x98: {  	s19 =	sld [smem:$0x3FDB];
	_ =	sdelay $0x1  }
0x99: {  	s20 =	simm.s32 $_scs_section_size  }
0x9a: {  	s4 =	simm.s32 $_size__tile_overlayer_lowered;
	s5 =	simm.s32 $_tile_overlayer_lowered  }
0x9b: {  	s6 =	simm.s32 $0x1BFF;
	s21 =	sshll.u32 s5, $0x1;
	s3 =	sadd.s32 s20, s19  }
0x9c: {  	s22 =	simm.s32 $0x0;
	s4 =	sshll.u32 s4, $0x1;
	s5 =	sadd.s32 s21, s3  }
0x9d: {  	[timem:s22], [sflag:s6] =	dma.local [hbm:s5], s4  }
0x9e: {  	_ =	swait.ge [sflag:s6], s4  }
0x9f: {  	s4 =	ssub.s32 $0x0, s4;
	[sflag:s6] =	ssyncset.done $0x0  }
0xa0: {  	[sflag:s6] =	ssyncadd.s32 s4;
	_ =	sdelay $0x1  }
0xa1: {  	s23 =	simm.s32 $0x1B8B  }
0xa2: {  	_ =	swait.ge [sflag:s23], $0x1  }
0xa3: {  	[sflag:s23] =	ssyncset.done $0x0  }
0xa4: {  	[sflag:s23] =	ssyncadd.s32 $0xFFFFFFFF  }
0xa5: {  	s4 =	sld [smem:$0x0]  }
0xa6: {  	s5 =	sand.u32 $0xFFFFFFFE, s1  }
0xa7: {  	p0 =	sne.s32 s1, s5  }
0xa8: {  	s5 =	sshll.u32 @p0 s5, $0xE  }
0xa9: {  	s5 =	sadd.s32 @p0 $0x11B8D, s5;
	s6 =	sshll.u32 @p0 s4, $0x11  }
0xaa: {  	s5 =	sor.u32 @p0 s6, s5  }
0xab: {  	[sflag:s5] =	ssyncadd.remote.s32 @p0 $0x1;
	_ =	sdelay $0x1  }
0xac: {  	s5 =	simm.s32 @p0 $0x1B8D  }
0xad: {  	_ =	swait.eq @p0 [sflag:s5], $0x1  }
0xae: {  	[sflag:s5] =	ssyncadd.s32 @p0 $0xFFFFFFFF  }
0xaf: {  	s6 =	sshll.u32 @!p0 s1, $0xE  }
0xb0: {  	s6 =	sor.u32 @!p0 $0x4000, s6;
	s5 =	simm.s32 @!p0 $0x1B8D  }
0xb1: {  	s4 =	sshll.u32 @!p0 s4, $0x11;
	s6 =	sadd.s32 @!p0 $0x11B8D, s6;
	_ =	swait.eq @!p0 [sflag:s5], $0x1  }
0xb2: {  	s4 =	sor.u32 @!p0 s4, s6;
	[sflag:s5] =	ssyncadd.s32 @!p0 $0xFFFFFFFF  }
0xb3: {  	s25 =	simm.s32 $0x1B8E;
	s24 =	sld [smem:$0x3FFE];
	[sflag:s4] =	ssyncadd.remote.s32 @!p0 $0x1  }
0xb4: {  	s26 =	simm.s32 $execute0_lowered;
	[smem:$0x3FD2] =	sst s25  }
0xb5: {  	s5 =	sshll.u32 s26, $0x1;
	_ =	strace $0x8000005B;
	[dreg:$0x1] =	wrdreg $0xFFFFFFFF  }
0xb6: {  	s28 =	simm.s32 $_size_execute0_lowered;
	s3 =	sadd.s32 s3, s5;
	[dreg:$0x0] =	wrdreg $0x0  }
0xb7: {  	s5 =	sshll.u32 s28, $0x1;
	[dreg:$0x2] =	wrdreg s3  }
0xb8: {  	[dreg:$0x3] =	wrdreg s5  }
0xb9: {  	[dreg:$0x4] =	wrdreg $0xC0  }
0xba: {  	_ =	task [dreg:s22], $0x5FFFF  }
0xbb: {  	[dreg:$0x1] =	wrdreg $0xFFFFFFFF  }
0xbc: {  	[dreg:$0x0] =	wrdreg $0x60  }
0xbd: {  	[dreg:$0x2] =	wrdreg s24  }
0xbe: {  	[dreg:$0x3] =	wrdreg $0xD  }
0xbf: {  	_ =	task.clear_ibuf [dreg:s22], $0x4FFFF;
	_ =	strace $0x9000005B  }
0xc0: {  	s29 =	simm.s32 $0xD;
	_ =	strace $0x8000005D  }
0xc1: {  	_ =	swait.ge [sflag:s29], $0x1  }
0xc2: {  	[sflag:s29] =	ssyncadd.s32 $0xFFFFFFFF  }
0xc3: {  	_ =	strace $0x9000005D  }
0xc4: {  	_ =	sfence  }
0xc5: {  	s30 =	sld [smem:$0x0];
	_ =	sdelay $0x2  }
0xc6: {  	s31 =	sshll.u32 s1, $0xD;
	s1 =	sshrl.u32 s1, $0x2  }
0xc7: {  	s4 =	sand.u32 $0x4000, s31;
	s1 =	sadd.s32 s1, s30  }
0xc8: {  	s0 =	sor.u32 s4, s0;
	s1 =	sshll.u32 s1, $0x11  }
0xc9: {  	s0 =	sor.u32 s1, s0  }
0xca: {  	s0 =	sadd.s32 $0x8F2B, s0  }
0xcb: {  	[sflag:s0] =	ssyncadd.remote.s32 $0x1  }
0xcc: {  	_ =	sfence.sel $0xFFFF  }
0xcd: {  	[dreg:$0x0] =	wrdreg $0xFFFFFFFF;
	(pc) =	sbr.abs _section_cstart, $3  }
0xce: {  	[dreg:$0x1] =	wrdreg $0xFFFFFFFF  }
0xcf: {  	_ =	task.clear_ibuf [dreg:s22], $0x2FFFF;
	_ =	strace $0x9FFFFFFF  }
0xd0: {  	(tm) =	ssettm $0x7FFFFFFF  }
0xd1: {  	_ =	shalt  }
tec
execute0_lowered:
.L_overlay_start_1:
0x0: {  	(tag) =	ssettag $0x1  }
0x1: {  	s0 =	srdreg.scid  }
0x2: {  	s8 =	stileid.u32;
	s4 =	rddreg [dreg:$0x0]  }
0x3: {  	s2 =	simm.s32 $0x0;
	s14 =	simm.s32 $0x800;
	s15 =	simm.s32 $0xC8  }
0x4: {  	s16 =	simm.s32 $0x1000;
	s17 =	simm.s32 $0x7400;
	s18 =	simm.s32 $0xD800  }
0x5: {  	s19 =	simm.s32 $0x13C00;
	s20 =	simm.s32 $0x1;
	s21 =	simm.s32 $0x2  }
0x6: {  	s22 =	simm.s32 $0x3;
	s23 =	simm.s32 $0x4;
	s25 =	simm.s32 $0xF08  }
0x7: {  	s0 =	sand.u32 $0x1, s0;
	s1 =	sshll.u32 s8, $0x1;
	s10 =	sadd.s32 $0x8E3600, s4  }
0x8: {  	[smem:$0x7FF] =	sst s2;
	s12 =	sadd.s32 $0x9DD600, s4;
	s13 =	smul.u32 $0xFA00, s8  }
0x9: {  	s1 =	sor.u32 s0, s1;
	s6 =	ssub.s32 $0x2, s0;
	s0 =	smul.u32 $0x7D00, s0  }
0xa: {  	s26 =	simm.s32 $0x0;
	_ =	strace $0x8000005C;
	s3 =	smul.u32 $0x7D0, s1  }
0xb: {  	s1 =	smul.u32 $0x3E800, s1;
	s29 =	sshrl.u32 s6, $0x1;
	s30 =	sadd.s32 s13, s10  }
0xc: {  	s31 =	sadd.s32 s13, s12;
	s13 =	simm.s32 $0x5;
	s3 =	sshrl.u32 s3, $0x3  }
0xd: {  	s11 =	ssub.s32 s6, s29;
	s1 =	sshrl.u32 s1, $0x3;
	s5 =	sadd.s32 s3, s4  }
0xe: {  	s3 =	sadd.s32 $0x5200, s4;
	s7 =	sadd.s32 $0x6400, s1;
	s1 =	sadd.s32 $0x7080, s1  }
0xf: {  	s4 =	sadd.s32 $0x111600, s5;
	s5 =	sadd.s32 $0x10F600, s5;
	s6 =	sadd.s32 s10, s7  }
0x10: {  	s7 =	sadd.s32 s12, s7;
	s8 =	sadd.s32 s10, s1;
	s9 =	sadd.s32 s12, s1  }
0x11: {  	s10 =	smax.u32 s11, $0x1;
	s11 =	sadd.s32 s0, s30;
	s12 =	sadd.s32 s0, s31  }
.LBB2_1:
0x12: {  	[tilespmem:s2], [sflag:$0x5] =	stream.linear.gather [hbm4b:s4+s2], $0x7D0, $0x38;
	[tilespmem:$0x1A000] =	vst v63  }
0x13: {  	_ =	swait.ge [sflag:s13], $0x7D0  }
0x14: {  	[sflag:s13] =	ssyncset.done $0x0  }
0x15: {  	[sflag:s13] =	ssyncadd.s32 $0xFFFFF830  }
0x16: {  	[tilespmem:s14], [sflag:$0x5] =	stream.linear.gather [hbm4b:s5+s2], $0x7D0, $0x38;
	[tilespmem:$0x1A000] =	vst v63  }
0x17: {  	_ =	swait.ge [sflag:s13], $0x7D0  }
0x18: {  	[sflag:s13] =	ssyncset.done $0x0  }
0x19: {  	[sflag:s13] =	ssyncadd.s32 $0xFFFFF830  }
0x1a: {  	[tilespmem:s16], [sflag:$0x1] =	stream.indirect.gather [hbm4b:s3+s15], $0x80, s2, s15, $0xb8;
	[tilespmem:$0x1A000] =	vst v63  }
0x1b: {  	_ = 	snop  }
0x1c: {  	[tilespmem:s17], [sflag:$0x2] =	stream.indirect.gather [hbm4b:s3+s15], $0x80, s14, s15, $0xb8;
	[tilespmem:$0x1A000] =	vst v63  }
0x1d: {  	s0 =	simm.s32 $0xC8  }
0x1e: {  	[tilespmem:s18], [sflag:$0x3] =	stream.indirect.gather [hbm4b:s3+s15], $0x80, s0, s15, $0xb8;
	[tilespmem:$0x1A000] =	vst v63  }
0x1f: {  	s24 =	simm.s32 $0x8C8  }
0x20: {  	[tilespmem:s19], [sflag:$0x4] =	stream.indirect.gather [hbm4b:s3+s15], $0x80, s24, s15, $0xb8;
	[tilespmem:$0x1A000] =	vst v63  }
0x21: {  	_ =	swait.ge [sflag:s20], $0x6400  }
0x22: {  	[sflag:s20] =	ssyncset.done $0x0  }
0x23: {  	[sflag:s20] =	ssyncadd.s32 $0xFFFF9C00  }
0x24: {  	_ =	swait.ge [sflag:s21], $0x6400  }
0x25: {  	[sflag:s21] =	ssyncset.done $0x0  }
0x26: {  	[sflag:s21] =	ssyncadd.s32 $0xFFFF9C00  }
0x27: {  	[hbm4b:s11+s2] =	stream.linear.scatter [tilespmem:s16], [sflag:$0x5], $0x6400, $0x38;
	[tilespmem:$0x1A000] =	vst v63  }
0x28: {  	_ =	swait.ge [sflag:s13], $0x6400  }
0x29: {  	[sflag:s13] =	ssyncset.done $0x0  }
0x2a: {  	[sflag:s13] =	ssyncadd.s32 $0xFFFF9C00  }
0x2b: {  	[hbm4b:s12+s2] =	stream.linear.scatter [tilespmem:s17], [sflag:$0x5], $0x6400, $0x38;
	[tilespmem:$0x1A000] =	vst v63  }
0x2c: {  	_ =	swait.ge [sflag:s13], $0x6400  }
0x2d: {  	[sflag:s13] =	ssyncset.done $0x0  }
0x2e: {  	s1 =	simm.s32 $0x190;
	[sflag:s13] =	ssyncadd.s32 $0xFFFF9C00  }
0x2f: {  	[tilespmem:s16], [sflag:$0x1] =	stream.indirect.gather [hbm4b:s3+s15], $0x80, s1, s15, $0xb8;
	[tilespmem:$0x1A000] =	vst v63  }
0x30: {  	s24 =	simm.s32 $0x990  }
0x31: {  	[tilespmem:s17], [sflag:$0x2] =	stream.indirect.gather [hbm4b:s3+s15], $0x80, s24, s15, $0xb8;
	[tilespmem:$0x1A000] =	vst v63  }
0x32: {  	_ =	swait.ge [sflag:s22], $0x6400  }
0x33: {  	[sflag:s22] =	ssyncset.done $0x0  }
0x34: {  	[sflag:s22] =	ssyncadd.s32 $0xFFFF9C00  }
0x35: {  	_ =	swait.ge [sflag:s23], $0x6400  }
0x36: {  	[sflag:s23] =	ssyncset.done $0x0  }
0x37: {  	s1 =	sadd.s32 $0xC80, s11;
	[sflag:s23] =	ssyncadd.s32 $0xFFFF9C00  }
0x38: {  	[hbm4b:s1+s2] =	stream.linear.scatter [tilespmem:s18], [sflag:$0x5], $0x6400, $0x38;
	[tilespmem:$0x1A000] =	vst v63  }
0x39: {  	_ =	swait.ge [sflag:s13], $0x6400  }
0x3a: {  	[sflag:s13] =	ssyncset.done $0x0  }
0x3b: {  	s24 =	sadd.s32 $0xC80, s12;
	[sflag:s13] =	ssyncadd.s32 $0xFFFF9C00  }
0x3c: {  	[hbm4b:s24+s2] =	stream.linear.scatter [tilespmem:s19], [sflag:$0x5], $0x6400, $0x38;
	[tilespmem:$0x1A000] =	vst v63  }
0x3d: {  	s31 =	simm.s32 $0xC80;
	s28 =	sadd.s32 $0x1900, s12;
	_ =	swait.ge [sflag:s13], $0x6400  }
0x3e: {  	s30 =	simm.s32 $0x190;
	s29 =	sadd.s32 $0x1900, s11;
	[sflag:s13] =	ssyncset.done $0x0  }
.LBB2_2:
0x3f: {  	s24 =	sadd.s32 $0xC8, s30  }
0x40: {  	[sflag:s13] =	ssyncadd.s32 $0xFFFF9C00;
	s1 =	smov.u32 s31;
	s0 =	sadd.s32 $0x640, s31  }
0x41: {  	[tilespmem:s18], [sflag:$0x3] =	stream.indirect.gather [hbm4b:s3+s15], $0x80, s24, s15, $0xb8;
	[tilespmem:$0x1A000] =	vst v63  }
0x42: {  	p0 =	sne.s32 s31, $0x12C0;
	s24 =	sadd.s32 $0x8C8, s30  }
0x43: {  	[tilespmem:s19], [sflag:$0x4] =	stream.indirect.gather [hbm4b:s3+s15], $0x80, s24, s15, $0xb8;
	[tilespmem:$0x1A000] =	vst v63  }
0x44: {  	_ =	swait.ge [sflag:s20], $0x6400  }
0x45: {  	[sflag:s20] =	ssyncset.done $0x0  }
0x46: {  	[sflag:s20] =	ssyncadd.s32 $0xFFFF9C00  }
0x47: {  	_ =	swait.ge [sflag:s21], $0x6400  }
0x48: {  	[sflag:s21] =	ssyncset.done $0x0  }
0x49: {  	[sflag:s21] =	ssyncadd.s32 $0xFFFF9C00  }
0x4a: {  	[hbm4b:s29+s2] =	stream.linear.scatter [tilespmem:s16], [sflag:$0x5], $0x6400, $0x38;
	[tilespmem:$0x1A000] =	vst v63  }
0x4b: {  	_ =	swait.ge [sflag:s13], $0x6400  }
0x4c: {  	[sflag:s13] =	ssyncset.done $0x0  }
0x4d: {  	[sflag:s13] =	ssyncadd.s32 $0xFFFF9C00  }
0x4e: {  	[hbm4b:s28+s2] =	stream.linear.scatter [tilespmem:s17], [sflag:$0x5], $0x6400, $0x38;
	[tilespmem:$0x1A000] =	vst v63  }
0x4f: {  	_ =	swait.ge [sflag:s13], $0x6400  }
0x50: {  	[sflag:s13] =	ssyncset.done $0x0  }
0x51: {  	s24 =	sadd.s32 $0x190, s30;
	[sflag:s13] =	ssyncadd.s32 $0xFFFF9C00  }
0x52: {  	[tilespmem:s16], [sflag:$0x1] =	stream.indirect.gather [hbm4b:s3+s15], $0x80, s24, s15, $0xb8;
	[tilespmem:$0x1A000] =	vst v63  }
0x53: {  	s24 =	sadd.s32 $0x990, s30  }
0x54: {  	[tilespmem:s17], [sflag:$0x2] =	stream.indirect.gather [hbm4b:s3+s15], $0x80, s24, s15, $0xb8;
	[tilespmem:$0x1A000] =	vst v63  }
0x55: {  	_ =	swait.ge [sflag:s22], $0x6400  }
0x56: {  	[sflag:s22] =	ssyncset.done $0x0  }
0x57: {  	[sflag:s22] =	ssyncadd.s32 $0xFFFF9C00  }
0x58: {  	_ =	swait.ge [sflag:s23], $0x6400  }
0x59: {  	[sflag:s23] =	ssyncset.done $0x0  }
0x5a: {  	s24 =	sadd.s32 $0xC80, s29;
	[sflag:s23] =	ssyncadd.s32 $0xFFFF9C00  }
0x5b: {  	[hbm4b:s24+s2] =	stream.linear.scatter [tilespmem:s18], [sflag:$0x5], $0x6400, $0x38;
	[tilespmem:$0x1A000] =	vst v63  }
0x5c: {  	_ =	swait.ge [sflag:s13], $0x6400  }
.Ltmp0:
0x5d: {  	[sflag:s13] =	ssyncset.done $0x0;
	(pc) =	sbr.rel @p0 .LBB2_2-.Ltmp0, $4  }
0x5e: {  	s24 =	sadd.s32 $0xC80, s28;
	[sflag:s13] =	ssyncadd.s32 $0xFFFF9C00  }
0x5f: {  	[hbm4b:s24+s2] =	stream.linear.scatter [tilespmem:s19], [sflag:$0x5], $0x6400, $0x38;
	[tilespmem:$0x1A000] =	vst v63  }
0x60: {  	s31 =	smov.u32 s0;
	s28 =	sadd.s32 $0x1900, s28;
	_ =	swait.ge [sflag:s13], $0x6400  }
0x61: {  	s30 =	sshra.s32 s1, $0x2;
	s29 =	sadd.s32 $0x1900, s29;
	[sflag:s13] =	ssyncset.done $0x0  }
0x62: {  	s0 =	sadd.s32 $0xC8, s30;
	[sflag:s13] =	ssyncadd.s32 $0xFFFF9C00  }
0x63: {  	[tilespmem:s18], [sflag:$0x3] =	stream.indirect.gather [hbm4b:s3+s15], $0x80, s0, s15, $0xb8;
	[tilespmem:$0x1A000] =	vst v63  }
0x64: {  	s31 =	sadd.s32 $0x8C8, s30  }
0x65: {  	[tilespmem:s19], [sflag:$0x4] =	stream.indirect.gather [hbm4b:s3+s15], $0x80, s31, s15, $0xb8;
	[tilespmem:$0x1A000] =	vst v63  }
0x66: {  	_ =	swait.ge [sflag:s20], $0x6400  }
0x67: {  	[sflag:s20] =	ssyncset.done $0x0  }
0x68: {  	[sflag:s20] =	ssyncadd.s32 $0xFFFF9C00  }
0x69: {  	_ =	swait.ge [sflag:s21], $0x6400  }
0x6a: {  	[sflag:s21] =	ssyncset.done $0x0  }
0x6b: {  	[sflag:s21] =	ssyncadd.s32 $0xFFFF9C00  }
0x6c: {  	[hbm4b:s29+s2] =	stream.linear.scatter [tilespmem:s16], [sflag:$0x5], $0x6400, $0x38;
	[tilespmem:$0x1A000] =	vst v63  }
0x6d: {  	_ =	swait.ge [sflag:s13], $0x6400  }
0x6e: {  	[sflag:s13] =	ssyncset.done $0x0  }
0x6f: {  	[sflag:s13] =	ssyncadd.s32 $0xFFFF9C00  }
0x70: {  	[hbm4b:s28+s2] =	stream.linear.scatter [tilespmem:s17], [sflag:$0x5], $0x6400, $0x38;
	[tilespmem:$0x1A000] =	vst v63  }
0x71: {  	_ =	swait.ge [sflag:s13], $0x6400  }
0x72: {  	[sflag:s13] =	ssyncset.done $0x0  }
0x73: {  	s1 =	sadd.s32 $0x190, s30;
	[sflag:s13] =	ssyncadd.s32 $0xFFFF9C00  }
0x74: {  	[tilespmem:s16], [sflag:$0x1] =	stream.indirect.gather [hbm4b:s3+s15], $0x80, s1, s15, $0xb8;
	[tilespmem:$0x1A000] =	vst v63  }
0x75: {  	s24 =	sadd.s32 $0x990, s30  }
0x76: {  	[tilespmem:s17], [sflag:$0x2] =	stream.indirect.gather [hbm4b:s3+s15], $0x80, s24, s15, $0xb8;
	[tilespmem:$0x1A000] =	vst v63  }
0x77: {  	_ =	swait.ge [sflag:s22], $0x6400  }
0x78: {  	[sflag:s22] =	ssyncset.done $0x0  }
0x79: {  	[sflag:s22] =	ssyncadd.s32 $0xFFFF9C00  }
0x7a: {  	_ =	swait.ge [sflag:s23], $0x6400  }
0x7b: {  	[sflag:s23] =	ssyncset.done $0x0  }
0x7c: {  	s29 =	sadd.s32 $0xC80, s29;
	[sflag:s23] =	ssyncadd.s32 $0xFFFF9C00  }
0x7d: {  	[hbm4b:s29+s2] =	stream.linear.scatter [tilespmem:s18], [sflag:$0x5], $0x6400, $0x38;
	[tilespmem:$0x1A000] =	vst v63  }
0x7e: {  	_ =	swait.ge [sflag:s13], $0x6400  }
0x7f: {  	[sflag:s13] =	ssyncset.done $0x0  }
0x80: {  	s30 =	sadd.s32 $0xC80, s28;
	[sflag:s13] =	ssyncadd.s32 $0xFFFF9C00  }
0x81: {  	[hbm4b:s30+s2] =	stream.linear.scatter [tilespmem:s19], [sflag:$0x5], $0x6400, $0x38;
	[tilespmem:$0x1A000] =	vst v63  }
0x82: {  	_ =	swait.ge [sflag:s13], $0x6400  }
0x83: {  	[sflag:s13] =	ssyncset.done $0x0  }
0x84: {  	s31 =	simm.s32 $0x708;
	[sflag:s13] =	ssyncadd.s32 $0xFFFF9C00  }
0x85: {  	[tilespmem:s18], [sflag:$0x3] =	stream.indirect.gather [hbm4b:s3+s15], $0x80, s31, s15, $0xb8;
	[tilespmem:$0x1A000] =	vst v63  }
0x86: {  	_ = 	snop  }
0x87: {  	[tilespmem:s19], [sflag:$0x4] =	stream.indirect.gather [hbm4b:s3+s15], $0x80, s25, s15, $0xb8;
	[tilespmem:$0x1A000] =	vst v63  }
0x88: {  	_ =	swait.ge [sflag:s20], $0x6400  }
0x89: {  	[sflag:s20] =	ssyncset.done $0x0  }
0x8a: {  	[sflag:s20] =	ssyncadd.s32 $0xFFFF9C00  }
0x8b: {  	_ =	swait.ge [sflag:s21], $0x6400  }
0x8c: {  	[sflag:s21] =	ssyncset.done $0x0  }
0x8d: {  	[sflag:s21] =	ssyncadd.s32 $0xFFFF9C00  }
0x8e: {  	[hbm4b:s6+s2] =	stream.linear.scatter [tilespmem:s16], [sflag:$0x5], $0x6400, $0x38;
	[tilespmem:$0x1A000] =	vst v63  }
0x8f: {  	_ =	swait.ge [sflag:s13], $0x6400  }
0x90: {  	[sflag:s13] =	ssyncset.done $0x0  }
0x91: {  	[sflag:s13] =	ssyncadd.s32 $0xFFFF9C00  }
0x92: {  	[hbm4b:s7+s2] =	stream.linear.scatter [tilespmem:s17], [sflag:$0x5], $0x6400, $0x38;
	[tilespmem:$0x1A000] =	vst v63  }
0x93: {  	_ =	swait.ge [sflag:s13], $0x6400  }
0x94: {  	[sflag:s13] =	ssyncset.done $0x0  }
0x95: {  	[sflag:s13] =	ssyncadd.s32 $0xFFFF9C00  }
0x96: {  	_ =	swait.ge [sflag:s22], $0x6400  }
0x97: {  	[sflag:s22] =	ssyncset.done $0x0  }
0x98: {  	[sflag:s22] =	ssyncadd.s32 $0xFFFF9C00  }
0x99: {  	_ =	swait.ge [sflag:s23], $0x6400  }
0x9a: {  	[sflag:s23] =	ssyncset.done $0x0  }
0x9b: {  	[sflag:s23] =	ssyncadd.s32 $0xFFFF9C00  }
0x9c: {  	[hbm4b:s8+s2] =	stream.linear.scatter [tilespmem:s18], [sflag:$0x5], $0x6400, $0x38;
	[tilespmem:$0x1A000] =	vst v63  }
0x9d: {  	s26 =	sadd.s32 $0x1, s26;
	_ =	swait.ge [sflag:s13], $0x6400  }
0x9e: {  	p0 =	sne.s32 s26, s10;
	[sflag:s13] =	ssyncset.done $0x0  }
.Ltmp1:
0x9f: {  	[sflag:s13] =	ssyncadd.s32 $0xFFFF9C00;
	(pc) =	sbr.rel @p0 .LBB2_1-.Ltmp1, $4  }
0xa0: {  	[hbm4b:s9+s2] =	stream.linear.scatter [tilespmem:s19], [sflag:$0x5], $0x6400, $0x38;
	[tilespmem:$0x1A000] =	vst v63  }
0xa1: {  	_ =	swait.ge [sflag:s13], $0x6400  }
0xa2: {  	[sflag:s13] =	ssyncset.done $0x0  }
0xa3: {  	[sflag:s13] =	ssyncadd.s32 $0xFFFF9C00  }
0xa4: {  	_ =	sfence.sel $0x180000  }
0xa5: {  	[bflag:$0x0] =	sbarrier.arrive $0xFFFF  }
0xa6: {  	_ =	strace $0x9000005C  }
0xa7: {  	s0 =	stileid.u32;
	[bflag:$0x2] =	sbarrier.arrive $0xFFFF  }
0xa8: {  	p0 =	sne.s32 s0, $0x0;
	s0 =	rddreg [dreg:$0x1]  }
0xa9: {  	s0 =	sadd.s32 @!p0 $0x100000, s0  }
0xaa: {  	[sflag:s0] =	ssyncadd.tile.s32 @!p0 $0x1;
	_ =	shalt  }
.Lfunc_end2:
_tile_overlayer_lowered:
.L_overlay_start_2:
0xab: {  	(tag) =	ssettag $0x2  }
0xac: {  	s0 =	rddreg [dreg:$0x0];
	s2 =	stileid.u32  }
0xad: {  	s1 =	rddreg [dreg:$0x1];
	p0 =	sne.s32 s2, $0x0  }
0xae: {  	s3 =	rddreg [dreg:$0x2];
	[bflag:$0x3] =	sbarrier.arrive $0xFFFF;
	s2 =	simm.s32 @!p0 $0x1C05  }
0xaf: {  	[timem:s3], [sflag:s2] =	dma.local @!p0 [hbm:s0], s1  }
0xb0: {  	s0 =	simm.s32 @!p0 $0x5  }
0xb1: {  	_ =	swait.ge @!p0 [sflag:s0], s1  }
0xb2: {  	s1 =	ssub.s32 @!p0 $0x0, s1;
	[sflag:s0] =	ssyncset.done @!p0 $0x0  }
0xb3: {  	[sflag:s0] =	ssyncadd.s32 @!p0 s1  }
0xb4: {  	[bflag:$0x3] =	sbarrier.arrive $0xFFFF  }
0xb5: {  	_ =	shalt  }

</sc_bundles>
